<compile_context>
chip_gen: v7x
topology: tpu7x:2x2x1
jax: 0.10.2.dev20260603
libtpu: 0.0.44.dev20260713+nightly
codegen_flags: <defaults>
</compile_context>

<pallas_src>
import functools

import jax
import jax.numpy as jnp
from jax import lax
from jax.experimental import pallas as pl
from jax.experimental.pallas import tpu as pltpu
from jax.experimental.pallas import tpu_sc as plsc

VOCAB = 1000000
EMBED = 64
MAX_SEQ = 200
BATCH = 4096

NUM_CORES = 2
NUM_SUBCORES = 16
NUM_WORKERS = NUM_CORES * NUM_SUBCORES
BW = BATCH // NUM_WORKERS
LANES = 16
DC = EMBED // LANES
G = 2
NMAC = MAX_SEQ // G

_mesh = plsc.VectorSubcoreMesh(core_axis_name="c", subcore_axis_name="s")


@functools.partial(
    pl.kernel,
    mesh=_mesh,
    compiler_params=pltpu.CompilerParams(
        use_tc_tiling_on_sc=False, needs_layout_passes=False
    ),
    out_type=jax.ShapeDtypeStruct((MAX_SEQ, 8, 32, 8, 128), jnp.float32),
    scratch_types=[
        pltpu.VMEM((MAX_SEQ, EMBED), jnp.float32),
        pltpu.VMEM((G, BW), jnp.int32),
        pltpu.VMEM((G, BW), jnp.int32),
        pltpu.VMEM((G * BW, 2 * EMBED), jnp.float32),
        pltpu.VMEM((G * BW, 2 * EMBED), jnp.float32),
        pltpu.VMEM((8, 8, 129), jnp.float32),
        pltpu.VMEM((8, 8, 129), jnp.float32),
        pltpu.SemaphoreType.DMA,
        pltpu.SemaphoreType.DMA,
        pltpu.SemaphoreType.DMA,
        pltpu.SemaphoreType.DMA,
    ],
)
def _embed(x5_hbm, tok_hbm, pos_hbm, out_hbm,
           pos_v, ib_a, ib_b, g_a, g_b, t_a, t_b,
           gs_a, gs_b, ss_a, ss_b):
    w = lax.axis_index("s") * NUM_CORES + lax.axis_index("c")
    pltpu.sync_copy(pos_hbm, pos_v)

    lanes = jnp.arange(16, dtype=jnp.int32)
    tr_vecs = [(lanes + c * 16) >> 3 for c in range(DC)]
    r_vecs = [(lanes + c * 16) & 7 for c in range(DC)]
    zeros16 = jnp.zeros((16,), jnp.int32)

    def load_idx(m, ib):
        s0 = G * m
        pltpu.sync_copy(x5_hbm.at[s0 >> 3, w, pl.ds(s0 & 7, G)], ib)

    def fire_gathers(g_v, ib, sem):
        for j in range(G):
            pltpu.async_copy(
                tok_hbm.at[ib.at[j]], g_v.at[pl.ds(j * BW, BW)], sem
            )

    def drain_gathers(g_v, ib, sem):
        for j in range(G):
            pltpu.make_async_copy(
                tok_hbm.at[ib.at[j]], g_v.at[pl.ds(j * BW, BW)], sem
            ).wait()

    def transpose_add(s, g_v, j, t_v):
        pvec = [pos_v[s, pl.ds(c * 16, 16)] for c in range(DC)]
        base = j * BW

        def b_body(b, col):
            row = base + b
            loads = [g_v[row, pl.ds(c * 16, 16)] for c in range(DC)]
            sums = [loads[c] + pvec[c] for c in range(DC)]
            for c in range(DC):
                plsc.store_scatter(t_v, [tr_vecs[c], r_vecs[c], col], sums[c])
            return col + 1

        lax.fori_loop(0, BW, b_body, zeros16, unroll=8)

    def fire_store(s, t_v, sem):
        pltpu.async_copy(t_v.at[:, :, pl.ds(0, 128)], out_hbm.at[s, :, w], sem)

    def wait_store(t_v, sem):
        pltpu.make_async_copy(t_v.at[:, :, pl.ds(0, 128)], out_hbm.at[0, :, w], sem).wait()

    tset = (t_a, t_b)
    sset = (ss_a, ss_b)

    def process_macro(m, g_v, skip_first_waits=False):
        for j in range(G):
            t_v, sem = tset[j % 2], sset[j % 2]
            if not (skip_first_waits and j < 2):
                wait_store(t_v, sem)
            s = G * m + j
            transpose_add(s, g_v, j, t_v)
            fire_store(s, t_v, sem)

    load_idx(0, ib_a)
    fire_gathers(g_a, ib_a, gs_a)
    load_idx(1, ib_b)
    fire_gathers(g_b, ib_b, gs_b)
    drain_gathers(g_a, ib_a, gs_a)
    process_macro(0, g_a, skip_first_waits=True)
    load_idx(2, ib_a)
    fire_gathers(g_a, ib_a, gs_a)
    drain_gathers(g_b, ib_b, gs_b)
    process_macro(1, g_b)

    npairs = NMAC // 2

    def pair_body(p, carry):
        mo = 2 * p + 1
        load_idx(mo, ib_b)
        fire_gathers(g_b, ib_b, gs_b)
        drain_gathers(g_a, ib_a, gs_a)
        process_macro(2 * p, g_a)

        @pl.when(p < npairs - 1)
        def _():
            load_idx(2 * p + 2, ib_a)
            fire_gathers(g_a, ib_a, gs_a)

        drain_gathers(g_b, ib_b, gs_b)
        process_macro(mo, g_b)
        return carry

    lax.fori_loop(1, npairs, pair_body, 0)
    wait_store(t_a, ss_a)
    wait_store(t_b, ss_b)


def kernel(x, token_table, pos_table):
    x5 = x.T.reshape(MAX_SEQ // 8, 8, 32, 128).transpose(0, 2, 1, 3).astype(jnp.int32)
    tok_pad = jnp.pad(token_table, ((0, 0), (0, EMBED)))
    out5 = _embed(x5, tok_pad, pos_table)
    out = out5.transpose(0, 1, 3, 2, 4).reshape(MAX_SEQ, EMBED, BATCH)
    return out.transpose(2, 0, 1)

# --- scband reference (transcript-rebuilt; emitter-appended) ---
"""Pipeline reference for scband-embedd-token-and-pos-layer-90623809946354 (READ-ONLY COPY).

The authoritative reference and input builder live on the scoring server;
editing this copy changes nothing except your own understanding.
"""

import jax, jax.numpy as jnp
import numpy as np

VOCAB = 1000000
EMBED = 64
MAX_SEQ = 200
BATCH = 4096

def setup_inputs(seed: int = 0) -> dict:
    key = jax.random.key(seed)
    k1, k2, k3 = jax.random.split(key, 3)
    x = jax.random.randint(k1, (BATCH, MAX_SEQ), 0, VOCAB, dtype=jnp.int64 if jax.config.jax_enable_x64 else jnp.int32)
    token_table = jax.random.normal(k2, (VOCAB, EMBED), dtype=jnp.float32) * 0.05
    pos_table = jax.random.normal(k3, (MAX_SEQ, EMBED), dtype=jnp.float32) * 0.05
    return {"x": x, "token_table": token_table, "pos_table": pos_table}

def reference(x, token_table, pos_table):
    # token embedding lookup: [B, S, D]
    token_embedd = jnp.take(token_table, x, axis=0)
    # positional embedding over full range(max_input_seq_len): [S, D]
    pos_ids = jnp.arange(MAX_SEQ)
    pos_embedd = jnp.take(pos_table, pos_ids, axis=0)
    # broadcast add: [B, S, D] + [S, D]
    return token_embedd + pos_embedd

if __name__ == "__main__":
    import jax
    _d = setup_inputs()
    print(jax.jit(kernel)(*tuple(_d.values())))

</pallas_src>

<mosaic_0001>
#map = affine_map<(d0, d1) -> (0, 0, 0, 0)>
#map1 = affine_map<(d0, d1) -> (0, 0)>
#map2 = affine_map<(d0, d1) -> (0, 0, 0, 0, 0)>
module attributes {stable_mosaic.version = 14 : i64} {
  func.func @_embed(%arg0: i32, %arg1: i32, %arg2: memref<25x32x8x128xi32, #tpu.memory_space<hbm>>, %arg3: memref<1000000x128xf32, #tpu.memory_space<hbm>>, %arg4: memref<200x64xf32, #tpu.memory_space<hbm>>, %arg5: memref<200x8x32x8x128xf32, #tpu.memory_space<hbm>>, %arg6: memref<200x64xf32, #tpu.memory_space<vmem>>, %arg7: memref<2x128xi32, #tpu.memory_space<vmem>>, %arg8: memref<2x128xi32, #tpu.memory_space<vmem>>, %arg9: memref<256x128xf32, #tpu.memory_space<vmem>>, %arg10: memref<256x128xf32, #tpu.memory_space<vmem>>, %arg11: memref<8x8x129xf32, #tpu.memory_space<vmem>>, %arg12: memref<8x8x129xf32, #tpu.memory_space<vmem>>, %arg13: memref<!tpu.dma_semaphore, #tpu.memory_space<semaphore_mem>>, %arg14: memref<!tpu.dma_semaphore, #tpu.memory_space<semaphore_mem>>, %arg15: memref<!tpu.dma_semaphore, #tpu.memory_space<semaphore_mem>>, %arg16: memref<!tpu.dma_semaphore, #tpu.memory_space<semaphore_mem>>) attributes {dimension_semantics = [#tpu.dimension_semantics<core_parallel>, #tpu.dimension_semantics<subcore_parallel>], iteration_bounds = array<i64: 2, 16>, scalar_prefetch = 0 : i64, scratch_operands = 11 : i64, tpu.core_type = #tpu.core_type<sc_vector_subcore>, window_params = [{transform_indices = #map}, {transform_indices = #map1}, {transform_indices = #map1}, {transform_indices = #map2}]} {
    %mul3A = arith.constant 2 : i32
    %mul3A_0 = arith.muli %arg1, %mul3A : i32
    %add3A = arith.addi %mul3A_0, %arg0 : i32
    "tpu.region"() ({
      %run_scoped3A_392 = tpu.sem_alloc : memref<!tpu.dma_semaphore, #tpu.memory_space<semaphore_mem>>
      tpu.enqueue_dma source(%arg4 : memref<200x64xf32, #tpu.memory_space<hbm>>) target(%arg6 : memref<200x64xf32, #tpu.memory_space<vmem>>) target_semaphore(%run_scoped3A_392 : memref<!tpu.dma_semaphore, #tpu.memory_space<semaphore_mem>>)
      tpu.wait_dma2 semaphore(%run_scoped3A_392 : memref<!tpu.dma_semaphore, #tpu.memory_space<semaphore_mem>>) src(%arg4 : memref<200x64xf32, #tpu.memory_space<hbm>>) dst(%arg6 : memref<200x64xf32, #tpu.memory_space<vmem>>)
      tpu.yield
    }) : () -> ()
    %iota3A = tpu.iota {dimensions = array<i32: 0>} : vector<16xi32>
    %add3A_1 = arith.constant 0 : i32
    %add3A_2 = vector.broadcast %add3A_1 : i32 to vector<16xi32>
    %add3A_3 = arith.addi %iota3A, %add3A_2 : vector<16xi32>
    %shift_right_arithmetic3A = arith.constant 3 : i32
    %shift_right_arithmetic3A_4 = vector.broadcast %shift_right_arithmetic3A : i32 to vector<16xi32>
    %shift_right_arithmetic3A_5 = arith.shrsi %add3A_3, %shift_right_arithmetic3A_4 : vector<16xi32>
    %add3A_6 = arith.constant 16 : i32
    %add3A_7 = vector.broadcast %add3A_6 : i32 to vector<16xi32>
    %add3A_8 = arith.addi %iota3A, %add3A_7 : vector<16xi32>
    %shift_right_arithmetic3A_9 = arith.constant 3 : i32
    %shift_right_arithmetic3A_10 = vector.broadcast %shift_right_arithmetic3A_9 : i32 to vector<16xi32>
    %shift_right_arithmetic3A_11 = arith.shrsi %add3A_8, %shift_right_arithmetic3A_10 : vector<16xi32>
    %add3A_12 = arith.constant 32 : i32
    %add3A_13 = vector.broadcast %add3A_12 : i32 to vector<16xi32>
    %add3A_14 = arith.addi %iota3A, %add3A_13 : vector<16xi32>
    %shift_right_arithmetic3A_15 = arith.constant 3 : i32
    %shift_right_arithmetic3A_16 = vector.broadcast %shift_right_arithmetic3A_15 : i32 to vector<16xi32>
    %shift_right_arithmetic3A_17 = arith.shrsi %add3A_14, %shift_right_arithmetic3A_16 : vector<16xi32>
    %add3A_18 = arith.constant 48 : i32
    %add3A_19 = vector.broadcast %add3A_18 : i32 to vector<16xi32>
    %add3A_20 = arith.addi %iota3A, %add3A_19 : vector<16xi32>
    %shift_right_arithmetic3A_21 = arith.constant 3 : i32
    %shift_right_arithmetic3A_22 = vector.broadcast %shift_right_arithmetic3A_21 : i32 to vector<16xi32>
    %shift_right_arithmetic3A_23 = arith.shrsi %add3A_20, %shift_right_arithmetic3A_22 : vector<16xi32>
    %add3A_24 = arith.constant 0 : i32
    %add3A_25 = vector.broadcast %add3A_24 : i32 to vector<16xi32>
    %add3A_26 = arith.addi %iota3A, %add3A_25 : vector<16xi32>
    %and3A = arith.constant 7 : i32
    %and3A_27 = vector.broadcast %and3A : i32 to vector<16xi32>
    %and3A_28 = arith.andi %add3A_26, %and3A_27 : vector<16xi32>
    %add3A_29 = arith.constant 16 : i32
    %add3A_30 = vector.broadcast %add3A_29 : i32 to vector<16xi32>
    %add3A_31 = arith.addi %iota3A, %add3A_30 : vector<16xi32>
    %and3A_32 = arith.constant 7 : i32
    %and3A_33 = vector.broadcast %and3A_32 : i32 to vector<16xi32>
    %and3A_34 = arith.andi %add3A_31, %and3A_33 : vector<16xi32>
    %add3A_35 = arith.constant 32 : i32
    %add3A_36 = vector.broadcast %add3A_35 : i32 to vector<16xi32>
    %add3A_37 = arith.addi %iota3A, %add3A_36 : vector<16xi32>
    %and3A_38 = arith.constant 7 : i32
    %and3A_39 = vector.broadcast %and3A_38 : i32 to vector<16xi32>
    %and3A_40 = arith.andi %add3A_37, %and3A_39 : vector<16xi32>
    %add3A_41 = arith.constant 48 : i32
    %add3A_42 = vector.broadcast %add3A_41 : i32 to vector<16xi32>
    %add3A_43 = arith.addi %iota3A, %add3A_42 : vector<16xi32>
    %and3A_44 = arith.constant 7 : i32
    %and3A_45 = vector.broadcast %and3A_44 : i32 to vector<16xi32>
    %and3A_46 = arith.andi %add3A_43, %and3A_45 : vector<16xi32>
    %broadcast_in_dim3A = arith.constant 0 : i32
    %broadcast_in_dim3A_47 = vector.broadcast %broadcast_in_dim3A : i32 to vector<16xi32>
    %run_scoped3A = arith.constant 0 : i32
    "tpu.region"() ({
      %run_scoped3A_392 = tpu.sem_alloc : memref<!tpu.dma_semaphore, #tpu.memory_space<semaphore_mem>>
      %dma_start3A_393 = arith.constant 0 : i32
      %dma_start3A_394 = arith.constant 0 : i32
      %dma_start3A_395 = tpu.memref_slice %arg2[%run_scoped3A, %add3A, %dma_start3A_393, %dma_start3A_394] : memref<25x32x8x128xi32, #tpu.memory_space<hbm>> -> memref<1x1x2x128xi32, #tpu.memory_space<hbm>>
      %dma_start3A_396 = tpu.memref_squeeze %dma_start3A_395 : memref<1x1x2x128xi32, #tpu.memory_space<hbm>> -> memref<2x128xi32, #tpu.memory_space<hbm>>
      %dma_start3A_397 = arith.constant 0 : i32
      %dma_start3A_398 = arith.constant 0 : i32
      %dma_start3A_399 = tpu.memref_slice %arg2[%run_scoped3A, %add3A, %dma_start3A_397, %dma_start3A_398] : memref<25x32x8x128xi32, #tpu.memory_space<hbm>> -> memref<1x1x2x128xi32, #tpu.memory_space<hbm>>
      %dma_start3A_400 = tpu.memref_squeeze %dma_start3A_399 : memref<1x1x2x128xi32, #tpu.memory_space<hbm>> -> memref<2x128xi32, #tpu.memory_space<hbm>>
      tpu.enqueue_dma source(%dma_start3A_400 : memref<2x128xi32, #tpu.memory_space<hbm>>) target(%arg7 : memref<2x128xi32, #tpu.memory_space<vmem>>) target_semaphore(%run_scoped3A_392 : memref<!tpu.dma_semaphore, #tpu.memory_space<semaphore_mem>>)
      %dma_wait3A_401 = arith.constant 0 : i32
      %dma_wait3A_402 = arith.constant 0 : i32
      %dma_wait3A_403 = tpu.memref_slice %arg2[%run_scoped3A, %add3A, %dma_wait3A_401, %dma_wait3A_402] : memref<25x32x8x128xi32, #tpu.memory_space<hbm>> -> memref<1x1x2x128xi32, #tpu.memory_space<hbm>>
      %dma_wait3A_404 = tpu.memref_squeeze %dma_wait3A_403 : memref<1x1x2x128xi32, #tpu.memory_space<hbm>> -> memref<2x128xi32, #tpu.memory_space<hbm>>
      %dma_wait3A_405 = arith.constant 0 : i32
      %dma_wait3A_406 = arith.constant 0 : i32
      %dma_wait3A_407 = tpu.memref_slice %arg2[%run_scoped3A, %add3A, %dma_wait3A_405, %dma_wait3A_406] : memref<25x32x8x128xi32, #tpu.memory_space<hbm>> -> memref<1x1x2x128xi32, #tpu.memory_space<hbm>>
      %dma_wait3A_408 = tpu.memref_squeeze %dma_wait3A_407 : memref<1x1x2x128xi32, #tpu.memory_space<hbm>> -> memref<2x128xi32, #tpu.memory_space<hbm>>
      tpu.wait_dma2 semaphore(%run_scoped3A_392 : memref<!tpu.dma_semaphore, #tpu.memory_space<semaphore_mem>>) src(%dma_wait3A_408 : memref<2x128xi32, #tpu.memory_space<hbm>>) dst(%arg7 : memref<2x128xi32, #tpu.memory_space<vmem>>)
      tpu.yield
    }) : () -> ()
    %dma_start3A = arith.constant 0 : i32
    %dma_start3A_48 = arith.constant 0 : i32
    %dma_start3A_49 = arith.constant 0 : i32
    %dma_start3A_50 = tpu.memref_slice %arg9[%dma_start3A_48, %dma_start3A_49] : memref<256x128xf32, #tpu.memory_space<vmem>> -> memref<128x128xf32, #tpu.memory_space<vmem>>
    %dma_start3A_51 = arith.constant 0 : i32
    %dma_start3A_52 = tpu.memref_slice %arg7[%dma_start3A, %dma_start3A_51] : memref<2x128xi32, #tpu.memory_space<vmem>> -> memref<1x128xi32, #tpu.memory_space<vmem>>
    %dma_start3A_53 = tpu.memref_squeeze %dma_start3A_52 : memref<1x128xi32, #tpu.memory_space<vmem>> -> memref<128xi32, #tpu.memory_space<vmem>>
    %dma_start3A_54 = arith.constant 0 : i32
    %dma_start3A_55 = arith.constant 0 : i32
    %dma_start3A_56 = tpu.memref_slice %arg3[%dma_start3A_54, %dma_start3A_55] : memref<1000000x128xf32, #tpu.memory_space<hbm>> -> memref<1000000x128xf32, #tpu.memory_space<hbm>>
    tpu.enqueue_indirect_dma source(%dma_start3A_56 : memref<1000000x128xf32, #tpu.memory_space<hbm>>) target(%dma_start3A_50 : memref<128x128xf32, #tpu.memory_space<vmem>>) offsets(%dma_start3A_53 : memref<128xi32, #tpu.memory_space<vmem>>) semaphore(%arg13 : memref<!tpu.dma_semaphore, #tpu.memory_space<semaphore_mem>>)
    %dma_start3A_57 = arith.constant 1 : i32
    %dma_start3A_58 = arith.constant 128 : i32
    %dma_start3A_59 = arith.constant 0 : i32
    %dma_start3A_60 = tpu.memref_slice %arg9[%dma_start3A_58, %dma_start3A_59] : memref<256x128xf32, #tpu.memory_space<vmem>> -> memref<128x128xf32, #tpu.memory_space<vmem>>
    %dma_start3A_61 = arith.constant 0 : i32
    %dma_start3A_62 = tpu.memref_slice %arg7[%dma_start3A_57, %dma_start3A_61] : memref<2x128xi32, #tpu.memory_space<vmem>> -> memref<1x128xi32, #tpu.memory_space<vmem>>
    %dma_start3A_63 = tpu.memref_squeeze %dma_start3A_62 : memref<1x128xi32, #tpu.memory_space<vmem>> -> memref<128xi32, #tpu.memory_space<vmem>>
    %dma_start3A_64 = arith.constant 0 : i32
    %dma_start3A_65 = arith.constant 0 : i32
    %dma_start3A_66 = tpu.memref_slice %arg3[%dma_start3A_64, %dma_start3A_65] : memref<1000000x128xf32, #tpu.memory_space<hbm>> -> memref<1000000x128xf32, #tpu.memory_space<hbm>>
    tpu.enqueue_indirect_dma source(%dma_start3A_66 : memref<1000000x128xf32, #tpu.memory_space<hbm>>) target(%dma_start3A_60 : memref<128x128xf32, #tpu.memory_space<vmem>>) offsets(%dma_start3A_63 : memref<128xi32, #tpu.memory_space<vmem>>) semaphore(%arg13 : memref<!tpu.dma_semaphore, #tpu.memory_space<semaphore_mem>>)
    %run_scoped3A_67 = arith.constant 0 : i32
    "tpu.region"() ({
      %run_scoped3A_392 = tpu.sem_alloc : memref<!tpu.dma_semaphore, #tpu.memory_space<semaphore_mem>>
      %dma_start3A_393 = arith.constant 2 : i32
      %dma_start3A_394 = arith.constant 0 : i32
      %dma_start3A_395 = tpu.memref_slice %arg2[%run_scoped3A_67, %add3A, %dma_start3A_393, %dma_start3A_394] : memref<25x32x8x128xi32, #tpu.memory_space<hbm>> -> memref<1x1x2x128xi32, #tpu.memory_space<hbm>>
      %dma_start3A_396 = tpu.memref_squeeze %dma_start3A_395 : memref<1x1x2x128xi32, #tpu.memory_space<hbm>> -> memref<2x128xi32, #tpu.memory_space<hbm>>
      %dma_start3A_397 = arith.constant 2 : i32
      %dma_start3A_398 = arith.constant 0 : i32
      %dma_start3A_399 = tpu.memref_slice %arg2[%run_scoped3A_67, %add3A, %dma_start3A_397, %dma_start3A_398] : memref<25x32x8x128xi32, #tpu.memory_space<hbm>> -> memref<1x1x2x128xi32, #tpu.memory_space<hbm>>
      %dma_start3A_400 = tpu.memref_squeeze %dma_start3A_399 : memref<1x1x2x128xi32, #tpu.memory_space<hbm>> -> memref<2x128xi32, #tpu.memory_space<hbm>>
      tpu.enqueue_dma source(%dma_start3A_400 : memref<2x128xi32, #tpu.memory_space<hbm>>) target(%arg8 : memref<2x128xi32, #tpu.memory_space<vmem>>) target_semaphore(%run_scoped3A_392 : memref<!tpu.dma_semaphore, #tpu.memory_space<semaphore_mem>>)
      %dma_wait3A_401 = arith.constant 2 : i32
      %dma_wait3A_402 = arith.constant 0 : i32
      %dma_wait3A_403 = tpu.memref_slice %arg2[%run_scoped3A_67, %add3A, %dma_wait3A_401, %dma_wait3A_402] : memref<25x32x8x128xi32, #tpu.memory_space<hbm>> -> memref<1x1x2x128xi32, #tpu.memory_space<hbm>>
      %dma_wait3A_404 = tpu.memref_squeeze %dma_wait3A_403 : memref<1x1x2x128xi32, #tpu.memory_space<hbm>> -> memref<2x128xi32, #tpu.memory_space<hbm>>
      %dma_wait3A_405 = arith.constant 2 : i32
      %dma_wait3A_406 = arith.constant 0 : i32
      %dma_wait3A_407 = tpu.memref_slice %arg2[%run_scoped3A_67, %add3A, %dma_wait3A_405, %dma_wait3A_406] : memref<25x32x8x128xi32, #tpu.memory_space<hbm>> -> memref<1x1x2x128xi32, #tpu.memory_space<hbm>>
      %dma_wait3A_408 = tpu.memref_squeeze %dma_wait3A_407 : memref<1x1x2x128xi32, #tpu.memory_space<hbm>> -> memref<2x128xi32, #tpu.memory_space<hbm>>
      tpu.wait_dma2 semaphore(%run_scoped3A_392 : memref<!tpu.dma_semaphore, #tpu.memory_space<semaphore_mem>>) src(%dma_wait3A_408 : memref<2x128xi32, #tpu.memory_space<hbm>>) dst(%arg8 : memref<2x128xi32, #tpu.memory_space<vmem>>)
      tpu.yield
    }) : () -> ()
    %dma_start3A_68 = arith.constant 0 : i32
    %dma_start3A_69 = arith.constant 0 : i32
    %dma_start3A_70 = arith.constant 0 : i32
    %dma_start3A_71 = tpu.memref_slice %arg10[%dma_start3A_69, %dma_start3A_70] : memref<256x128xf32, #tpu.memory_space<vmem>> -> memref<128x128xf32, #tpu.memory_space<vmem>>
    %dma_start3A_72 = arith.constant 0 : i32
    %dma_start3A_73 = tpu.memref_slice %arg8[%dma_start3A_68, %dma_start3A_72] : memref<2x128xi32, #tpu.memory_space<vmem>> -> memref<1x128xi32, #tpu.memory_space<vmem>>
    %dma_start3A_74 = tpu.memref_squeeze %dma_start3A_73 : memref<1x128xi32, #tpu.memory_space<vmem>> -> memref<128xi32, #tpu.memory_space<vmem>>
    %dma_start3A_75 = arith.constant 0 : i32
    %dma_start3A_76 = arith.constant 0 : i32
    %dma_start3A_77 = tpu.memref_slice %arg3[%dma_start3A_75, %dma_start3A_76] : memref<1000000x128xf32, #tpu.memory_space<hbm>> -> memref<1000000x128xf32, #tpu.memory_space<hbm>>
    tpu.enqueue_indirect_dma source(%dma_start3A_77 : memref<1000000x128xf32, #tpu.memory_space<hbm>>) target(%dma_start3A_71 : memref<128x128xf32, #tpu.memory_space<vmem>>) offsets(%dma_start3A_74 : memref<128xi32, #tpu.memory_space<vmem>>) semaphore(%arg14 : memref<!tpu.dma_semaphore, #tpu.memory_space<semaphore_mem>>)
    %dma_start3A_78 = arith.constant 1 : i32
    %dma_start3A_79 = arith.constant 128 : i32
    %dma_start3A_80 = arith.constant 0 : i32
    %dma_start3A_81 = tpu.memref_slice %arg10[%dma_start3A_79, %dma_start3A_80] : memref<256x128xf32, #tpu.memory_space<vmem>> -> memref<128x128xf32, #tpu.memory_space<vmem>>
    %dma_start3A_82 = arith.constant 0 : i32
    %dma_start3A_83 = tpu.memref_slice %arg8[%dma_start3A_78, %dma_start3A_82] : memref<2x128xi32, #tpu.memory_space<vmem>> -> memref<1x128xi32, #tpu.memory_space<vmem>>
    %dma_start3A_84 = tpu.memref_squeeze %dma_start3A_83 : memref<1x128xi32, #tpu.memory_space<vmem>> -> memref<128xi32, #tpu.memory_space<vmem>>
    %dma_start3A_85 = arith.constant 0 : i32
    %dma_start3A_86 = arith.constant 0 : i32
    %dma_start3A_87 = tpu.memref_slice %arg3[%dma_start3A_85, %dma_start3A_86] : memref<1000000x128xf32, #tpu.memory_space<hbm>> -> memref<1000000x128xf32, #tpu.memory_space<hbm>>
    tpu.enqueue_indirect_dma source(%dma_start3A_87 : memref<1000000x128xf32, #tpu.memory_space<hbm>>) target(%dma_start3A_81 : memref<128x128xf32, #tpu.memory_space<vmem>>) offsets(%dma_start3A_84 : memref<128xi32, #tpu.memory_space<vmem>>) semaphore(%arg14 : memref<!tpu.dma_semaphore, #tpu.memory_space<semaphore_mem>>)
    %dma_wait3A = arith.constant 0 : i32
    %dma_wait3A_88 = arith.constant 0 : i32
    %dma_wait3A_89 = arith.constant 0 : i32
    %dma_wait3A_90 = tpu.memref_slice %arg9[%dma_wait3A_88, %dma_wait3A_89] : memref<256x128xf32, #tpu.memory_space<vmem>> -> memref<128x128xf32, #tpu.memory_space<vmem>>
    %dma_wait3A_91 = arith.constant 0 : i32
    %dma_wait3A_92 = tpu.memref_slice %arg7[%dma_wait3A, %dma_wait3A_91] : memref<2x128xi32, #tpu.memory_space<vmem>> -> memref<1x128xi32, #tpu.memory_space<vmem>>
    %dma_wait3A_93 = tpu.memref_squeeze %dma_wait3A_92 : memref<1x128xi32, #tpu.memory_space<vmem>> -> memref<128xi32, #tpu.memory_space<vmem>>
    %dma_wait3A_94 = arith.constant 0 : i32
    %dma_wait3A_95 = arith.constant 0 : i32
    %dma_wait3A_96 = tpu.memref_slice %arg3[%dma_wait3A_94, %dma_wait3A_95] : memref<1000000x128xf32, #tpu.memory_space<hbm>> -> memref<1000000x128xf32, #tpu.memory_space<hbm>>
    tpu.wait_indirect_dma semaphore(%arg13 : memref<!tpu.dma_semaphore, #tpu.memory_space<semaphore_mem>>) src(%dma_wait3A_96 : memref<1000000x128xf32, #tpu.memory_space<hbm>>) dst(%dma_wait3A_90 : memref<128x128xf32, #tpu.memory_space<vmem>>)
    %dma_wait3A_97 = arith.constant 1 : i32
    %dma_wait3A_98 = arith.constant 128 : i32
    %dma_wait3A_99 = arith.constant 0 : i32
    %dma_wait3A_100 = tpu.memref_slice %arg9[%dma_wait3A_98, %dma_wait3A_99] : memref<256x128xf32, #tpu.memory_space<vmem>> -> memref<128x128xf32, #tpu.memory_space<vmem>>
    %dma_wait3A_101 = arith.constant 0 : i32
    %dma_wait3A_102 = tpu.memref_slice %arg7[%dma_wait3A_97, %dma_wait3A_101] : memref<2x128xi32, #tpu.memory_space<vmem>> -> memref<1x128xi32, #tpu.memory_space<vmem>>
    %dma_wait3A_103 = tpu.memref_squeeze %dma_wait3A_102 : memref<1x128xi32, #tpu.memory_space<vmem>> -> memref<128xi32, #tpu.memory_space<vmem>>
    %dma_wait3A_104 = arith.constant 0 : i32
    %dma_wait3A_105 = arith.constant 0 : i32
    %dma_wait3A_106 = tpu.memref_slice %arg3[%dma_wait3A_104, %dma_wait3A_105] : memref<1000000x128xf32, #tpu.memory_space<hbm>> -> memref<1000000x128xf32, #tpu.memory_space<hbm>>
    tpu.wait_indirect_dma semaphore(%arg13 : memref<!tpu.dma_semaphore, #tpu.memory_space<semaphore_mem>>) src(%dma_wait3A_106 : memref<1000000x128xf32, #tpu.memory_space<hbm>>) dst(%dma_wait3A_100 : memref<128x128xf32, #tpu.memory_space<vmem>>)
    %get3A = arith.constant 0 : i32
    %get3A_107 = arith.index_cast %get3A : i32 to index
    %get3A_108 = arith.constant 0 : index
    %get3A_109 = tpu.vector_load %arg6[%get3A_107, %get3A_108] {strides = array<i32>} : memref<200x64xf32, #tpu.memory_space<vmem>>, vector<16xf32>,
    %get3A_110 = arith.constant 0 : i32
    %get3A_111 = arith.index_cast %get3A_110 : i32 to index
    %get3A_112 = arith.constant 16 : index
    %get3A_113 = tpu.vector_load %arg6[%get3A_111, %get3A_112] {strides = array<i32>} : memref<200x64xf32, #tpu.memory_space<vmem>>, vector<16xf32>,
    %get3A_114 = arith.constant 0 : i32
    %get3A_115 = arith.index_cast %get3A_114 : i32 to index
    %get3A_116 = arith.constant 32 : index
    %get3A_117 = tpu.vector_load %arg6[%get3A_115, %get3A_116] {strides = array<i32>} : memref<200x64xf32, #tpu.memory_space<vmem>>, vector<16xf32>,
    %get3A_118 = arith.constant 0 : i32
    %get3A_119 = arith.index_cast %get3A_118 : i32 to index
    %get3A_120 = arith.constant 48 : index
    %get3A_121 = tpu.vector_load %arg6[%get3A_119, %get3A_120] {strides = array<i32>} : memref<200x64xf32, #tpu.memory_space<vmem>>, vector<16xf32>,
    %scan3A = arith.constant 0 : i32
    %scan3A_122 = arith.constant 128 : i32
    %scan3A_123 = arith.addi %scan3A, %scan3A_122 : i32
    %scan3A_124 = arith.constant 8 : i32
    %scan3A_125 = scf.for %scan3A_392 = %scan3A to %scan3A_123 step %scan3A_124 iter_args(%scan3A_393 = %broadcast_in_dim3A_47) -> (vector<16xi32>)  : i32 {
      %add3A_394 = arith.constant 0 : i32
      %add3A_395 = arith.addi %add3A_394, %scan3A_392 : i32
      %get3A_396 = arith.index_cast %add3A_395 : i32 to index
      %get3A_397 = arith.constant 0 : index
      %get3A_398 = tpu.vector_load %arg9[%get3A_396, %get3A_397] {strides = array<i32>} : memref<256x128xf32, #tpu.memory_space<vmem>>, vector<16xf32>,
      %get3A_399 = arith.index_cast %add3A_395 : i32 to index
      %get3A_400 = arith.constant 16 : index
      %get3A_401 = tpu.vector_load %arg9[%get3A_399, %get3A_400] {strides = array<i32>} : memref<256x128xf32, #tpu.memory_space<vmem>>, vector<16xf32>,
      %get3A_402 = arith.index_cast %add3A_395 : i32 to index
      %get3A_403 = arith.constant 32 : index
      %get3A_404 = tpu.vector_load %arg9[%get3A_402, %get3A_403] {strides = array<i32>} : memref<256x128xf32, #tpu.memory_space<vmem>>, vector<16xf32>,
      %get3A_405 = arith.index_cast %add3A_395 : i32 to index
      %get3A_406 = arith.constant 48 : index
      %get3A_407 = tpu.vector_load %arg9[%get3A_405, %get3A_406] {strides = array<i32>} : memref<256x128xf32, #tpu.memory_space<vmem>>, vector<16xf32>,
      %add3A_408 = arith.addf %get3A_398, %get3A_109 : vector<16xf32>
      %add3A_409 = arith.addf %get3A_401, %get3A_113 : vector<16xf32>
      %add3A_410 = arith.addf %get3A_404, %get3A_117 : vector<16xf32>
      %add3A_411 = arith.addf %get3A_407, %get3A_121 : vector<16xf32>
      tpu.vector_store_idx %arg11[%shift_right_arithmetic3A_5, %and3A_28, %scan3A_393], %add3A_408 : memref<8x8x129xf32, #tpu.memory_space<vmem>>[vector<16xi32>, vector<16xi32>, vector<16xi32>], vector<16xf32>,
      tpu.vector_store_idx %arg11[%shift_right_arithmetic3A_11, %and3A_34, %scan3A_393], %add3A_409 : memref<8x8x129xf32, #tpu.memory_space<vmem>>[vector<16xi32>, vector<16xi32>, vector<16xi32>], vector<16xf32>,
      tpu.vector_store_idx %arg11[%shift_right_arithmetic3A_17, %and3A_40, %scan3A_393], %add3A_410 : memref<8x8x129xf32, #tpu.memory_space<vmem>>[vector<16xi32>, vector<16xi32>, vector<16xi32>], vector<16xf32>,
      tpu.vector_store_idx %arg11[%shift_right_arithmetic3A_23, %and3A_46, %scan3A_393], %add3A_411 : memref<8x8x129xf32, #tpu.memory_space<vmem>>[vector<16xi32>, vector<16xi32>, vector<16xi32>], vector<16xf32>,
      %add3A_412 = arith.constant 1 : i32
      %add3A_413 = vector.broadcast %add3A_412 : i32 to vector<16xi32>
      %add3A_414 = arith.addi %scan3A_393, %add3A_413 : vector<16xi32>
      %scan3A_415 = arith.constant 1 : i32
      %scan3A_416 = arith.addi %scan3A_392, %scan3A_415 : i32
      %add3A_417 = arith.constant 0 : i32
      %add3A_418 = arith.addi %add3A_417, %scan3A_416 : i32
      %get3A_419 = arith.index_cast %add3A_418 : i32 to index
      %get3A_420 = arith.constant 0 : index
      %get3A_421 = tpu.vector_load %arg9[%get3A_419, %get3A_420] {strides = array<i32>} : memref<256x128xf32, #tpu.memory_space<vmem>>, vector<16xf32>,
      %get3A_422 = arith.index_cast %add3A_418 : i32 to index
      %get3A_423 = arith.constant 16 : index
      %get3A_424 = tpu.vector_load %arg9[%get3A_422, %get3A_423] {strides = array<i32>} : memref<256x128xf32, #tpu.memory_space<vmem>>, vector<16xf32>,
      %get3A_425 = arith.index_cast %add3A_418 : i32 to index
      %get3A_426 = arith.constant 32 : index
      %get3A_427 = tpu.vector_load %arg9[%get3A_425, %get3A_426] {strides = array<i32>} : memref<256x128xf32, #tpu.memory_space<vmem>>, vector<16xf32>,
      %get3A_428 = arith.index_cast %add3A_418 : i32 to index
      %get3A_429 = arith.constant 48 : index
      %get3A_430 = tpu.vector_load %arg9[%get3A_428, %get3A_429] {strides = array<i32>} : memref<256x128xf32, #tpu.memory_space<vmem>>, vector<16xf32>,
      %add3A_431 = arith.addf %get3A_421, %get3A_109 : vector<16xf32>
      %add3A_432 = arith.addf %get3A_424, %get3A_113 : vector<16xf32>
      %add3A_433 = arith.addf %get3A_427, %get3A_117 : vector<16xf32>
      %add3A_434 = arith.addf %get3A_430, %get3A_121 : vector<16xf32>
      tpu.vector_store_idx %arg11[%shift_right_arithmetic3A_5, %and3A_28, %add3A_414], %add3A_431 : memref<8x8x129xf32, #tpu.memory_space<vmem>>[vector<16xi32>, vector<16xi32>, vector<16xi32>], vector<16xf32>,
      tpu.vector_store_idx %arg11[%shift_right_arithmetic3A_11, %and3A_34, %add3A_414], %add3A_432 : memref<8x8x129xf32, #tpu.memory_space<vmem>>[vector<16xi32>, vector<16xi32>, vector<16xi32>], vector<16xf32>,
      tpu.vector_store_idx %arg11[%shift_right_arithmetic3A_17, %and3A_40, %add3A_414], %add3A_433 : memref<8x8x129xf32, #tpu.memory_space<vmem>>[vector<16xi32>, vector<16xi32>, vector<16xi32>], vector<16xf32>,
      tpu.vector_store_idx %arg11[%shift_right_arithmetic3A_23, %and3A_46, %add3A_414], %add3A_434 : memref<8x8x129xf32, #tpu.memory_space<vmem>>[vector<16xi32>, vector<16xi32>, vector<16xi32>], vector<16xf32>,
      %add3A_435 = arith.constant 1 : i32
      %add3A_436 = vector.broadcast %add3A_435 : i32 to vector<16xi32>
      %add3A_437 = arith.addi %add3A_414, %add3A_436 : vector<16xi32>
      %scan3A_438 = arith.constant 2 : i32
      %scan3A_439 = arith.addi %scan3A_392, %scan3A_438 : i32
      %add3A_440 = arith.constant 0 : i32
      %add3A_441 = arith.addi %add3A_440, %scan3A_439 : i32
      %get3A_442 = arith.index_cast %add3A_441 : i32 to index
      %get3A_443 = arith.constant 0 : index
      %get3A_444 = tpu.vector_load %arg9[%get3A_442, %get3A_443] {strides = array<i32>} : memref<256x128xf32, #tpu.memory_space<vmem>>, vector<16xf32>,
      %get3A_445 = arith.index_cast %add3A_441 : i32 to index
      %get3A_446 = arith.constant 16 : index
      %get3A_447 = tpu.vector_load %arg9[%get3A_445, %get3A_446] {strides = array<i32>} : memref<256x128xf32, #tpu.memory_space<vmem>>, vector<16xf32>,
      %get3A_448 = arith.index_cast %add3A_441 : i32 to index
      %get3A_449 = arith.constant 32 : index
      %get3A_450 = tpu.vector_load %arg9[%get3A_448, %get3A_449] {strides = array<i32>} : memref<256x128xf32, #tpu.memory_space<vmem>>, vector<16xf32>,
      %get3A_451 = arith.index_cast %add3A_441 : i32 to index
      %get3A_452 = arith.constant 48 : index
      %get3A_453 = tpu.vector_load %arg9[%get3A_451, %get3A_452] {strides = array<i32>} : memref<256x128xf32, #tpu.memory_space<vmem>>, vector<16xf32>,
      %add3A_454 = arith.addf %get3A_444, %get3A_109 : vector<16xf32>
      %add3A_455 = arith.addf %get3A_447, %get3A_113 : vector<16xf32>
      %add3A_456 = arith.addf %get3A_450, %get3A_117 : vector<16xf32>
      %add3A_457 = arith.addf %get3A_453, %get3A_121 : vector<16xf32>
      tpu.vector_store_idx %arg11[%shift_right_arithmetic3A_5, %and3A_28, %add3A_437], %add3A_454 : memref<8x8x129xf32, #tpu.memory_space<vmem>>[vector<16xi32>, vector<16xi32>, vector<16xi32>], vector<16xf32>,
      tpu.vector_store_idx %arg11[%shift_right_arithmetic3A_11, %and3A_34, %add3A_437], %add3A_455 : memref<8x8x129xf32, #tpu.memory_space<vmem>>[vector<16xi32>, vector<16xi32>, vector<16xi32>], vector<16xf32>,
      tpu.vector_store_idx %arg11[%shift_right_arithmetic3A_17, %and3A_40, %add3A_437], %add3A_456 : memref<8x8x129xf32, #tpu.memory_space<vmem>>[vector<16xi32>, vector<16xi32>, vector<16xi32>], vector<16xf32>,
      tpu.vector_store_idx %arg11[%shift_right_arithmetic3A_23, %and3A_46, %add3A_437], %add3A_457 : memref<8x8x129xf32, #tpu.memory_space<vmem>>[vector<16xi32>, vector<16xi32>, vector<16xi32>], vector<16xf32>,
      %add3A_458 = arith.constant 1 : i32
      %add3A_459 = vector.broadcast %add3A_458 : i32 to vector<16xi32>
      %add3A_460 = arith.addi %add3A_437, %add3A_459 : vector<16xi32>
      %scan3A_461 = arith.constant 3 : i32
      %scan3A_462 = arith.addi %scan3A_392, %scan3A_461 : i32
      %add3A_463 = arith.constant 0 : i32
      %add3A_464 = arith.addi %add3A_463, %scan3A_462 : i32
      %get3A_465 = arith.index_cast %add3A_464 : i32 to index
      %get3A_466 = arith.constant 0 : index
      %get3A_467 = tpu.vector_load %arg9[%get3A_465, %get3A_466] {strides = array<i32>} : memref<256x128xf32, #tpu.memory_space<vmem>>, vector<16xf32>,
      %get3A_468 = arith.index_cast %add3A_464 : i32 to index
      %get3A_469 = arith.constant 16 : index
      %get3A_470 = tpu.vector_load %arg9[%get3A_468, %get3A_469] {strides = array<i32>} : memref<256x128xf32, #tpu.memory_space<vmem>>, vector<16xf32>,
      %get3A_471 = arith.index_cast %add3A_464 : i32 to index
      %get3A_472 = arith.constant 32 : index
      %get3A_473 = tpu.vector_load %arg9[%get3A_471, %get3A_472] {strides = array<i32>} : memref<256x128xf32, #tpu.memory_space<vmem>>, vector<16xf32>,
      %get3A_474 = arith.index_cast %add3A_464 : i32 to index
      %get3A_475 = arith.constant 48 : index
      %get3A_476 = tpu.vector_load %arg9[%get3A_474, %get3A_475] {strides = array<i32>} : memref<256x128xf32, #tpu.memory_space<vmem>>, vector<16xf32>,
      %add3A_477 = arith.addf %get3A_467, %get3A_109 : vector<16xf32>
      %add3A_478 = arith.addf %get3A_470, %get3A_113 : vector<16xf32>
      %add3A_479 = arith.addf %get3A_473, %get3A_117 : vector<16xf32>
      %add3A_480 = arith.addf %get3A_476, %get3A_121 : vector<16xf32>
      tpu.vector_store_idx %arg11[%shift_right_arithmetic3A_5, %and3A_28, %add3A_460], %add3A_477 : memref<8x8x129xf32, #tpu.memory_space<vmem>>[vector<16xi32>, vector<16xi32>, vector<16xi32>], vector<16xf32>,
      tpu.vector_store_idx %arg11[%shift_right_arithmetic3A_11, %and3A_34, %add3A_460], %add3A_478 : memref<8x8x129xf32, #tpu.memory_space<vmem>>[vector<16xi32>, vector<16xi32>, vector<16xi32>], vector<16xf32>,
      tpu.vector_store_idx %arg11[%shift_right_arithmetic3A_17, %and3A_40, %add3A_460], %add3A_479 : memref<8x8x129xf32, #tpu.memory_space<vmem>>[vector<16xi32>, vector<16xi32>, vector<16xi32>], vector<16xf32>,
      tpu.vector_store_idx %arg11[%shift_right_arithmetic3A_23, %and3A_46, %add3A_460], %add3A_480 : memref<8x8x129xf32, #tpu.memory_space<vmem>>[vector<16xi32>, vector<16xi32>, vector<16xi32>], vector<16xf32>,
      %add3A_481 = arith.constant 1 : i32
      %add3A_482 = vector.broadcast %add3A_481 : i32 to vector<16xi32>
      %add3A_483 = arith.addi %add3A_460, %add3A_482 : vector<16xi32>
      %scan3A_484 = arith.constant 4 : i32
      %scan3A_485 = arith.addi %scan3A_392, %scan3A_484 : i32
      %add3A_486 = arith.constant 0 : i32
      %add3A_487 = arith.addi %add3A_486, %scan3A_485 : i32
      %get3A_488 = arith.index_cast %add3A_487 : i32 to index
      %get3A_489 = arith.constant 0 : index
      %get3A_490 = tpu.vector_load %arg9[%get3A_488, %get3A_489] {strides = array<i32>} : memref<256x128xf32, #tpu.memory_space<vmem>>, vector<16xf32>,
      %get3A_491 = arith.index_cast %add3A_487 : i32 to index
      %get3A_492 = arith.constant 16 : index
      %get3A_493 = tpu.vector_load %arg9[%get3A_491, %get3A_492] {strides = array<i32>} : memref<256x128xf32, #tpu.memory_space<vmem>>, vector<16xf32>,
      %get3A_494 = arith.index_cast %add3A_487 : i32 to index
      %get3A_495 = arith.constant 32 : index
      %get3A_496 = tpu.vector_load %arg9[%get3A_494, %get3A_495] {strides = array<i32>} : memref<256x128xf32, #tpu.memory_space<vmem>>, vector<16xf32>,
      %get3A_497 = arith.index_cast %add3A_487 : i32 to index
      %get3A_498 = arith.constant 48 : index
      %get3A_499 = tpu.vector_load %arg9[%get3A_497, %get3A_498] {strides = array<i32>} : memref<256x128xf32, #tpu.memory_space<vmem>>, vector<16xf32>,
      %add3A_500 = arith.addf %get3A_490, %get3A_109 : vector<16xf32>
      %add3A_501 = arith.addf %get3A_493, %get3A_113 : vector<16xf32>
      %add3A_502 = arith.addf %get3A_496, %get3A_117 : vector<16xf32>
      %add3A_503 = arith.addf %get3A_499, %get3A_121 : vector<16xf32>
      tpu.vector_store_idx %arg11[%shift_right_arithmetic3A_5, %and3A_28, %add3A_483], %add3A_500 : memref<8x8x129xf32, #tpu.memory_space<vmem>>[vector<16xi32>, vector<16xi32>, vector<16xi32>], vector<16xf32>,
      tpu.vector_store_idx %arg11[%shift_right_arithmetic3A_11, %and3A_34, %add3A_483], %add3A_501 : memref<8x8x129xf32, #tpu.memory_space<vmem>>[vector<16xi32>, vector<16xi32>, vector<16xi32>], vector<16xf32>,
      tpu.vector_store_idx %arg11[%shift_right_arithmetic3A_17, %and3A_40, %add3A_483], %add3A_502 : memref<8x8x129xf32, #tpu.memory_space<vmem>>[vector<16xi32>, vector<16xi32>, vector<16xi32>], vector<16xf32>,
      tpu.vector_store_idx %arg11[%shift_right_arithmetic3A_23, %and3A_46, %add3A_483], %add3A_503 : memref<8x8x129xf32, #tpu.memory_space<vmem>>[vector<16xi32>, vector<16xi32>, vector<16xi32>], vector<16xf32>,
      %add3A_504 = arith.constant 1 : i32
      %add3A_505 = vector.broadcast %add3A_504 : i32 to vector<16xi32>
      %add3A_506 = arith.addi %add3A_483, %add3A_505 : vector<16xi32>
      %scan3A_507 = arith.constant 5 : i32
      %scan3A_508 = arith.addi %scan3A_392, %scan3A_507 : i32
      %add3A_509 = arith.constant 0 : i32
      %add3A_510 = arith.addi %add3A_509, %scan3A_508 : i32
      %get3A_511 = arith.index_cast %add3A_510 : i32 to index
      %get3A_512 = arith.constant 0 : index
      %get3A_513 = tpu.vector_load %arg9[%get3A_511, %get3A_512] {strides = array<i32>} : memref<256x128xf32, #tpu.memory_space<vmem>>, vector<16xf32>,
      %get3A_514 = arith.index_cast %add3A_510 : i32 to index
      %get3A_515 = arith.constant 16 : index
      %get3A_516 = tpu.vector_load %arg9[%get3A_514, %get3A_515] {strides = array<i32>} : memref<256x128xf32, #tpu.memory_space<vmem>>, vector<16xf32>,
      %get3A_517 = arith.index_cast %add3A_510 : i32 to index
      %get3A_518 = arith.constant 32 : index
      %get3A_519 = tpu.vector_load %arg9[%get3A_517, %get3A_518] {strides = array<i32>} : memref<256x128xf32, #tpu.memory_space<vmem>>, vector<16xf32>,
      %get3A_520 = arith.index_cast %add3A_510 : i32 to index
      %get3A_521 = arith.constant 48 : index
      %get3A_522 = tpu.vector_load %arg9[%get3A_520, %get3A_521] {strides = array<i32>} : memref<256x128xf32, #tpu.memory_space<vmem>>, vector<16xf32>,
      %add3A_523 = arith.addf %get3A_513, %get3A_109 : vector<16xf32>
      %add3A_524 = arith.addf %get3A_516, %get3A_113 : vector<16xf32>
      %add3A_525 = arith.addf %get3A_519, %get3A_117 : vector<16xf32>
      %add3A_526 = arith.addf %get3A_522, %get3A_121 : vector<16xf32>
      tpu.vector_store_idx %arg11[%shift_right_arithmetic3A_5, %and3A_28, %add3A_506], %add3A_523 : memref<8x8x129xf32, #tpu.memory_space<vmem>>[vector<16xi32>, vector<16xi32>, vector<16xi32>], vector<16xf32>,
      tpu.vector_store_idx %arg11[%shift_right_arithmetic3A_11, %and3A_34, %add3A_506], %add3A_524 : memref<8x8x129xf32, #tpu.memory_space<vmem>>[vector<16xi32>, vector<16xi32>, vector<16xi32>], vector<16xf32>,
      tpu.vector_store_idx %arg11[%shift_right_arithmetic3A_17, %and3A_40, %add3A_506], %add3A_525 : memref<8x8x129xf32, #tpu.memory_space<vmem>>[vector<16xi32>, vector<16xi32>, vector<16xi32>], vector<16xf32>,
      tpu.vector_store_idx %arg11[%shift_right_arithmetic3A_23, %and3A_46, %add3A_506], %add3A_526 : memref<8x8x129xf32, #tpu.memory_space<vmem>>[vector<16xi32>, vector<16xi32>, vector<16xi32>], vector<16xf32>,
      %add3A_527 = arith.constant 1 : i32
      %add3A_528 = vector.broadcast %add3A_527 : i32 to vector<16xi32>
      %add3A_529 = arith.addi %add3A_506, %add3A_528 : vector<16xi32>
      %scan3A_530 = arith.constant 6 : i32
      %scan3A_531 = arith.addi %scan3A_392, %scan3A_530 : i32
      %add3A_532 = arith.constant 0 : i32
      %add3A_533 = arith.addi %add3A_532, %scan3A_531 : i32
      %get3A_534 = arith.index_cast %add3A_533 : i32 to index
      %get3A_535 = arith.constant 0 : index
      %get3A_536 = tpu.vector_load %arg9[%get3A_534, %get3A_535] {strides = array<i32>} : memref<256x128xf32, #tpu.memory_space<vmem>>, vector<16xf32>,
      %get3A_537 = arith.index_cast %add3A_533 : i32 to index
      %get3A_538 = arith.constant 16 : index
      %get3A_539 = tpu.vector_load %arg9[%get3A_537, %get3A_538] {strides = array<i32>} : memref<256x128xf32, #tpu.memory_space<vmem>>, vector<16xf32>,
      %get3A_540 = arith.index_cast %add3A_533 : i32 to index
      %get3A_541 = arith.constant 32 : index
      %get3A_542 = tpu.vector_load %arg9[%get3A_540, %get3A_541] {strides = array<i32>} : memref<256x128xf32, #tpu.memory_space<vmem>>, vector<16xf32>,
      %get3A_543 = arith.index_cast %add3A_533 : i32 to index
      %get3A_544 = arith.constant 48 : index
      %get3A_545 = tpu.vector_load %arg9[%get3A_543, %get3A_544] {strides = array<i32>} : memref<256x128xf32, #tpu.memory_space<vmem>>, vector<16xf32>,
      %add3A_546 = arith.addf %get3A_536, %get3A_109 : vector<16xf32>
      %add3A_547 = arith.addf %get3A_539, %get3A_113 : vector<16xf32>
      %add3A_548 = arith.addf %get3A_542, %get3A_117 : vector<16xf32>
      %add3A_549 = arith.addf %get3A_545, %get3A_121 : vector<16xf32>
      tpu.vector_store_idx %arg11[%shift_right_arithmetic3A_5, %and3A_28, %add3A_529], %add3A_546 : memref<8x8x129xf32, #tpu.memory_space<vmem>>[vector<16xi32>, vector<16xi32>, vector<16xi32>], vector<16xf32>,
      tpu.vector_store_idx %arg11[%shift_right_arithmetic3A_11, %and3A_34, %add3A_529], %add3A_547 : memref<8x8x129xf32, #tpu.memory_space<vmem>>[vector<16xi32>, vector<16xi32>, vector<16xi32>], vector<16xf32>,
      tpu.vector_store_idx %arg11[%shift_right_arithmetic3A_17, %and3A_40, %add3A_529], %add3A_548 : memref<8x8x129xf32, #tpu.memory_space<vmem>>[vector<16xi32>, vector<16xi32>, vector<16xi32>], vector<16xf32>,
      tpu.vector_store_idx %arg11[%shift_right_arithmetic3A_23, %and3A_46, %add3A_529], %add3A_549 : memref<8x8x129xf32, #tpu.memory_space<vmem>>[vector<16xi32>, vector<16xi32>, vector<16xi32>], vector<16xf32>,
      %add3A_550 = arith.constant 1 : i32
      %add3A_551 = vector.broadcast %add3A_550 : i32 to vector<16xi32>
      %add3A_552 = arith.addi %add3A_529, %add3A_551 : vector<16xi32>
      %scan3A_553 = arith.constant 7 : i32
      %scan3A_554 = arith.addi %scan3A_392, %scan3A_553 : i32
      %add3A_555 = arith.constant 0 : i32
      %add3A_556 = arith.addi %add3A_555, %scan3A_554 : i32
      %get3A_557 = arith.index_cast %add3A_556 : i32 to index
      %get3A_558 = arith.constant 0 : index
      %get3A_559 = tpu.vector_load %arg9[%get3A_557, %get3A_558] {strides = array<i32>} : memref<256x128xf32, #tpu.memory_space<vmem>>, vector<16xf32>,
      %get3A_560 = arith.index_cast %add3A_556 : i32 to index
      %get3A_561 = arith.constant 16 : index
      %get3A_562 = tpu.vector_load %arg9[%get3A_560, %get3A_561] {strides = array<i32>} : memref<256x128xf32, #tpu.memory_space<vmem>>, vector<16xf32>,
      %get3A_563 = arith.index_cast %add3A_556 : i32 to index
      %get3A_564 = arith.constant 32 : index
      %get3A_565 = tpu.vector_load %arg9[%get3A_563, %get3A_564] {strides = array<i32>} : memref<256x128xf32, #tpu.memory_space<vmem>>, vector<16xf32>,
      %get3A_566 = arith.index_cast %add3A_556 : i32 to index
      %get3A_567 = arith.constant 48 : index
      %get3A_568 = tpu.vector_load %arg9[%get3A_566, %get3A_567] {strides = array<i32>} : memref<256x128xf32, #tpu.memory_space<vmem>>, vector<16xf32>,
      %add3A_569 = arith.addf %get3A_559, %get3A_109 : vector<16xf32>
      %add3A_570 = arith.addf %get3A_562, %get3A_113 : vector<16xf32>
      %add3A_571 = arith.addf %get3A_565, %get3A_117 : vector<16xf32>
      %add3A_572 = arith.addf %get3A_568, %get3A_121 : vector<16xf32>
      tpu.vector_store_idx %arg11[%shift_right_arithmetic3A_5, %and3A_28, %add3A_552], %add3A_569 : memref<8x8x129xf32, #tpu.memory_space<vmem>>[vector<16xi32>, vector<16xi32>, vector<16xi32>], vector<16xf32>,
      tpu.vector_store_idx %arg11[%shift_right_arithmetic3A_11, %and3A_34, %add3A_552], %add3A_570 : memref<8x8x129xf32, #tpu.memory_space<vmem>>[vector<16xi32>, vector<16xi32>, vector<16xi32>], vector<16xf32>,
      tpu.vector_store_idx %arg11[%shift_right_arithmetic3A_17, %and3A_40, %add3A_552], %add3A_571 : memref<8x8x129xf32, #tpu.memory_space<vmem>>[vector<16xi32>, vector<16xi32>, vector<16xi32>], vector<16xf32>,
      tpu.vector_store_idx %arg11[%shift_right_arithmetic3A_23, %and3A_46, %add3A_552], %add3A_572 : memref<8x8x129xf32, #tpu.memory_space<vmem>>[vector<16xi32>, vector<16xi32>, vector<16xi32>], vector<16xf32>,
      %add3A_573 = arith.constant 1 : i32
      %add3A_574 = vector.broadcast %add3A_573 : i32 to vector<16xi32>
      %add3A_575 = arith.addi %add3A_552, %add3A_574 : vector<16xi32>
      scf.yield %add3A_575 : vector<16xi32>
    }
    %scan3A_126 = arith.constant 128 : i32
    %dma_start3A_127 = arith.constant 0 : i32
    %dma_start3A_128 = arith.constant 0 : i32
    %dma_start3A_129 = arith.constant 0 : i32
    %dma_start3A_130 = arith.constant 0 : i32
    %dma_start3A_131 = tpu.memref_slice %arg11[%dma_start3A_128, %dma_start3A_129, %dma_start3A_130] : memref<8x8x129xf32, #tpu.memory_space<vmem>> -> memref<8x8x128xf32, #tpu.memory_space<vmem>>
    %dma_start3A_132 = arith.constant 0 : i32
    %dma_start3A_133 = arith.constant 0 : i32
    %dma_start3A_134 = arith.constant 0 : i32
    %dma_start3A_135 = tpu.memref_slice %arg5[%dma_start3A_127, %dma_start3A_132, %add3A, %dma_start3A_133, %dma_start3A_134] : memref<200x8x32x8x128xf32, #tpu.memory_space<hbm>> -> memref<1x8x1x8x128xf32, #tpu.memory_space<hbm>>
    %dma_start3A_136 = tpu.memref_squeeze %dma_start3A_135 : memref<1x8x1x8x128xf32, #tpu.memory_space<hbm>> -> memref<8x8x128xf32, #tpu.memory_space<hbm>>
    %dma_start3A_137 = arith.constant 0 : i32
    %dma_start3A_138 = arith.constant 0 : i32
    %dma_start3A_139 = arith.constant 0 : i32
    %dma_start3A_140 = tpu.memref_slice %arg5[%dma_start3A_127, %dma_start3A_137, %add3A, %dma_start3A_138, %dma_start3A_139] : memref<200x8x32x8x128xf32, #tpu.memory_space<hbm>> -> memref<1x8x1x8x128xf32, #tpu.memory_space<hbm>>
    %dma_start3A_141 = tpu.memref_squeeze %dma_start3A_140 : memref<1x8x1x8x128xf32, #tpu.memory_space<hbm>> -> memref<8x8x128xf32, #tpu.memory_space<hbm>>
    %dma_start3A_142 = arith.constant 0 : i32
    %dma_start3A_143 = arith.constant 0 : i32
    %dma_start3A_144 = arith.constant 0 : i32
    %dma_start3A_145 = tpu.memref_slice %arg11[%dma_start3A_142, %dma_start3A_143, %dma_start3A_144] : memref<8x8x129xf32, #tpu.memory_space<vmem>> -> memref<8x8x128xf32, #tpu.memory_space<vmem>>
    tpu.enqueue_dma source(%dma_start3A_145 : memref<8x8x128xf32, #tpu.memory_space<vmem>>) target(%dma_start3A_141 : memref<8x8x128xf32, #tpu.memory_space<hbm>>) target_semaphore(%arg15 : memref<!tpu.dma_semaphore, #tpu.memory_space<semaphore_mem>>)
    %get3A_146 = arith.constant 1 : i32
    %get3A_147 = arith.index_cast %get3A_146 : i32 to index
    %get3A_148 = arith.constant 0 : index
    %get3A_149 = tpu.vector_load %arg6[%get3A_147, %get3A_148] {strides = array<i32>} : memref<200x64xf32, #tpu.memory_space<vmem>>, vector<16xf32>,
    %get3A_150 = arith.constant 1 : i32
    %get3A_151 = arith.index_cast %get3A_150 : i32 to index
    %get3A_152 = arith.constant 16 : index
    %get3A_153 = tpu.vector_load %arg6[%get3A_151, %get3A_152] {strides = array<i32>} : memref<200x64xf32, #tpu.memory_space<vmem>>, vector<16xf32>,
    %get3A_154 = arith.constant 1 : i32
    %get3A_155 = arith.index_cast %get3A_154 : i32 to index
    %get3A_156 = arith.constant 32 : index
    %get3A_157 = tpu.vector_load %arg6[%get3A_155, %get3A_156] {strides = array<i32>} : memref<200x64xf32, #tpu.memory_space<vmem>>, vector<16xf32>,
    %get3A_158 = arith.constant 1 : i32
    %get3A_159 = arith.index_cast %get3A_158 : i32 to index
    %get3A_160 = arith.constant 48 : index
    %get3A_161 = tpu.vector_load %arg6[%get3A_159, %get3A_160] {strides = array<i32>} : memref<200x64xf32, #tpu.memory_space<vmem>>, vector<16xf32>,
    %scan3A_162 = arith.constant 0 : i32
    %scan3A_163 = arith.constant 128 : i32
    %scan3A_164 = arith.addi %scan3A_162, %scan3A_163 : i32
    %scan3A_165 = arith.constant 8 : i32
    %scan3A_166 = scf.for %scan3A_392 = %scan3A_162 to %scan3A_164 step %scan3A_165 iter_args(%scan3A_393 = %broadcast_in_dim3A_47) -> (vector<16xi32>)  : i32 {
      %add3A_394 = arith.constant 128 : i32
      %add3A_395 = arith.addi %add3A_394, %scan3A_392 : i32
      %get3A_396 = arith.index_cast %add3A_395 : i32 to index
      %get3A_397 = arith.constant 0 : index
      %get3A_398 = tpu.vector_load %arg9[%get3A_396, %get3A_397] {strides = array<i32>} : memref<256x128xf32, #tpu.memory_space<vmem>>, vector<16xf32>,
      %get3A_399 = arith.index_cast %add3A_395 : i32 to index
      %get3A_400 = arith.constant 16 : index
      %get3A_401 = tpu.vector_load %arg9[%get3A_399, %get3A_400] {strides = array<i32>} : memref<256x128xf32, #tpu.memory_space<vmem>>, vector<16xf32>,
      %get3A_402 = arith.index_cast %add3A_395 : i32 to index
      %get3A_403 = arith.constant 32 : index
      %get3A_404 = tpu.vector_load %arg9[%get3A_402, %get3A_403] {strides = array<i32>} : memref<256x128xf32, #tpu.memory_space<vmem>>, vector<16xf32>,
      %get3A_405 = arith.index_cast %add3A_395 : i32 to index
      %get3A_406 = arith.constant 48 : index
      %get3A_407 = tpu.vector_load %arg9[%get3A_405, %get3A_406] {strides = array<i32>} : memref<256x128xf32, #tpu.memory_space<vmem>>, vector<16xf32>,
      %add3A_408 = arith.addf %get3A_398, %get3A_149 : vector<16xf32>
      %add3A_409 = arith.addf %get3A_401, %get3A_153 : vector<16xf32>
      %add3A_410 = arith.addf %get3A_404, %get3A_157 : vector<16xf32>
      %add3A_411 = arith.addf %get3A_407, %get3A_161 : vector<16xf32>
      tpu.vector_store_idx %arg12[%shift_right_arithmetic3A_5, %and3A_28, %scan3A_393], %add3A_408 : memref<8x8x129xf32, #tpu.memory_space<vmem>>[vector<16xi32>, vector<16xi32>, vector<16xi32>], vector<16xf32>,
      tpu.vector_store_idx %arg12[%shift_right_arithmetic3A_11, %and3A_34, %scan3A_393], %add3A_409 : memref<8x8x129xf32, #tpu.memory_space<vmem>>[vector<16xi32>, vector<16xi32>, vector<16xi32>], vector<16xf32>,
      tpu.vector_store_idx %arg12[%shift_right_arithmetic3A_17, %and3A_40, %scan3A_393], %add3A_410 : memref<8x8x129xf32, #tpu.memory_space<vmem>>[vector<16xi32>, vector<16xi32>, vector<16xi32>], vector<16xf32>,
      tpu.vector_store_idx %arg12[%shift_right_arithmetic3A_23, %and3A_46, %scan3A_393], %add3A_411 : memref<8x8x129xf32, #tpu.memory_space<vmem>>[vector<16xi32>, vector<16xi32>, vector<16xi32>], vector<16xf32>,
      %add3A_412 = arith.constant 1 : i32
      %add3A_413 = vector.broadcast %add3A_412 : i32 to vector<16xi32>
      %add3A_414 = arith.addi %scan3A_393, %add3A_413 : vector<16xi32>
      %scan3A_415 = arith.constant 1 : i32
      %scan3A_416 = arith.addi %scan3A_392, %scan3A_415 : i32
      %add3A_417 = arith.constant 128 : i32
      %add3A_418 = arith.addi %add3A_417, %scan3A_416 : i32
      %get3A_419 = arith.index_cast %add3A_418 : i32 to index
      %get3A_420 = arith.constant 0 : index
      %get3A_421 = tpu.vector_load %arg9[%get3A_419, %get3A_420] {strides = array<i32>} : memref<256x128xf32, #tpu.memory_space<vmem>>, vector<16xf32>,
      %get3A_422 = arith.index_cast %add3A_418 : i32 to index
      %get3A_423 = arith.constant 16 : index
      %get3A_424 = tpu.vector_load %arg9[%get3A_422, %get3A_423] {strides = array<i32>} : memref<256x128xf32, #tpu.memory_space<vmem>>, vector<16xf32>,
      %get3A_425 = arith.index_cast %add3A_418 : i32 to index
      %get3A_426 = arith.constant 32 : index
      %get3A_427 = tpu.vector_load %arg9[%get3A_425, %get3A_426] {strides = array<i32>} : memref<256x128xf32, #tpu.memory_space<vmem>>, vector<16xf32>,
      %get3A_428 = arith.index_cast %add3A_418 : i32 to index
      %get3A_429 = arith.constant 48 : index
      %get3A_430 = tpu.vector_load %arg9[%get3A_428, %get3A_429] {strides = array<i32>} : memref<256x128xf32, #tpu.memory_space<vmem>>, vector<16xf32>,
      %add3A_431 = arith.addf %get3A_421, %get3A_149 : vector<16xf32>
      %add3A_432 = arith.addf %get3A_424, %get3A_153 : vector<16xf32>
      %add3A_433 = arith.addf %get3A_427, %get3A_157 : vector<16xf32>
      %add3A_434 = arith.addf %get3A_430, %get3A_161 : vector<16xf32>
      tpu.vector_store_idx %arg12[%shift_right_arithmetic3A_5, %and3A_28, %add3A_414], %add3A_431 : memref<8x8x129xf32, #tpu.memory_space<vmem>>[vector<16xi32>, vector<16xi32>, vector<16xi32>], vector<16xf32>,
      tpu.vector_store_idx %arg12[%shift_right_arithmetic3A_11, %and3A_34, %add3A_414], %add3A_432 : memref<8x8x129xf32, #tpu.memory_space<vmem>>[vector<16xi32>, vector<16xi32>, vector<16xi32>], vector<16xf32>,
      tpu.vector_store_idx %arg12[%shift_right_arithmetic3A_17, %and3A_40, %add3A_414], %add3A_433 : memref<8x8x129xf32, #tpu.memory_space<vmem>>[vector<16xi32>, vector<16xi32>, vector<16xi32>], vector<16xf32>,
      tpu.vector_store_idx %arg12[%shift_right_arithmetic3A_23, %and3A_46, %add3A_414], %add3A_434 : memref<8x8x129xf32, #tpu.memory_space<vmem>>[vector<16xi32>, vector<16xi32>, vector<16xi32>], vector<16xf32>,
      %add3A_435 = arith.constant 1 : i32
      %add3A_436 = vector.broadcast %add3A_435 : i32 to vector<16xi32>
      %add3A_437 = arith.addi %add3A_414, %add3A_436 : vector<16xi32>
      %scan3A_438 = arith.constant 2 : i32
      %scan3A_439 = arith.addi %scan3A_392, %scan3A_438 : i32
      %add3A_440 = arith.constant 128 : i32
      %add3A_441 = arith.addi %add3A_440, %scan3A_439 : i32
      %get3A_442 = arith.index_cast %add3A_441 : i32 to index
      %get3A_443 = arith.constant 0 : index
      %get3A_444 = tpu.vector_load %arg9[%get3A_442, %get3A_443] {strides = array<i32>} : memref<256x128xf32, #tpu.memory_space<vmem>>, vector<16xf32>,
      %get3A_445 = arith.index_cast %add3A_441 : i32 to index
      %get3A_446 = arith.constant 16 : index
      %get3A_447 = tpu.vector_load %arg9[%get3A_445, %get3A_446] {strides = array<i32>} : memref<256x128xf32, #tpu.memory_space<vmem>>, vector<16xf32>,
      %get3A_448 = arith.index_cast %add3A_441 : i32 to index
      %get3A_449 = arith.constant 32 : index
      %get3A_450 = tpu.vector_load %arg9[%get3A_448, %get3A_449] {strides = array<i32>} : memref<256x128xf32, #tpu.memory_space<vmem>>, vector<16xf32>,
      %get3A_451 = arith.index_cast %add3A_441 : i32 to index
      %get3A_452 = arith.constant 48 : index
      %get3A_453 = tpu.vector_load %arg9[%get3A_451, %get3A_452] {strides = array<i32>} : memref<256x128xf32, #tpu.memory_space<vmem>>, vector<16xf32>,
      %add3A_454 = arith.addf %get3A_444, %get3A_149 : vector<16xf32>
      %add3A_455 = arith.addf %get3A_447, %get3A_153 : vector<16xf32>
      %add3A_456 = arith.addf %get3A_450, %get3A_157 : vector<16xf32>
      %add3A_457 = arith.addf %get3A_453, %get3A_161 : vector<16xf32>
      tpu.vector_store_idx %arg12[%shift_right_arithmetic3A_5, %and3A_28, %add3A_437], %add3A_454 : memref<8x8x129xf32, #tpu.memory_space<vmem>>[vector<16xi32>, vector<16xi32>, vector<16xi32>], vector<16xf32>,
      tpu.vector_store_idx %arg12[%shift_right_arithmetic3A_11, %and3A_34, %add3A_437], %add3A_455 : memref<8x8x129xf32, #tpu.memory_space<vmem>>[vector<16xi32>, vector<16xi32>, vector<16xi32>], vector<16xf32>,
      tpu.vector_store_idx %arg12[%shift_right_arithmetic3A_17, %and3A_40, %add3A_437], %add3A_456 : memref<8x8x129xf32, #tpu.memory_space<vmem>>[vector<16xi32>, vector<16xi32>, vector<16xi32>], vector<16xf32>,
      tpu.vector_store_idx %arg12[%shift_right_arithmetic3A_23, %and3A_46, %add3A_437], %add3A_457 : memref<8x8x129xf32, #tpu.memory_space<vmem>>[vector<16xi32>, vector<16xi32>, vector<16xi32>], vector<16xf32>,
      %add3A_458 = arith.constant 1 : i32
      %add3A_459 = vector.broadcast %add3A_458 : i32 to vector<16xi32>
      %add3A_460 = arith.addi %add3A_437, %add3A_459 : vector<16xi32>
      %scan3A_461 = arith.constant 3 : i32
      %scan3A_462 = arith.addi %scan3A_392, %scan3A_461 : i32
      %add3A_463 = arith.constant 128 : i32
      %add3A_464 = arith.addi %add3A_463, %scan3A_462 : i32
      %get3A_465 = arith.index_cast %add3A_464 : i32 to index
      %get3A_466 = arith.constant 0 : index
      %get3A_467 = tpu.vector_load %arg9[%get3A_465, %get3A_466] {strides = array<i32>} : memref<256x128xf32, #tpu.memory_space<vmem>>, vector<16xf32>,
      %get3A_468 = arith.index_cast %add3A_464 : i32 to index
      %get3A_469 = arith.constant 16 : index
      %get3A_470 = tpu.vector_load %arg9[%get3A_468, %get3A_469] {strides = array<i32>} : memref<256x128xf32, #tpu.memory_space<vmem>>, vector<16xf32>,
      %get3A_471 = arith.index_cast %add3A_464 : i32 to index
      %get3A_472 = arith.constant 32 : index
      %get3A_473 = tpu.vector_load %arg9[%get3A_471, %get3A_472] {strides = array<i32>} : memref<256x128xf32, #tpu.memory_space<vmem>>, vector<16xf32>,
      %get3A_474 = arith.index_cast %add3A_464 : i32 to index
      %get3A_475 = arith.constant 48 : index
      %get3A_476 = tpu.vector_load %arg9[%get3A_474, %get3A_475] {strides = array<i32>} : memref<256x128xf32, #tpu.memory_space<vmem>>, vector<16xf32>,
      %add3A_477 = arith.addf %get3A_467, %get3A_149 : vector<16xf32>
      %add3A_478 = arith.addf %get3A_470, %get3A_153 : vector<16xf32>
      %add3A_479 = arith.addf %get3A_473, %get3A_157 : vector<16xf32>
      %add3A_480 = arith.addf %get3A_476, %get3A_161 : vector<16xf32>
      tpu.vector_store_idx %arg12[%shift_right_arithmetic3A_5, %and3A_28, %add3A_460], %add3A_477 : memref<8x8x129xf32, #tpu.memory_space<vmem>>[vector<16xi32>, vector<16xi32>, vector<16xi32>], vector<16xf32>,
      tpu.vector_store_idx %arg12[%shift_right_arithmetic3A_11, %and3A_34, %add3A_460], %add3A_478 : memref<8x8x129xf32, #tpu.memory_space<vmem>>[vector<16xi32>, vector<16xi32>, vector<16xi32>], vector<16xf32>,
      tpu.vector_store_idx %arg12[%shift_right_arithmetic3A_17, %and3A_40, %add3A_460], %add3A_479 : memref<8x8x129xf32, #tpu.memory_space<vmem>>[vector<16xi32>, vector<16xi32>, vector<16xi32>], vector<16xf32>,
      tpu.vector_store_idx %arg12[%shift_right_arithmetic3A_23, %and3A_46, %add3A_460], %add3A_480 : memref<8x8x129xf32, #tpu.memory_space<vmem>>[vector<16xi32>, vector<16xi32>, vector<16xi32>], vector<16xf32>,
      %add3A_481 = arith.constant 1 : i32
      %add3A_482 = vector.broadcast %add3A_481 : i32 to vector<16xi32>
      %add3A_483 = arith.addi %add3A_460, %add3A_482 : vector<16xi32>
      %scan3A_484 = arith.constant 4 : i32
      %scan3A_485 = arith.addi %scan3A_392, %scan3A_484 : i32
      %add3A_486 = arith.constant 128 : i32
      %add3A_487 = arith.addi %add3A_486, %scan3A_485 : i32
      %get3A_488 = arith.index_cast %add3A_487 : i32 to index
      %get3A_489 = arith.constant 0 : index
      %get3A_490 = tpu.vector_load %arg9[%get3A_488, %get3A_489] {strides = array<i32>} : memref<256x128xf32, #tpu.memory_space<vmem>>, vector<16xf32>,
      %get3A_491 = arith.index_cast %add3A_487 : i32 to index
      %get3A_492 = arith.constant 16 : index
      %get3A_493 = tpu.vector_load %arg9[%get3A_491, %get3A_492] {strides = array<i32>} : memref<256x128xf32, #tpu.memory_space<vmem>>, vector<16xf32>,
      %get3A_494 = arith.index_cast %add3A_487 : i32 to index
      %get3A_495 = arith.constant 32 : index
      %get3A_496 = tpu.vector_load %arg9[%get3A_494, %get3A_495] {strides = array<i32>} : memref<256x128xf32, #tpu.memory_space<vmem>>, vector<16xf32>,
      %get3A_497 = arith.index_cast %add3A_487 : i32 to index
      %get3A_498 = arith.constant 48 : index
      %get3A_499 = tpu.vector_load %arg9[%get3A_497, %get3A_498] {strides = array<i32>} : memref<256x128xf32, #tpu.memory_space<vmem>>, vector<16xf32>,
      %add3A_500 = arith.addf %get3A_490, %get3A_149 : vector<16xf32>
      %add3A_501 = arith.addf %get3A_493, %get3A_153 : vector<16xf32>
      %add3A_502 = arith.addf %get3A_496, %get3A_157 : vector<16xf32>
      %add3A_503 = arith.addf %get3A_499, %get3A_161 : vector<16xf32>
      tpu.vector_store_idx %arg12[%shift_right_arithmetic3A_5, %and3A_28, %add3A_483], %add3A_500 : memref<8x8x129xf32, #tpu.memory_space<vmem>>[vector<16xi32>, vector<16xi32>, vector<16xi32>], vector<16xf32>,
      tpu.vector_store_idx %arg12[%shift_right_arithmetic3A_11, %and3A_34, %add3A_483], %add3A_501 : memref<8x8x129xf32, #tpu.memory_space<vmem>>[vector<16xi32>, vector<16xi32>, vector<16xi32>], vector<16xf32>,
      tpu.vector_store_idx %arg12[%shift_right_arithmetic3A_17, %and3A_40, %add3A_483], %add3A_502 : memref<8x8x129xf32, #tpu.memory_space<vmem>>[vector<16xi32>, vector<16xi32>, vector<16xi32>], vector<16xf32>,
      tpu.vector_store_idx %arg12[%shift_right_arithmetic3A_23, %and3A_46, %add3A_483], %add3A_503 : memref<8x8x129xf32, #tpu.memory_space<vmem>>[vector<16xi32>, vector<16xi32>, vector<16xi32>], vector<16xf32>,
      %add3A_504 = arith.constant 1 : i32
      %add3A_505 = vector.broadcast %add3A_504 : i32 to vector<16xi32>
      %add3A_506 = arith.addi %add3A_483, %add3A_505 : vector<16xi32>
      %scan3A_507 = arith.constant 5 : i32
      %scan3A_508 = arith.addi %scan3A_392, %scan3A_507 : i32
      %add3A_509 = arith.constant 128 : i32
      %add3A_510 = arith.addi %add3A_509, %scan3A_508 : i32
      %get3A_511 = arith.index_cast %add3A_510 : i32 to index
      %get3A_512 = arith.constant 0 : index
      %get3A_513 = tpu.vector_load %arg9[%get3A_511, %get3A_512] {strides = array<i32>} : memref<256x128xf32, #tpu.memory_space<vmem>>, vector<16xf32>,
      %get3A_514 = arith.index_cast %add3A_510 : i32 to index
      %get3A_515 = arith.constant 16 : index
      %get3A_516 = tpu.vector_load %arg9[%get3A_514, %get3A_515] {strides = array<i32>} : memref<256x128xf32, #tpu.memory_space<vmem>>, vector<16xf32>,
      %get3A_517 = arith.index_cast %add3A_510 : i32 to index
      %get3A_518 = arith.constant 32 : index
      %get3A_519 = tpu.vector_load %arg9[%get3A_517, %get3A_518] {strides = array<i32>} : memref<256x128xf32, #tpu.memory_space<vmem>>, vector<16xf32>,
      %get3A_520 = arith.index_cast %add3A_510 : i32 to index
      %get3A_521 = arith.constant 48 : index
      %get3A_522 = tpu.vector_load %arg9[%get3A_520, %get3A_521] {strides = array<i32>} : memref<256x128xf32, #tpu.memory_space<vmem>>, vector<16xf32>,
      %add3A_523 = arith.addf %get3A_513, %get3A_149 : vector<16xf32>
      %add3A_524 = arith.addf %get3A_516, %get3A_153 : vector<16xf32>
      %add3A_525 = arith.addf %get3A_519, %get3A_157 : vector<16xf32>
      %add3A_526 = arith.addf %get3A_522, %get3A_161 : vector<16xf32>
      tpu.vector_store_idx %arg12[%shift_right_arithmetic3A_5, %and3A_28, %add3A_506], %add3A_523 : memref<8x8x129xf32, #tpu.memory_space<vmem>>[vector<16xi32>, vector<16xi32>, vector<16xi32>], vector<16xf32>,
      tpu.vector_store_idx %arg12[%shift_right_arithmetic3A_11, %and3A_34, %add3A_506], %add3A_524 : memref<8x8x129xf32, #tpu.memory_space<vmem>>[vector<16xi32>, vector<16xi32>, vector<16xi32>], vector<16xf32>,
      tpu.vector_store_idx %arg12[%shift_right_arithmetic3A_17, %and3A_40, %add3A_506], %add3A_525 : memref<8x8x129xf32, #tpu.memory_space<vmem>>[vector<16xi32>, vector<16xi32>, vector<16xi32>], vector<16xf32>,
      tpu.vector_store_idx %arg12[%shift_right_arithmetic3A_23, %and3A_46, %add3A_506], %add3A_526 : memref<8x8x129xf32, #tpu.memory_space<vmem>>[vector<16xi32>, vector<16xi32>, vector<16xi32>], vector<16xf32>,
      %add3A_527 = arith.constant 1 : i32
      %add3A_528 = vector.broadcast %add3A_527 : i32 to vector<16xi32>
      %add3A_529 = arith.addi %add3A_506, %add3A_528 : vector<16xi32>
      %scan3A_530 = arith.constant 6 : i32
      %scan3A_531 = arith.addi %scan3A_392, %scan3A_530 : i32
      %add3A_532 = arith.constant 128 : i32
      %add3A_533 = arith.addi %add3A_532, %scan3A_531 : i32
      %get3A_534 = arith.index_cast %add3A_533 : i32 to index
      %get3A_535 = arith.constant 0 : index
      %get3A_536 = tpu.vector_load %arg9[%get3A_534, %get3A_535] {strides = array<i32>} : memref<256x128xf32, #tpu.memory_space<vmem>>, vector<16xf32>,
      %get3A_537 = arith.index_cast %add3A_533 : i32 to index
      %get3A_538 = arith.constant 16 : index
      %get3A_539 = tpu.vector_load %arg9[%get3A_537, %get3A_538] {strides = array<i32>} : memref<256x128xf32, #tpu.memory_space<vmem>>, vector<16xf32>,
      %get3A_540 = arith.index_cast %add3A_533 : i32 to index
      %get3A_541 = arith.constant 32 : index
      %get3A_542 = tpu.vector_load %arg9[%get3A_540, %get3A_541] {strides = array<i32>} : memref<256x128xf32, #tpu.memory_space<vmem>>, vector<16xf32>,
      %get3A_543 = arith.index_cast %add3A_533 : i32 to index
      %get3A_544 = arith.constant 48 : index
      %get3A_545 = tpu.vector_load %arg9[%get3A_543, %get3A_544] {strides = array<i32>} : memref<256x128xf32, #tpu.memory_space<vmem>>, vector<16xf32>,
      %add3A_546 = arith.addf %get3A_536, %get3A_149 : vector<16xf32>
      %add3A_547 = arith.addf %get3A_539, %get3A_153 : vector<16xf32>
      %add3A_548 = arith.addf %get3A_542, %get3A_157 : vector<16xf32>
      %add3A_549 = arith.addf %get3A_545, %get3A_161 : vector<16xf32>
      tpu.vector_store_idx %arg12[%shift_right_arithmetic3A_5, %and3A_28, %add3A_529], %add3A_546 : memref<8x8x129xf32, #tpu.memory_space<vmem>>[vector<16xi32>, vector<16xi32>, vector<16xi32>], vector<16xf32>,
      tpu.vector_store_idx %arg12[%shift_right_arithmetic3A_11, %and3A_34, %add3A_529], %add3A_547 : memref<8x8x129xf32, #tpu.memory_space<vmem>>[vector<16xi32>, vector<16xi32>, vector<16xi32>], vector<16xf32>,
      tpu.vector_store_idx %arg12[%shift_right_arithmetic3A_17, %and3A_40, %add3A_529], %add3A_548 : memref<8x8x129xf32, #tpu.memory_space<vmem>>[vector<16xi32>, vector<16xi32>, vector<16xi32>], vector<16xf32>,
      tpu.vector_store_idx %arg12[%shift_right_arithmetic3A_23, %and3A_46, %add3A_529], %add3A_549 : memref<8x8x129xf32, #tpu.memory_space<vmem>>[vector<16xi32>, vector<16xi32>, vector<16xi32>], vector<16xf32>,
      %add3A_550 = arith.constant 1 : i32
      %add3A_551 = vector.broadcast %add3A_550 : i32 to vector<16xi32>
      %add3A_552 = arith.addi %add3A_529, %add3A_551 : vector<16xi32>
      %scan3A_553 = arith.constant 7 : i32
      %scan3A_554 = arith.addi %scan3A_392, %scan3A_553 : i32
      %add3A_555 = arith.constant 128 : i32
      %add3A_556 = arith.addi %add3A_555, %scan3A_554 : i32
      %get3A_557 = arith.index_cast %add3A_556 : i32 to index
      %get3A_558 = arith.constant 0 : index
      %get3A_559 = tpu.vector_load %arg9[%get3A_557, %get3A_558] {strides = array<i32>} : memref<256x128xf32, #tpu.memory_space<vmem>>, vector<16xf32>,
      %get3A_560 = arith.index_cast %add3A_556 : i32 to index
      %get3A_561 = arith.constant 16 : index
      %get3A_562 = tpu.vector_load %arg9[%get3A_560, %get3A_561] {strides = array<i32>} : memref<256x128xf32, #tpu.memory_space<vmem>>, vector<16xf32>,
      %get3A_563 = arith.index_cast %add3A_556 : i32 to index
      %get3A_564 = arith.constant 32 : index
      %get3A_565 = tpu.vector_load %arg9[%get3A_563, %get3A_564] {strides = array<i32>} : memref<256x128xf32, #tpu.memory_space<vmem>>, vector<16xf32>,
      %get3A_566 = arith.index_cast %add3A_556 : i32 to index
      %get3A_567 = arith.constant 48 : index
      %get3A_568 = tpu.vector_load %arg9[%get3A_566, %get3A_567] {strides = array<i32>} : memref<256x128xf32, #tpu.memory_space<vmem>>, vector<16xf32>,
      %add3A_569 = arith.addf %get3A_559, %get3A_149 : vector<16xf32>
      %add3A_570 = arith.addf %get3A_562, %get3A_153 : vector<16xf32>
      %add3A_571 = arith.addf %get3A_565, %get3A_157 : vector<16xf32>
      %add3A_572 = arith.addf %get3A_568, %get3A_161 : vector<16xf32>
      tpu.vector_store_idx %arg12[%shift_right_arithmetic3A_5, %and3A_28, %add3A_552], %add3A_569 : memref<8x8x129xf32, #tpu.memory_space<vmem>>[vector<16xi32>, vector<16xi32>, vector<16xi32>], vector<16xf32>,
      tpu.vector_store_idx %arg12[%shift_right_arithmetic3A_11, %and3A_34, %add3A_552], %add3A_570 : memref<8x8x129xf32, #tpu.memory_space<vmem>>[vector<16xi32>, vector<16xi32>, vector<16xi32>], vector<16xf32>,
      tpu.vector_store_idx %arg12[%shift_right_arithmetic3A_17, %and3A_40, %add3A_552], %add3A_571 : memref<8x8x129xf32, #tpu.memory_space<vmem>>[vector<16xi32>, vector<16xi32>, vector<16xi32>], vector<16xf32>,
      tpu.vector_store_idx %arg12[%shift_right_arithmetic3A_23, %and3A_46, %add3A_552], %add3A_572 : memref<8x8x129xf32, #tpu.memory_space<vmem>>[vector<16xi32>, vector<16xi32>, vector<16xi32>], vector<16xf32>,
      %add3A_573 = arith.constant 1 : i32
      %add3A_574 = vector.broadcast %add3A_573 : i32 to vector<16xi32>
      %add3A_575 = arith.addi %add3A_552, %add3A_574 : vector<16xi32>
      scf.yield %add3A_575 : vector<16xi32>
    }
    %scan3A_167 = arith.constant 128 : i32
    %dma_start3A_168 = arith.constant 1 : i32
    %dma_start3A_169 = arith.constant 0 : i32
    %dma_start3A_170 = arith.constant 0 : i32
    %dma_start3A_171 = arith.constant 0 : i32
    %dma_start3A_172 = tpu.memref_slice %arg12[%dma_start3A_169, %dma_start3A_170, %dma_start3A_171] : memref<8x8x129xf32, #tpu.memory_space<vmem>> -> memref<8x8x128xf32, #tpu.memory_space<vmem>>
    %dma_start3A_173 = arith.constant 0 : i32
    %dma_start3A_174 = arith.constant 0 : i32
    %dma_start3A_175 = arith.constant 0 : i32
    %dma_start3A_176 = tpu.memref_slice %arg5[%dma_start3A_168, %dma_start3A_173, %add3A, %dma_start3A_174, %dma_start3A_175] : memref<200x8x32x8x128xf32, #tpu.memory_space<hbm>> -> memref<1x8x1x8x128xf32, #tpu.memory_space<hbm>>
    %dma_start3A_177 = tpu.memref_squeeze %dma_start3A_176 : memref<1x8x1x8x128xf32, #tpu.memory_space<hbm>> -> memref<8x8x128xf32, #tpu.memory_space<hbm>>
    %dma_start3A_178 = arith.constant 0 : i32
    %dma_start3A_179 = arith.constant 0 : i32
    %dma_start3A_180 = arith.constant 0 : i32
    %dma_start3A_181 = tpu.memref_slice %arg5[%dma_start3A_168, %dma_start3A_178, %add3A, %dma_start3A_179, %dma_start3A_180] : memref<200x8x32x8x128xf32, #tpu.memory_space<hbm>> -> memref<1x8x1x8x128xf32, #tpu.memory_space<hbm>>
    %dma_start3A_182 = tpu.memref_squeeze %dma_start3A_181 : memref<1x8x1x8x128xf32, #tpu.memory_space<hbm>> -> memref<8x8x128xf32, #tpu.memory_space<hbm>>
    %dma_start3A_183 = arith.constant 0 : i32
    %dma_start3A_184 = arith.constant 0 : i32
    %dma_start3A_185 = arith.constant 0 : i32
    %dma_start3A_186 = tpu.memref_slice %arg12[%dma_start3A_183, %dma_start3A_184, %dma_start3A_185] : memref<8x8x129xf32, #tpu.memory_space<vmem>> -> memref<8x8x128xf32, #tpu.memory_space<vmem>>
    tpu.enqueue_dma source(%dma_start3A_186 : memref<8x8x128xf32, #tpu.memory_space<vmem>>) target(%dma_start3A_182 : memref<8x8x128xf32, #tpu.memory_space<hbm>>) target_semaphore(%arg16 : memref<!tpu.dma_semaphore, #tpu.memory_space<semaphore_mem>>)
    %run_scoped3A_187 = arith.constant 0 : i32
    "tpu.region"() ({
      %run_scoped3A_392 = tpu.sem_alloc : memref<!tpu.dma_semaphore, #tpu.memory_space<semaphore_mem>>
      %dma_start3A_393 = arith.constant 4 : i32
      %dma_start3A_394 = arith.constant 0 : i32
      %dma_start3A_395 = tpu.memref_slice %arg2[%run_scoped3A_187, %add3A, %dma_start3A_393, %dma_start3A_394] : memref<25x32x8x128xi32, #tpu.memory_space<hbm>> -> memref<1x1x2x128xi32, #tpu.memory_space<hbm>>
      %dma_start3A_396 = tpu.memref_squeeze %dma_start3A_395 : memref<1x1x2x128xi32, #tpu.memory_space<hbm>> -> memref<2x128xi32, #tpu.memory_space<hbm>>
      %dma_start3A_397 = arith.constant 4 : i32
      %dma_start3A_398 = arith.constant 0 : i32
      %dma_start3A_399 = tpu.memref_slice %arg2[%run_scoped3A_187, %add3A, %dma_start3A_397, %dma_start3A_398] : memref<25x32x8x128xi32, #tpu.memory_space<hbm>> -> memref<1x1x2x128xi32, #tpu.memory_space<hbm>>
      %dma_start3A_400 = tpu.memref_squeeze %dma_start3A_399 : memref<1x1x2x128xi32, #tpu.memory_space<hbm>> -> memref<2x128xi32, #tpu.memory_space<hbm>>
      tpu.enqueue_dma source(%dma_start3A_400 : memref<2x128xi32, #tpu.memory_space<hbm>>) target(%arg7 : memref<2x128xi32, #tpu.memory_space<vmem>>) target_semaphore(%run_scoped3A_392 : memref<!tpu.dma_semaphore, #tpu.memory_space<semaphore_mem>>)
      %dma_wait3A_401 = arith.constant 4 : i32
      %dma_wait3A_402 = arith.constant 0 : i32
      %dma_wait3A_403 = tpu.memref_slice %arg2[%run_scoped3A_187, %add3A, %dma_wait3A_401, %dma_wait3A_402] : memref<25x32x8x128xi32, #tpu.memory_space<hbm>> -> memref<1x1x2x128xi32, #tpu.memory_space<hbm>>
      %dma_wait3A_404 = tpu.memref_squeeze %dma_wait3A_403 : memref<1x1x2x128xi32, #tpu.memory_space<hbm>> -> memref<2x128xi32, #tpu.memory_space<hbm>>
      %dma_wait3A_405 = arith.constant 4 : i32
      %dma_wait3A_406 = arith.constant 0 : i32
      %dma_wait3A_407 = tpu.memref_slice %arg2[%run_scoped3A_187, %add3A, %dma_wait3A_405, %dma_wait3A_406] : memref<25x32x8x128xi32, #tpu.memory_space<hbm>> -> memref<1x1x2x128xi32, #tpu.memory_space<hbm>>
      %dma_wait3A_408 = tpu.memref_squeeze %dma_wait3A_407 : memref<1x1x2x128xi32, #tpu.memory_space<hbm>> -> memref<2x128xi32, #tpu.memory_space<hbm>>
      tpu.wait_dma2 semaphore(%run_scoped3A_392 : memref<!tpu.dma_semaphore, #tpu.memory_space<semaphore_mem>>) src(%dma_wait3A_408 : memref<2x128xi32, #tpu.memory_space<hbm>>) dst(%arg7 : memref<2x128xi32, #tpu.memory_space<vmem>>)
      tpu.yield
    }) : () -> ()
    %dma_start3A_188 = arith.constant 0 : i32
    %dma_start3A_189 = arith.constant 0 : i32
    %dma_start3A_190 = arith.constant 0 : i32
    %dma_start3A_191 = tpu.memref_slice %arg9[%dma_start3A_189, %dma_start3A_190] : memref<256x128xf32, #tpu.memory_space<vmem>> -> memref<128x128xf32, #tpu.memory_space<vmem>>
    %dma_start3A_192 = arith.constant 0 : i32
    %dma_start3A_193 = tpu.memref_slice %arg7[%dma_start3A_188, %dma_start3A_192] : memref<2x128xi32, #tpu.memory_space<vmem>> -> memref<1x128xi32, #tpu.memory_space<vmem>>
    %dma_start3A_194 = tpu.memref_squeeze %dma_start3A_193 : memref<1x128xi32, #tpu.memory_space<vmem>> -> memref<128xi32, #tpu.memory_space<vmem>>
    %dma_start3A_195 = arith.constant 0 : i32
    %dma_start3A_196 = arith.constant 0 : i32
    %dma_start3A_197 = tpu.memref_slice %arg3[%dma_start3A_195, %dma_start3A_196] : memref<1000000x128xf32, #tpu.memory_space<hbm>> -> memref<1000000x128xf32, #tpu.memory_space<hbm>>
    tpu.enqueue_indirect_dma source(%dma_start3A_197 : memref<1000000x128xf32, #tpu.memory_space<hbm>>) target(%dma_start3A_191 : memref<128x128xf32, #tpu.memory_space<vmem>>) offsets(%dma_start3A_194 : memref<128xi32, #tpu.memory_space<vmem>>) semaphore(%arg13 : memref<!tpu.dma_semaphore, #tpu.memory_space<semaphore_mem>>)
    %dma_start3A_198 = arith.constant 1 : i32
    %dma_start3A_199 = arith.constant 128 : i32
    %dma_start3A_200 = arith.constant 0 : i32
    %dma_start3A_201 = tpu.memref_slice %arg9[%dma_start3A_199, %dma_start3A_200] : memref<256x128xf32, #tpu.memory_space<vmem>> -> memref<128x128xf32, #tpu.memory_space<vmem>>
    %dma_start3A_202 = arith.constant 0 : i32
    %dma_start3A_203 = tpu.memref_slice %arg7[%dma_start3A_198, %dma_start3A_202] : memref<2x128xi32, #tpu.memory_space<vmem>> -> memref<1x128xi32, #tpu.memory_space<vmem>>
    %dma_start3A_204 = tpu.memref_squeeze %dma_start3A_203 : memref<1x128xi32, #tpu.memory_space<vmem>> -> memref<128xi32, #tpu.memory_space<vmem>>
    %dma_start3A_205 = arith.constant 0 : i32
    %dma_start3A_206 = arith.constant 0 : i32
    %dma_start3A_207 = tpu.memref_slice %arg3[%dma_start3A_205, %dma_start3A_206] : memref<1000000x128xf32, #tpu.memory_space<hbm>> -> memref<1000000x128xf32, #tpu.memory_space<hbm>>
    tpu.enqueue_indirect_dma source(%dma_start3A_207 : memref<1000000x128xf32, #tpu.memory_space<hbm>>) target(%dma_start3A_201 : memref<128x128xf32, #tpu.memory_space<vmem>>) offsets(%dma_start3A_204 : memref<128xi32, #tpu.memory_space<vmem>>) semaphore(%arg13 : memref<!tpu.dma_semaphore, #tpu.memory_space<semaphore_mem>>)
    %dma_wait3A_208 = arith.constant 0 : i32
    %dma_wait3A_209 = arith.constant 0 : i32
    %dma_wait3A_210 = arith.constant 0 : i32
    %dma_wait3A_211 = tpu.memref_slice %arg10[%dma_wait3A_209, %dma_wait3A_210] : memref<256x128xf32, #tpu.memory_space<vmem>> -> memref<128x128xf32, #tpu.memory_space<vmem>>
    %dma_wait3A_212 = arith.constant 0 : i32
    %dma_wait3A_213 = tpu.memref_slice %arg8[%dma_wait3A_208, %dma_wait3A_212] : memref<2x128xi32, #tpu.memory_space<vmem>> -> memref<1x128xi32, #tpu.memory_space<vmem>>
    %dma_wait3A_214 = tpu.memref_squeeze %dma_wait3A_213 : memref<1x128xi32, #tpu.memory_space<vmem>> -> memref<128xi32, #tpu.memory_space<vmem>>
    %dma_wait3A_215 = arith.constant 0 : i32
    %dma_wait3A_216 = arith.constant 0 : i32
    %dma_wait3A_217 = tpu.memref_slice %arg3[%dma_wait3A_215, %dma_wait3A_216] : memref<1000000x128xf32, #tpu.memory_space<hbm>> -> memref<1000000x128xf32, #tpu.memory_space<hbm>>
    tpu.wait_indirect_dma semaphore(%arg14 : memref<!tpu.dma_semaphore, #tpu.memory_space<semaphore_mem>>) src(%dma_wait3A_217 : memref<1000000x128xf32, #tpu.memory_space<hbm>>) dst(%dma_wait3A_211 : memref<128x128xf32, #tpu.memory_space<vmem>>)
    %dma_wait3A_218 = arith.constant 1 : i32
    %dma_wait3A_219 = arith.constant 128 : i32
    %dma_wait3A_220 = arith.constant 0 : i32
    %dma_wait3A_221 = tpu.memref_slice %arg10[%dma_wait3A_219, %dma_wait3A_220] : memref<256x128xf32, #tpu.memory_space<vmem>> -> memref<128x128xf32, #tpu.memory_space<vmem>>
    %dma_wait3A_222 = arith.constant 0 : i32
    %dma_wait3A_223 = tpu.memref_slice %arg8[%dma_wait3A_218, %dma_wait3A_222] : memref<2x128xi32, #tpu.memory_space<vmem>> -> memref<1x128xi32, #tpu.memory_space<vmem>>
    %dma_wait3A_224 = tpu.memref_squeeze %dma_wait3A_223 : memref<1x128xi32, #tpu.memory_space<vmem>> -> memref<128xi32, #tpu.memory_space<vmem>>
    %dma_wait3A_225 = arith.constant 0 : i32
    %dma_wait3A_226 = arith.constant 0 : i32
    %dma_wait3A_227 = tpu.memref_slice %arg3[%dma_wait3A_225, %dma_wait3A_226] : memref<1000000x128xf32, #tpu.memory_space<hbm>> -> memref<1000000x128xf32, #tpu.memory_space<hbm>>
    tpu.wait_indirect_dma semaphore(%arg14 : memref<!tpu.dma_semaphore, #tpu.memory_space<semaphore_mem>>) src(%dma_wait3A_227 : memref<1000000x128xf32, #tpu.memory_space<hbm>>) dst(%dma_wait3A_221 : memref<128x128xf32, #tpu.memory_space<vmem>>)
    %dma_wait3A_228 = arith.constant 0 : i32
    %dma_wait3A_229 = arith.constant 0 : i32
    %dma_wait3A_230 = arith.constant 0 : i32
    %dma_wait3A_231 = arith.constant 0 : i32
    %dma_wait3A_232 = tpu.memref_slice %arg11[%dma_wait3A_229, %dma_wait3A_230, %dma_wait3A_231] : memref<8x8x129xf32, #tpu.memory_space<vmem>> -> memref<8x8x128xf32, #tpu.memory_space<vmem>>
    %dma_wait3A_233 = arith.constant 0 : i32
    %dma_wait3A_234 = arith.constant 0 : i32
    %dma_wait3A_235 = arith.constant 0 : i32
    %dma_wait3A_236 = tpu.memref_slice %arg5[%dma_wait3A_228, %dma_wait3A_233, %add3A, %dma_wait3A_234, %dma_wait3A_235] : memref<200x8x32x8x128xf32, #tpu.memory_space<hbm>> -> memref<1x8x1x8x128xf32, #tpu.memory_space<hbm>>
    %dma_wait3A_237 = tpu.memref_squeeze %dma_wait3A_236 : memref<1x8x1x8x128xf32, #tpu.memory_space<hbm>> -> memref<8x8x128xf32, #tpu.memory_space<hbm>>
    %dma_wait3A_238 = arith.constant 0 : i32
    %dma_wait3A_239 = arith.constant 0 : i32
    %dma_wait3A_240 = arith.constant 0 : i32
    %dma_wait3A_241 = tpu.memref_slice %arg5[%dma_wait3A_228, %dma_wait3A_238, %add3A, %dma_wait3A_239, %dma_wait3A_240] : memref<200x8x32x8x128xf32, #tpu.memory_space<hbm>> -> memref<1x8x1x8x128xf32, #tpu.memory_space<hbm>>
    %dma_wait3A_242 = tpu.memref_squeeze %dma_wait3A_241 : memref<1x8x1x8x128xf32, #tpu.memory_space<hbm>> -> memref<8x8x128xf32, #tpu.memory_space<hbm>>
    %dma_wait3A_243 = arith.constant 0 : i32
    %dma_wait3A_244 = arith.constant 0 : i32
    %dma_wait3A_245 = arith.constant 0 : i32
    %dma_wait3A_246 = tpu.memref_slice %arg11[%dma_wait3A_243, %dma_wait3A_244, %dma_wait3A_245] : memref<8x8x129xf32, #tpu.memory_space<vmem>> -> memref<8x8x128xf32, #tpu.memory_space<vmem>>
    tpu.wait_dma2 semaphore(%arg15 : memref<!tpu.dma_semaphore, #tpu.memory_space<semaphore_mem>>) src(%dma_wait3A_246 : memref<8x8x128xf32, #tpu.memory_space<vmem>>) dst(%dma_wait3A_242 : memref<8x8x128xf32, #tpu.memory_space<hbm>>)
    %get3A_247 = arith.constant 2 : i32
    %get3A_248 = arith.index_cast %get3A_247 : i32 to index
    %get3A_249 = arith.constant 0 : index
    %get3A_250 = tpu.vector_load %arg6[%get3A_248, %get3A_249] {strides = array<i32>} : memref<200x64xf32, #tpu.memory_space<vmem>>, vector<16xf32>,
    %get3A_251 = arith.constant 2 : i32
    %get3A_252 = arith.index_cast %get3A_251 : i32 to index
    %get3A_253 = arith.constant 16 : index
    %get3A_254 = tpu.vector_load %arg6[%get3A_252, %get3A_253] {strides = array<i32>} : memref<200x64xf32, #tpu.memory_space<vmem>>, vector<16xf32>,
    %get3A_255 = arith.constant 2 : i32
    %get3A_256 = arith.index_cast %get3A_255 : i32 to index
    %get3A_257 = arith.constant 32 : index
    %get3A_258 = tpu.vector_load %arg6[%get3A_256, %get3A_257] {strides = array<i32>} : memref<200x64xf32, #tpu.memory_space<vmem>>, vector<16xf32>,
    %get3A_259 = arith.constant 2 : i32
    %get3A_260 = arith.index_cast %get3A_259 : i32 to index
    %get3A_261 = arith.constant 48 : index
    %get3A_262 = tpu.vector_load %arg6[%get3A_260, %get3A_261] {strides = array<i32>} : memref<200x64xf32, #tpu.memory_space<vmem>>, vector<16xf32>,
    %scan3A_263 = arith.constant 0 : i32
    %scan3A_264 = arith.constant 128 : i32
    %scan3A_265 = arith.addi %scan3A_263, %scan3A_264 : i32
    %scan3A_266 = arith.constant 8 : i32
    %scan3A_267 = scf.for %scan3A_392 = %scan3A_263 to %scan3A_265 step %scan3A_266 iter_args(%scan3A_393 = %broadcast_in_dim3A_47) -> (vector<16xi32>)  : i32 {
      %add3A_394 = arith.constant 0 : i32
      %add3A_395 = arith.addi %add3A_394, %scan3A_392 : i32
      %get3A_396 = arith.index_cast %add3A_395 : i32 to index
      %get3A_397 = arith.constant 0 : index
      %get3A_398 = tpu.vector_load %arg10[%get3A_396, %get3A_397] {strides = array<i32>} : memref<256x128xf32, #tpu.memory_space<vmem>>, vector<16xf32>,
      %get3A_399 = arith.index_cast %add3A_395 : i32 to index
      %get3A_400 = arith.constant 16 : index
      %get3A_401 = tpu.vector_load %arg10[%get3A_399, %get3A_400] {strides = array<i32>} : memref<256x128xf32, #tpu.memory_space<vmem>>, vector<16xf32>,
      %get3A_402 = arith.index_cast %add3A_395 : i32 to index
      %get3A_403 = arith.constant 32 : index
      %get3A_404 = tpu.vector_load %arg10[%get3A_402, %get3A_403] {strides = array<i32>} : memref<256x128xf32, #tpu.memory_space<vmem>>, vector<16xf32>,
      %get3A_405 = arith.index_cast %add3A_395 : i32 to index
      %get3A_406 = arith.constant 48 : index
      %get3A_407 = tpu.vector_load %arg10[%get3A_405, %get3A_406] {strides = array<i32>} : memref<256x128xf32, #tpu.memory_space<vmem>>, vector<16xf32>,
      %add3A_408 = arith.addf %get3A_398, %get3A_250 : vector<16xf32>
      %add3A_409 = arith.addf %get3A_401, %get3A_254 : vector<16xf32>
      %add3A_410 = arith.addf %get3A_404, %get3A_258 : vector<16xf32>
      %add3A_411 = arith.addf %get3A_407, %get3A_262 : vector<16xf32>
      tpu.vector_store_idx %arg11[%shift_right_arithmetic3A_5, %and3A_28, %scan3A_393], %add3A_408 : memref<8x8x129xf32, #tpu.memory_space<vmem>>[vector<16xi32>, vector<16xi32>, vector<16xi32>], vector<16xf32>,
      tpu.vector_store_idx %arg11[%shift_right_arithmetic3A_11, %and3A_34, %scan3A_393], %add3A_409 : memref<8x8x129xf32, #tpu.memory_space<vmem>>[vector<16xi32>, vector<16xi32>, vector<16xi32>], vector<16xf32>,
      tpu.vector_store_idx %arg11[%shift_right_arithmetic3A_17, %and3A_40, %scan3A_393], %add3A_410 : memref<8x8x129xf32, #tpu.memory_space<vmem>>[vector<16xi32>, vector<16xi32>, vector<16xi32>], vector<16xf32>,
      tpu.vector_store_idx %arg11[%shift_right_arithmetic3A_23, %and3A_46, %scan3A_393], %add3A_411 : memref<8x8x129xf32, #tpu.memory_space<vmem>>[vector<16xi32>, vector<16xi32>, vector<16xi32>], vector<16xf32>,
      %add3A_412 = arith.constant 1 : i32
      %add3A_413 = vector.broadcast %add3A_412 : i32 to vector<16xi32>
      %add3A_414 = arith.addi %scan3A_393, %add3A_413 : vector<16xi32>
      %scan3A_415 = arith.constant 1 : i32
      %scan3A_416 = arith.addi %scan3A_392, %scan3A_415 : i32
      %add3A_417 = arith.constant 0 : i32
      %add3A_418 = arith.addi %add3A_417, %scan3A_416 : i32
      %get3A_419 = arith.index_cast %add3A_418 : i32 to index
      %get3A_420 = arith.constant 0 : index
      %get3A_421 = tpu.vector_load %arg10[%get3A_419, %get3A_420] {strides = array<i32>} : memref<256x128xf32, #tpu.memory_space<vmem>>, vector<16xf32>,
      %get3A_422 = arith.index_cast %add3A_418 : i32 to index
      %get3A_423 = arith.constant 16 : index
      %get3A_424 = tpu.vector_load %arg10[%get3A_422, %get3A_423] {strides = array<i32>} : memref<256x128xf32, #tpu.memory_space<vmem>>, vector<16xf32>,
      %get3A_425 = arith.index_cast %add3A_418 : i32 to index
      %get3A_426 = arith.constant 32 : index
      %get3A_427 = tpu.vector_load %arg10[%get3A_425, %get3A_426] {strides = array<i32>} : memref<256x128xf32, #tpu.memory_space<vmem>>, vector<16xf32>,
      %get3A_428 = arith.index_cast %add3A_418 : i32 to index
      %get3A_429 = arith.constant 48 : index
      %get3A_430 = tpu.vector_load %arg10[%get3A_428, %get3A_429] {strides = array<i32>} : memref<256x128xf32, #tpu.memory_space<vmem>>, vector<16xf32>,
      %add3A_431 = arith.addf %get3A_421, %get3A_250 : vector<16xf32>
      %add3A_432 = arith.addf %get3A_424, %get3A_254 : vector<16xf32>
      %add3A_433 = arith.addf %get3A_427, %get3A_258 : vector<16xf32>
      %add3A_434 = arith.addf %get3A_430, %get3A_262 : vector<16xf32>
      tpu.vector_store_idx %arg11[%shift_right_arithmetic3A_5, %and3A_28, %add3A_414], %add3A_431 : memref<8x8x129xf32, #tpu.memory_space<vmem>>[vector<16xi32>, vector<16xi32>, vector<16xi32>], vector<16xf32>,
      tpu.vector_store_idx %arg11[%shift_right_arithmetic3A_11, %and3A_34, %add3A_414], %add3A_432 : memref<8x8x129xf32, #tpu.memory_space<vmem>>[vector<16xi32>, vector<16xi32>, vector<16xi32>], vector<16xf32>,
      tpu.vector_store_idx %arg11[%shift_right_arithmetic3A_17, %and3A_40, %add3A_414], %add3A_433 : memref<8x8x129xf32, #tpu.memory_space<vmem>>[vector<16xi32>, vector<16xi32>, vector<16xi32>], vector<16xf32>,
      tpu.vector_store_idx %arg11[%shift_right_arithmetic3A_23, %and3A_46, %add3A_414], %add3A_434 : memref<8x8x129xf32, #tpu.memory_space<vmem>>[vector<16xi32>, vector<16xi32>, vector<16xi32>], vector<16xf32>,
      %add3A_435 = arith.constant 1 : i32
      %add3A_436 = vector.broadcast %add3A_435 : i32 to vector<16xi32>
      %add3A_437 = arith.addi %add3A_414, %add3A_436 : vector<16xi32>
      %scan3A_438 = arith.constant 2 : i32
      %scan3A_439 = arith.addi %scan3A_392, %scan3A_438 : i32
      %add3A_440 = arith.constant 0 : i32
      %add3A_441 = arith.addi %add3A_440, %scan3A_439 : i32
      %get3A_442 = arith.index_cast %add3A_441 : i32 to index
      %get3A_443 = arith.constant 0 : index
      %get3A_444 = tpu.vector_load %arg10[%get3A_442, %get3A_443] {strides = array<i32>} : memref<256x128xf32, #tpu.memory_space<vmem>>, vector<16xf32>,
      %get3A_445 = arith.index_cast %add3A_441 : i32 to index
      %get3A_446 = arith.constant 16 : index
      %get3A_447 = tpu.vector_load %arg10[%get3A_445, %get3A_446] {strides = array<i32>} : memref<256x128xf32, #tpu.memory_space<vmem>>, vector<16xf32>,
      %get3A_448 = arith.index_cast %add3A_441 : i32 to index
      %get3A_449 = arith.constant 32 : index
      %get3A_450 = tpu.vector_load %arg10[%get3A_448, %get3A_449] {strides = array<i32>} : memref<256x128xf32, #tpu.memory_space<vmem>>, vector<16xf32>,
      %get3A_451 = arith.index_cast %add3A_441 : i32 to index
      %get3A_452 = arith.constant 48 : index
      %get3A_453 = tpu.vector_load %arg10[%get3A_451, %get3A_452] {strides = array<i32>} : memref<256x128xf32, #tpu.memory_space<vmem>>, vector<16xf32>,
      %add3A_454 = arith.addf %get3A_444, %get3A_250 : vector<16xf32>
      %add3A_455 = arith.addf %get3A_447, %get3A_254 : vector<16xf32>
      %add3A_456 = arith.addf %get3A_450, %get3A_258 : vector<16xf32>
      %add3A_457 = arith.addf %get3A_453, %get3A_262 : vector<16xf32>
      tpu.vector_store_idx %arg11[%shift_right_arithmetic3A_5, %and3A_28, %add3A_437], %add3A_454 : memref<8x8x129xf32, #tpu.memory_space<vmem>>[vector<16xi32>, vector<16xi32>, vector<16xi32>], vector<16xf32>,
      tpu.vector_store_idx %arg11[%shift_right_arithmetic3A_11, %and3A_34, %add3A_437], %add3A_455 : memref<8x8x129xf32, #tpu.memory_space<vmem>>[vector<16xi32>, vector<16xi32>, vector<16xi32>], vector<16xf32>,
      tpu.vector_store_idx %arg11[%shift_right_arithmetic3A_17, %and3A_40, %add3A_437], %add3A_456 : memref<8x8x129xf32, #tpu.memory_space<vmem>>[vector<16xi32>, vector<16xi32>, vector<16xi32>], vector<16xf32>,
      tpu.vector_store_idx %arg11[%shift_right_arithmetic3A_23, %and3A_46, %add3A_437], %add3A_457 : memref<8x8x129xf32, #tpu.memory_space<vmem>>[vector<16xi32>, vector<16xi32>, vector<16xi32>], vector<16xf32>,
      %add3A_458 = arith.constant 1 : i32
      %add3A_459 = vector.broadcast %add3A_458 : i32 to vector<16xi32>
      %add3A_460 = arith.addi %add3A_437, %add3A_459 : vector<16xi32>
      %scan3A_461 = arith.constant 3 : i32
      %scan3A_462 = arith.addi %scan3A_392, %scan3A_461 : i32
      %add3A_463 = arith.constant 0 : i32
      %add3A_464 = arith.addi %add3A_463, %scan3A_462 : i32
      %get3A_465 = arith.index_cast %add3A_464 : i32 to index
      %get3A_466 = arith.constant 0 : index
      %get3A_467 = tpu.vector_load %arg10[%get3A_465, %get3A_466] {strides = array<i32>} : memref<256x128xf32, #tpu.memory_space<vmem>>, vector<16xf32>,
      %get3A_468 = arith.index_cast %add3A_464 : i32 to index
      %get3A_469 = arith.constant 16 : index
      %get3A_470 = tpu.vector_load %arg10[%get3A_468, %get3A_469] {strides = array<i32>} : memref<256x128xf32, #tpu.memory_space<vmem>>, vector<16xf32>,
      %get3A_471 = arith.index_cast %add3A_464 : i32 to index
      %get3A_472 = arith.constant 32 : index
      %get3A_473 = tpu.vector_load %arg10[%get3A_471, %get3A_472] {strides = array<i32>} : memref<256x128xf32, #tpu.memory_space<vmem>>, vector<16xf32>,
      %get3A_474 = arith.index_cast %add3A_464 : i32 to index
      %get3A_475 = arith.constant 48 : index
      %get3A_476 = tpu.vector_load %arg10[%get3A_474, %get3A_475] {strides = array<i32>} : memref<256x128xf32, #tpu.memory_space<vmem>>, vector<16xf32>,
      %add3A_477 = arith.addf %get3A_467, %get3A_250 : vector<16xf32>
      %add3A_478 = arith.addf %get3A_470, %get3A_254 : vector<16xf32>
      %add3A_479 = arith.addf %get3A_473, %get3A_258 : vector<16xf32>
      %add3A_480 = arith.addf %get3A_476, %get3A_262 : vector<16xf32>
      tpu.vector_store_idx %arg11[%shift_right_arithmetic3A_5, %and3A_28, %add3A_460], %add3A_477 : memref<8x8x129xf32, #tpu.memory_space<vmem>>[vector<16xi32>, vector<16xi32>, vector<16xi32>], vector<16xf32>,
      tpu.vector_store_idx %arg11[%shift_right_arithmetic3A_11, %and3A_34, %add3A_460], %add3A_478 : memref<8x8x129xf32, #tpu.memory_space<vmem>>[vector<16xi32>, vector<16xi32>, vector<16xi32>], vector<16xf32>,
      tpu.vector_store_idx %arg11[%shift_right_arithmetic3A_17, %and3A_40, %add3A_460], %add3A_479 : memref<8x8x129xf32, #tpu.memory_space<vmem>>[vector<16xi32>, vector<16xi32>, vector<16xi32>], vector<16xf32>,
      tpu.vector_store_idx %arg11[%shift_right_arithmetic3A_23, %and3A_46, %add3A_460], %add3A_480 : memref<8x8x129xf32, #tpu.memory_space<vmem>>[vector<16xi32>, vector<16xi32>, vector<16xi32>], vector<16xf32>,
      %add3A_481 = arith.constant 1 : i32
      %add3A_482 = vector.broadcast %add3A_481 : i32 to vector<16xi32>
      %add3A_483 = arith.addi %add3A_460, %add3A_482 : vector<16xi32>
      %scan3A_484 = arith.constant 4 : i32
      %scan3A_485 = arith.addi %scan3A_392, %scan3A_484 : i32
      %add3A_486 = arith.constant 0 : i32
      %add3A_487 = arith.addi %add3A_486, %scan3A_485 : i32
      %get3A_488 = arith.index_cast %add3A_487 : i32 to index
      %get3A_489 = arith.constant 0 : index
      %get3A_490 = tpu.vector_load %arg10[%get3A_488, %get3A_489] {strides = array<i32>} : memref<256x128xf32, #tpu.memory_space<vmem>>, vector<16xf32>,
      %get3A_491 = arith.index_cast %add3A_487 : i32 to index
      %get3A_492 = arith.constant 16 : index
      %get3A_493 = tpu.vector_load %arg10[%get3A_491, %get3A_492] {strides = array<i32>} : memref<256x128xf32, #tpu.memory_space<vmem>>, vector<16xf32>,
      %get3A_494 = arith.index_cast %add3A_487 : i32 to index
      %get3A_495 = arith.constant 32 : index
      %get3A_496 = tpu.vector_load %arg10[%get3A_494, %get3A_495] {strides = array<i32>} : memref<256x128xf32, #tpu.memory_space<vmem>>, vector<16xf32>,
      %get3A_497 = arith.index_cast %add3A_487 : i32 to index
      %get3A_498 = arith.constant 48 : index
      %get3A_499 = tpu.vector_load %arg10[%get3A_497, %get3A_498] {strides = array<i32>} : memref<256x128xf32, #tpu.memory_space<vmem>>, vector<16xf32>,
      %add3A_500 = arith.addf %get3A_490, %get3A_250 : vector<16xf32>
      %add3A_501 = arith.addf %get3A_493, %get3A_254 : vector<16xf32>
      %add3A_502 = arith.addf %get3A_496, %get3A_258 : vector<16xf32>
      %add3A_503 = arith.addf %get3A_499, %get3A_262 : vector<16xf32>
      tpu.vector_store_idx %arg11[%shift_right_arithmetic3A_5, %and3A_28, %add3A_483], %add3A_500 : memref<8x8x129xf32, #tpu.memory_space<vmem>>[vector<16xi32>, vector<16xi32>, vector<16xi32>], vector<16xf32>,
      tpu.vector_store_idx %arg11[%shift_right_arithmetic3A_11, %and3A_34, %add3A_483], %add3A_501 : memref<8x8x129xf32, #tpu.memory_space<vmem>>[vector<16xi32>, vector<16xi32>, vector<16xi32>], vector<16xf32>,
      tpu.vector_store_idx %arg11[%shift_right_arithmetic3A_17, %and3A_40, %add3A_483], %add3A_502 : memref<8x8x129xf32, #tpu.memory_space<vmem>>[vector<16xi32>, vector<16xi32>, vector<16xi32>], vector<16xf32>,
      tpu.vector_store_idx %arg11[%shift_right_arithmetic3A_23, %and3A_46, %add3A_483], %add3A_503 : memref<8x8x129xf32, #tpu.memory_space<vmem>>[vector<16xi32>, vector<16xi32>, vector<16xi32>], vector<16xf32>,
      %add3A_504 = arith.constant 1 : i32
      %add3A_505 = vector.broadcast %add3A_504 : i32 to vector<16xi32>
      %add3A_506 = arith.addi %add3A_483, %add3A_505 : vector<16xi32>
      %scan3A_507 = arith.constant 5 : i32
      %scan3A_508 = arith.addi %scan3A_392, %scan3A_507 : i32
      %add3A_509 = arith.constant 0 : i32
      %add3A_510 = arith.addi %add3A_509, %scan3A_508 : i32
      %get3A_511 = arith.index_cast %add3A_510 : i32 to index
      %get3A_512 = arith.constant 0 : index
      %get3A_513 = tpu.vector_load %arg10[%get3A_511, %get3A_512] {strides = array<i32>} : memref<256x128xf32, #tpu.memory_space<vmem>>, vector<16xf32>,
      %get3A_514 = arith.index_cast %add3A_510 : i32 to index
      %get3A_515 = arith.constant 16 : index
      %get3A_516 = tpu.vector_load %arg10[%get3A_514, %get3A_515] {strides = array<i32>} : memref<256x128xf32, #tpu.memory_space<vmem>>, vector<16xf32>,
      %get3A_517 = arith.index_cast %add3A_510 : i32 to index
      %get3A_518 = arith.constant 32 : index
      %get3A_519 = tpu.vector_load %arg10[%get3A_517, %get3A_518] {strides = array<i32>} : memref<256x128xf32, #tpu.memory_space<vmem>>, vector<16xf32>,
      %get3A_520 = arith.index_cast %add3A_510 : i32 to index
      %get3A_521 = arith.constant 48 : index
      %get3A_522 = tpu.vector_load %arg10[%get3A_520, %get3A_521] {strides = array<i32>} : memref<256x128xf32, #tpu.memory_space<vmem>>, vector<16xf32>,
      %add3A_523 = arith.addf %get3A_513, %get3A_250 : vector<16xf32>
      %add3A_524 = arith.addf %get3A_516, %get3A_254 : vector<16xf32>
      %add3A_525 = arith.addf %get3A_519, %get3A_258 : vector<16xf32>
      %add3A_526 = arith.addf %get3A_522, %get3A_262 : vector<16xf32>
      tpu.vector_store_idx %arg11[%shift_right_arithmetic3A_5, %and3A_28, %add3A_506], %add3A_523 : memref<8x8x129xf32, #tpu.memory_space<vmem>>[vector<16xi32>, vector<16xi32>, vector<16xi32>], vector<16xf32>,
      tpu.vector_store_idx %arg11[%shift_right_arithmetic3A_11, %and3A_34, %add3A_506], %add3A_524 : memref<8x8x129xf32, #tpu.memory_space<vmem>>[vector<16xi32>, vector<16xi32>, vector<16xi32>], vector<16xf32>,
      tpu.vector_store_idx %arg11[%shift_right_arithmetic3A_17, %and3A_40, %add3A_506], %add3A_525 : memref<8x8x129xf32, #tpu.memory_space<vmem>>[vector<16xi32>, vector<16xi32>, vector<16xi32>], vector<16xf32>,
      tpu.vector_store_idx %arg11[%shift_right_arithmetic3A_23, %and3A_46, %add3A_506], %add3A_526 : memref<8x8x129xf32, #tpu.memory_space<vmem>>[vector<16xi32>, vector<16xi32>, vector<16xi32>], vector<16xf32>,
      %add3A_527 = arith.constant 1 : i32
      %add3A_528 = vector.broadcast %add3A_527 : i32 to vector<16xi32>
      %add3A_529 = arith.addi %add3A_506, %add3A_528 : vector<16xi32>
      %scan3A_530 = arith.constant 6 : i32
      %scan3A_531 = arith.addi %scan3A_392, %scan3A_530 : i32
      %add3A_532 = arith.constant 0 : i32
      %add3A_533 = arith.addi %add3A_532, %scan3A_531 : i32
      %get3A_534 = arith.index_cast %add3A_533 : i32 to index
      %get3A_535 = arith.constant 0 : index
      %get3A_536 = tpu.vector_load %arg10[%get3A_534, %get3A_535] {strides = array<i32>} : memref<256x128xf32, #tpu.memory_space<vmem>>, vector<16xf32>,
      %get3A_537 = arith.index_cast %add3A_533 : i32 to index
      %get3A_538 = arith.constant 16 : index
      %get3A_539 = tpu.vector_load %arg10[%get3A_537, %get3A_538] {strides = array<i32>} : memref<256x128xf32, #tpu.memory_space<vmem>>, vector<16xf32>,
      %get3A_540 = arith.index_cast %add3A_533 : i32 to index
      %get3A_541 = arith.constant 32 : index
      %get3A_542 = tpu.vector_load %arg10[%get3A_540, %get3A_541] {strides = array<i32>} : memref<256x128xf32, #tpu.memory_space<vmem>>, vector<16xf32>,
      %get3A_543 = arith.index_cast %add3A_533 : i32 to index
      %get3A_544 = arith.constant 48 : index
      %get3A_545 = tpu.vector_load %arg10[%get3A_543, %get3A_544] {strides = array<i32>} : memref<256x128xf32, #tpu.memory_space<vmem>>, vector<16xf32>,
      %add3A_546 = arith.addf %get3A_536, %get3A_250 : vector<16xf32>
      %add3A_547 = arith.addf %get3A_539, %get3A_254 : vector<16xf32>
      %add3A_548 = arith.addf %get3A_542, %get3A_258 : vector<16xf32>
      %add3A_549 = arith.addf %get3A_545, %get3A_262 : vector<16xf32>
      tpu.vector_store_idx %arg11[%shift_right_arithmetic3A_5, %and3A_28, %add3A_529], %add3A_546 : memref<8x8x129xf32, #tpu.memory_space<vmem>>[vector<16xi32>, vector<16xi32>, vector<16xi32>], vector<16xf32>,
      tpu.vector_store_idx %arg11[%shift_right_arithmetic3A_11, %and3A_34, %add3A_529], %add3A_547 : memref<8x8x129xf32, #tpu.memory_space<vmem>>[vector<16xi32>, vector<16xi32>, vector<16xi32>], vector<16xf32>,
      tpu.vector_store_idx %arg11[%shift_right_arithmetic3A_17, %and3A_40, %add3A_529], %add3A_548 : memref<8x8x129xf32, #tpu.memory_space<vmem>>[vector<16xi32>, vector<16xi32>, vector<16xi32>], vector<16xf32>,
      tpu.vector_store_idx %arg11[%shift_right_arithmetic3A_23, %and3A_46, %add3A_529], %add3A_549 : memref<8x8x129xf32, #tpu.memory_space<vmem>>[vector<16xi32>, vector<16xi32>, vector<16xi32>], vector<16xf32>,
      %add3A_550 = arith.constant 1 : i32
      %add3A_551 = vector.broadcast %add3A_550 : i32 to vector<16xi32>
      %add3A_552 = arith.addi %add3A_529, %add3A_551 : vector<16xi32>
      %scan3A_553 = arith.constant 7 : i32
      %scan3A_554 = arith.addi %scan3A_392, %scan3A_553 : i32
      %add3A_555 = arith.constant 0 : i32
      %add3A_556 = arith.addi %add3A_555, %scan3A_554 : i32
      %get3A_557 = arith.index_cast %add3A_556 : i32 to index
      %get3A_558 = arith.constant 0 : index
      %get3A_559 = tpu.vector_load %arg10[%get3A_557, %get3A_558] {strides = array<i32>} : memref<256x128xf32, #tpu.memory_space<vmem>>, vector<16xf32>,
      %get3A_560 = arith.index_cast %add3A_556 : i32 to index
      %get3A_561 = arith.constant 16 : index
      %get3A_562 = tpu.vector_load %arg10[%get3A_560, %get3A_561] {strides = array<i32>} : memref<256x128xf32, #tpu.memory_space<vmem>>, vector<16xf32>,
      %get3A_563 = arith.index_cast %add3A_556 : i32 to index
      %get3A_564 = arith.constant 32 : index
      %get3A_565 = tpu.vector_load %arg10[%get3A_563, %get3A_564] {strides = array<i32>} : memref<256x128xf32, #tpu.memory_space<vmem>>, vector<16xf32>,
      %get3A_566 = arith.index_cast %add3A_556 : i32 to index
      %get3A_567 = arith.constant 48 : index
      %get3A_568 = tpu.vector_load %arg10[%get3A_566, %get3A_567] {strides = array<i32>} : memref<256x128xf32, #tpu.memory_space<vmem>>, vector<16xf32>,
      %add3A_569 = arith.addf %get3A_559, %get3A_250 : vector<16xf32>
      %add3A_570 = arith.addf %get3A_562, %get3A_254 : vector<16xf32>
      %add3A_571 = arith.addf %get3A_565, %get3A_258 : vector<16xf32>
      %add3A_572 = arith.addf %get3A_568, %get3A_262 : vector<16xf32>
      tpu.vector_store_idx %arg11[%shift_right_arithmetic3A_5, %and3A_28, %add3A_552], %add3A_569 : memref<8x8x129xf32, #tpu.memory_space<vmem>>[vector<16xi32>, vector<16xi32>, vector<16xi32>], vector<16xf32>,
      tpu.vector_store_idx %arg11[%shift_right_arithmetic3A_11, %and3A_34, %add3A_552], %add3A_570 : memref<8x8x129xf32, #tpu.memory_space<vmem>>[vector<16xi32>, vector<16xi32>, vector<16xi32>], vector<16xf32>,
      tpu.vector_store_idx %arg11[%shift_right_arithmetic3A_17, %and3A_40, %add3A_552], %add3A_571 : memref<8x8x129xf32, #tpu.memory_space<vmem>>[vector<16xi32>, vector<16xi32>, vector<16xi32>], vector<16xf32>,
      tpu.vector_store_idx %arg11[%shift_right_arithmetic3A_23, %and3A_46, %add3A_552], %add3A_572 : memref<8x8x129xf32, #tpu.memory_space<vmem>>[vector<16xi32>, vector<16xi32>, vector<16xi32>], vector<16xf32>,
      %add3A_573 = arith.constant 1 : i32
      %add3A_574 = vector.broadcast %add3A_573 : i32 to vector<16xi32>
      %add3A_575 = arith.addi %add3A_552, %add3A_574 : vector<16xi32>
      scf.yield %add3A_575 : vector<16xi32>
    }
    %scan3A_268 = arith.constant 128 : i32
    %dma_start3A_269 = arith.constant 2 : i32
    %dma_start3A_270 = arith.constant 0 : i32
    %dma_start3A_271 = arith.constant 0 : i32
    %dma_start3A_272 = arith.constant 0 : i32
    %dma_start3A_273 = tpu.memref_slice %arg11[%dma_start3A_270, %dma_start3A_271, %dma_start3A_272] : memref<8x8x129xf32, #tpu.memory_space<vmem>> -> memref<8x8x128xf32, #tpu.memory_space<vmem>>
    %dma_start3A_274 = arith.constant 0 : i32
    %dma_start3A_275 = arith.constant 0 : i32
    %dma_start3A_276 = arith.constant 0 : i32
    %dma_start3A_277 = tpu.memref_slice %arg5[%dma_start3A_269, %dma_start3A_274, %add3A, %dma_start3A_275, %dma_start3A_276] : memref<200x8x32x8x128xf32, #tpu.memory_space<hbm>> -> memref<1x8x1x8x128xf32, #tpu.memory_space<hbm>>
    %dma_start3A_278 = tpu.memref_squeeze %dma_start3A_277 : memref<1x8x1x8x128xf32, #tpu.memory_space<hbm>> -> memref<8x8x128xf32, #tpu.memory_space<hbm>>
    %dma_start3A_279 = arith.constant 0 : i32
    %dma_start3A_280 = arith.constant 0 : i32
    %dma_start3A_281 = arith.constant 0 : i32
    %dma_start3A_282 = tpu.memref_slice %arg5[%dma_start3A_269, %dma_start3A_279, %add3A, %dma_start3A_280, %dma_start3A_281] : memref<200x8x32x8x128xf32, #tpu.memory_space<hbm>> -> memref<1x8x1x8x128xf32, #tpu.memory_space<hbm>>
    %dma_start3A_283 = tpu.memref_squeeze %dma_start3A_282 : memref<1x8x1x8x128xf32, #tpu.memory_space<hbm>> -> memref<8x8x128xf32, #tpu.memory_space<hbm>>
    %dma_start3A_284 = arith.constant 0 : i32
    %dma_start3A_285 = arith.constant 0 : i32
    %dma_start3A_286 = arith.constant 0 : i32
    %dma_start3A_287 = tpu.memref_slice %arg11[%dma_start3A_284, %dma_start3A_285, %dma_start3A_286] : memref<8x8x129xf32, #tpu.memory_space<vmem>> -> memref<8x8x128xf32, #tpu.memory_space<vmem>>
    tpu.enqueue_dma source(%dma_start3A_287 : memref<8x8x128xf32, #tpu.memory_space<vmem>>) target(%dma_start3A_283 : memref<8x8x128xf32, #tpu.memory_space<hbm>>) target_semaphore(%arg15 : memref<!tpu.dma_semaphore, #tpu.memory_space<semaphore_mem>>)
    %dma_wait3A_288 = arith.constant 0 : i32
    %dma_wait3A_289 = arith.constant 0 : i32
    %dma_wait3A_290 = arith.constant 0 : i32
    %dma_wait3A_291 = arith.constant 0 : i32
    %dma_wait3A_292 = tpu.memref_slice %arg12[%dma_wait3A_289, %dma_wait3A_290, %dma_wait3A_291] : memref<8x8x129xf32, #tpu.memory_space<vmem>> -> memref<8x8x128xf32, #tpu.memory_space<vmem>>
    %dma_wait3A_293 = arith.constant 0 : i32
    %dma_wait3A_294 = arith.constant 0 : i32
    %dma_wait3A_295 = arith.constant 0 : i32
    %dma_wait3A_296 = tpu.memref_slice %arg5[%dma_wait3A_288, %dma_wait3A_293, %add3A, %dma_wait3A_294, %dma_wait3A_295] : memref<200x8x32x8x128xf32, #tpu.memory_space<hbm>> -> memref<1x8x1x8x128xf32, #tpu.memory_space<hbm>>
    %dma_wait3A_297 = tpu.memref_squeeze %dma_wait3A_296 : memref<1x8x1x8x128xf32, #tpu.memory_space<hbm>> -> memref<8x8x128xf32, #tpu.memory_space<hbm>>
    %dma_wait3A_298 = arith.constant 0 : i32
    %dma_wait3A_299 = arith.constant 0 : i32
    %dma_wait3A_300 = arith.constant 0 : i32
    %dma_wait3A_301 = tpu.memref_slice %arg5[%dma_wait3A_288, %dma_wait3A_298, %add3A, %dma_wait3A_299, %dma_wait3A_300] : memref<200x8x32x8x128xf32, #tpu.memory_space<hbm>> -> memref<1x8x1x8x128xf32, #tpu.memory_space<hbm>>
    %dma_wait3A_302 = tpu.memref_squeeze %dma_wait3A_301 : memref<1x8x1x8x128xf32, #tpu.memory_space<hbm>> -> memref<8x8x128xf32, #tpu.memory_space<hbm>>
    %dma_wait3A_303 = arith.constant 0 : i32
    %dma_wait3A_304 = arith.constant 0 : i32
    %dma_wait3A_305 = arith.constant 0 : i32
    %dma_wait3A_306 = tpu.memref_slice %arg12[%dma_wait3A_303, %dma_wait3A_304, %dma_wait3A_305] : memref<8x8x129xf32, #tpu.memory_space<vmem>> -> memref<8x8x128xf32, #tpu.memory_space<vmem>>
    tpu.wait_dma2 semaphore(%arg16 : memref<!tpu.dma_semaphore, #tpu.memory_space<semaphore_mem>>) src(%dma_wait3A_306 : memref<8x8x128xf32, #tpu.memory_space<vmem>>) dst(%dma_wait3A_302 : memref<8x8x128xf32, #tpu.memory_space<hbm>>)
    %get3A_307 = arith.constant 3 : i32
    %get3A_308 = arith.index_cast %get3A_307 : i32 to index
    %get3A_309 = arith.constant 0 : index
    %get3A_310 = tpu.vector_load %arg6[%get3A_308, %get3A_309] {strides = array<i32>} : memref<200x64xf32, #tpu.memory_space<vmem>>, vector<16xf32>,
    %get3A_311 = arith.constant 3 : i32
    %get3A_312 = arith.index_cast %get3A_311 : i32 to index
    %get3A_313 = arith.constant 16 : index
    %get3A_314 = tpu.vector_load %arg6[%get3A_312, %get3A_313] {strides = array<i32>} : memref<200x64xf32, #tpu.memory_space<vmem>>, vector<16xf32>,
    %get3A_315 = arith.constant 3 : i32
    %get3A_316 = arith.index_cast %get3A_315 : i32 to index
    %get3A_317 = arith.constant 32 : index
    %get3A_318 = tpu.vector_load %arg6[%get3A_316, %get3A_317] {strides = array<i32>} : memref<200x64xf32, #tpu.memory_space<vmem>>, vector<16xf32>,
    %get3A_319 = arith.constant 3 : i32
    %get3A_320 = arith.index_cast %get3A_319 : i32 to index
    %get3A_321 = arith.constant 48 : index
    %get3A_322 = tpu.vector_load %arg6[%get3A_320, %get3A_321] {strides = array<i32>} : memref<200x64xf32, #tpu.memory_space<vmem>>, vector<16xf32>,
    %scan3A_323 = arith.constant 0 : i32
    %scan3A_324 = arith.constant 128 : i32
    %scan3A_325 = arith.addi %scan3A_323, %scan3A_324 : i32
    %scan3A_326 = arith.constant 8 : i32
    %scan3A_327 = scf.for %scan3A_392 = %scan3A_323 to %scan3A_325 step %scan3A_326 iter_args(%scan3A_393 = %broadcast_in_dim3A_47) -> (vector<16xi32>)  : i32 {
      %add3A_394 = arith.constant 128 : i32
      %add3A_395 = arith.addi %add3A_394, %scan3A_392 : i32
      %get3A_396 = arith.index_cast %add3A_395 : i32 to index
      %get3A_397 = arith.constant 0 : index
      %get3A_398 = tpu.vector_load %arg10[%get3A_396, %get3A_397] {strides = array<i32>} : memref<256x128xf32, #tpu.memory_space<vmem>>, vector<16xf32>,
      %get3A_399 = arith.index_cast %add3A_395 : i32 to index
      %get3A_400 = arith.constant 16 : index
      %get3A_401 = tpu.vector_load %arg10[%get3A_399, %get3A_400] {strides = array<i32>} : memref<256x128xf32, #tpu.memory_space<vmem>>, vector<16xf32>,
      %get3A_402 = arith.index_cast %add3A_395 : i32 to index
      %get3A_403 = arith.constant 32 : index
      %get3A_404 = tpu.vector_load %arg10[%get3A_402, %get3A_403] {strides = array<i32>} : memref<256x128xf32, #tpu.memory_space<vmem>>, vector<16xf32>,
      %get3A_405 = arith.index_cast %add3A_395 : i32 to index
      %get3A_406 = arith.constant 48 : index
      %get3A_407 = tpu.vector_load %arg10[%get3A_405, %get3A_406] {strides = array<i32>} : memref<256x128xf32, #tpu.memory_space<vmem>>, vector<16xf32>,
      %add3A_408 = arith.addf %get3A_398, %get3A_310 : vector<16xf32>
      %add3A_409 = arith.addf %get3A_401, %get3A_314 : vector<16xf32>
      %add3A_410 = arith.addf %get3A_404, %get3A_318 : vector<16xf32>
      %add3A_411 = arith.addf %get3A_407, %get3A_322 : vector<16xf32>
      tpu.vector_store_idx %arg12[%shift_right_arithmetic3A_5, %and3A_28, %scan3A_393], %add3A_408 : memref<8x8x129xf32, #tpu.memory_space<vmem>>[vector<16xi32>, vector<16xi32>, vector<16xi32>], vector<16xf32>,
      tpu.vector_store_idx %arg12[%shift_right_arithmetic3A_11, %and3A_34, %scan3A_393], %add3A_409 : memref<8x8x129xf32, #tpu.memory_space<vmem>>[vector<16xi32>, vector<16xi32>, vector<16xi32>], vector<16xf32>,
      tpu.vector_store_idx %arg12[%shift_right_arithmetic3A_17, %and3A_40, %scan3A_393], %add3A_410 : memref<8x8x129xf32, #tpu.memory_space<vmem>>[vector<16xi32>, vector<16xi32>, vector<16xi32>], vector<16xf32>,
      tpu.vector_store_idx %arg12[%shift_right_arithmetic3A_23, %and3A_46, %scan3A_393], %add3A_411 : memref<8x8x129xf32, #tpu.memory_space<vmem>>[vector<16xi32>, vector<16xi32>, vector<16xi32>], vector<16xf32>,
      %add3A_412 = arith.constant 1 : i32
      %add3A_413 = vector.broadcast %add3A_412 : i32 to vector<16xi32>
      %add3A_414 = arith.addi %scan3A_393, %add3A_413 : vector<16xi32>
      %scan3A_415 = arith.constant 1 : i32
      %scan3A_416 = arith.addi %scan3A_392, %scan3A_415 : i32
      %add3A_417 = arith.constant 128 : i32
      %add3A_418 = arith.addi %add3A_417, %scan3A_416 : i32
      %get3A_419 = arith.index_cast %add3A_418 : i32 to index
      %get3A_420 = arith.constant 0 : index
      %get3A_421 = tpu.vector_load %arg10[%get3A_419, %get3A_420] {strides = array<i32>} : memref<256x128xf32, #tpu.memory_space<vmem>>, vector<16xf32>,
      %get3A_422 = arith.index_cast %add3A_418 : i32 to index
      %get3A_423 = arith.constant 16 : index
      %get3A_424 = tpu.vector_load %arg10[%get3A_422, %get3A_423] {strides = array<i32>} : memref<256x128xf32, #tpu.memory_space<vmem>>, vector<16xf32>,
      %get3A_425 = arith.index_cast %add3A_418 : i32 to index
      %get3A_426 = arith.constant 32 : index
      %get3A_427 = tpu.vector_load %arg10[%get3A_425, %get3A_426] {strides = array<i32>} : memref<256x128xf32, #tpu.memory_space<vmem>>, vector<16xf32>,
      %get3A_428 = arith.index_cast %add3A_418 : i32 to index
      %get3A_429 = arith.constant 48 : index
      %get3A_430 = tpu.vector_load %arg10[%get3A_428, %get3A_429] {strides = array<i32>} : memref<256x128xf32, #tpu.memory_space<vmem>>, vector<16xf32>,
      %add3A_431 = arith.addf %get3A_421, %get3A_310 : vector<16xf32>
      %add3A_432 = arith.addf %get3A_424, %get3A_314 : vector<16xf32>
      %add3A_433 = arith.addf %get3A_427, %get3A_318 : vector<16xf32>
      %add3A_434 = arith.addf %get3A_430, %get3A_322 : vector<16xf32>
      tpu.vector_store_idx %arg12[%shift_right_arithmetic3A_5, %and3A_28, %add3A_414], %add3A_431 : memref<8x8x129xf32, #tpu.memory_space<vmem>>[vector<16xi32>, vector<16xi32>, vector<16xi32>], vector<16xf32>,
      tpu.vector_store_idx %arg12[%shift_right_arithmetic3A_11, %and3A_34, %add3A_414], %add3A_432 : memref<8x8x129xf32, #tpu.memory_space<vmem>>[vector<16xi32>, vector<16xi32>, vector<16xi32>], vector<16xf32>,
      tpu.vector_store_idx %arg12[%shift_right_arithmetic3A_17, %and3A_40, %add3A_414], %add3A_433 : memref<8x8x129xf32, #tpu.memory_space<vmem>>[vector<16xi32>, vector<16xi32>, vector<16xi32>], vector<16xf32>,
      tpu.vector_store_idx %arg12[%shift_right_arithmetic3A_23, %and3A_46, %add3A_414], %add3A_434 : memref<8x8x129xf32, #tpu.memory_space<vmem>>[vector<16xi32>, vector<16xi32>, vector<16xi32>], vector<16xf32>,
      %add3A_435 = arith.constant 1 : i32
      %add3A_436 = vector.broadcast %add3A_435 : i32 to vector<16xi32>
      %add3A_437 = arith.addi %add3A_414, %add3A_436 : vector<16xi32>
      %scan3A_438 = arith.constant 2 : i32
      %scan3A_439 = arith.addi %scan3A_392, %scan3A_438 : i32
      %add3A_440 = arith.constant 128 : i32
      %add3A_441 = arith.addi %add3A_440, %scan3A_439 : i32
      %get3A_442 = arith.index_cast %add3A_441 : i32 to index
      %get3A_443 = arith.constant 0 : index
      %get3A_444 = tpu.vector_load %arg10[%get3A_442, %get3A_443] {strides = array<i32>} : memref<256x128xf32, #tpu.memory_space<vmem>>, vector<16xf32>,
      %get3A_445 = arith.index_cast %add3A_441 : i32 to index
      %get3A_446 = arith.constant 16 : index
      %get3A_447 = tpu.vector_load %arg10[%get3A_445, %get3A_446] {strides = array<i32>} : memref<256x128xf32, #tpu.memory_space<vmem>>, vector<16xf32>,
      %get3A_448 = arith.index_cast %add3A_441 : i32 to index
      %get3A_449 = arith.constant 32 : index
      %get3A_450 = tpu.vector_load %arg10[%get3A_448, %get3A_449] {strides = array<i32>} : memref<256x128xf32, #tpu.memory_space<vmem>>, vector<16xf32>,
      %get3A_451 = arith.index_cast %add3A_441 : i32 to index
      %get3A_452 = arith.constant 48 : index
      %get3A_453 = tpu.vector_load %arg10[%get3A_451, %get3A_452] {strides = array<i32>} : memref<256x128xf32, #tpu.memory_space<vmem>>, vector<16xf32>,
      %add3A_454 = arith.addf %get3A_444, %get3A_310 : vector<16xf32>
      %add3A_455 = arith.addf %get3A_447, %get3A_314 : vector<16xf32>
      %add3A_456 = arith.addf %get3A_450, %get3A_318 : vector<16xf32>
      %add3A_457 = arith.addf %get3A_453, %get3A_322 : vector<16xf32>
      tpu.vector_store_idx %arg12[%shift_right_arithmetic3A_5, %and3A_28, %add3A_437], %add3A_454 : memref<8x8x129xf32, #tpu.memory_space<vmem>>[vector<16xi32>, vector<16xi32>, vector<16xi32>], vector<16xf32>,
      tpu.vector_store_idx %arg12[%shift_right_arithmetic3A_11, %and3A_34, %add3A_437], %add3A_455 : memref<8x8x129xf32, #tpu.memory_space<vmem>>[vector<16xi32>, vector<16xi32>, vector<16xi32>], vector<16xf32>,
      tpu.vector_store_idx %arg12[%shift_right_arithmetic3A_17, %and3A_40, %add3A_437], %add3A_456 : memref<8x8x129xf32, #tpu.memory_space<vmem>>[vector<16xi32>, vector<16xi32>, vector<16xi32>], vector<16xf32>,
      tpu.vector_store_idx %arg12[%shift_right_arithmetic3A_23, %and3A_46, %add3A_437], %add3A_457 : memref<8x8x129xf32, #tpu.memory_space<vmem>>[vector<16xi32>, vector<16xi32>, vector<16xi32>], vector<16xf32>,
      %add3A_458 = arith.constant 1 : i32
      %add3A_459 = vector.broadcast %add3A_458 : i32 to vector<16xi32>
      %add3A_460 = arith.addi %add3A_437, %add3A_459 : vector<16xi32>
      %scan3A_461 = arith.constant 3 : i32
      %scan3A_462 = arith.addi %scan3A_392, %scan3A_461 : i32
      %add3A_463 = arith.constant 128 : i32
      %add3A_464 = arith.addi %add3A_463, %scan3A_462 : i32
      %get3A_465 = arith.index_cast %add3A_464 : i32 to index
      %get3A_466 = arith.constant 0 : index
      %get3A_467 = tpu.vector_load %arg10[%get3A_465, %get3A_466] {strides = array<i32>} : memref<256x128xf32, #tpu.memory_space<vmem>>, vector<16xf32>,
      %get3A_468 = arith.index_cast %add3A_464 : i32 to index
      %get3A_469 = arith.constant 16 : index
      %get3A_470 = tpu.vector_load %arg10[%get3A_468, %get3A_469] {strides = array<i32>} : memref<256x128xf32, #tpu.memory_space<vmem>>, vector<16xf32>,
      %get3A_471 = arith.index_cast %add3A_464 : i32 to index
      %get3A_472 = arith.constant 32 : index
      %get3A_473 = tpu.vector_load %arg10[%get3A_471, %get3A_472] {strides = array<i32>} : memref<256x128xf32, #tpu.memory_space<vmem>>, vector<16xf32>,
      %get3A_474 = arith.index_cast %add3A_464 : i32 to index
      %get3A_475 = arith.constant 48 : index
      %get3A_476 = tpu.vector_load %arg10[%get3A_474, %get3A_475] {strides = array<i32>} : memref<256x128xf32, #tpu.memory_space<vmem>>, vector<16xf32>,
      %add3A_477 = arith.addf %get3A_467, %get3A_310 : vector<16xf32>
      %add3A_478 = arith.addf %get3A_470, %get3A_314 : vector<16xf32>
      %add3A_479 = arith.addf %get3A_473, %get3A_318 : vector<16xf32>
      %add3A_480 = arith.addf %get3A_476, %get3A_322 : vector<16xf32>
      tpu.vector_store_idx %arg12[%shift_right_arithmetic3A_5, %and3A_28, %add3A_460], %add3A_477 : memref<8x8x129xf32, #tpu.memory_space<vmem>>[vector<16xi32>, vector<16xi32>, vector<16xi32>], vector<16xf32>,
      tpu.vector_store_idx %arg12[%shift_right_arithmetic3A_11, %and3A_34, %add3A_460], %add3A_478 : memref<8x8x129xf32, #tpu.memory_space<vmem>>[vector<16xi32>, vector<16xi32>, vector<16xi32>], vector<16xf32>,
      tpu.vector_store_idx %arg12[%shift_right_arithmetic3A_17, %and3A_40, %add3A_460], %add3A_479 : memref<8x8x129xf32, #tpu.memory_space<vmem>>[vector<16xi32>, vector<16xi32>, vector<16xi32>], vector<16xf32>,
      tpu.vector_store_idx %arg12[%shift_right_arithmetic3A_23, %and3A_46, %add3A_460], %add3A_480 : memref<8x8x129xf32, #tpu.memory_space<vmem>>[vector<16xi32>, vector<16xi32>, vector<16xi32>], vector<16xf32>,
      %add3A_481 = arith.constant 1 : i32
      %add3A_482 = vector.broadcast %add3A_481 : i32 to vector<16xi32>
      %add3A_483 = arith.addi %add3A_460, %add3A_482 : vector<16xi32>
      %scan3A_484 = arith.constant 4 : i32
      %scan3A_485 = arith.addi %scan3A_392, %scan3A_484 : i32
      %add3A_486 = arith.constant 128 : i32
      %add3A_487 = arith.addi %add3A_486, %scan3A_485 : i32
      %get3A_488 = arith.index_cast %add3A_487 : i32 to index
      %get3A_489 = arith.constant 0 : index
      %get3A_490 = tpu.vector_load %arg10[%get3A_488, %get3A_489] {strides = array<i32>} : memref<256x128xf32, #tpu.memory_space<vmem>>, vector<16xf32>,
      %get3A_491 = arith.index_cast %add3A_487 : i32 to index
      %get3A_492 = arith.constant 16 : index
      %get3A_493 = tpu.vector_load %arg10[%get3A_491, %get3A_492] {strides = array<i32>} : memref<256x128xf32, #tpu.memory_space<vmem>>, vector<16xf32>,
      %get3A_494 = arith.index_cast %add3A_487 : i32 to index
      %get3A_495 = arith.constant 32 : index
      %get3A_496 = tpu.vector_load %arg10[%get3A_494, %get3A_495] {strides = array<i32>} : memref<256x128xf32, #tpu.memory_space<vmem>>, vector<16xf32>,
      %get3A_497 = arith.index_cast %add3A_487 : i32 to index
      %get3A_498 = arith.constant 48 : index
      %get3A_499 = tpu.vector_load %arg10[%get3A_497, %get3A_498] {strides = array<i32>} : memref<256x128xf32, #tpu.memory_space<vmem>>, vector<16xf32>,
      %add3A_500 = arith.addf %get3A_490, %get3A_310 : vector<16xf32>
      %add3A_501 = arith.addf %get3A_493, %get3A_314 : vector<16xf32>
      %add3A_502 = arith.addf %get3A_496, %get3A_318 : vector<16xf32>
      %add3A_503 = arith.addf %get3A_499, %get3A_322 : vector<16xf32>
      tpu.vector_store_idx %arg12[%shift_right_arithmetic3A_5, %and3A_28, %add3A_483], %add3A_500 : memref<8x8x129xf32, #tpu.memory_space<vmem>>[vector<16xi32>, vector<16xi32>, vector<16xi32>], vector<16xf32>,
      tpu.vector_store_idx %arg12[%shift_right_arithmetic3A_11, %and3A_34, %add3A_483], %add3A_501 : memref<8x8x129xf32, #tpu.memory_space<vmem>>[vector<16xi32>, vector<16xi32>, vector<16xi32>], vector<16xf32>,
      tpu.vector_store_idx %arg12[%shift_right_arithmetic3A_17, %and3A_40, %add3A_483], %add3A_502 : memref<8x8x129xf32, #tpu.memory_space<vmem>>[vector<16xi32>, vector<16xi32>, vector<16xi32>], vector<16xf32>,
      tpu.vector_store_idx %arg12[%shift_right_arithmetic3A_23, %and3A_46, %add3A_483], %add3A_503 : memref<8x8x129xf32, #tpu.memory_space<vmem>>[vector<16xi32>, vector<16xi32>, vector<16xi32>], vector<16xf32>,
      %add3A_504 = arith.constant 1 : i32
      %add3A_505 = vector.broadcast %add3A_504 : i32 to vector<16xi32>
      %add3A_506 = arith.addi %add3A_483, %add3A_505 : vector<16xi32>
      %scan3A_507 = arith.constant 5 : i32
      %scan3A_508 = arith.addi %scan3A_392, %scan3A_507 : i32
      %add3A_509 = arith.constant 128 : i32
      %add3A_510 = arith.addi %add3A_509, %scan3A_508 : i32
      %get3A_511 = arith.index_cast %add3A_510 : i32 to index
      %get3A_512 = arith.constant 0 : index
      %get3A_513 = tpu.vector_load %arg10[%get3A_511, %get3A_512] {strides = array<i32>} : memref<256x128xf32, #tpu.memory_space<vmem>>, vector<16xf32>,
      %get3A_514 = arith.index_cast %add3A_510 : i32 to index
      %get3A_515 = arith.constant 16 : index
      %get3A_516 = tpu.vector_load %arg10[%get3A_514, %get3A_515] {strides = array<i32>} : memref<256x128xf32, #tpu.memory_space<vmem>>, vector<16xf32>,
      %get3A_517 = arith.index_cast %add3A_510 : i32 to index
      %get3A_518 = arith.constant 32 : index
      %get3A_519 = tpu.vector_load %arg10[%get3A_517, %get3A_518] {strides = array<i32>} : memref<256x128xf32, #tpu.memory_space<vmem>>, vector<16xf32>,
      %get3A_520 = arith.index_cast %add3A_510 : i32 to index
      %get3A_521 = arith.constant 48 : index
      %get3A_522 = tpu.vector_load %arg10[%get3A_520, %get3A_521] {strides = array<i32>} : memref<256x128xf32, #tpu.memory_space<vmem>>, vector<16xf32>,
      %add3A_523 = arith.addf %get3A_513, %get3A_310 : vector<16xf32>
      %add3A_524 = arith.addf %get3A_516, %get3A_314 : vector<16xf32>
      %add3A_525 = arith.addf %get3A_519, %get3A_318 : vector<16xf32>
      %add3A_526 = arith.addf %get3A_522, %get3A_322 : vector<16xf32>
      tpu.vector_store_idx %arg12[%shift_right_arithmetic3A_5, %and3A_28, %add3A_506], %add3A_523 : memref<8x8x129xf32, #tpu.memory_space<vmem>>[vector<16xi32>, vector<16xi32>, vector<16xi32>], vector<16xf32>,
      tpu.vector_store_idx %arg12[%shift_right_arithmetic3A_11, %and3A_34, %add3A_506], %add3A_524 : memref<8x8x129xf32, #tpu.memory_space<vmem>>[vector<16xi32>, vector<16xi32>, vector<16xi32>], vector<16xf32>,
      tpu.vector_store_idx %arg12[%shift_right_arithmetic3A_17, %and3A_40, %add3A_506], %add3A_525 : memref<8x8x129xf32, #tpu.memory_space<vmem>>[vector<16xi32>, vector<16xi32>, vector<16xi32>], vector<16xf32>,
      tpu.vector_store_idx %arg12[%shift_right_arithmetic3A_23, %and3A_46, %add3A_506], %add3A_526 : memref<8x8x129xf32, #tpu.memory_space<vmem>>[vector<16xi32>, vector<16xi32>, vector<16xi32>], vector<16xf32>,
      %add3A_527 = arith.constant 1 : i32
      %add3A_528 = vector.broadcast %add3A_527 : i32 to vector<16xi32>
      %add3A_529 = arith.addi %add3A_506, %add3A_528 : vector<16xi32>
      %scan3A_530 = arith.constant 6 : i32
      %scan3A_531 = arith.addi %scan3A_392, %scan3A_530 : i32
      %add3A_532 = arith.constant 128 : i32
      %add3A_533 = arith.addi %add3A_532, %scan3A_531 : i32
      %get3A_534 = arith.index_cast %add3A_533 : i32 to index
      %get3A_535 = arith.constant 0 : index
      %get3A_536 = tpu.vector_load %arg10[%get3A_534, %get3A_535] {strides = array<i32>} : memref<256x128xf32, #tpu.memory_space<vmem>>, vector<16xf32>,
      %get3A_537 = arith.index_cast %add3A_533 : i32 to index
      %get3A_538 = arith.constant 16 : index
      %get3A_539 = tpu.vector_load %arg10[%get3A_537, %get3A_538] {strides = array<i32>} : memref<256x128xf32, #tpu.memory_space<vmem>>, vector<16xf32>,
      %get3A_540 = arith.index_cast %add3A_533 : i32 to index
      %get3A_541 = arith.constant 32 : index
      %get3A_542 = tpu.vector_load %arg10[%get3A_540, %get3A_541] {strides = array<i32>} : memref<256x128xf32, #tpu.memory_space<vmem>>, vector<16xf32>,
      %get3A_543 = arith.index_cast %add3A_533 : i32 to index
      %get3A_544 = arith.constant 48 : index
      %get3A_545 = tpu.vector_load %arg10[%get3A_543, %get3A_544] {strides = array<i32>} : memref<256x128xf32, #tpu.memory_space<vmem>>, vector<16xf32>,
      %add3A_546 = arith.addf %get3A_536, %get3A_310 : vector<16xf32>
      %add3A_547 = arith.addf %get3A_539, %get3A_314 : vector<16xf32>
      %add3A_548 = arith.addf %get3A_542, %get3A_318 : vector<16xf32>
      %add3A_549 = arith.addf %get3A_545, %get3A_322 : vector<16xf32>
      tpu.vector_store_idx %arg12[%shift_right_arithmetic3A_5, %and3A_28, %add3A_529], %add3A_546 : memref<8x8x129xf32, #tpu.memory_space<vmem>>[vector<16xi32>, vector<16xi32>, vector<16xi32>], vector<16xf32>,
      tpu.vector_store_idx %arg12[%shift_right_arithmetic3A_11, %and3A_34, %add3A_529], %add3A_547 : memref<8x8x129xf32, #tpu.memory_space<vmem>>[vector<16xi32>, vector<16xi32>, vector<16xi32>], vector<16xf32>,
      tpu.vector_store_idx %arg12[%shift_right_arithmetic3A_17, %and3A_40, %add3A_529], %add3A_548 : memref<8x8x129xf32, #tpu.memory_space<vmem>>[vector<16xi32>, vector<16xi32>, vector<16xi32>], vector<16xf32>,
      tpu.vector_store_idx %arg12[%shift_right_arithmetic3A_23, %and3A_46, %add3A_529], %add3A_549 : memref<8x8x129xf32, #tpu.memory_space<vmem>>[vector<16xi32>, vector<16xi32>, vector<16xi32>], vector<16xf32>,
      %add3A_550 = arith.constant 1 : i32
      %add3A_551 = vector.broadcast %add3A_550 : i32 to vector<16xi32>
      %add3A_552 = arith.addi %add3A_529, %add3A_551 : vector<16xi32>
      %scan3A_553 = arith.constant 7 : i32
      %scan3A_554 = arith.addi %scan3A_392, %scan3A_553 : i32
      %add3A_555 = arith.constant 128 : i32
      %add3A_556 = arith.addi %add3A_555, %scan3A_554 : i32
      %get3A_557 = arith.index_cast %add3A_556 : i32 to index
      %get3A_558 = arith.constant 0 : index
      %get3A_559 = tpu.vector_load %arg10[%get3A_557, %get3A_558] {strides = array<i32>} : memref<256x128xf32, #tpu.memory_space<vmem>>, vector<16xf32>,
      %get3A_560 = arith.index_cast %add3A_556 : i32 to index
      %get3A_561 = arith.constant 16 : index
      %get3A_562 = tpu.vector_load %arg10[%get3A_560, %get3A_561] {strides = array<i32>} : memref<256x128xf32, #tpu.memory_space<vmem>>, vector<16xf32>,
      %get3A_563 = arith.index_cast %add3A_556 : i32 to index
      %get3A_564 = arith.constant 32 : index
      %get3A_565 = tpu.vector_load %arg10[%get3A_563, %get3A_564] {strides = array<i32>} : memref<256x128xf32, #tpu.memory_space<vmem>>, vector<16xf32>,
      %get3A_566 = arith.index_cast %add3A_556 : i32 to index
      %get3A_567 = arith.constant 48 : index
      %get3A_568 = tpu.vector_load %arg10[%get3A_566, %get3A_567] {strides = array<i32>} : memref<256x128xf32, #tpu.memory_space<vmem>>, vector<16xf32>,
      %add3A_569 = arith.addf %get3A_559, %get3A_310 : vector<16xf32>
      %add3A_570 = arith.addf %get3A_562, %get3A_314 : vector<16xf32>
      %add3A_571 = arith.addf %get3A_565, %get3A_318 : vector<16xf32>
      %add3A_572 = arith.addf %get3A_568, %get3A_322 : vector<16xf32>
      tpu.vector_store_idx %arg12[%shift_right_arithmetic3A_5, %and3A_28, %add3A_552], %add3A_569 : memref<8x8x129xf32, #tpu.memory_space<vmem>>[vector<16xi32>, vector<16xi32>, vector<16xi32>], vector<16xf32>,
      tpu.vector_store_idx %arg12[%shift_right_arithmetic3A_11, %and3A_34, %add3A_552], %add3A_570 : memref<8x8x129xf32, #tpu.memory_space<vmem>>[vector<16xi32>, vector<16xi32>, vector<16xi32>], vector<16xf32>,
      tpu.vector_store_idx %arg12[%shift_right_arithmetic3A_17, %and3A_40, %add3A_552], %add3A_571 : memref<8x8x129xf32, #tpu.memory_space<vmem>>[vector<16xi32>, vector<16xi32>, vector<16xi32>], vector<16xf32>,
      tpu.vector_store_idx %arg12[%shift_right_arithmetic3A_23, %and3A_46, %add3A_552], %add3A_572 : memref<8x8x129xf32, #tpu.memory_space<vmem>>[vector<16xi32>, vector<16xi32>, vector<16xi32>], vector<16xf32>,
      %add3A_573 = arith.constant 1 : i32
      %add3A_574 = vector.broadcast %add3A_573 : i32 to vector<16xi32>
      %add3A_575 = arith.addi %add3A_552, %add3A_574 : vector<16xi32>
      scf.yield %add3A_575 : vector<16xi32>
    }
    %scan3A_328 = arith.constant 128 : i32
    %dma_start3A_329 = arith.constant 3 : i32
    %dma_start3A_330 = arith.constant 0 : i32
    %dma_start3A_331 = arith.constant 0 : i32
    %dma_start3A_332 = arith.constant 0 : i32
    %dma_start3A_333 = tpu.memref_slice %arg12[%dma_start3A_330, %dma_start3A_331, %dma_start3A_332] : memref<8x8x129xf32, #tpu.memory_space<vmem>> -> memref<8x8x128xf32, #tpu.memory_space<vmem>>
    %dma_start3A_334 = arith.constant 0 : i32
    %dma_start3A_335 = arith.constant 0 : i32
    %dma_start3A_336 = arith.constant 0 : i32
    %dma_start3A_337 = tpu.memref_slice %arg5[%dma_start3A_329, %dma_start3A_334, %add3A, %dma_start3A_335, %dma_start3A_336] : memref<200x8x32x8x128xf32, #tpu.memory_space<hbm>> -> memref<1x8x1x8x128xf32, #tpu.memory_space<hbm>>
    %dma_start3A_338 = tpu.memref_squeeze %dma_start3A_337 : memref<1x8x1x8x128xf32, #tpu.memory_space<hbm>> -> memref<8x8x128xf32, #tpu.memory_space<hbm>>
    %dma_start3A_339 = arith.constant 0 : i32
    %dma_start3A_340 = arith.constant 0 : i32
    %dma_start3A_341 = arith.constant 0 : i32
    %dma_start3A_342 = tpu.memref_slice %arg5[%dma_start3A_329, %dma_start3A_339, %add3A, %dma_start3A_340, %dma_start3A_341] : memref<200x8x32x8x128xf32, #tpu.memory_space<hbm>> -> memref<1x8x1x8x128xf32, #tpu.memory_space<hbm>>
    %dma_start3A_343 = tpu.memref_squeeze %dma_start3A_342 : memref<1x8x1x8x128xf32, #tpu.memory_space<hbm>> -> memref<8x8x128xf32, #tpu.memory_space<hbm>>
    %dma_start3A_344 = arith.constant 0 : i32
    %dma_start3A_345 = arith.constant 0 : i32
    %dma_start3A_346 = arith.constant 0 : i32
    %dma_start3A_347 = tpu.memref_slice %arg12[%dma_start3A_344, %dma_start3A_345, %dma_start3A_346] : memref<8x8x129xf32, #tpu.memory_space<vmem>> -> memref<8x8x128xf32, #tpu.memory_space<vmem>>
    tpu.enqueue_dma source(%dma_start3A_347 : memref<8x8x128xf32, #tpu.memory_space<vmem>>) target(%dma_start3A_343 : memref<8x8x128xf32, #tpu.memory_space<hbm>>) target_semaphore(%arg16 : memref<!tpu.dma_semaphore, #tpu.memory_space<semaphore_mem>>)
    %scan3A_348 = arith.constant 0 : i32
    %scan3A_349 = arith.constant 1 : i32
    %scan3A_350 = arith.constant 49 : i32
    %scan3A_351 = arith.addi %scan3A_349, %scan3A_350 : i32
    %scan3A_352 = arith.constant 1 : i32
    scf.for %scan3A_392 = %scan3A_349 to %scan3A_351 step %scan3A_352  : i32 {
      %mul3A_393 = arith.constant 2 : i32
      %mul3A_394 = arith.muli %mul3A_393, %scan3A_392 : i32
      %add3A_395 = arith.constant 1 : i32
      %add3A_396 = arith.addi %mul3A_394, %add3A_395 : i32
      %mul3A_397 = arith.constant 2 : i32
      %mul3A_398 = arith.muli %mul3A_397, %add3A_396 : i32
      %shift_right_arithmetic3A_399 = arith.constant 3 : i32
      %shift_right_arithmetic3A_400 = arith.shrsi %mul3A_398, %shift_right_arithmetic3A_399 : i32
      %and3A_401 = arith.constant 7 : i32
      %and3A_402 = arith.andi %mul3A_398, %and3A_401 : i32
      "tpu.region"() ({
        %run_scoped3A_703 = tpu.sem_alloc : memref<!tpu.dma_semaphore, #tpu.memory_space<semaphore_mem>>
        %dma_start3A_704 = arith.constant 0 : i32
        %dma_start3A_705 = tpu.memref_slice %arg2[%shift_right_arithmetic3A_400, %add3A, %and3A_402, %dma_start3A_704] : memref<25x32x8x128xi32, #tpu.memory_space<hbm>> -> memref<1x1x2x128xi32, #tpu.memory_space<hbm>>
        %dma_start3A_706 = tpu.memref_squeeze %dma_start3A_705 : memref<1x1x2x128xi32, #tpu.memory_space<hbm>> -> memref<2x128xi32, #tpu.memory_space<hbm>>
        %dma_start3A_707 = arith.constant 0 : i32
        %dma_start3A_708 = tpu.memref_slice %arg2[%shift_right_arithmetic3A_400, %add3A, %and3A_402, %dma_start3A_707] : memref<25x32x8x128xi32, #tpu.memory_space<hbm>> -> memref<1x1x2x128xi32, #tpu.memory_space<hbm>>
        %dma_start3A_709 = tpu.memref_squeeze %dma_start3A_708 : memref<1x1x2x128xi32, #tpu.memory_space<hbm>> -> memref<2x128xi32, #tpu.memory_space<hbm>>
        tpu.enqueue_dma source(%dma_start3A_709 : memref<2x128xi32, #tpu.memory_space<hbm>>) target(%arg8 : memref<2x128xi32, #tpu.memory_space<vmem>>) target_semaphore(%run_scoped3A_703 : memref<!tpu.dma_semaphore, #tpu.memory_space<semaphore_mem>>)
        %dma_wait3A_710 = arith.constant 0 : i32
        %dma_wait3A_711 = tpu.memref_slice %arg2[%shift_right_arithmetic3A_400, %add3A, %and3A_402, %dma_wait3A_710] : memref<25x32x8x128xi32, #tpu.memory_space<hbm>> -> memref<1x1x2x128xi32, #tpu.memory_space<hbm>>
        %dma_wait3A_712 = tpu.memref_squeeze %dma_wait3A_711 : memref<1x1x2x128xi32, #tpu.memory_space<hbm>> -> memref<2x128xi32, #tpu.memory_space<hbm>>
        %dma_wait3A_713 = arith.constant 0 : i32
        %dma_wait3A_714 = tpu.memref_slice %arg2[%shift_right_arithmetic3A_400, %add3A, %and3A_402, %dma_wait3A_713] : memref<25x32x8x128xi32, #tpu.memory_space<hbm>> -> memref<1x1x2x128xi32, #tpu.memory_space<hbm>>
        %dma_wait3A_715 = tpu.memref_squeeze %dma_wait3A_714 : memref<1x1x2x128xi32, #tpu.memory_space<hbm>> -> memref<2x128xi32, #tpu.memory_space<hbm>>
        tpu.wait_dma2 semaphore(%run_scoped3A_703 : memref<!tpu.dma_semaphore, #tpu.memory_space<semaphore_mem>>) src(%dma_wait3A_715 : memref<2x128xi32, #tpu.memory_space<hbm>>) dst(%arg8 : memref<2x128xi32, #tpu.memory_space<vmem>>)
        tpu.yield
      }) : () -> ()
      %dma_start3A_403 = arith.constant 0 : i32
      %dma_start3A_404 = arith.constant 0 : i32
      %dma_start3A_405 = arith.constant 0 : i32
      %dma_start3A_406 = tpu.memref_slice %arg10[%dma_start3A_404, %dma_start3A_405] : memref<256x128xf32, #tpu.memory_space<vmem>> -> memref<128x128xf32, #tpu.memory_space<vmem>>
      %dma_start3A_407 = arith.constant 0 : i32
      %dma_start3A_408 = tpu.memref_slice %arg8[%dma_start3A_403, %dma_start3A_407] : memref<2x128xi32, #tpu.memory_space<vmem>> -> memref<1x128xi32, #tpu.memory_space<vmem>>
      %dma_start3A_409 = tpu.memref_squeeze %dma_start3A_408 : memref<1x128xi32, #tpu.memory_space<vmem>> -> memref<128xi32, #tpu.memory_space<vmem>>
      %dma_start3A_410 = arith.constant 0 : i32
      %dma_start3A_411 = arith.constant 0 : i32
      %dma_start3A_412 = tpu.memref_slice %arg3[%dma_start3A_410, %dma_start3A_411] : memref<1000000x128xf32, #tpu.memory_space<hbm>> -> memref<1000000x128xf32, #tpu.memory_space<hbm>>
      tpu.enqueue_indirect_dma source(%dma_start3A_412 : memref<1000000x128xf32, #tpu.memory_space<hbm>>) target(%dma_start3A_406 : memref<128x128xf32, #tpu.memory_space<vmem>>) offsets(%dma_start3A_409 : memref<128xi32, #tpu.memory_space<vmem>>) semaphore(%arg14 : memref<!tpu.dma_semaphore, #tpu.memory_space<semaphore_mem>>)
      %dma_start3A_413 = arith.constant 1 : i32
      %dma_start3A_414 = arith.constant 128 : i32
      %dma_start3A_415 = arith.constant 0 : i32
      %dma_start3A_416 = tpu.memref_slice %arg10[%dma_start3A_414, %dma_start3A_415] : memref<256x128xf32, #tpu.memory_space<vmem>> -> memref<128x128xf32, #tpu.memory_space<vmem>>
      %dma_start3A_417 = arith.constant 0 : i32
      %dma_start3A_418 = tpu.memref_slice %arg8[%dma_start3A_413, %dma_start3A_417] : memref<2x128xi32, #tpu.memory_space<vmem>> -> memref<1x128xi32, #tpu.memory_space<vmem>>
      %dma_start3A_419 = tpu.memref_squeeze %dma_start3A_418 : memref<1x128xi32, #tpu.memory_space<vmem>> -> memref<128xi32, #tpu.memory_space<vmem>>
      %dma_start3A_420 = arith.constant 0 : i32
      %dma_start3A_421 = arith.constant 0 : i32
      %dma_start3A_422 = tpu.memref_slice %arg3[%dma_start3A_420, %dma_start3A_421] : memref<1000000x128xf32, #tpu.memory_space<hbm>> -> memref<1000000x128xf32, #tpu.memory_space<hbm>>
      tpu.enqueue_indirect_dma source(%dma_start3A_422 : memref<1000000x128xf32, #tpu.memory_space<hbm>>) target(%dma_start3A_416 : memref<128x128xf32, #tpu.memory_space<vmem>>) offsets(%dma_start3A_419 : memref<128xi32, #tpu.memory_space<vmem>>) semaphore(%arg14 : memref<!tpu.dma_semaphore, #tpu.memory_space<semaphore_mem>>)
      %dma_wait3A_423 = arith.constant 0 : i32
      %dma_wait3A_424 = arith.constant 0 : i32
      %dma_wait3A_425 = arith.constant 0 : i32
      %dma_wait3A_426 = tpu.memref_slice %arg9[%dma_wait3A_424, %dma_wait3A_425] : memref<256x128xf32, #tpu.memory_space<vmem>> -> memref<128x128xf32, #tpu.memory_space<vmem>>
      %dma_wait3A_427 = arith.constant 0 : i32
      %dma_wait3A_428 = tpu.memref_slice %arg7[%dma_wait3A_423, %dma_wait3A_427] : memref<2x128xi32, #tpu.memory_space<vmem>> -> memref<1x128xi32, #tpu.memory_space<vmem>>
      %dma_wait3A_429 = tpu.memref_squeeze %dma_wait3A_428 : memref<1x128xi32, #tpu.memory_space<vmem>> -> memref<128xi32, #tpu.memory_space<vmem>>
      %dma_wait3A_430 = arith.constant 0 : i32
      %dma_wait3A_431 = arith.constant 0 : i32
      %dma_wait3A_432 = tpu.memref_slice %arg3[%dma_wait3A_430, %dma_wait3A_431] : memref<1000000x128xf32, #tpu.memory_space<hbm>> -> memref<1000000x128xf32, #tpu.memory_space<hbm>>
      tpu.wait_indirect_dma semaphore(%arg13 : memref<!tpu.dma_semaphore, #tpu.memory_space<semaphore_mem>>) src(%dma_wait3A_432 : memref<1000000x128xf32, #tpu.memory_space<hbm>>) dst(%dma_wait3A_426 : memref<128x128xf32, #tpu.memory_space<vmem>>)
      %dma_wait3A_433 = arith.constant 1 : i32
      %dma_wait3A_434 = arith.constant 128 : i32
      %dma_wait3A_435 = arith.constant 0 : i32
      %dma_wait3A_436 = tpu.memref_slice %arg9[%dma_wait3A_434, %dma_wait3A_435] : memref<256x128xf32, #tpu.memory_space<vmem>> -> memref<128x128xf32, #tpu.memory_space<vmem>>
      %dma_wait3A_437 = arith.constant 0 : i32
      %dma_wait3A_438 = tpu.memref_slice %arg7[%dma_wait3A_433, %dma_wait3A_437] : memref<2x128xi32, #tpu.memory_space<vmem>> -> memref<1x128xi32, #tpu.memory_space<vmem>>
      %dma_wait3A_439 = tpu.memref_squeeze %dma_wait3A_438 : memref<1x128xi32, #tpu.memory_space<vmem>> -> memref<128xi32, #tpu.memory_space<vmem>>
      %dma_wait3A_440 = arith.constant 0 : i32
      %dma_wait3A_441 = arith.constant 0 : i32
      %dma_wait3A_442 = tpu.memref_slice %arg3[%dma_wait3A_440, %dma_wait3A_441] : memref<1000000x128xf32, #tpu.memory_space<hbm>> -> memref<1000000x128xf32, #tpu.memory_space<hbm>>
      tpu.wait_indirect_dma semaphore(%arg13 : memref<!tpu.dma_semaphore, #tpu.memory_space<semaphore_mem>>) src(%dma_wait3A_442 : memref<1000000x128xf32, #tpu.memory_space<hbm>>) dst(%dma_wait3A_436 : memref<128x128xf32, #tpu.memory_space<vmem>>)
      %mul3A_443 = arith.constant 2 : i32
      %mul3A_444 = arith.muli %mul3A_443, %scan3A_392 : i32
      %dma_wait3A_445 = arith.constant 0 : i32
      %dma_wait3A_446 = arith.constant 0 : i32
      %dma_wait3A_447 = arith.constant 0 : i32
      %dma_wait3A_448 = arith.constant 0 : i32
      %dma_wait3A_449 = tpu.memref_slice %arg11[%dma_wait3A_446, %dma_wait3A_447, %dma_wait3A_448] : memref<8x8x129xf32, #tpu.memory_space<vmem>> -> memref<8x8x128xf32, #tpu.memory_space<vmem>>
      %dma_wait3A_450 = arith.constant 0 : i32
      %dma_wait3A_451 = arith.constant 0 : i32
      %dma_wait3A_452 = arith.constant 0 : i32
      %dma_wait3A_453 = tpu.memref_slice %arg5[%dma_wait3A_445, %dma_wait3A_450, %add3A, %dma_wait3A_451, %dma_wait3A_452] : memref<200x8x32x8x128xf32, #tpu.memory_space<hbm>> -> memref<1x8x1x8x128xf32, #tpu.memory_space<hbm>>
      %dma_wait3A_454 = tpu.memref_squeeze %dma_wait3A_453 : memref<1x8x1x8x128xf32, #tpu.memory_space<hbm>> -> memref<8x8x128xf32, #tpu.memory_space<hbm>>
      %dma_wait3A_455 = arith.constant 0 : i32
      %dma_wait3A_456 = arith.constant 0 : i32
      %dma_wait3A_457 = arith.constant 0 : i32
      %dma_wait3A_458 = tpu.memref_slice %arg5[%dma_wait3A_445, %dma_wait3A_455, %add3A, %dma_wait3A_456, %dma_wait3A_457] : memref<200x8x32x8x128xf32, #tpu.memory_space<hbm>> -> memref<1x8x1x8x128xf32, #tpu.memory_space<hbm>>
      %dma_wait3A_459 = tpu.memref_squeeze %dma_wait3A_458 : memref<1x8x1x8x128xf32, #tpu.memory_space<hbm>> -> memref<8x8x128xf32, #tpu.memory_space<hbm>>
      %dma_wait3A_460 = arith.constant 0 : i32
      %dma_wait3A_461 = arith.constant 0 : i32
      %dma_wait3A_462 = arith.constant 0 : i32
      %dma_wait3A_463 = tpu.memref_slice %arg11[%dma_wait3A_460, %dma_wait3A_461, %dma_wait3A_462] : memref<8x8x129xf32, #tpu.memory_space<vmem>> -> memref<8x8x128xf32, #tpu.memory_space<vmem>>
      tpu.wait_dma2 semaphore(%arg15 : memref<!tpu.dma_semaphore, #tpu.memory_space<semaphore_mem>>) src(%dma_wait3A_463 : memref<8x8x128xf32, #tpu.memory_space<vmem>>) dst(%dma_wait3A_459 : memref<8x8x128xf32, #tpu.memory_space<hbm>>)
      %mul3A_464 = arith.constant 2 : i32
      %mul3A_465 = arith.muli %mul3A_464, %mul3A_444 : i32
      %add3A_466 = arith.constant 0 : i32
      %add3A_467 = arith.addi %mul3A_465, %add3A_466 : i32
      %get3A_468 = arith.index_cast %add3A_467 : i32 to index
      %get3A_469 = arith.constant 0 : index
      %get3A_470 = tpu.vector_load %arg6[%get3A_468, %get3A_469] {strides = array<i32>} : memref<200x64xf32, #tpu.memory_space<vmem>>, vector<16xf32>,
      %get3A_471 = arith.index_cast %add3A_467 : i32 to index
      %get3A_472 = arith.constant 16 : index
      %get3A_473 = tpu.vector_load %arg6[%get3A_471, %get3A_472] {strides = array<i32>} : memref<200x64xf32, #tpu.memory_space<vmem>>, vector<16xf32>,
      %get3A_474 = arith.index_cast %add3A_467 : i32 to index
      %get3A_475 = arith.constant 32 : index
      %get3A_476 = tpu.vector_load %arg6[%get3A_474, %get3A_475] {strides = array<i32>} : memref<200x64xf32, #tpu.memory_space<vmem>>, vector<16xf32>,
      %get3A_477 = arith.index_cast %add3A_467 : i32 to index
      %get3A_478 = arith.constant 48 : index
      %get3A_479 = tpu.vector_load %arg6[%get3A_477, %get3A_478] {strides = array<i32>} : memref<200x64xf32, #tpu.memory_space<vmem>>, vector<16xf32>,
      %scan3A_480 = arith.constant 0 : i32
      %scan3A_481 = arith.constant 128 : i32
      %scan3A_482 = arith.addi %scan3A_480, %scan3A_481 : i32
      %scan3A_483 = arith.constant 8 : i32
      %scan3A_484 = scf.for %scan3A_703 = %scan3A_480 to %scan3A_482 step %scan3A_483 iter_args(%scan3A_704 = %broadcast_in_dim3A_47) -> (vector<16xi32>)  : i32 {
        %add3A_705 = arith.constant 0 : i32
        %add3A_706 = arith.addi %add3A_705, %scan3A_703 : i32
        %get3A_707 = arith.index_cast %add3A_706 : i32 to index
        %get3A_708 = arith.constant 0 : index
        %get3A_709 = tpu.vector_load %arg9[%get3A_707, %get3A_708] {strides = array<i32>} : memref<256x128xf32, #tpu.memory_space<vmem>>, vector<16xf32>,
        %get3A_710 = arith.index_cast %add3A_706 : i32 to index
        %get3A_711 = arith.constant 16 : index
        %get3A_712 = tpu.vector_load %arg9[%get3A_710, %get3A_711] {strides = array<i32>} : memref<256x128xf32, #tpu.memory_space<vmem>>, vector<16xf32>,
        %get3A_713 = arith.index_cast %add3A_706 : i32 to index
        %get3A_714 = arith.constant 32 : index
        %get3A_715 = tpu.vector_load %arg9[%get3A_713, %get3A_714] {strides = array<i32>} : memref<256x128xf32, #tpu.memory_space<vmem>>, vector<16xf32>,
        %get3A_716 = arith.index_cast %add3A_706 : i32 to index
        %get3A_717 = arith.constant 48 : index
        %get3A_718 = tpu.vector_load %arg9[%get3A_716, %get3A_717] {strides = array<i32>} : memref<256x128xf32, #tpu.memory_space<vmem>>, vector<16xf32>,
        %add3A_719 = arith.addf %get3A_709, %get3A_470 : vector<16xf32>
        %add3A_720 = arith.addf %get3A_712, %get3A_473 : vector<16xf32>
        %add3A_721 = arith.addf %get3A_715, %get3A_476 : vector<16xf32>
        %add3A_722 = arith.addf %get3A_718, %get3A_479 : vector<16xf32>
        tpu.vector_store_idx %arg11[%shift_right_arithmetic3A_5, %and3A_28, %scan3A_704], %add3A_719 : memref<8x8x129xf32, #tpu.memory_space<vmem>>[vector<16xi32>, vector<16xi32>, vector<16xi32>], vector<16xf32>,
        tpu.vector_store_idx %arg11[%shift_right_arithmetic3A_11, %and3A_34, %scan3A_704], %add3A_720 : memref<8x8x129xf32, #tpu.memory_space<vmem>>[vector<16xi32>, vector<16xi32>, vector<16xi32>], vector<16xf32>,
        tpu.vector_store_idx %arg11[%shift_right_arithmetic3A_17, %and3A_40, %scan3A_704], %add3A_721 : memref<8x8x129xf32, #tpu.memory_space<vmem>>[vector<16xi32>, vector<16xi32>, vector<16xi32>], vector<16xf32>,
        tpu.vector_store_idx %arg11[%shift_right_arithmetic3A_23, %and3A_46, %scan3A_704], %add3A_722 : memref<8x8x129xf32, #tpu.memory_space<vmem>>[vector<16xi32>, vector<16xi32>, vector<16xi32>], vector<16xf32>,
        %add3A_723 = arith.constant 1 : i32
        %add3A_724 = vector.broadcast %add3A_723 : i32 to vector<16xi32>
        %add3A_725 = arith.addi %scan3A_704, %add3A_724 : vector<16xi32>
        %scan3A_726 = arith.constant 1 : i32
        %scan3A_727 = arith.addi %scan3A_703, %scan3A_726 : i32
        %add3A_728 = arith.constant 0 : i32
        %add3A_729 = arith.addi %add3A_728, %scan3A_727 : i32
        %get3A_730 = arith.index_cast %add3A_729 : i32 to index
        %get3A_731 = arith.constant 0 : index
        %get3A_732 = tpu.vector_load %arg9[%get3A_730, %get3A_731] {strides = array<i32>} : memref<256x128xf32, #tpu.memory_space<vmem>>, vector<16xf32>,
        %get3A_733 = arith.index_cast %add3A_729 : i32 to index
        %get3A_734 = arith.constant 16 : index
        %get3A_735 = tpu.vector_load %arg9[%get3A_733, %get3A_734] {strides = array<i32>} : memref<256x128xf32, #tpu.memory_space<vmem>>, vector<16xf32>,
        %get3A_736 = arith.index_cast %add3A_729 : i32 to index
        %get3A_737 = arith.constant 32 : index
        %get3A_738 = tpu.vector_load %arg9[%get3A_736, %get3A_737] {strides = array<i32>} : memref<256x128xf32, #tpu.memory_space<vmem>>, vector<16xf32>,
        %get3A_739 = arith.index_cast %add3A_729 : i32 to index
        %get3A_740 = arith.constant 48 : index
        %get3A_741 = tpu.vector_load %arg9[%get3A_739, %get3A_740] {strides = array<i32>} : memref<256x128xf32, #tpu.memory_space<vmem>>, vector<16xf32>,
        %add3A_742 = arith.addf %get3A_732, %get3A_470 : vector<16xf32>
        %add3A_743 = arith.addf %get3A_735, %get3A_473 : vector<16xf32>
        %add3A_744 = arith.addf %get3A_738, %get3A_476 : vector<16xf32>
        %add3A_745 = arith.addf %get3A_741, %get3A_479 : vector<16xf32>
        tpu.vector_store_idx %arg11[%shift_right_arithmetic3A_5, %and3A_28, %add3A_725], %add3A_742 : memref<8x8x129xf32, #tpu.memory_space<vmem>>[vector<16xi32>, vector<16xi32>, vector<16xi32>], vector<16xf32>,
        tpu.vector_store_idx %arg11[%shift_right_arithmetic3A_11, %and3A_34, %add3A_725], %add3A_743 : memref<8x8x129xf32, #tpu.memory_space<vmem>>[vector<16xi32>, vector<16xi32>, vector<16xi32>], vector<16xf32>,
        tpu.vector_store_idx %arg11[%shift_right_arithmetic3A_17, %and3A_40, %add3A_725], %add3A_744 : memref<8x8x129xf32, #tpu.memory_space<vmem>>[vector<16xi32>, vector<16xi32>, vector<16xi32>], vector<16xf32>,
        tpu.vector_store_idx %arg11[%shift_right_arithmetic3A_23, %and3A_46, %add3A_725], %add3A_745 : memref<8x8x129xf32, #tpu.memory_space<vmem>>[vector<16xi32>, vector<16xi32>, vector<16xi32>], vector<16xf32>,
        %add3A_746 = arith.constant 1 : i32
        %add3A_747 = vector.broadcast %add3A_746 : i32 to vector<16xi32>
        %add3A_748 = arith.addi %add3A_725, %add3A_747 : vector<16xi32>
        %scan3A_749 = arith.constant 2 : i32
        %scan3A_750 = arith.addi %scan3A_703, %scan3A_749 : i32
        %add3A_751 = arith.constant 0 : i32
        %add3A_752 = arith.addi %add3A_751, %scan3A_750 : i32
        %get3A_753 = arith.index_cast %add3A_752 : i32 to index
        %get3A_754 = arith.constant 0 : index
        %get3A_755 = tpu.vector_load %arg9[%get3A_753, %get3A_754] {strides = array<i32>} : memref<256x128xf32, #tpu.memory_space<vmem>>, vector<16xf32>,
        %get3A_756 = arith.index_cast %add3A_752 : i32 to index
        %get3A_757 = arith.constant 16 : index
        %get3A_758 = tpu.vector_load %arg9[%get3A_756, %get3A_757] {strides = array<i32>} : memref<256x128xf32, #tpu.memory_space<vmem>>, vector<16xf32>,
        %get3A_759 = arith.index_cast %add3A_752 : i32 to index
        %get3A_760 = arith.constant 32 : index
        %get3A_761 = tpu.vector_load %arg9[%get3A_759, %get3A_760] {strides = array<i32>} : memref<256x128xf32, #tpu.memory_space<vmem>>, vector<16xf32>,
        %get3A_762 = arith.index_cast %add3A_752 : i32 to index
        %get3A_763 = arith.constant 48 : index
        %get3A_764 = tpu.vector_load %arg9[%get3A_762, %get3A_763] {strides = array<i32>} : memref<256x128xf32, #tpu.memory_space<vmem>>, vector<16xf32>,
        %add3A_765 = arith.addf %get3A_755, %get3A_470 : vector<16xf32>
        %add3A_766 = arith.addf %get3A_758, %get3A_473 : vector<16xf32>
        %add3A_767 = arith.addf %get3A_761, %get3A_476 : vector<16xf32>
        %add3A_768 = arith.addf %get3A_764, %get3A_479 : vector<16xf32>
        tpu.vector_store_idx %arg11[%shift_right_arithmetic3A_5, %and3A_28, %add3A_748], %add3A_765 : memref<8x8x129xf32, #tpu.memory_space<vmem>>[vector<16xi32>, vector<16xi32>, vector<16xi32>], vector<16xf32>,
        tpu.vector_store_idx %arg11[%shift_right_arithmetic3A_11, %and3A_34, %add3A_748], %add3A_766 : memref<8x8x129xf32, #tpu.memory_space<vmem>>[vector<16xi32>, vector<16xi32>, vector<16xi32>], vector<16xf32>,
        tpu.vector_store_idx %arg11[%shift_right_arithmetic3A_17, %and3A_40, %add3A_748], %add3A_767 : memref<8x8x129xf32, #tpu.memory_space<vmem>>[vector<16xi32>, vector<16xi32>, vector<16xi32>], vector<16xf32>,
        tpu.vector_store_idx %arg11[%shift_right_arithmetic3A_23, %and3A_46, %add3A_748], %add3A_768 : memref<8x8x129xf32, #tpu.memory_space<vmem>>[vector<16xi32>, vector<16xi32>, vector<16xi32>], vector<16xf32>,
        %add3A_769 = arith.constant 1 : i32
        %add3A_770 = vector.broadcast %add3A_769 : i32 to vector<16xi32>
        %add3A_771 = arith.addi %add3A_748, %add3A_770 : vector<16xi32>
        %scan3A_772 = arith.constant 3 : i32
        %scan3A_773 = arith.addi %scan3A_703, %scan3A_772 : i32
        %add3A_774 = arith.constant 0 : i32
        %add3A_775 = arith.addi %add3A_774, %scan3A_773 : i32
        %get3A_776 = arith.index_cast %add3A_775 : i32 to index
        %get3A_777 = arith.constant 0 : index
        %get3A_778 = tpu.vector_load %arg9[%get3A_776, %get3A_777] {strides = array<i32>} : memref<256x128xf32, #tpu.memory_space<vmem>>, vector<16xf32>,
        %get3A_779 = arith.index_cast %add3A_775 : i32 to index
        %get3A_780 = arith.constant 16 : index
        %get3A_781 = tpu.vector_load %arg9[%get3A_779, %get3A_780] {strides = array<i32>} : memref<256x128xf32, #tpu.memory_space<vmem>>, vector<16xf32>,
        %get3A_782 = arith.index_cast %add3A_775 : i32 to index
        %get3A_783 = arith.constant 32 : index
        %get3A_784 = tpu.vector_load %arg9[%get3A_782, %get3A_783] {strides = array<i32>} : memref<256x128xf32, #tpu.memory_space<vmem>>, vector<16xf32>,
        %get3A_785 = arith.index_cast %add3A_775 : i32 to index
        %get3A_786 = arith.constant 48 : index
        %get3A_787 = tpu.vector_load %arg9[%get3A_785, %get3A_786] {strides = array<i32>} : memref<256x128xf32, #tpu.memory_space<vmem>>, vector<16xf32>,
        %add3A_788 = arith.addf %get3A_778, %get3A_470 : vector<16xf32>
        %add3A_789 = arith.addf %get3A_781, %get3A_473 : vector<16xf32>
        %add3A_790 = arith.addf %get3A_784, %get3A_476 : vector<16xf32>
        %add3A_791 = arith.addf %get3A_787, %get3A_479 : vector<16xf32>
        tpu.vector_store_idx %arg11[%shift_right_arithmetic3A_5, %and3A_28, %add3A_771], %add3A_788 : memref<8x8x129xf32, #tpu.memory_space<vmem>>[vector<16xi32>, vector<16xi32>, vector<16xi32>], vector<16xf32>,
        tpu.vector_store_idx %arg11[%shift_right_arithmetic3A_11, %and3A_34, %add3A_771], %add3A_789 : memref<8x8x129xf32, #tpu.memory_space<vmem>>[vector<16xi32>, vector<16xi32>, vector<16xi32>], vector<16xf32>,
        tpu.vector_store_idx %arg11[%shift_right_arithmetic3A_17, %and3A_40, %add3A_771], %add3A_790 : memref<8x8x129xf32, #tpu.memory_space<vmem>>[vector<16xi32>, vector<16xi32>, vector<16xi32>], vector<16xf32>,
        tpu.vector_store_idx %arg11[%shift_right_arithmetic3A_23, %and3A_46, %add3A_771], %add3A_791 : memref<8x8x129xf32, #tpu.memory_space<vmem>>[vector<16xi32>, vector<16xi32>, vector<16xi32>], vector<16xf32>,
        %add3A_792 = arith.constant 1 : i32
        %add3A_793 = vector.broadcast %add3A_792 : i32 to vector<16xi32>
        %add3A_794 = arith.addi %add3A_771, %add3A_793 : vector<16xi32>
        %scan3A_795 = arith.constant 4 : i32
        %scan3A_796 = arith.addi %scan3A_703, %scan3A_795 : i32
        %add3A_797 = arith.constant 0 : i32
        %add3A_798 = arith.addi %add3A_797, %scan3A_796 : i32
        %get3A_799 = arith.index_cast %add3A_798 : i32 to index
        %get3A_800 = arith.constant 0 : index
        %get3A_801 = tpu.vector_load %arg9[%get3A_799, %get3A_800] {strides = array<i32>} : memref<256x128xf32, #tpu.memory_space<vmem>>, vector<16xf32>,
        %get3A_802 = arith.index_cast %add3A_798 : i32 to index
        %get3A_803 = arith.constant 16 : index
        %get3A_804 = tpu.vector_load %arg9[%get3A_802, %get3A_803] {strides = array<i32>} : memref<256x128xf32, #tpu.memory_space<vmem>>, vector<16xf32>,
        %get3A_805 = arith.index_cast %add3A_798 : i32 to index
        %get3A_806 = arith.constant 32 : index
        %get3A_807 = tpu.vector_load %arg9[%get3A_805, %get3A_806] {strides = array<i32>} : memref<256x128xf32, #tpu.memory_space<vmem>>, vector<16xf32>,
        %get3A_808 = arith.index_cast %add3A_798 : i32 to index
        %get3A_809 = arith.constant 48 : index
        %get3A_810 = tpu.vector_load %arg9[%get3A_808, %get3A_809] {strides = array<i32>} : memref<256x128xf32, #tpu.memory_space<vmem>>, vector<16xf32>,
        %add3A_811 = arith.addf %get3A_801, %get3A_470 : vector<16xf32>
        %add3A_812 = arith.addf %get3A_804, %get3A_473 : vector<16xf32>
        %add3A_813 = arith.addf %get3A_807, %get3A_476 : vector<16xf32>
        %add3A_814 = arith.addf %get3A_810, %get3A_479 : vector<16xf32>
        tpu.vector_store_idx %arg11[%shift_right_arithmetic3A_5, %and3A_28, %add3A_794], %add3A_811 : memref<8x8x129xf32, #tpu.memory_space<vmem>>[vector<16xi32>, vector<16xi32>, vector<16xi32>], vector<16xf32>,
        tpu.vector_store_idx %arg11[%shift_right_arithmetic3A_11, %and3A_34, %add3A_794], %add3A_812 : memref<8x8x129xf32, #tpu.memory_space<vmem>>[vector<16xi32>, vector<16xi32>, vector<16xi32>], vector<16xf32>,
        tpu.vector_store_idx %arg11[%shift_right_arithmetic3A_17, %and3A_40, %add3A_794], %add3A_813 : memref<8x8x129xf32, #tpu.memory_space<vmem>>[vector<16xi32>, vector<16xi32>, vector<16xi32>], vector<16xf32>,
        tpu.vector_store_idx %arg11[%shift_right_arithmetic3A_23, %and3A_46, %add3A_794], %add3A_814 : memref<8x8x129xf32, #tpu.memory_space<vmem>>[vector<16xi32>, vector<16xi32>, vector<16xi32>], vector<16xf32>,
        %add3A_815 = arith.constant 1 : i32
        %add3A_816 = vector.broadcast %add3A_815 : i32 to vector<16xi32>
        %add3A_817 = arith.addi %add3A_794, %add3A_816 : vector<16xi32>
        %scan3A_818 = arith.constant 5 : i32
        %scan3A_819 = arith.addi %scan3A_703, %scan3A_818 : i32
        %add3A_820 = arith.constant 0 : i32
        %add3A_821 = arith.addi %add3A_820, %scan3A_819 : i32
        %get3A_822 = arith.index_cast %add3A_821 : i32 to index
        %get3A_823 = arith.constant 0 : index
        %get3A_824 = tpu.vector_load %arg9[%get3A_822, %get3A_823] {strides = array<i32>} : memref<256x128xf32, #tpu.memory_space<vmem>>, vector<16xf32>,
        %get3A_825 = arith.index_cast %add3A_821 : i32 to index
        %get3A_826 = arith.constant 16 : index
        %get3A_827 = tpu.vector_load %arg9[%get3A_825, %get3A_826] {strides = array<i32>} : memref<256x128xf32, #tpu.memory_space<vmem>>, vector<16xf32>,
        %get3A_828 = arith.index_cast %add3A_821 : i32 to index
        %get3A_829 = arith.constant 32 : index
        %get3A_830 = tpu.vector_load %arg9[%get3A_828, %get3A_829] {strides = array<i32>} : memref<256x128xf32, #tpu.memory_space<vmem>>, vector<16xf32>,
        %get3A_831 = arith.index_cast %add3A_821 : i32 to index
        %get3A_832 = arith.constant 48 : index
        %get3A_833 = tpu.vector_load %arg9[%get3A_831, %get3A_832] {strides = array<i32>} : memref<256x128xf32, #tpu.memory_space<vmem>>, vector<16xf32>,
        %add3A_834 = arith.addf %get3A_824, %get3A_470 : vector<16xf32>
        %add3A_835 = arith.addf %get3A_827, %get3A_473 : vector<16xf32>
        %add3A_836 = arith.addf %get3A_830, %get3A_476 : vector<16xf32>
        %add3A_837 = arith.addf %get3A_833, %get3A_479 : vector<16xf32>
        tpu.vector_store_idx %arg11[%shift_right_arithmetic3A_5, %and3A_28, %add3A_817], %add3A_834 : memref<8x8x129xf32, #tpu.memory_space<vmem>>[vector<16xi32>, vector<16xi32>, vector<16xi32>], vector<16xf32>,
        tpu.vector_store_idx %arg11[%shift_right_arithmetic3A_11, %and3A_34, %add3A_817], %add3A_835 : memref<8x8x129xf32, #tpu.memory_space<vmem>>[vector<16xi32>, vector<16xi32>, vector<16xi32>], vector<16xf32>,
        tpu.vector_store_idx %arg11[%shift_right_arithmetic3A_17, %and3A_40, %add3A_817], %add3A_836 : memref<8x8x129xf32, #tpu.memory_space<vmem>>[vector<16xi32>, vector<16xi32>, vector<16xi32>], vector<16xf32>,
        tpu.vector_store_idx %arg11[%shift_right_arithmetic3A_23, %and3A_46, %add3A_817], %add3A_837 : memref<8x8x129xf32, #tpu.memory_space<vmem>>[vector<16xi32>, vector<16xi32>, vector<16xi32>], vector<16xf32>,
        %add3A_838 = arith.constant 1 : i32
        %add3A_839 = vector.broadcast %add3A_838 : i32 to vector<16xi32>
        %add3A_840 = arith.addi %add3A_817, %add3A_839 : vector<16xi32>
        %scan3A_841 = arith.constant 6 : i32
        %scan3A_842 = arith.addi %scan3A_703, %scan3A_841 : i32
        %add3A_843 = arith.constant 0 : i32
        %add3A_844 = arith.addi %add3A_843, %scan3A_842 : i32
        %get3A_845 = arith.index_cast %add3A_844 : i32 to index
        %get3A_846 = arith.constant 0 : index
        %get3A_847 = tpu.vector_load %arg9[%get3A_845, %get3A_846] {strides = array<i32>} : memref<256x128xf32, #tpu.memory_space<vmem>>, vector<16xf32>,
        %get3A_848 = arith.index_cast %add3A_844 : i32 to index
        %get3A_849 = arith.constant 16 : index
        %get3A_850 = tpu.vector_load %arg9[%get3A_848, %get3A_849] {strides = array<i32>} : memref<256x128xf32, #tpu.memory_space<vmem>>, vector<16xf32>,
        %get3A_851 = arith.index_cast %add3A_844 : i32 to index
        %get3A_852 = arith.constant 32 : index
        %get3A_853 = tpu.vector_load %arg9[%get3A_851, %get3A_852] {strides = array<i32>} : memref<256x128xf32, #tpu.memory_space<vmem>>, vector<16xf32>,
        %get3A_854 = arith.index_cast %add3A_844 : i32 to index
        %get3A_855 = arith.constant 48 : index
        %get3A_856 = tpu.vector_load %arg9[%get3A_854, %get3A_855] {strides = array<i32>} : memref<256x128xf32, #tpu.memory_space<vmem>>, vector<16xf32>,
        %add3A_857 = arith.addf %get3A_847, %get3A_470 : vector<16xf32>
        %add3A_858 = arith.addf %get3A_850, %get3A_473 : vector<16xf32>
        %add3A_859 = arith.addf %get3A_853, %get3A_476 : vector<16xf32>
        %add3A_860 = arith.addf %get3A_856, %get3A_479 : vector<16xf32>
        tpu.vector_store_idx %arg11[%shift_right_arithmetic3A_5, %and3A_28, %add3A_840], %add3A_857 : memref<8x8x129xf32, #tpu.memory_space<vmem>>[vector<16xi32>, vector<16xi32>, vector<16xi32>], vector<16xf32>,
        tpu.vector_store_idx %arg11[%shift_right_arithmetic3A_11, %and3A_34, %add3A_840], %add3A_858 : memref<8x8x129xf32, #tpu.memory_space<vmem>>[vector<16xi32>, vector<16xi32>, vector<16xi32>], vector<16xf32>,
        tpu.vector_store_idx %arg11[%shift_right_arithmetic3A_17, %and3A_40, %add3A_840], %add3A_859 : memref<8x8x129xf32, #tpu.memory_space<vmem>>[vector<16xi32>, vector<16xi32>, vector<16xi32>], vector<16xf32>,
        tpu.vector_store_idx %arg11[%shift_right_arithmetic3A_23, %and3A_46, %add3A_840], %add3A_860 : memref<8x8x129xf32, #tpu.memory_space<vmem>>[vector<16xi32>, vector<16xi32>, vector<16xi32>], vector<16xf32>,
        %add3A_861 = arith.constant 1 : i32
        %add3A_862 = vector.broadcast %add3A_861 : i32 to vector<16xi32>
        %add3A_863 = arith.addi %add3A_840, %add3A_862 : vector<16xi32>
        %scan3A_864 = arith.constant 7 : i32
        %scan3A_865 = arith.addi %scan3A_703, %scan3A_864 : i32
        %add3A_866 = arith.constant 0 : i32
        %add3A_867 = arith.addi %add3A_866, %scan3A_865 : i32
        %get3A_868 = arith.index_cast %add3A_867 : i32 to index
        %get3A_869 = arith.constant 0 : index
        %get3A_870 = tpu.vector_load %arg9[%get3A_868, %get3A_869] {strides = array<i32>} : memref<256x128xf32, #tpu.memory_space<vmem>>, vector<16xf32>,
        %get3A_871 = arith.index_cast %add3A_867 : i32 to index
        %get3A_872 = arith.constant 16 : index
        %get3A_873 = tpu.vector_load %arg9[%get3A_871, %get3A_872] {strides = array<i32>} : memref<256x128xf32, #tpu.memory_space<vmem>>, vector<16xf32>,
        %get3A_874 = arith.index_cast %add3A_867 : i32 to index
        %get3A_875 = arith.constant 32 : index
        %get3A_876 = tpu.vector_load %arg9[%get3A_874, %get3A_875] {strides = array<i32>} : memref<256x128xf32, #tpu.memory_space<vmem>>, vector<16xf32>,
        %get3A_877 = arith.index_cast %add3A_867 : i32 to index
        %get3A_878 = arith.constant 48 : index
        %get3A_879 = tpu.vector_load %arg9[%get3A_877, %get3A_878] {strides = array<i32>} : memref<256x128xf32, #tpu.memory_space<vmem>>, vector<16xf32>,
        %add3A_880 = arith.addf %get3A_870, %get3A_470 : vector<16xf32>
        %add3A_881 = arith.addf %get3A_873, %get3A_473 : vector<16xf32>
        %add3A_882 = arith.addf %get3A_876, %get3A_476 : vector<16xf32>
        %add3A_883 = arith.addf %get3A_879, %get3A_479 : vector<16xf32>
        tpu.vector_store_idx %arg11[%shift_right_arithmetic3A_5, %and3A_28, %add3A_863], %add3A_880 : memref<8x8x129xf32, #tpu.memory_space<vmem>>[vector<16xi32>, vector<16xi32>, vector<16xi32>], vector<16xf32>,
        tpu.vector_store_idx %arg11[%shift_right_arithmetic3A_11, %and3A_34, %add3A_863], %add3A_881 : memref<8x8x129xf32, #tpu.memory_space<vmem>>[vector<16xi32>, vector<16xi32>, vector<16xi32>], vector<16xf32>,
        tpu.vector_store_idx %arg11[%shift_right_arithmetic3A_17, %and3A_40, %add3A_863], %add3A_882 : memref<8x8x129xf32, #tpu.memory_space<vmem>>[vector<16xi32>, vector<16xi32>, vector<16xi32>], vector<16xf32>,
        tpu.vector_store_idx %arg11[%shift_right_arithmetic3A_23, %and3A_46, %add3A_863], %add3A_883 : memref<8x8x129xf32, #tpu.memory_space<vmem>>[vector<16xi32>, vector<16xi32>, vector<16xi32>], vector<16xf32>,
        %add3A_884 = arith.constant 1 : i32
        %add3A_885 = vector.broadcast %add3A_884 : i32 to vector<16xi32>
        %add3A_886 = arith.addi %add3A_863, %add3A_885 : vector<16xi32>
        scf.yield %add3A_886 : vector<16xi32>
      }
      %scan3A_485 = arith.constant 128 : i32
      %dma_start3A_486 = arith.constant 0 : i32
      %dma_start3A_487 = arith.constant 0 : i32
      %dma_start3A_488 = arith.constant 0 : i32
      %dma_start3A_489 = tpu.memref_slice %arg11[%dma_start3A_486, %dma_start3A_487, %dma_start3A_488] : memref<8x8x129xf32, #tpu.memory_space<vmem>> -> memref<8x8x128xf32, #tpu.memory_space<vmem>>
      %dma_start3A_490 = arith.constant 0 : i32
      %dma_start3A_491 = arith.constant 0 : i32
      %dma_start3A_492 = arith.constant 0 : i32
      %dma_start3A_493 = tpu.memref_slice %arg5[%add3A_467, %dma_start3A_490, %add3A, %dma_start3A_491, %dma_start3A_492] : memref<200x8x32x8x128xf32, #tpu.memory_space<hbm>> -> memref<1x8x1x8x128xf32, #tpu.memory_space<hbm>>
      %dma_start3A_494 = tpu.memref_squeeze %dma_start3A_493 : memref<1x8x1x8x128xf32, #tpu.memory_space<hbm>> -> memref<8x8x128xf32, #tpu.memory_space<hbm>>
      %dma_start3A_495 = arith.constant 0 : i32
      %dma_start3A_496 = arith.constant 0 : i32
      %dma_start3A_497 = arith.constant 0 : i32
      %dma_start3A_498 = tpu.memref_slice %arg5[%add3A_467, %dma_start3A_495, %add3A, %dma_start3A_496, %dma_start3A_497] : memref<200x8x32x8x128xf32, #tpu.memory_space<hbm>> -> memref<1x8x1x8x128xf32, #tpu.memory_space<hbm>>
      %dma_start3A_499 = tpu.memref_squeeze %dma_start3A_498 : memref<1x8x1x8x128xf32, #tpu.memory_space<hbm>> -> memref<8x8x128xf32, #tpu.memory_space<hbm>>
      %dma_start3A_500 = arith.constant 0 : i32
      %dma_start3A_501 = arith.constant 0 : i32
      %dma_start3A_502 = arith.constant 0 : i32
      %dma_start3A_503 = tpu.memref_slice %arg11[%dma_start3A_500, %dma_start3A_501, %dma_start3A_502] : memref<8x8x129xf32, #tpu.memory_space<vmem>> -> memref<8x8x128xf32, #tpu.memory_space<vmem>>
      tpu.enqueue_dma source(%dma_start3A_503 : memref<8x8x128xf32, #tpu.memory_space<vmem>>) target(%dma_start3A_499 : memref<8x8x128xf32, #tpu.memory_space<hbm>>) target_semaphore(%arg15 : memref<!tpu.dma_semaphore, #tpu.memory_space<semaphore_mem>>)
      %dma_wait3A_504 = arith.constant 0 : i32
      %dma_wait3A_505 = arith.constant 0 : i32
      %dma_wait3A_506 = arith.constant 0 : i32
      %dma_wait3A_507 = arith.constant 0 : i32
      %dma_wait3A_508 = tpu.memref_slice %arg12[%dma_wait3A_505, %dma_wait3A_506, %dma_wait3A_507] : memref<8x8x129xf32, #tpu.memory_space<vmem>> -> memref<8x8x128xf32, #tpu.memory_space<vmem>>
      %dma_wait3A_509 = arith.constant 0 : i32
      %dma_wait3A_510 = arith.constant 0 : i32
      %dma_wait3A_511 = arith.constant 0 : i32
      %dma_wait3A_512 = tpu.memref_slice %arg5[%dma_wait3A_504, %dma_wait3A_509, %add3A, %dma_wait3A_510, %dma_wait3A_511] : memref<200x8x32x8x128xf32, #tpu.memory_space<hbm>> -> memref<1x8x1x8x128xf32, #tpu.memory_space<hbm>>
      %dma_wait3A_513 = tpu.memref_squeeze %dma_wait3A_512 : memref<1x8x1x8x128xf32, #tpu.memory_space<hbm>> -> memref<8x8x128xf32, #tpu.memory_space<hbm>>
      %dma_wait3A_514 = arith.constant 0 : i32
      %dma_wait3A_515 = arith.constant 0 : i32
      %dma_wait3A_516 = arith.constant 0 : i32
      %dma_wait3A_517 = tpu.memref_slice %arg5[%dma_wait3A_504, %dma_wait3A_514, %add3A, %dma_wait3A_515, %dma_wait3A_516] : memref<200x8x32x8x128xf32, #tpu.memory_space<hbm>> -> memref<1x8x1x8x128xf32, #tpu.memory_space<hbm>>
      %dma_wait3A_518 = tpu.memref_squeeze %dma_wait3A_517 : memref<1x8x1x8x128xf32, #tpu.memory_space<hbm>> -> memref<8x8x128xf32, #tpu.memory_space<hbm>>
      %dma_wait3A_519 = arith.constant 0 : i32
      %dma_wait3A_520 = arith.constant 0 : i32
      %dma_wait3A_521 = arith.constant 0 : i32
      %dma_wait3A_522 = tpu.memref_slice %arg12[%dma_wait3A_519, %dma_wait3A_520, %dma_wait3A_521] : memref<8x8x129xf32, #tpu.memory_space<vmem>> -> memref<8x8x128xf32, #tpu.memory_space<vmem>>
      tpu.wait_dma2 semaphore(%arg16 : memref<!tpu.dma_semaphore, #tpu.memory_space<semaphore_mem>>) src(%dma_wait3A_522 : memref<8x8x128xf32, #tpu.memory_space<vmem>>) dst(%dma_wait3A_518 : memref<8x8x128xf32, #tpu.memory_space<hbm>>)
      %mul3A_523 = arith.constant 2 : i32
      %mul3A_524 = arith.muli %mul3A_523, %mul3A_444 : i32
      %add3A_525 = arith.constant 1 : i32
      %add3A_526 = arith.addi %mul3A_524, %add3A_525 : i32
      %get3A_527 = arith.index_cast %add3A_526 : i32 to index
      %get3A_528 = arith.constant 0 : index
      %get3A_529 = tpu.vector_load %arg6[%get3A_527, %get3A_528] {strides = array<i32>} : memref<200x64xf32, #tpu.memory_space<vmem>>, vector<16xf32>,
      %get3A_530 = arith.index_cast %add3A_526 : i32 to index
      %get3A_531 = arith.constant 16 : index
      %get3A_532 = tpu.vector_load %arg6[%get3A_530, %get3A_531] {strides = array<i32>} : memref<200x64xf32, #tpu.memory_space<vmem>>, vector<16xf32>,
      %get3A_533 = arith.index_cast %add3A_526 : i32 to index
      %get3A_534 = arith.constant 32 : index
      %get3A_535 = tpu.vector_load %arg6[%get3A_533, %get3A_534] {strides = array<i32>} : memref<200x64xf32, #tpu.memory_space<vmem>>, vector<16xf32>,
      %get3A_536 = arith.index_cast %add3A_526 : i32 to index
      %get3A_537 = arith.constant 48 : index
      %get3A_538 = tpu.vector_load %arg6[%get3A_536, %get3A_537] {strides = array<i32>} : memref<200x64xf32, #tpu.memory_space<vmem>>, vector<16xf32>,
      %scan3A_539 = arith.constant 0 : i32
      %scan3A_540 = arith.constant 128 : i32
      %scan3A_541 = arith.addi %scan3A_539, %scan3A_540 : i32
      %scan3A_542 = arith.constant 8 : i32
      %scan3A_543 = scf.for %scan3A_703 = %scan3A_539 to %scan3A_541 step %scan3A_542 iter_args(%scan3A_704 = %broadcast_in_dim3A_47) -> (vector<16xi32>)  : i32 {
        %add3A_705 = arith.constant 128 : i32
        %add3A_706 = arith.addi %add3A_705, %scan3A_703 : i32
        %get3A_707 = arith.index_cast %add3A_706 : i32 to index
        %get3A_708 = arith.constant 0 : index
        %get3A_709 = tpu.vector_load %arg9[%get3A_707, %get3A_708] {strides = array<i32>} : memref<256x128xf32, #tpu.memory_space<vmem>>, vector<16xf32>,
        %get3A_710 = arith.index_cast %add3A_706 : i32 to index
        %get3A_711 = arith.constant 16 : index
        %get3A_712 = tpu.vector_load %arg9[%get3A_710, %get3A_711] {strides = array<i32>} : memref<256x128xf32, #tpu.memory_space<vmem>>, vector<16xf32>,
        %get3A_713 = arith.index_cast %add3A_706 : i32 to index
        %get3A_714 = arith.constant 32 : index
        %get3A_715 = tpu.vector_load %arg9[%get3A_713, %get3A_714] {strides = array<i32>} : memref<256x128xf32, #tpu.memory_space<vmem>>, vector<16xf32>,
        %get3A_716 = arith.index_cast %add3A_706 : i32 to index
        %get3A_717 = arith.constant 48 : index
        %get3A_718 = tpu.vector_load %arg9[%get3A_716, %get3A_717] {strides = array<i32>} : memref<256x128xf32, #tpu.memory_space<vmem>>, vector<16xf32>,
        %add3A_719 = arith.addf %get3A_709, %get3A_529 : vector<16xf32>
        %add3A_720 = arith.addf %get3A_712, %get3A_532 : vector<16xf32>
        %add3A_721 = arith.addf %get3A_715, %get3A_535 : vector<16xf32>
        %add3A_722 = arith.addf %get3A_718, %get3A_538 : vector<16xf32>
        tpu.vector_store_idx %arg12[%shift_right_arithmetic3A_5, %and3A_28, %scan3A_704], %add3A_719 : memref<8x8x129xf32, #tpu.memory_space<vmem>>[vector<16xi32>, vector<16xi32>, vector<16xi32>], vector<16xf32>,
        tpu.vector_store_idx %arg12[%shift_right_arithmetic3A_11, %and3A_34, %scan3A_704], %add3A_720 : memref<8x8x129xf32, #tpu.memory_space<vmem>>[vector<16xi32>, vector<16xi32>, vector<16xi32>], vector<16xf32>,
        tpu.vector_store_idx %arg12[%shift_right_arithmetic3A_17, %and3A_40, %scan3A_704], %add3A_721 : memref<8x8x129xf32, #tpu.memory_space<vmem>>[vector<16xi32>, vector<16xi32>, vector<16xi32>], vector<16xf32>,
        tpu.vector_store_idx %arg12[%shift_right_arithmetic3A_23, %and3A_46, %scan3A_704], %add3A_722 : memref<8x8x129xf32, #tpu.memory_space<vmem>>[vector<16xi32>, vector<16xi32>, vector<16xi32>], vector<16xf32>,
        %add3A_723 = arith.constant 1 : i32
        %add3A_724 = vector.broadcast %add3A_723 : i32 to vector<16xi32>
        %add3A_725 = arith.addi %scan3A_704, %add3A_724 : vector<16xi32>
        %scan3A_726 = arith.constant 1 : i32
        %scan3A_727 = arith.addi %scan3A_703, %scan3A_726 : i32
        %add3A_728 = arith.constant 128 : i32
        %add3A_729 = arith.addi %add3A_728, %scan3A_727 : i32
        %get3A_730 = arith.index_cast %add3A_729 : i32 to index
        %get3A_731 = arith.constant 0 : index
        %get3A_732 = tpu.vector_load %arg9[%get3A_730, %get3A_731] {strides = array<i32>} : memref<256x128xf32, #tpu.memory_space<vmem>>, vector<16xf32>,
        %get3A_733 = arith.index_cast %add3A_729 : i32 to index
        %get3A_734 = arith.constant 16 : index
        %get3A_735 = tpu.vector_load %arg9[%get3A_733, %get3A_734] {strides = array<i32>} : memref<256x128xf32, #tpu.memory_space<vmem>>, vector<16xf32>,
        %get3A_736 = arith.index_cast %add3A_729 : i32 to index
        %get3A_737 = arith.constant 32 : index
        %get3A_738 = tpu.vector_load %arg9[%get3A_736, %get3A_737] {strides = array<i32>} : memref<256x128xf32, #tpu.memory_space<vmem>>, vector<16xf32>,
        %get3A_739 = arith.index_cast %add3A_729 : i32 to index
        %get3A_740 = arith.constant 48 : index
        %get3A_741 = tpu.vector_load %arg9[%get3A_739, %get3A_740] {strides = array<i32>} : memref<256x128xf32, #tpu.memory_space<vmem>>, vector<16xf32>,
        %add3A_742 = arith.addf %get3A_732, %get3A_529 : vector<16xf32>
        %add3A_743 = arith.addf %get3A_735, %get3A_532 : vector<16xf32>
        %add3A_744 = arith.addf %get3A_738, %get3A_535 : vector<16xf32>
        %add3A_745 = arith.addf %get3A_741, %get3A_538 : vector<16xf32>
        tpu.vector_store_idx %arg12[%shift_right_arithmetic3A_5, %and3A_28, %add3A_725], %add3A_742 : memref<8x8x129xf32, #tpu.memory_space<vmem>>[vector<16xi32>, vector<16xi32>, vector<16xi32>], vector<16xf32>,
        tpu.vector_store_idx %arg12[%shift_right_arithmetic3A_11, %and3A_34, %add3A_725], %add3A_743 : memref<8x8x129xf32, #tpu.memory_space<vmem>>[vector<16xi32>, vector<16xi32>, vector<16xi32>], vector<16xf32>,
        tpu.vector_store_idx %arg12[%shift_right_arithmetic3A_17, %and3A_40, %add3A_725], %add3A_744 : memref<8x8x129xf32, #tpu.memory_space<vmem>>[vector<16xi32>, vector<16xi32>, vector<16xi32>], vector<16xf32>,
        tpu.vector_store_idx %arg12[%shift_right_arithmetic3A_23, %and3A_46, %add3A_725], %add3A_745 : memref<8x8x129xf32, #tpu.memory_space<vmem>>[vector<16xi32>, vector<16xi32>, vector<16xi32>], vector<16xf32>,
        %add3A_746 = arith.constant 1 : i32
        %add3A_747 = vector.broadcast %add3A_746 : i32 to vector<16xi32>
        %add3A_748 = arith.addi %add3A_725, %add3A_747 : vector<16xi32>
        %scan3A_749 = arith.constant 2 : i32
        %scan3A_750 = arith.addi %scan3A_703, %scan3A_749 : i32
        %add3A_751 = arith.constant 128 : i32
        %add3A_752 = arith.addi %add3A_751, %scan3A_750 : i32
        %get3A_753 = arith.index_cast %add3A_752 : i32 to index
        %get3A_754 = arith.constant 0 : index
        %get3A_755 = tpu.vector_load %arg9[%get3A_753, %get3A_754] {strides = array<i32>} : memref<256x128xf32, #tpu.memory_space<vmem>>, vector<16xf32>,
        %get3A_756 = arith.index_cast %add3A_752 : i32 to index
        %get3A_757 = arith.constant 16 : index
        %get3A_758 = tpu.vector_load %arg9[%get3A_756, %get3A_757] {strides = array<i32>} : memref<256x128xf32, #tpu.memory_space<vmem>>, vector<16xf32>,
        %get3A_759 = arith.index_cast %add3A_752 : i32 to index
        %get3A_760 = arith.constant 32 : index
        %get3A_761 = tpu.vector_load %arg9[%get3A_759, %get3A_760] {strides = array<i32>} : memref<256x128xf32, #tpu.memory_space<vmem>>, vector<16xf32>,
        %get3A_762 = arith.index_cast %add3A_752 : i32 to index
        %get3A_763 = arith.constant 48 : index
        %get3A_764 = tpu.vector_load %arg9[%get3A_762, %get3A_763] {strides = array<i32>} : memref<256x128xf32, #tpu.memory_space<vmem>>, vector<16xf32>,
        %add3A_765 = arith.addf %get3A_755, %get3A_529 : vector<16xf32>
        %add3A_766 = arith.addf %get3A_758, %get3A_532 : vector<16xf32>
        %add3A_767 = arith.addf %get3A_761, %get3A_535 : vector<16xf32>
        %add3A_768 = arith.addf %get3A_764, %get3A_538 : vector<16xf32>
        tpu.vector_store_idx %arg12[%shift_right_arithmetic3A_5, %and3A_28, %add3A_748], %add3A_765 : memref<8x8x129xf32, #tpu.memory_space<vmem>>[vector<16xi32>, vector<16xi32>, vector<16xi32>], vector<16xf32>,
        tpu.vector_store_idx %arg12[%shift_right_arithmetic3A_11, %and3A_34, %add3A_748], %add3A_766 : memref<8x8x129xf32, #tpu.memory_space<vmem>>[vector<16xi32>, vector<16xi32>, vector<16xi32>], vector<16xf32>,
        tpu.vector_store_idx %arg12[%shift_right_arithmetic3A_17, %and3A_40, %add3A_748], %add3A_767 : memref<8x8x129xf32, #tpu.memory_space<vmem>>[vector<16xi32>, vector<16xi32>, vector<16xi32>], vector<16xf32>,
        tpu.vector_store_idx %arg12[%shift_right_arithmetic3A_23, %and3A_46, %add3A_748], %add3A_768 : memref<8x8x129xf32, #tpu.memory_space<vmem>>[vector<16xi32>, vector<16xi32>, vector<16xi32>], vector<16xf32>,
        %add3A_769 = arith.constant 1 : i32
        %add3A_770 = vector.broadcast %add3A_769 : i32 to vector<16xi32>
        %add3A_771 = arith.addi %add3A_748, %add3A_770 : vector<16xi32>
        %scan3A_772 = arith.constant 3 : i32
        %scan3A_773 = arith.addi %scan3A_703, %scan3A_772 : i32
        %add3A_774 = arith.constant 128 : i32
        %add3A_775 = arith.addi %add3A_774, %scan3A_773 : i32
        %get3A_776 = arith.index_cast %add3A_775 : i32 to index
        %get3A_777 = arith.constant 0 : index
        %get3A_778 = tpu.vector_load %arg9[%get3A_776, %get3A_777] {strides = array<i32>} : memref<256x128xf32, #tpu.memory_space<vmem>>, vector<16xf32>,
        %get3A_779 = arith.index_cast %add3A_775 : i32 to index
        %get3A_780 = arith.constant 16 : index
        %get3A_781 = tpu.vector_load %arg9[%get3A_779, %get3A_780] {strides = array<i32>} : memref<256x128xf32, #tpu.memory_space<vmem>>, vector<16xf32>,
        %get3A_782 = arith.index_cast %add3A_775 : i32 to index
        %get3A_783 = arith.constant 32 : index
        %get3A_784 = tpu.vector_load %arg9[%get3A_782, %get3A_783] {strides = array<i32>} : memref<256x128xf32, #tpu.memory_space<vmem>>, vector<16xf32>,
        %get3A_785 = arith.index_cast %add3A_775 : i32 to index
        %get3A_786 = arith.constant 48 : index
        %get3A_787 = tpu.vector_load %arg9[%get3A_785, %get3A_786] {strides = array<i32>} : memref<256x128xf32, #tpu.memory_space<vmem>>, vector<16xf32>,
        %add3A_788 = arith.addf %get3A_778, %get3A_529 : vector<16xf32>
        %add3A_789 = arith.addf %get3A_781, %get3A_532 : vector<16xf32>
        %add3A_790 = arith.addf %get3A_784, %get3A_535 : vector<16xf32>
        %add3A_791 = arith.addf %get3A_787, %get3A_538 : vector<16xf32>
        tpu.vector_store_idx %arg12[%shift_right_arithmetic3A_5, %and3A_28, %add3A_771], %add3A_788 : memref<8x8x129xf32, #tpu.memory_space<vmem>>[vector<16xi32>, vector<16xi32>, vector<16xi32>], vector<16xf32>,
        tpu.vector_store_idx %arg12[%shift_right_arithmetic3A_11, %and3A_34, %add3A_771], %add3A_789 : memref<8x8x129xf32, #tpu.memory_space<vmem>>[vector<16xi32>, vector<16xi32>, vector<16xi32>], vector<16xf32>,
        tpu.vector_store_idx %arg12[%shift_right_arithmetic3A_17, %and3A_40, %add3A_771], %add3A_790 : memref<8x8x129xf32, #tpu.memory_space<vmem>>[vector<16xi32>, vector<16xi32>, vector<16xi32>], vector<16xf32>,
        tpu.vector_store_idx %arg12[%shift_right_arithmetic3A_23, %and3A_46, %add3A_771], %add3A_791 : memref<8x8x129xf32, #tpu.memory_space<vmem>>[vector<16xi32>, vector<16xi32>, vector<16xi32>], vector<16xf32>,
        %add3A_792 = arith.constant 1 : i32
        %add3A_793 = vector.broadcast %add3A_792 : i32 to vector<16xi32>
        %add3A_794 = arith.addi %add3A_771, %add3A_793 : vector<16xi32>
        %scan3A_795 = arith.constant 4 : i32
        %scan3A_796 = arith.addi %scan3A_703, %scan3A_795 : i32
        %add3A_797 = arith.constant 128 : i32
        %add3A_798 = arith.addi %add3A_797, %scan3A_796 : i32
        %get3A_799 = arith.index_cast %add3A_798 : i32 to index
        %get3A_800 = arith.constant 0 : index
        %get3A_801 = tpu.vector_load %arg9[%get3A_799, %get3A_800] {strides = array<i32>} : memref<256x128xf32, #tpu.memory_space<vmem>>, vector<16xf32>,
        %get3A_802 = arith.index_cast %add3A_798 : i32 to index
        %get3A_803 = arith.constant 16 : index
        %get3A_804 = tpu.vector_load %arg9[%get3A_802, %get3A_803] {strides = array<i32>} : memref<256x128xf32, #tpu.memory_space<vmem>>, vector<16xf32>,
        %get3A_805 = arith.index_cast %add3A_798 : i32 to index
        %get3A_806 = arith.constant 32 : index
        %get3A_807 = tpu.vector_load %arg9[%get3A_805, %get3A_806] {strides = array<i32>} : memref<256x128xf32, #tpu.memory_space<vmem>>, vector<16xf32>,
        %get3A_808 = arith.index_cast %add3A_798 : i32 to index
        %get3A_809 = arith.constant 48 : index
        %get3A_810 = tpu.vector_load %arg9[%get3A_808, %get3A_809] {strides = array<i32>} : memref<256x128xf32, #tpu.memory_space<vmem>>, vector<16xf32>,
        %add3A_811 = arith.addf %get3A_801, %get3A_529 : vector<16xf32>
        %add3A_812 = arith.addf %get3A_804, %get3A_532 : vector<16xf32>
        %add3A_813 = arith.addf %get3A_807, %get3A_535 : vector<16xf32>
        %add3A_814 = arith.addf %get3A_810, %get3A_538 : vector<16xf32>
        tpu.vector_store_idx %arg12[%shift_right_arithmetic3A_5, %and3A_28, %add3A_794], %add3A_811 : memref<8x8x129xf32, #tpu.memory_space<vmem>>[vector<16xi32>, vector<16xi32>, vector<16xi32>], vector<16xf32>,
        tpu.vector_store_idx %arg12[%shift_right_arithmetic3A_11, %and3A_34, %add3A_794], %add3A_812 : memref<8x8x129xf32, #tpu.memory_space<vmem>>[vector<16xi32>, vector<16xi32>, vector<16xi32>], vector<16xf32>,
        tpu.vector_store_idx %arg12[%shift_right_arithmetic3A_17, %and3A_40, %add3A_794], %add3A_813 : memref<8x8x129xf32, #tpu.memory_space<vmem>>[vector<16xi32>, vector<16xi32>, vector<16xi32>], vector<16xf32>,
        tpu.vector_store_idx %arg12[%shift_right_arithmetic3A_23, %and3A_46, %add3A_794], %add3A_814 : memref<8x8x129xf32, #tpu.memory_space<vmem>>[vector<16xi32>, vector<16xi32>, vector<16xi32>], vector<16xf32>,
        %add3A_815 = arith.constant 1 : i32
        %add3A_816 = vector.broadcast %add3A_815 : i32 to vector<16xi32>
        %add3A_817 = arith.addi %add3A_794, %add3A_816 : vector<16xi32>
        %scan3A_818 = arith.constant 5 : i32
        %scan3A_819 = arith.addi %scan3A_703, %scan3A_818 : i32
        %add3A_820 = arith.constant 128 : i32
        %add3A_821 = arith.addi %add3A_820, %scan3A_819 : i32
        %get3A_822 = arith.index_cast %add3A_821 : i32 to index
        %get3A_823 = arith.constant 0 : index
        %get3A_824 = tpu.vector_load %arg9[%get3A_822, %get3A_823] {strides = array<i32>} : memref<256x128xf32, #tpu.memory_space<vmem>>, vector<16xf32>,
        %get3A_825 = arith.index_cast %add3A_821 : i32 to index
        %get3A_826 = arith.constant 16 : index
        %get3A_827 = tpu.vector_load %arg9[%get3A_825, %get3A_826] {strides = array<i32>} : memref<256x128xf32, #tpu.memory_space<vmem>>, vector<16xf32>,
        %get3A_828 = arith.index_cast %add3A_821 : i32 to index
        %get3A_829 = arith.constant 32 : index
        %get3A_830 = tpu.vector_load %arg9[%get3A_828, %get3A_829] {strides = array<i32>} : memref<256x128xf32, #tpu.memory_space<vmem>>, vector<16xf32>,
        %get3A_831 = arith.index_cast %add3A_821 : i32 to index
        %get3A_832 = arith.constant 48 : index
        %get3A_833 = tpu.vector_load %arg9[%get3A_831, %get3A_832] {strides = array<i32>} : memref<256x128xf32, #tpu.memory_space<vmem>>, vector<16xf32>,
        %add3A_834 = arith.addf %get3A_824, %get3A_529 : vector<16xf32>
        %add3A_835 = arith.addf %get3A_827, %get3A_532 : vector<16xf32>
        %add3A_836 = arith.addf %get3A_830, %get3A_535 : vector<16xf32>
        %add3A_837 = arith.addf %get3A_833, %get3A_538 : vector<16xf32>
        tpu.vector_store_idx %arg12[%shift_right_arithmetic3A_5, %and3A_28, %add3A_817], %add3A_834 : memref<8x8x129xf32, #tpu.memory_space<vmem>>[vector<16xi32>, vector<16xi32>, vector<16xi32>], vector<16xf32>,
        tpu.vector_store_idx %arg12[%shift_right_arithmetic3A_11, %and3A_34, %add3A_817], %add3A_835 : memref<8x8x129xf32, #tpu.memory_space<vmem>>[vector<16xi32>, vector<16xi32>, vector<16xi32>], vector<16xf32>,
        tpu.vector_store_idx %arg12[%shift_right_arithmetic3A_17, %and3A_40, %add3A_817], %add3A_836 : memref<8x8x129xf32, #tpu.memory_space<vmem>>[vector<16xi32>, vector<16xi32>, vector<16xi32>], vector<16xf32>,
        tpu.vector_store_idx %arg12[%shift_right_arithmetic3A_23, %and3A_46, %add3A_817], %add3A_837 : memref<8x8x129xf32, #tpu.memory_space<vmem>>[vector<16xi32>, vector<16xi32>, vector<16xi32>], vector<16xf32>,
        %add3A_838 = arith.constant 1 : i32
        %add3A_839 = vector.broadcast %add3A_838 : i32 to vector<16xi32>
        %add3A_840 = arith.addi %add3A_817, %add3A_839 : vector<16xi32>
        %scan3A_841 = arith.constant 6 : i32
        %scan3A_842 = arith.addi %scan3A_703, %scan3A_841 : i32
        %add3A_843 = arith.constant 128 : i32
        %add3A_844 = arith.addi %add3A_843, %scan3A_842 : i32
        %get3A_845 = arith.index_cast %add3A_844 : i32 to index
        %get3A_846 = arith.constant 0 : index
        %get3A_847 = tpu.vector_load %arg9[%get3A_845, %get3A_846] {strides = array<i32>} : memref<256x128xf32, #tpu.memory_space<vmem>>, vector<16xf32>,
        %get3A_848 = arith.index_cast %add3A_844 : i32 to index
        %get3A_849 = arith.constant 16 : index
        %get3A_850 = tpu.vector_load %arg9[%get3A_848, %get3A_849] {strides = array<i32>} : memref<256x128xf32, #tpu.memory_space<vmem>>, vector<16xf32>,
        %get3A_851 = arith.index_cast %add3A_844 : i32 to index
        %get3A_852 = arith.constant 32 : index
        %get3A_853 = tpu.vector_load %arg9[%get3A_851, %get3A_852] {strides = array<i32>} : memref<256x128xf32, #tpu.memory_space<vmem>>, vector<16xf32>,
        %get3A_854 = arith.index_cast %add3A_844 : i32 to index
        %get3A_855 = arith.constant 48 : index
        %get3A_856 = tpu.vector_load %arg9[%get3A_854, %get3A_855] {strides = array<i32>} : memref<256x128xf32, #tpu.memory_space<vmem>>, vector<16xf32>,
        %add3A_857 = arith.addf %get3A_847, %get3A_529 : vector<16xf32>
        %add3A_858 = arith.addf %get3A_850, %get3A_532 : vector<16xf32>
        %add3A_859 = arith.addf %get3A_853, %get3A_535 : vector<16xf32>
        %add3A_860 = arith.addf %get3A_856, %get3A_538 : vector<16xf32>
        tpu.vector_store_idx %arg12[%shift_right_arithmetic3A_5, %and3A_28, %add3A_840], %add3A_857 : memref<8x8x129xf32, #tpu.memory_space<vmem>>[vector<16xi32>, vector<16xi32>, vector<16xi32>], vector<16xf32>,
        tpu.vector_store_idx %arg12[%shift_right_arithmetic3A_11, %and3A_34, %add3A_840], %add3A_858 : memref<8x8x129xf32, #tpu.memory_space<vmem>>[vector<16xi32>, vector<16xi32>, vector<16xi32>], vector<16xf32>,
        tpu.vector_store_idx %arg12[%shift_right_arithmetic3A_17, %and3A_40, %add3A_840], %add3A_859 : memref<8x8x129xf32, #tpu.memory_space<vmem>>[vector<16xi32>, vector<16xi32>, vector<16xi32>], vector<16xf32>,
        tpu.vector_store_idx %arg12[%shift_right_arithmetic3A_23, %and3A_46, %add3A_840], %add3A_860 : memref<8x8x129xf32, #tpu.memory_space<vmem>>[vector<16xi32>, vector<16xi32>, vector<16xi32>], vector<16xf32>,
        %add3A_861 = arith.constant 1 : i32
        %add3A_862 = vector.broadcast %add3A_861 : i32 to vector<16xi32>
        %add3A_863 = arith.addi %add3A_840, %add3A_862 : vector<16xi32>
        %scan3A_864 = arith.constant 7 : i32
        %scan3A_865 = arith.addi %scan3A_703, %scan3A_864 : i32
        %add3A_866 = arith.constant 128 : i32
        %add3A_867 = arith.addi %add3A_866, %scan3A_865 : i32
        %get3A_868 = arith.index_cast %add3A_867 : i32 to index
        %get3A_869 = arith.constant 0 : index
        %get3A_870 = tpu.vector_load %arg9[%get3A_868, %get3A_869] {strides = array<i32>} : memref<256x128xf32, #tpu.memory_space<vmem>>, vector<16xf32>,
        %get3A_871 = arith.index_cast %add3A_867 : i32 to index
        %get3A_872 = arith.constant 16 : index
        %get3A_873 = tpu.vector_load %arg9[%get3A_871, %get3A_872] {strides = array<i32>} : memref<256x128xf32, #tpu.memory_space<vmem>>, vector<16xf32>,
        %get3A_874 = arith.index_cast %add3A_867 : i32 to index
        %get3A_875 = arith.constant 32 : index
        %get3A_876 = tpu.vector_load %arg9[%get3A_874, %get3A_875] {strides = array<i32>} : memref<256x128xf32, #tpu.memory_space<vmem>>, vector<16xf32>,
        %get3A_877 = arith.index_cast %add3A_867 : i32 to index
        %get3A_878 = arith.constant 48 : index
        %get3A_879 = tpu.vector_load %arg9[%get3A_877, %get3A_878] {strides = array<i32>} : memref<256x128xf32, #tpu.memory_space<vmem>>, vector<16xf32>,
        %add3A_880 = arith.addf %get3A_870, %get3A_529 : vector<16xf32>
        %add3A_881 = arith.addf %get3A_873, %get3A_532 : vector<16xf32>
        %add3A_882 = arith.addf %get3A_876, %get3A_535 : vector<16xf32>
        %add3A_883 = arith.addf %get3A_879, %get3A_538 : vector<16xf32>
        tpu.vector_store_idx %arg12[%shift_right_arithmetic3A_5, %and3A_28, %add3A_863], %add3A_880 : memref<8x8x129xf32, #tpu.memory_space<vmem>>[vector<16xi32>, vector<16xi32>, vector<16xi32>], vector<16xf32>,
        tpu.vector_store_idx %arg12[%shift_right_arithmetic3A_11, %and3A_34, %add3A_863], %add3A_881 : memref<8x8x129xf32, #tpu.memory_space<vmem>>[vector<16xi32>, vector<16xi32>, vector<16xi32>], vector<16xf32>,
        tpu.vector_store_idx %arg12[%shift_right_arithmetic3A_17, %and3A_40, %add3A_863], %add3A_882 : memref<8x8x129xf32, #tpu.memory_space<vmem>>[vector<16xi32>, vector<16xi32>, vector<16xi32>], vector<16xf32>,
        tpu.vector_store_idx %arg12[%shift_right_arithmetic3A_23, %and3A_46, %add3A_863], %add3A_883 : memref<8x8x129xf32, #tpu.memory_space<vmem>>[vector<16xi32>, vector<16xi32>, vector<16xi32>], vector<16xf32>,
        %add3A_884 = arith.constant 1 : i32
        %add3A_885 = vector.broadcast %add3A_884 : i32 to vector<16xi32>
        %add3A_886 = arith.addi %add3A_863, %add3A_885 : vector<16xi32>
        scf.yield %add3A_886 : vector<16xi32>
      }
      %scan3A_544 = arith.constant 128 : i32
      %dma_start3A_545 = arith.constant 0 : i32
      %dma_start3A_546 = arith.constant 0 : i32
      %dma_start3A_547 = arith.constant 0 : i32
      %dma_start3A_548 = tpu.memref_slice %arg12[%dma_start3A_545, %dma_start3A_546, %dma_start3A_547] : memref<8x8x129xf32, #tpu.memory_space<vmem>> -> memref<8x8x128xf32, #tpu.memory_space<vmem>>
      %dma_start3A_549 = arith.constant 0 : i32
      %dma_start3A_550 = arith.constant 0 : i32
      %dma_start3A_551 = arith.constant 0 : i32
      %dma_start3A_552 = tpu.memref_slice %arg5[%add3A_526, %dma_start3A_549, %add3A, %dma_start3A_550, %dma_start3A_551] : memref<200x8x32x8x128xf32, #tpu.memory_space<hbm>> -> memref<1x8x1x8x128xf32, #tpu.memory_space<hbm>>
      %dma_start3A_553 = tpu.memref_squeeze %dma_start3A_552 : memref<1x8x1x8x128xf32, #tpu.memory_space<hbm>> -> memref<8x8x128xf32, #tpu.memory_space<hbm>>
      %dma_start3A_554 = arith.constant 0 : i32
      %dma_start3A_555 = arith.constant 0 : i32
      %dma_start3A_556 = arith.constant 0 : i32
      %dma_start3A_557 = tpu.memref_slice %arg5[%add3A_526, %dma_start3A_554, %add3A, %dma_start3A_555, %dma_start3A_556] : memref<200x8x32x8x128xf32, #tpu.memory_space<hbm>> -> memref<1x8x1x8x128xf32, #tpu.memory_space<hbm>>
      %dma_start3A_558 = tpu.memref_squeeze %dma_start3A_557 : memref<1x8x1x8x128xf32, #tpu.memory_space<hbm>> -> memref<8x8x128xf32, #tpu.memory_space<hbm>>
      %dma_start3A_559 = arith.constant 0 : i32
      %dma_start3A_560 = arith.constant 0 : i32
      %dma_start3A_561 = arith.constant 0 : i32
      %dma_start3A_562 = tpu.memref_slice %arg12[%dma_start3A_559, %dma_start3A_560, %dma_start3A_561] : memref<8x8x129xf32, #tpu.memory_space<vmem>> -> memref<8x8x128xf32, #tpu.memory_space<vmem>>
      tpu.enqueue_dma source(%dma_start3A_562 : memref<8x8x128xf32, #tpu.memory_space<vmem>>) target(%dma_start3A_558 : memref<8x8x128xf32, #tpu.memory_space<hbm>>) target_semaphore(%arg16 : memref<!tpu.dma_semaphore, #tpu.memory_space<semaphore_mem>>)
      %lt3A = arith.constant 49 : i32
      %lt3A_563 = arith.cmpi slt, %scan3A_392, %lt3A : i32
      %convert_element_type3A = arith.extui %lt3A_563 : i1 to i32
      %cond3A = arith.constant 0 : i32
      %cond3A_564 = arith.cmpi ne, %convert_element_type3A, %cond3A : i32
      scf.if %cond3A_564 {
        %mul3A_703 = arith.constant 2 : i32
        %mul3A_704 = arith.muli %mul3A_703, %scan3A_392 : i32
        %add3A_705 = arith.constant 2 : i32
        %add3A_706 = arith.addi %mul3A_704, %add3A_705 : i32
        %mul3A_707 = arith.constant 2 : i32
        %mul3A_708 = arith.muli %mul3A_707, %add3A_706 : i32
        %shift_right_arithmetic3A_709 = arith.constant 3 : i32
        %shift_right_arithmetic3A_710 = arith.shrsi %mul3A_708, %shift_right_arithmetic3A_709 : i32
        %and3A_711 = arith.constant 7 : i32
        %and3A_712 = arith.andi %mul3A_708, %and3A_711 : i32
        "tpu.region"() ({
          %run_scoped3A_733 = tpu.sem_alloc : memref<!tpu.dma_semaphore, #tpu.memory_space<semaphore_mem>>
          %dma_start3A_734 = arith.constant 0 : i32
          %dma_start3A_735 = tpu.memref_slice %arg2[%shift_right_arithmetic3A_710, %add3A, %and3A_712, %dma_start3A_734] : memref<25x32x8x128xi32, #tpu.memory_space<hbm>> -> memref<1x1x2x128xi32, #tpu.memory_space<hbm>>
          %dma_start3A_736 = tpu.memref_squeeze %dma_start3A_735 : memref<1x1x2x128xi32, #tpu.memory_space<hbm>> -> memref<2x128xi32, #tpu.memory_space<hbm>>
          %dma_start3A_737 = arith.constant 0 : i32
          %dma_start3A_738 = tpu.memref_slice %arg2[%shift_right_arithmetic3A_710, %add3A, %and3A_712, %dma_start3A_737] : memref<25x32x8x128xi32, #tpu.memory_space<hbm>> -> memref<1x1x2x128xi32, #tpu.memory_space<hbm>>
          %dma_start3A_739 = tpu.memref_squeeze %dma_start3A_738 : memref<1x1x2x128xi32, #tpu.memory_space<hbm>> -> memref<2x128xi32, #tpu.memory_space<hbm>>
          tpu.enqueue_dma source(%dma_start3A_739 : memref<2x128xi32, #tpu.memory_space<hbm>>) target(%arg7 : memref<2x128xi32, #tpu.memory_space<vmem>>) target_semaphore(%run_scoped3A_733 : memref<!tpu.dma_semaphore, #tpu.memory_space<semaphore_mem>>)
          %dma_wait3A_740 = arith.constant 0 : i32
          %dma_wait3A_741 = tpu.memref_slice %arg2[%shift_right_arithmetic3A_710, %add3A, %and3A_712, %dma_wait3A_740] : memref<25x32x8x128xi32, #tpu.memory_space<hbm>> -> memref<1x1x2x128xi32, #tpu.memory_space<hbm>>
          %dma_wait3A_742 = tpu.memref_squeeze %dma_wait3A_741 : memref<1x1x2x128xi32, #tpu.memory_space<hbm>> -> memref<2x128xi32, #tpu.memory_space<hbm>>
          %dma_wait3A_743 = arith.constant 0 : i32
          %dma_wait3A_744 = tpu.memref_slice %arg2[%shift_right_arithmetic3A_710, %add3A, %and3A_712, %dma_wait3A_743] : memref<25x32x8x128xi32, #tpu.memory_space<hbm>> -> memref<1x1x2x128xi32, #tpu.memory_space<hbm>>
          %dma_wait3A_745 = tpu.memref_squeeze %dma_wait3A_744 : memref<1x1x2x128xi32, #tpu.memory_space<hbm>> -> memref<2x128xi32, #tpu.memory_space<hbm>>
          tpu.wait_dma2 semaphore(%run_scoped3A_733 : memref<!tpu.dma_semaphore, #tpu.memory_space<semaphore_mem>>) src(%dma_wait3A_745 : memref<2x128xi32, #tpu.memory_space<hbm>>) dst(%arg7 : memref<2x128xi32, #tpu.memory_space<vmem>>)
          tpu.yield
        }) : () -> ()
        %dma_start3A_713 = arith.constant 0 : i32
        %dma_start3A_714 = arith.constant 0 : i32
        %dma_start3A_715 = arith.constant 0 : i32
        %dma_start3A_716 = tpu.memref_slice %arg9[%dma_start3A_714, %dma_start3A_715] : memref<256x128xf32, #tpu.memory_space<vmem>> -> memref<128x128xf32, #tpu.memory_space<vmem>>
        %dma_start3A_717 = arith.constant 0 : i32
        %dma_start3A_718 = tpu.memref_slice %arg7[%dma_start3A_713, %dma_start3A_717] : memref<2x128xi32, #tpu.memory_space<vmem>> -> memref<1x128xi32, #tpu.memory_space<vmem>>
        %dma_start3A_719 = tpu.memref_squeeze %dma_start3A_718 : memref<1x128xi32, #tpu.memory_space<vmem>> -> memref<128xi32, #tpu.memory_space<vmem>>
        %dma_start3A_720 = arith.constant 0 : i32
        %dma_start3A_721 = arith.constant 0 : i32
        %dma_start3A_722 = tpu.memref_slice %arg3[%dma_start3A_720, %dma_start3A_721] : memref<1000000x128xf32, #tpu.memory_space<hbm>> -> memref<1000000x128xf32, #tpu.memory_space<hbm>>
        tpu.enqueue_indirect_dma source(%dma_start3A_722 : memref<1000000x128xf32, #tpu.memory_space<hbm>>) target(%dma_start3A_716 : memref<128x128xf32, #tpu.memory_space<vmem>>) offsets(%dma_start3A_719 : memref<128xi32, #tpu.memory_space<vmem>>) semaphore(%arg13 : memref<!tpu.dma_semaphore, #tpu.memory_space<semaphore_mem>>)
        %dma_start3A_723 = arith.constant 1 : i32
        %dma_start3A_724 = arith.constant 128 : i32
        %dma_start3A_725 = arith.constant 0 : i32
        %dma_start3A_726 = tpu.memref_slice %arg9[%dma_start3A_724, %dma_start3A_725] : memref<256x128xf32, #tpu.memory_space<vmem>> -> memref<128x128xf32, #tpu.memory_space<vmem>>
        %dma_start3A_727 = arith.constant 0 : i32
        %dma_start3A_728 = tpu.memref_slice %arg7[%dma_start3A_723, %dma_start3A_727] : memref<2x128xi32, #tpu.memory_space<vmem>> -> memref<1x128xi32, #tpu.memory_space<vmem>>
        %dma_start3A_729 = tpu.memref_squeeze %dma_start3A_728 : memref<1x128xi32, #tpu.memory_space<vmem>> -> memref<128xi32, #tpu.memory_space<vmem>>
        %dma_start3A_730 = arith.constant 0 : i32
        %dma_start3A_731 = arith.constant 0 : i32
        %dma_start3A_732 = tpu.memref_slice %arg3[%dma_start3A_730, %dma_start3A_731] : memref<1000000x128xf32, #tpu.memory_space<hbm>> -> memref<1000000x128xf32, #tpu.memory_space<hbm>>
        tpu.enqueue_indirect_dma source(%dma_start3A_732 : memref<1000000x128xf32, #tpu.memory_space<hbm>>) target(%dma_start3A_726 : memref<128x128xf32, #tpu.memory_space<vmem>>) offsets(%dma_start3A_729 : memref<128xi32, #tpu.memory_space<vmem>>) semaphore(%arg13 : memref<!tpu.dma_semaphore, #tpu.memory_space<semaphore_mem>>)
      } else {
      }
      %dma_wait3A_565 = arith.constant 0 : i32
      %dma_wait3A_566 = arith.constant 0 : i32
      %dma_wait3A_567 = arith.constant 0 : i32
      %dma_wait3A_568 = tpu.memref_slice %arg10[%dma_wait3A_566, %dma_wait3A_567] : memref<256x128xf32, #tpu.memory_space<vmem>> -> memref<128x128xf32, #tpu.memory_space<vmem>>
      %dma_wait3A_569 = arith.constant 0 : i32
      %dma_wait3A_570 = tpu.memref_slice %arg8[%dma_wait3A_565, %dma_wait3A_569] : memref<2x128xi32, #tpu.memory_space<vmem>> -> memref<1x128xi32, #tpu.memory_space<vmem>>
      %dma_wait3A_571 = tpu.memref_squeeze %dma_wait3A_570 : memref<1x128xi32, #tpu.memory_space<vmem>> -> memref<128xi32, #tpu.memory_space<vmem>>
      %dma_wait3A_572 = arith.constant 0 : i32
      %dma_wait3A_573 = arith.constant 0 : i32
      %dma_wait3A_574 = tpu.memref_slice %arg3[%dma_wait3A_572, %dma_wait3A_573] : memref<1000000x128xf32, #tpu.memory_space<hbm>> -> memref<1000000x128xf32, #tpu.memory_space<hbm>>
      tpu.wait_indirect_dma semaphore(%arg14 : memref<!tpu.dma_semaphore, #tpu.memory_space<semaphore_mem>>) src(%dma_wait3A_574 : memref<1000000x128xf32, #tpu.memory_space<hbm>>) dst(%dma_wait3A_568 : memref<128x128xf32, #tpu.memory_space<vmem>>)
      %dma_wait3A_575 = arith.constant 1 : i32
      %dma_wait3A_576 = arith.constant 128 : i32
      %dma_wait3A_577 = arith.constant 0 : i32
      %dma_wait3A_578 = tpu.memref_slice %arg10[%dma_wait3A_576, %dma_wait3A_577] : memref<256x128xf32, #tpu.memory_space<vmem>> -> memref<128x128xf32, #tpu.memory_space<vmem>>
      %dma_wait3A_579 = arith.constant 0 : i32
      %dma_wait3A_580 = tpu.memref_slice %arg8[%dma_wait3A_575, %dma_wait3A_579] : memref<2x128xi32, #tpu.memory_space<vmem>> -> memref<1x128xi32, #tpu.memory_space<vmem>>
      %dma_wait3A_581 = tpu.memref_squeeze %dma_wait3A_580 : memref<1x128xi32, #tpu.memory_space<vmem>> -> memref<128xi32, #tpu.memory_space<vmem>>
      %dma_wait3A_582 = arith.constant 0 : i32
      %dma_wait3A_583 = arith.constant 0 : i32
      %dma_wait3A_584 = tpu.memref_slice %arg3[%dma_wait3A_582, %dma_wait3A_583] : memref<1000000x128xf32, #tpu.memory_space<hbm>> -> memref<1000000x128xf32, #tpu.memory_space<hbm>>
      tpu.wait_indirect_dma semaphore(%arg14 : memref<!tpu.dma_semaphore, #tpu.memory_space<semaphore_mem>>) src(%dma_wait3A_584 : memref<1000000x128xf32, #tpu.memory_space<hbm>>) dst(%dma_wait3A_578 : memref<128x128xf32, #tpu.memory_space<vmem>>)
      %dma_wait3A_585 = arith.constant 0 : i32
      %dma_wait3A_586 = arith.constant 0 : i32
      %dma_wait3A_587 = arith.constant 0 : i32
      %dma_wait3A_588 = arith.constant 0 : i32
      %dma_wait3A_589 = tpu.memref_slice %arg11[%dma_wait3A_586, %dma_wait3A_587, %dma_wait3A_588] : memref<8x8x129xf32, #tpu.memory_space<vmem>> -> memref<8x8x128xf32, #tpu.memory_space<vmem>>
      %dma_wait3A_590 = arith.constant 0 : i32
      %dma_wait3A_591 = arith.constant 0 : i32
      %dma_wait3A_592 = arith.constant 0 : i32
      %dma_wait3A_593 = tpu.memref_slice %arg5[%dma_wait3A_585, %dma_wait3A_590, %add3A, %dma_wait3A_591, %dma_wait3A_592] : memref<200x8x32x8x128xf32, #tpu.memory_space<hbm>> -> memref<1x8x1x8x128xf32, #tpu.memory_space<hbm>>
      %dma_wait3A_594 = tpu.memref_squeeze %dma_wait3A_593 : memref<1x8x1x8x128xf32, #tpu.memory_space<hbm>> -> memref<8x8x128xf32, #tpu.memory_space<hbm>>
      %dma_wait3A_595 = arith.constant 0 : i32
      %dma_wait3A_596 = arith.constant 0 : i32
      %dma_wait3A_597 = arith.constant 0 : i32
      %dma_wait3A_598 = tpu.memref_slice %arg5[%dma_wait3A_585, %dma_wait3A_595, %add3A, %dma_wait3A_596, %dma_wait3A_597] : memref<200x8x32x8x128xf32, #tpu.memory_space<hbm>> -> memref<1x8x1x8x128xf32, #tpu.memory_space<hbm>>
      %dma_wait3A_599 = tpu.memref_squeeze %dma_wait3A_598 : memref<1x8x1x8x128xf32, #tpu.memory_space<hbm>> -> memref<8x8x128xf32, #tpu.memory_space<hbm>>
      %dma_wait3A_600 = arith.constant 0 : i32
      %dma_wait3A_601 = arith.constant 0 : i32
      %dma_wait3A_602 = arith.constant 0 : i32
      %dma_wait3A_603 = tpu.memref_slice %arg11[%dma_wait3A_600, %dma_wait3A_601, %dma_wait3A_602] : memref<8x8x129xf32, #tpu.memory_space<vmem>> -> memref<8x8x128xf32, #tpu.memory_space<vmem>>
      tpu.wait_dma2 semaphore(%arg15 : memref<!tpu.dma_semaphore, #tpu.memory_space<semaphore_mem>>) src(%dma_wait3A_603 : memref<8x8x128xf32, #tpu.memory_space<vmem>>) dst(%dma_wait3A_599 : memref<8x8x128xf32, #tpu.memory_space<hbm>>)
      %mul3A_604 = arith.constant 2 : i32
      %mul3A_605 = arith.muli %mul3A_604, %add3A_396 : i32
      %add3A_606 = arith.constant 0 : i32
      %add3A_607 = arith.addi %mul3A_605, %add3A_606 : i32
      %get3A_608 = arith.index_cast %add3A_607 : i32 to index
      %get3A_609 = arith.constant 0 : index
      %get3A_610 = tpu.vector_load %arg6[%get3A_608, %get3A_609] {strides = array<i32>} : memref<200x64xf32, #tpu.memory_space<vmem>>, vector<16xf32>,
      %get3A_611 = arith.index_cast %add3A_607 : i32 to index
      %get3A_612 = arith.constant 16 : index
      %get3A_613 = tpu.vector_load %arg6[%get3A_611, %get3A_612] {strides = array<i32>} : memref<200x64xf32, #tpu.memory_space<vmem>>, vector<16xf32>,
      %get3A_614 = arith.index_cast %add3A_607 : i32 to index
      %get3A_615 = arith.constant 32 : index
      %get3A_616 = tpu.vector_load %arg6[%get3A_614, %get3A_615] {strides = array<i32>} : memref<200x64xf32, #tpu.memory_space<vmem>>, vector<16xf32>,
      %get3A_617 = arith.index_cast %add3A_607 : i32 to index
      %get3A_618 = arith.constant 48 : index
      %get3A_619 = tpu.vector_load %arg6[%get3A_617, %get3A_618] {strides = array<i32>} : memref<200x64xf32, #tpu.memory_space<vmem>>, vector<16xf32>,
      %scan3A_620 = arith.constant 0 : i32
      %scan3A_621 = arith.constant 128 : i32
      %scan3A_622 = arith.addi %scan3A_620, %scan3A_621 : i32
      %scan3A_623 = arith.constant 8 : i32
      %scan3A_624 = scf.for %scan3A_703 = %scan3A_620 to %scan3A_622 step %scan3A_623 iter_args(%scan3A_704 = %broadcast_in_dim3A_47) -> (vector<16xi32>)  : i32 {
        %add3A_705 = arith.constant 0 : i32
        %add3A_706 = arith.addi %add3A_705, %scan3A_703 : i32
        %get3A_707 = arith.index_cast %add3A_706 : i32 to index
        %get3A_708 = arith.constant 0 : index
        %get3A_709 = tpu.vector_load %arg10[%get3A_707, %get3A_708] {strides = array<i32>} : memref<256x128xf32, #tpu.memory_space<vmem>>, vector<16xf32>,
        %get3A_710 = arith.index_cast %add3A_706 : i32 to index
        %get3A_711 = arith.constant 16 : index
        %get3A_712 = tpu.vector_load %arg10[%get3A_710, %get3A_711] {strides = array<i32>} : memref<256x128xf32, #tpu.memory_space<vmem>>, vector<16xf32>,
        %get3A_713 = arith.index_cast %add3A_706 : i32 to index
        %get3A_714 = arith.constant 32 : index
        %get3A_715 = tpu.vector_load %arg10[%get3A_713, %get3A_714] {strides = array<i32>} : memref<256x128xf32, #tpu.memory_space<vmem>>, vector<16xf32>,
        %get3A_716 = arith.index_cast %add3A_706 : i32 to index
        %get3A_717 = arith.constant 48 : index
        %get3A_718 = tpu.vector_load %arg10[%get3A_716, %get3A_717] {strides = array<i32>} : memref<256x128xf32, #tpu.memory_space<vmem>>, vector<16xf32>,
        %add3A_719 = arith.addf %get3A_709, %get3A_610 : vector<16xf32>
        %add3A_720 = arith.addf %get3A_712, %get3A_613 : vector<16xf32>
        %add3A_721 = arith.addf %get3A_715, %get3A_616 : vector<16xf32>
        %add3A_722 = arith.addf %get3A_718, %get3A_619 : vector<16xf32>
        tpu.vector_store_idx %arg11[%shift_right_arithmetic3A_5, %and3A_28, %scan3A_704], %add3A_719 : memref<8x8x129xf32, #tpu.memory_space<vmem>>[vector<16xi32>, vector<16xi32>, vector<16xi32>], vector<16xf32>,
        tpu.vector_store_idx %arg11[%shift_right_arithmetic3A_11, %and3A_34, %scan3A_704], %add3A_720 : memref<8x8x129xf32, #tpu.memory_space<vmem>>[vector<16xi32>, vector<16xi32>, vector<16xi32>], vector<16xf32>,
        tpu.vector_store_idx %arg11[%shift_right_arithmetic3A_17, %and3A_40, %scan3A_704], %add3A_721 : memref<8x8x129xf32, #tpu.memory_space<vmem>>[vector<16xi32>, vector<16xi32>, vector<16xi32>], vector<16xf32>,
        tpu.vector_store_idx %arg11[%shift_right_arithmetic3A_23, %and3A_46, %scan3A_704], %add3A_722 : memref<8x8x129xf32, #tpu.memory_space<vmem>>[vector<16xi32>, vector<16xi32>, vector<16xi32>], vector<16xf32>,
        %add3A_723 = arith.constant 1 : i32
        %add3A_724 = vector.broadcast %add3A_723 : i32 to vector<16xi32>
        %add3A_725 = arith.addi %scan3A_704, %add3A_724 : vector<16xi32>
        %scan3A_726 = arith.constant 1 : i32
        %scan3A_727 = arith.addi %scan3A_703, %scan3A_726 : i32
        %add3A_728 = arith.constant 0 : i32
        %add3A_729 = arith.addi %add3A_728, %scan3A_727 : i32
        %get3A_730 = arith.index_cast %add3A_729 : i32 to index
        %get3A_731 = arith.constant 0 : index
        %get3A_732 = tpu.vector_load %arg10[%get3A_730, %get3A_731] {strides = array<i32>} : memref<256x128xf32, #tpu.memory_space<vmem>>, vector<16xf32>,
        %get3A_733 = arith.index_cast %add3A_729 : i32 to index
        %get3A_734 = arith.constant 16 : index
        %get3A_735 = tpu.vector_load %arg10[%get3A_733, %get3A_734] {strides = array<i32>} : memref<256x128xf32, #tpu.memory_space<vmem>>, vector<16xf32>,
        %get3A_736 = arith.index_cast %add3A_729 : i32 to index
        %get3A_737 = arith.constant 32 : index
        %get3A_738 = tpu.vector_load %arg10[%get3A_736, %get3A_737] {strides = array<i32>} : memref<256x128xf32, #tpu.memory_space<vmem>>, vector<16xf32>,
        %get3A_739 = arith.index_cast %add3A_729 : i32 to index
        %get3A_740 = arith.constant 48 : index
        %get3A_741 = tpu.vector_load %arg10[%get3A_739, %get3A_740] {strides = array<i32>} : memref<256x128xf32, #tpu.memory_space<vmem>>, vector<16xf32>,
        %add3A_742 = arith.addf %get3A_732, %get3A_610 : vector<16xf32>
        %add3A_743 = arith.addf %get3A_735, %get3A_613 : vector<16xf32>
        %add3A_744 = arith.addf %get3A_738, %get3A_616 : vector<16xf32>
        %add3A_745 = arith.addf %get3A_741, %get3A_619 : vector<16xf32>
        tpu.vector_store_idx %arg11[%shift_right_arithmetic3A_5, %and3A_28, %add3A_725], %add3A_742 : memref<8x8x129xf32, #tpu.memory_space<vmem>>[vector<16xi32>, vector<16xi32>, vector<16xi32>], vector<16xf32>,
        tpu.vector_store_idx %arg11[%shift_right_arithmetic3A_11, %and3A_34, %add3A_725], %add3A_743 : memref<8x8x129xf32, #tpu.memory_space<vmem>>[vector<16xi32>, vector<16xi32>, vector<16xi32>], vector<16xf32>,
        tpu.vector_store_idx %arg11[%shift_right_arithmetic3A_17, %and3A_40, %add3A_725], %add3A_744 : memref<8x8x129xf32, #tpu.memory_space<vmem>>[vector<16xi32>, vector<16xi32>, vector<16xi32>], vector<16xf32>,
        tpu.vector_store_idx %arg11[%shift_right_arithmetic3A_23, %and3A_46, %add3A_725], %add3A_745 : memref<8x8x129xf32, #tpu.memory_space<vmem>>[vector<16xi32>, vector<16xi32>, vector<16xi32>], vector<16xf32>,
        %add3A_746 = arith.constant 1 : i32
        %add3A_747 = vector.broadcast %add3A_746 : i32 to vector<16xi32>
        %add3A_748 = arith.addi %add3A_725, %add3A_747 : vector<16xi32>
        %scan3A_749 = arith.constant 2 : i32
        %scan3A_750 = arith.addi %scan3A_703, %scan3A_749 : i32
        %add3A_751 = arith.constant 0 : i32
        %add3A_752 = arith.addi %add3A_751, %scan3A_750 : i32
        %get3A_753 = arith.index_cast %add3A_752 : i32 to index
        %get3A_754 = arith.constant 0 : index
        %get3A_755 = tpu.vector_load %arg10[%get3A_753, %get3A_754] {strides = array<i32>} : memref<256x128xf32, #tpu.memory_space<vmem>>, vector<16xf32>,
        %get3A_756 = arith.index_cast %add3A_752 : i32 to index
        %get3A_757 = arith.constant 16 : index
        %get3A_758 = tpu.vector_load %arg10[%get3A_756, %get3A_757] {strides = array<i32>} : memref<256x128xf32, #tpu.memory_space<vmem>>, vector<16xf32>,
        %get3A_759 = arith.index_cast %add3A_752 : i32 to index
        %get3A_760 = arith.constant 32 : index
        %get3A_761 = tpu.vector_load %arg10[%get3A_759, %get3A_760] {strides = array<i32>} : memref<256x128xf32, #tpu.memory_space<vmem>>, vector<16xf32>,
        %get3A_762 = arith.index_cast %add3A_752 : i32 to index
        %get3A_763 = arith.constant 48 : index
        %get3A_764 = tpu.vector_load %arg10[%get3A_762, %get3A_763] {strides = array<i32>} : memref<256x128xf32, #tpu.memory_space<vmem>>, vector<16xf32>,
        %add3A_765 = arith.addf %get3A_755, %get3A_610 : vector<16xf32>
        %add3A_766 = arith.addf %get3A_758, %get3A_613 : vector<16xf32>
        %add3A_767 = arith.addf %get3A_761, %get3A_616 : vector<16xf32>
        %add3A_768 = arith.addf %get3A_764, %get3A_619 : vector<16xf32>
        tpu.vector_store_idx %arg11[%shift_right_arithmetic3A_5, %and3A_28, %add3A_748], %add3A_765 : memref<8x8x129xf32, #tpu.memory_space<vmem>>[vector<16xi32>, vector<16xi32>, vector<16xi32>], vector<16xf32>,
        tpu.vector_store_idx %arg11[%shift_right_arithmetic3A_11, %and3A_34, %add3A_748], %add3A_766 : memref<8x8x129xf32, #tpu.memory_space<vmem>>[vector<16xi32>, vector<16xi32>, vector<16xi32>], vector<16xf32>,
        tpu.vector_store_idx %arg11[%shift_right_arithmetic3A_17, %and3A_40, %add3A_748], %add3A_767 : memref<8x8x129xf32, #tpu.memory_space<vmem>>[vector<16xi32>, vector<16xi32>, vector<16xi32>], vector<16xf32>,
        tpu.vector_store_idx %arg11[%shift_right_arithmetic3A_23, %and3A_46, %add3A_748], %add3A_768 : memref<8x8x129xf32, #tpu.memory_space<vmem>>[vector<16xi32>, vector<16xi32>, vector<16xi32>], vector<16xf32>,
        %add3A_769 = arith.constant 1 : i32
        %add3A_770 = vector.broadcast %add3A_769 : i32 to vector<16xi32>
        %add3A_771 = arith.addi %add3A_748, %add3A_770 : vector<16xi32>
        %scan3A_772 = arith.constant 3 : i32
        %scan3A_773 = arith.addi %scan3A_703, %scan3A_772 : i32
        %add3A_774 = arith.constant 0 : i32
        %add3A_775 = arith.addi %add3A_774, %scan3A_773 : i32
        %get3A_776 = arith.index_cast %add3A_775 : i32 to index
        %get3A_777 = arith.constant 0 : index
        %get3A_778 = tpu.vector_load %arg10[%get3A_776, %get3A_777] {strides = array<i32>} : memref<256x128xf32, #tpu.memory_space<vmem>>, vector<16xf32>,
        %get3A_779 = arith.index_cast %add3A_775 : i32 to index
        %get3A_780 = arith.constant 16 : index
        %get3A_781 = tpu.vector_load %arg10[%get3A_779, %get3A_780] {strides = array<i32>} : memref<256x128xf32, #tpu.memory_space<vmem>>, vector<16xf32>,
        %get3A_782 = arith.index_cast %add3A_775 : i32 to index
        %get3A_783 = arith.constant 32 : index
        %get3A_784 = tpu.vector_load %arg10[%get3A_782, %get3A_783] {strides = array<i32>} : memref<256x128xf32, #tpu.memory_space<vmem>>, vector<16xf32>,
        %get3A_785 = arith.index_cast %add3A_775 : i32 to index
        %get3A_786 = arith.constant 48 : index
        %get3A_787 = tpu.vector_load %arg10[%get3A_785, %get3A_786] {strides = array<i32>} : memref<256x128xf32, #tpu.memory_space<vmem>>, vector<16xf32>,
        %add3A_788 = arith.addf %get3A_778, %get3A_610 : vector<16xf32>
        %add3A_789 = arith.addf %get3A_781, %get3A_613 : vector<16xf32>
        %add3A_790 = arith.addf %get3A_784, %get3A_616 : vector<16xf32>
        %add3A_791 = arith.addf %get3A_787, %get3A_619 : vector<16xf32>
        tpu.vector_store_idx %arg11[%shift_right_arithmetic3A_5, %and3A_28, %add3A_771], %add3A_788 : memref<8x8x129xf32, #tpu.memory_space<vmem>>[vector<16xi32>, vector<16xi32>, vector<16xi32>], vector<16xf32>,
        tpu.vector_store_idx %arg11[%shift_right_arithmetic3A_11, %and3A_34, %add3A_771], %add3A_789 : memref<8x8x129xf32, #tpu.memory_space<vmem>>[vector<16xi32>, vector<16xi32>, vector<16xi32>], vector<16xf32>,
        tpu.vector_store_idx %arg11[%shift_right_arithmetic3A_17, %and3A_40, %add3A_771], %add3A_790 : memref<8x8x129xf32, #tpu.memory_space<vmem>>[vector<16xi32>, vector<16xi32>, vector<16xi32>], vector<16xf32>,
        tpu.vector_store_idx %arg11[%shift_right_arithmetic3A_23, %and3A_46, %add3A_771], %add3A_791 : memref<8x8x129xf32, #tpu.memory_space<vmem>>[vector<16xi32>, vector<16xi32>, vector<16xi32>], vector<16xf32>,
        %add3A_792 = arith.constant 1 : i32
        %add3A_793 = vector.broadcast %add3A_792 : i32 to vector<16xi32>
        %add3A_794 = arith.addi %add3A_771, %add3A_793 : vector<16xi32>
        %scan3A_795 = arith.constant 4 : i32
        %scan3A_796 = arith.addi %scan3A_703, %scan3A_795 : i32
        %add3A_797 = arith.constant 0 : i32
        %add3A_798 = arith.addi %add3A_797, %scan3A_796 : i32
        %get3A_799 = arith.index_cast %add3A_798 : i32 to index
        %get3A_800 = arith.constant 0 : index
        %get3A_801 = tpu.vector_load %arg10[%get3A_799, %get3A_800] {strides = array<i32>} : memref<256x128xf32, #tpu.memory_space<vmem>>, vector<16xf32>,
        %get3A_802 = arith.index_cast %add3A_798 : i32 to index
        %get3A_803 = arith.constant 16 : index
        %get3A_804 = tpu.vector_load %arg10[%get3A_802, %get3A_803] {strides = array<i32>} : memref<256x128xf32, #tpu.memory_space<vmem>>, vector<16xf32>,
        %get3A_805 = arith.index_cast %add3A_798 : i32 to index
        %get3A_806 = arith.constant 32 : index
        %get3A_807 = tpu.vector_load %arg10[%get3A_805, %get3A_806] {strides = array<i32>} : memref<256x128xf32, #tpu.memory_space<vmem>>, vector<16xf32>,
        %get3A_808 = arith.index_cast %add3A_798 : i32 to index
        %get3A_809 = arith.constant 48 : index
        %get3A_810 = tpu.vector_load %arg10[%get3A_808, %get3A_809] {strides = array<i32>} : memref<256x128xf32, #tpu.memory_space<vmem>>, vector<16xf32>,
        %add3A_811 = arith.addf %get3A_801, %get3A_610 : vector<16xf32>
        %add3A_812 = arith.addf %get3A_804, %get3A_613 : vector<16xf32>
        %add3A_813 = arith.addf %get3A_807, %get3A_616 : vector<16xf32>
        %add3A_814 = arith.addf %get3A_810, %get3A_619 : vector<16xf32>
        tpu.vector_store_idx %arg11[%shift_right_arithmetic3A_5, %and3A_28, %add3A_794], %add3A_811 : memref<8x8x129xf32, #tpu.memory_space<vmem>>[vector<16xi32>, vector<16xi32>, vector<16xi32>], vector<16xf32>,
        tpu.vector_store_idx %arg11[%shift_right_arithmetic3A_11, %and3A_34, %add3A_794], %add3A_812 : memref<8x8x129xf32, #tpu.memory_space<vmem>>[vector<16xi32>, vector<16xi32>, vector<16xi32>], vector<16xf32>,
        tpu.vector_store_idx %arg11[%shift_right_arithmetic3A_17, %and3A_40, %add3A_794], %add3A_813 : memref<8x8x129xf32, #tpu.memory_space<vmem>>[vector<16xi32>, vector<16xi32>, vector<16xi32>], vector<16xf32>,
        tpu.vector_store_idx %arg11[%shift_right_arithmetic3A_23, %and3A_46, %add3A_794], %add3A_814 : memref<8x8x129xf32, #tpu.memory_space<vmem>>[vector<16xi32>, vector<16xi32>, vector<16xi32>], vector<16xf32>,
        %add3A_815 = arith.constant 1 : i32
        %add3A_816 = vector.broadcast %add3A_815 : i32 to vector<16xi32>
        %add3A_817 = arith.addi %add3A_794, %add3A_816 : vector<16xi32>
        %scan3A_818 = arith.constant 5 : i32
        %scan3A_819 = arith.addi %scan3A_703, %scan3A_818 : i32
        %add3A_820 = arith.constant 0 : i32
        %add3A_821 = arith.addi %add3A_820, %scan3A_819 : i32
        %get3A_822 = arith.index_cast %add3A_821 : i32 to index
        %get3A_823 = arith.constant 0 : index
        %get3A_824 = tpu.vector_load %arg10[%get3A_822, %get3A_823] {strides = array<i32>} : memref<256x128xf32, #tpu.memory_space<vmem>>, vector<16xf32>,
        %get3A_825 = arith.index_cast %add3A_821 : i32 to index
        %get3A_826 = arith.constant 16 : index
        %get3A_827 = tpu.vector_load %arg10[%get3A_825, %get3A_826] {strides = array<i32>} : memref<256x128xf32, #tpu.memory_space<vmem>>, vector<16xf32>,
        %get3A_828 = arith.index_cast %add3A_821 : i32 to index
        %get3A_829 = arith.constant 32 : index
        %get3A_830 = tpu.vector_load %arg10[%get3A_828, %get3A_829] {strides = array<i32>} : memref<256x128xf32, #tpu.memory_space<vmem>>, vector<16xf32>,
        %get3A_831 = arith.index_cast %add3A_821 : i32 to index
        %get3A_832 = arith.constant 48 : index
        %get3A_833 = tpu.vector_load %arg10[%get3A_831, %get3A_832] {strides = array<i32>} : memref<256x128xf32, #tpu.memory_space<vmem>>, vector<16xf32>,
        %add3A_834 = arith.addf %get3A_824, %get3A_610 : vector<16xf32>
        %add3A_835 = arith.addf %get3A_827, %get3A_613 : vector<16xf32>
        %add3A_836 = arith.addf %get3A_830, %get3A_616 : vector<16xf32>
        %add3A_837 = arith.addf %get3A_833, %get3A_619 : vector<16xf32>
        tpu.vector_store_idx %arg11[%shift_right_arithmetic3A_5, %and3A_28, %add3A_817], %add3A_834 : memref<8x8x129xf32, #tpu.memory_space<vmem>>[vector<16xi32>, vector<16xi32>, vector<16xi32>], vector<16xf32>,
        tpu.vector_store_idx %arg11[%shift_right_arithmetic3A_11, %and3A_34, %add3A_817], %add3A_835 : memref<8x8x129xf32, #tpu.memory_space<vmem>>[vector<16xi32>, vector<16xi32>, vector<16xi32>], vector<16xf32>,
        tpu.vector_store_idx %arg11[%shift_right_arithmetic3A_17, %and3A_40, %add3A_817], %add3A_836 : memref<8x8x129xf32, #tpu.memory_space<vmem>>[vector<16xi32>, vector<16xi32>, vector<16xi32>], vector<16xf32>,
        tpu.vector_store_idx %arg11[%shift_right_arithmetic3A_23, %and3A_46, %add3A_817], %add3A_837 : memref<8x8x129xf32, #tpu.memory_space<vmem>>[vector<16xi32>, vector<16xi32>, vector<16xi32>], vector<16xf32>,
        %add3A_838 = arith.constant 1 : i32
        %add3A_839 = vector.broadcast %add3A_838 : i32 to vector<16xi32>
        %add3A_840 = arith.addi %add3A_817, %add3A_839 : vector<16xi32>
        %scan3A_841 = arith.constant 6 : i32
        %scan3A_842 = arith.addi %scan3A_703, %scan3A_841 : i32
        %add3A_843 = arith.constant 0 : i32
        %add3A_844 = arith.addi %add3A_843, %scan3A_842 : i32
        %get3A_845 = arith.index_cast %add3A_844 : i32 to index
        %get3A_846 = arith.constant 0 : index
        %get3A_847 = tpu.vector_load %arg10[%get3A_845, %get3A_846] {strides = array<i32>} : memref<256x128xf32, #tpu.memory_space<vmem>>, vector<16xf32>,
        %get3A_848 = arith.index_cast %add3A_844 : i32 to index
        %get3A_849 = arith.constant 16 : index
        %get3A_850 = tpu.vector_load %arg10[%get3A_848, %get3A_849] {strides = array<i32>} : memref<256x128xf32, #tpu.memory_space<vmem>>, vector<16xf32>,
        %get3A_851 = arith.index_cast %add3A_844 : i32 to index
        %get3A_852 = arith.constant 32 : index
        %get3A_853 = tpu.vector_load %arg10[%get3A_851, %get3A_852] {strides = array<i32>} : memref<256x128xf32, #tpu.memory_space<vmem>>, vector<16xf32>,
        %get3A_854 = arith.index_cast %add3A_844 : i32 to index
        %get3A_855 = arith.constant 48 : index
        %get3A_856 = tpu.vector_load %arg10[%get3A_854, %get3A_855] {strides = array<i32>} : memref<256x128xf32, #tpu.memory_space<vmem>>, vector<16xf32>,
        %add3A_857 = arith.addf %get3A_847, %get3A_610 : vector<16xf32>
        %add3A_858 = arith.addf %get3A_850, %get3A_613 : vector<16xf32>
        %add3A_859 = arith.addf %get3A_853, %get3A_616 : vector<16xf32>
        %add3A_860 = arith.addf %get3A_856, %get3A_619 : vector<16xf32>
        tpu.vector_store_idx %arg11[%shift_right_arithmetic3A_5, %and3A_28, %add3A_840], %add3A_857 : memref<8x8x129xf32, #tpu.memory_space<vmem>>[vector<16xi32>, vector<16xi32>, vector<16xi32>], vector<16xf32>,
        tpu.vector_store_idx %arg11[%shift_right_arithmetic3A_11, %and3A_34, %add3A_840], %add3A_858 : memref<8x8x129xf32, #tpu.memory_space<vmem>>[vector<16xi32>, vector<16xi32>, vector<16xi32>], vector<16xf32>,
        tpu.vector_store_idx %arg11[%shift_right_arithmetic3A_17, %and3A_40, %add3A_840], %add3A_859 : memref<8x8x129xf32, #tpu.memory_space<vmem>>[vector<16xi32>, vector<16xi32>, vector<16xi32>], vector<16xf32>,
        tpu.vector_store_idx %arg11[%shift_right_arithmetic3A_23, %and3A_46, %add3A_840], %add3A_860 : memref<8x8x129xf32, #tpu.memory_space<vmem>>[vector<16xi32>, vector<16xi32>, vector<16xi32>], vector<16xf32>,
        %add3A_861 = arith.constant 1 : i32
        %add3A_862 = vector.broadcast %add3A_861 : i32 to vector<16xi32>
        %add3A_863 = arith.addi %add3A_840, %add3A_862 : vector<16xi32>
        %scan3A_864 = arith.constant 7 : i32
        %scan3A_865 = arith.addi %scan3A_703, %scan3A_864 : i32
        %add3A_866 = arith.constant 0 : i32
        %add3A_867 = arith.addi %add3A_866, %scan3A_865 : i32
        %get3A_868 = arith.index_cast %add3A_867 : i32 to index
        %get3A_869 = arith.constant 0 : index
        %get3A_870 = tpu.vector_load %arg10[%get3A_868, %get3A_869] {strides = array<i32>} : memref<256x128xf32, #tpu.memory_space<vmem>>, vector<16xf32>,
        %get3A_871 = arith.index_cast %add3A_867 : i32 to index
        %get3A_872 = arith.constant 16 : index
        %get3A_873 = tpu.vector_load %arg10[%get3A_871, %get3A_872] {strides = array<i32>} : memref<256x128xf32, #tpu.memory_space<vmem>>, vector<16xf32>,
        %get3A_874 = arith.index_cast %add3A_867 : i32 to index
        %get3A_875 = arith.constant 32 : index
        %get3A_876 = tpu.vector_load %arg10[%get3A_874, %get3A_875] {strides = array<i32>} : memref<256x128xf32, #tpu.memory_space<vmem>>, vector<16xf32>,
        %get3A_877 = arith.index_cast %add3A_867 : i32 to index
        %get3A_878 = arith.constant 48 : index
        %get3A_879 = tpu.vector_load %arg10[%get3A_877, %get3A_878] {strides = array<i32>} : memref<256x128xf32, #tpu.memory_space<vmem>>, vector<16xf32>,
        %add3A_880 = arith.addf %get3A_870, %get3A_610 : vector<16xf32>
        %add3A_881 = arith.addf %get3A_873, %get3A_613 : vector<16xf32>
        %add3A_882 = arith.addf %get3A_876, %get3A_616 : vector<16xf32>
        %add3A_883 = arith.addf %get3A_879, %get3A_619 : vector<16xf32>
        tpu.vector_store_idx %arg11[%shift_right_arithmetic3A_5, %and3A_28, %add3A_863], %add3A_880 : memref<8x8x129xf32, #tpu.memory_space<vmem>>[vector<16xi32>, vector<16xi32>, vector<16xi32>], vector<16xf32>,
        tpu.vector_store_idx %arg11[%shift_right_arithmetic3A_11, %and3A_34, %add3A_863], %add3A_881 : memref<8x8x129xf32, #tpu.memory_space<vmem>>[vector<16xi32>, vector<16xi32>, vector<16xi32>], vector<16xf32>,
        tpu.vector_store_idx %arg11[%shift_right_arithmetic3A_17, %and3A_40, %add3A_863], %add3A_882 : memref<8x8x129xf32, #tpu.memory_space<vmem>>[vector<16xi32>, vector<16xi32>, vector<16xi32>], vector<16xf32>,
        tpu.vector_store_idx %arg11[%shift_right_arithmetic3A_23, %and3A_46, %add3A_863], %add3A_883 : memref<8x8x129xf32, #tpu.memory_space<vmem>>[vector<16xi32>, vector<16xi32>, vector<16xi32>], vector<16xf32>,
        %add3A_884 = arith.constant 1 : i32
        %add3A_885 = vector.broadcast %add3A_884 : i32 to vector<16xi32>
        %add3A_886 = arith.addi %add3A_863, %add3A_885 : vector<16xi32>
        scf.yield %add3A_886 : vector<16xi32>
      }
      %scan3A_625 = arith.constant 128 : i32
      %dma_start3A_626 = arith.constant 0 : i32
      %dma_start3A_627 = arith.constant 0 : i32
      %dma_start3A_628 = arith.constant 0 : i32
      %dma_start3A_629 = tpu.memref_slice %arg11[%dma_start3A_626, %dma_start3A_627, %dma_start3A_628] : memref<8x8x129xf32, #tpu.memory_space<vmem>> -> memref<8x8x128xf32, #tpu.memory_space<vmem>>
      %dma_start3A_630 = arith.constant 0 : i32
      %dma_start3A_631 = arith.constant 0 : i32
      %dma_start3A_632 = arith.constant 0 : i32
      %dma_start3A_633 = tpu.memref_slice %arg5[%add3A_607, %dma_start3A_630, %add3A, %dma_start3A_631, %dma_start3A_632] : memref<200x8x32x8x128xf32, #tpu.memory_space<hbm>> -> memref<1x8x1x8x128xf32, #tpu.memory_space<hbm>>
      %dma_start3A_634 = tpu.memref_squeeze %dma_start3A_633 : memref<1x8x1x8x128xf32, #tpu.memory_space<hbm>> -> memref<8x8x128xf32, #tpu.memory_space<hbm>>
      %dma_start3A_635 = arith.constant 0 : i32
      %dma_start3A_636 = arith.constant 0 : i32
      %dma_start3A_637 = arith.constant 0 : i32
      %dma_start3A_638 = tpu.memref_slice %arg5[%add3A_607, %dma_start3A_635, %add3A, %dma_start3A_636, %dma_start3A_637] : memref<200x8x32x8x128xf32, #tpu.memory_space<hbm>> -> memref<1x8x1x8x128xf32, #tpu.memory_space<hbm>>
      %dma_start3A_639 = tpu.memref_squeeze %dma_start3A_638 : memref<1x8x1x8x128xf32, #tpu.memory_space<hbm>> -> memref<8x8x128xf32, #tpu.memory_space<hbm>>
      %dma_start3A_640 = arith.constant 0 : i32
      %dma_start3A_641 = arith.constant 0 : i32
      %dma_start3A_642 = arith.constant 0 : i32
      %dma_start3A_643 = tpu.memref_slice %arg11[%dma_start3A_640, %dma_start3A_641, %dma_start3A_642] : memref<8x8x129xf32, #tpu.memory_space<vmem>> -> memref<8x8x128xf32, #tpu.memory_space<vmem>>
      tpu.enqueue_dma source(%dma_start3A_643 : memref<8x8x128xf32, #tpu.memory_space<vmem>>) target(%dma_start3A_639 : memref<8x8x128xf32, #tpu.memory_space<hbm>>) target_semaphore(%arg15 : memref<!tpu.dma_semaphore, #tpu.memory_space<semaphore_mem>>)
      %dma_wait3A_644 = arith.constant 0 : i32
      %dma_wait3A_645 = arith.constant 0 : i32
      %dma_wait3A_646 = arith.constant 0 : i32
      %dma_wait3A_647 = arith.constant 0 : i32
      %dma_wait3A_648 = tpu.memref_slice %arg12[%dma_wait3A_645, %dma_wait3A_646, %dma_wait3A_647] : memref<8x8x129xf32, #tpu.memory_space<vmem>> -> memref<8x8x128xf32, #tpu.memory_space<vmem>>
      %dma_wait3A_649 = arith.constant 0 : i32
      %dma_wait3A_650 = arith.constant 0 : i32
      %dma_wait3A_651 = arith.constant 0 : i32
      %dma_wait3A_652 = tpu.memref_slice %arg5[%dma_wait3A_644, %dma_wait3A_649, %add3A, %dma_wait3A_650, %dma_wait3A_651] : memref<200x8x32x8x128xf32, #tpu.memory_space<hbm>> -> memref<1x8x1x8x128xf32, #tpu.memory_space<hbm>>
      %dma_wait3A_653 = tpu.memref_squeeze %dma_wait3A_652 : memref<1x8x1x8x128xf32, #tpu.memory_space<hbm>> -> memref<8x8x128xf32, #tpu.memory_space<hbm>>
      %dma_wait3A_654 = arith.constant 0 : i32
      %dma_wait3A_655 = arith.constant 0 : i32
      %dma_wait3A_656 = arith.constant 0 : i32
      %dma_wait3A_657 = tpu.memref_slice %arg5[%dma_wait3A_644, %dma_wait3A_654, %add3A, %dma_wait3A_655, %dma_wait3A_656] : memref<200x8x32x8x128xf32, #tpu.memory_space<hbm>> -> memref<1x8x1x8x128xf32, #tpu.memory_space<hbm>>
      %dma_wait3A_658 = tpu.memref_squeeze %dma_wait3A_657 : memref<1x8x1x8x128xf32, #tpu.memory_space<hbm>> -> memref<8x8x128xf32, #tpu.memory_space<hbm>>
      %dma_wait3A_659 = arith.constant 0 : i32
      %dma_wait3A_660 = arith.constant 0 : i32
      %dma_wait3A_661 = arith.constant 0 : i32
      %dma_wait3A_662 = tpu.memref_slice %arg12[%dma_wait3A_659, %dma_wait3A_660, %dma_wait3A_661] : memref<8x8x129xf32, #tpu.memory_space<vmem>> -> memref<8x8x128xf32, #tpu.memory_space<vmem>>
      tpu.wait_dma2 semaphore(%arg16 : memref<!tpu.dma_semaphore, #tpu.memory_space<semaphore_mem>>) src(%dma_wait3A_662 : memref<8x8x128xf32, #tpu.memory_space<vmem>>) dst(%dma_wait3A_658 : memref<8x8x128xf32, #tpu.memory_space<hbm>>)
      %mul3A_663 = arith.constant 2 : i32
      %mul3A_664 = arith.muli %mul3A_663, %add3A_396 : i32
      %add3A_665 = arith.constant 1 : i32
      %add3A_666 = arith.addi %mul3A_664, %add3A_665 : i32
      %get3A_667 = arith.index_cast %add3A_666 : i32 to index
      %get3A_668 = arith.constant 0 : index
      %get3A_669 = tpu.vector_load %arg6[%get3A_667, %get3A_668] {strides = array<i32>} : memref<200x64xf32, #tpu.memory_space<vmem>>, vector<16xf32>,
      %get3A_670 = arith.index_cast %add3A_666 : i32 to index
      %get3A_671 = arith.constant 16 : index
      %get3A_672 = tpu.vector_load %arg6[%get3A_670, %get3A_671] {strides = array<i32>} : memref<200x64xf32, #tpu.memory_space<vmem>>, vector<16xf32>,
      %get3A_673 = arith.index_cast %add3A_666 : i32 to index
      %get3A_674 = arith.constant 32 : index
      %get3A_675 = tpu.vector_load %arg6[%get3A_673, %get3A_674] {strides = array<i32>} : memref<200x64xf32, #tpu.memory_space<vmem>>, vector<16xf32>,
      %get3A_676 = arith.index_cast %add3A_666 : i32 to index
      %get3A_677 = arith.constant 48 : index
      %get3A_678 = tpu.vector_load %arg6[%get3A_676, %get3A_677] {strides = array<i32>} : memref<200x64xf32, #tpu.memory_space<vmem>>, vector<16xf32>,
      %scan3A_679 = arith.constant 0 : i32
      %scan3A_680 = arith.constant 128 : i32
      %scan3A_681 = arith.addi %scan3A_679, %scan3A_680 : i32
      %scan3A_682 = arith.constant 8 : i32
      %scan3A_683 = scf.for %scan3A_703 = %scan3A_679 to %scan3A_681 step %scan3A_682 iter_args(%scan3A_704 = %broadcast_in_dim3A_47) -> (vector<16xi32>)  : i32 {
        %add3A_705 = arith.constant 128 : i32
        %add3A_706 = arith.addi %add3A_705, %scan3A_703 : i32
        %get3A_707 = arith.index_cast %add3A_706 : i32 to index
        %get3A_708 = arith.constant 0 : index
        %get3A_709 = tpu.vector_load %arg10[%get3A_707, %get3A_708] {strides = array<i32>} : memref<256x128xf32, #tpu.memory_space<vmem>>, vector<16xf32>,
        %get3A_710 = arith.index_cast %add3A_706 : i32 to index
        %get3A_711 = arith.constant 16 : index
        %get3A_712 = tpu.vector_load %arg10[%get3A_710, %get3A_711] {strides = array<i32>} : memref<256x128xf32, #tpu.memory_space<vmem>>, vector<16xf32>,
        %get3A_713 = arith.index_cast %add3A_706 : i32 to index
        %get3A_714 = arith.constant 32 : index
        %get3A_715 = tpu.vector_load %arg10[%get3A_713, %get3A_714] {strides = array<i32>} : memref<256x128xf32, #tpu.memory_space<vmem>>, vector<16xf32>,
        %get3A_716 = arith.index_cast %add3A_706 : i32 to index
        %get3A_717 = arith.constant 48 : index
        %get3A_718 = tpu.vector_load %arg10[%get3A_716, %get3A_717] {strides = array<i32>} : memref<256x128xf32, #tpu.memory_space<vmem>>, vector<16xf32>,
        %add3A_719 = arith.addf %get3A_709, %get3A_669 : vector<16xf32>
        %add3A_720 = arith.addf %get3A_712, %get3A_672 : vector<16xf32>
        %add3A_721 = arith.addf %get3A_715, %get3A_675 : vector<16xf32>
        %add3A_722 = arith.addf %get3A_718, %get3A_678 : vector<16xf32>
        tpu.vector_store_idx %arg12[%shift_right_arithmetic3A_5, %and3A_28, %scan3A_704], %add3A_719 : memref<8x8x129xf32, #tpu.memory_space<vmem>>[vector<16xi32>, vector<16xi32>, vector<16xi32>], vector<16xf32>,
        tpu.vector_store_idx %arg12[%shift_right_arithmetic3A_11, %and3A_34, %scan3A_704], %add3A_720 : memref<8x8x129xf32, #tpu.memory_space<vmem>>[vector<16xi32>, vector<16xi32>, vector<16xi32>], vector<16xf32>,
        tpu.vector_store_idx %arg12[%shift_right_arithmetic3A_17, %and3A_40, %scan3A_704], %add3A_721 : memref<8x8x129xf32, #tpu.memory_space<vmem>>[vector<16xi32>, vector<16xi32>, vector<16xi32>], vector<16xf32>,
        tpu.vector_store_idx %arg12[%shift_right_arithmetic3A_23, %and3A_46, %scan3A_704], %add3A_722 : memref<8x8x129xf32, #tpu.memory_space<vmem>>[vector<16xi32>, vector<16xi32>, vector<16xi32>], vector<16xf32>,
        %add3A_723 = arith.constant 1 : i32
        %add3A_724 = vector.broadcast %add3A_723 : i32 to vector<16xi32>
        %add3A_725 = arith.addi %scan3A_704, %add3A_724 : vector<16xi32>
        %scan3A_726 = arith.constant 1 : i32
        %scan3A_727 = arith.addi %scan3A_703, %scan3A_726 : i32
        %add3A_728 = arith.constant 128 : i32
        %add3A_729 = arith.addi %add3A_728, %scan3A_727 : i32
        %get3A_730 = arith.index_cast %add3A_729 : i32 to index
        %get3A_731 = arith.constant 0 : index
        %get3A_732 = tpu.vector_load %arg10[%get3A_730, %get3A_731] {strides = array<i32>} : memref<256x128xf32, #tpu.memory_space<vmem>>, vector<16xf32>,
        %get3A_733 = arith.index_cast %add3A_729 : i32 to index
        %get3A_734 = arith.constant 16 : index
        %get3A_735 = tpu.vector_load %arg10[%get3A_733, %get3A_734] {strides = array<i32>} : memref<256x128xf32, #tpu.memory_space<vmem>>, vector<16xf32>,
        %get3A_736 = arith.index_cast %add3A_729 : i32 to index
        %get3A_737 = arith.constant 32 : index
        %get3A_738 = tpu.vector_load %arg10[%get3A_736, %get3A_737] {strides = array<i32>} : memref<256x128xf32, #tpu.memory_space<vmem>>, vector<16xf32>,
        %get3A_739 = arith.index_cast %add3A_729 : i32 to index
        %get3A_740 = arith.constant 48 : index
        %get3A_741 = tpu.vector_load %arg10[%get3A_739, %get3A_740] {strides = array<i32>} : memref<256x128xf32, #tpu.memory_space<vmem>>, vector<16xf32>,
        %add3A_742 = arith.addf %get3A_732, %get3A_669 : vector<16xf32>
        %add3A_743 = arith.addf %get3A_735, %get3A_672 : vector<16xf32>
        %add3A_744 = arith.addf %get3A_738, %get3A_675 : vector<16xf32>
        %add3A_745 = arith.addf %get3A_741, %get3A_678 : vector<16xf32>
        tpu.vector_store_idx %arg12[%shift_right_arithmetic3A_5, %and3A_28, %add3A_725], %add3A_742 : memref<8x8x129xf32, #tpu.memory_space<vmem>>[vector<16xi32>, vector<16xi32>, vector<16xi32>], vector<16xf32>,
        tpu.vector_store_idx %arg12[%shift_right_arithmetic3A_11, %and3A_34, %add3A_725], %add3A_743 : memref<8x8x129xf32, #tpu.memory_space<vmem>>[vector<16xi32>, vector<16xi32>, vector<16xi32>], vector<16xf32>,
        tpu.vector_store_idx %arg12[%shift_right_arithmetic3A_17, %and3A_40, %add3A_725], %add3A_744 : memref<8x8x129xf32, #tpu.memory_space<vmem>>[vector<16xi32>, vector<16xi32>, vector<16xi32>], vector<16xf32>,
        tpu.vector_store_idx %arg12[%shift_right_arithmetic3A_23, %and3A_46, %add3A_725], %add3A_745 : memref<8x8x129xf32, #tpu.memory_space<vmem>>[vector<16xi32>, vector<16xi32>, vector<16xi32>], vector<16xf32>,
        %add3A_746 = arith.constant 1 : i32
        %add3A_747 = vector.broadcast %add3A_746 : i32 to vector<16xi32>
        %add3A_748 = arith.addi %add3A_725, %add3A_747 : vector<16xi32>
        %scan3A_749 = arith.constant 2 : i32
        %scan3A_750 = arith.addi %scan3A_703, %scan3A_749 : i32
        %add3A_751 = arith.constant 128 : i32
        %add3A_752 = arith.addi %add3A_751, %scan3A_750 : i32
        %get3A_753 = arith.index_cast %add3A_752 : i32 to index
        %get3A_754 = arith.constant 0 : index
        %get3A_755 = tpu.vector_load %arg10[%get3A_753, %get3A_754] {strides = array<i32>} : memref<256x128xf32, #tpu.memory_space<vmem>>, vector<16xf32>,
        %get3A_756 = arith.index_cast %add3A_752 : i32 to index
        %get3A_757 = arith.constant 16 : index
        %get3A_758 = tpu.vector_load %arg10[%get3A_756, %get3A_757] {strides = array<i32>} : memref<256x128xf32, #tpu.memory_space<vmem>>, vector<16xf32>,
        %get3A_759 = arith.index_cast %add3A_752 : i32 to index
        %get3A_760 = arith.constant 32 : index
        %get3A_761 = tpu.vector_load %arg10[%get3A_759, %get3A_760] {strides = array<i32>} : memref<256x128xf32, #tpu.memory_space<vmem>>, vector<16xf32>,
        %get3A_762 = arith.index_cast %add3A_752 : i32 to index
        %get3A_763 = arith.constant 48 : index
        %get3A_764 = tpu.vector_load %arg10[%get3A_762, %get3A_763] {strides = array<i32>} : memref<256x128xf32, #tpu.memory_space<vmem>>, vector<16xf32>,
        %add3A_765 = arith.addf %get3A_755, %get3A_669 : vector<16xf32>
        %add3A_766 = arith.addf %get3A_758, %get3A_672 : vector<16xf32>
        %add3A_767 = arith.addf %get3A_761, %get3A_675 : vector<16xf32>
        %add3A_768 = arith.addf %get3A_764, %get3A_678 : vector<16xf32>
        tpu.vector_store_idx %arg12[%shift_right_arithmetic3A_5, %and3A_28, %add3A_748], %add3A_765 : memref<8x8x129xf32, #tpu.memory_space<vmem>>[vector<16xi32>, vector<16xi32>, vector<16xi32>], vector<16xf32>,
        tpu.vector_store_idx %arg12[%shift_right_arithmetic3A_11, %and3A_34, %add3A_748], %add3A_766 : memref<8x8x129xf32, #tpu.memory_space<vmem>>[vector<16xi32>, vector<16xi32>, vector<16xi32>], vector<16xf32>,
        tpu.vector_store_idx %arg12[%shift_right_arithmetic3A_17, %and3A_40, %add3A_748], %add3A_767 : memref<8x8x129xf32, #tpu.memory_space<vmem>>[vector<16xi32>, vector<16xi32>, vector<16xi32>], vector<16xf32>,
        tpu.vector_store_idx %arg12[%shift_right_arithmetic3A_23, %and3A_46, %add3A_748], %add3A_768 : memref<8x8x129xf32, #tpu.memory_space<vmem>>[vector<16xi32>, vector<16xi32>, vector<16xi32>], vector<16xf32>,
        %add3A_769 = arith.constant 1 : i32
        %add3A_770 = vector.broadcast %add3A_769 : i32 to vector<16xi32>
        %add3A_771 = arith.addi %add3A_748, %add3A_770 : vector<16xi32>
        %scan3A_772 = arith.constant 3 : i32
        %scan3A_773 = arith.addi %scan3A_703, %scan3A_772 : i32
        %add3A_774 = arith.constant 128 : i32
        %add3A_775 = arith.addi %add3A_774, %scan3A_773 : i32
        %get3A_776 = arith.index_cast %add3A_775 : i32 to index
        %get3A_777 = arith.constant 0 : index
        %get3A_778 = tpu.vector_load %arg10[%get3A_776, %get3A_777] {strides = array<i32>} : memref<256x128xf32, #tpu.memory_space<vmem>>, vector<16xf32>,
        %get3A_779 = arith.index_cast %add3A_775 : i32 to index
        %get3A_780 = arith.constant 16 : index
        %get3A_781 = tpu.vector_load %arg10[%get3A_779, %get3A_780] {strides = array<i32>} : memref<256x128xf32, #tpu.memory_space<vmem>>, vector<16xf32>,
        %get3A_782 = arith.index_cast %add3A_775 : i32 to index
        %get3A_783 = arith.constant 32 : index
        %get3A_784 = tpu.vector_load %arg10[%get3A_782, %get3A_783] {strides = array<i32>} : memref<256x128xf32, #tpu.memory_space<vmem>>, vector<16xf32>,
        %get3A_785 = arith.index_cast %add3A_775 : i32 to index
        %get3A_786 = arith.constant 48 : index
        %get3A_787 = tpu.vector_load %arg10[%get3A_785, %get3A_786] {strides = array<i32>} : memref<256x128xf32, #tpu.memory_space<vmem>>, vector<16xf32>,
        %add3A_788 = arith.addf %get3A_778, %get3A_669 : vector<16xf32>
        %add3A_789 = arith.addf %get3A_781, %get3A_672 : vector<16xf32>
        %add3A_790 = arith.addf %get3A_784, %get3A_675 : vector<16xf32>
        %add3A_791 = arith.addf %get3A_787, %get3A_678 : vector<16xf32>
        tpu.vector_store_idx %arg12[%shift_right_arithmetic3A_5, %and3A_28, %add3A_771], %add3A_788 : memref<8x8x129xf32, #tpu.memory_space<vmem>>[vector<16xi32>, vector<16xi32>, vector<16xi32>], vector<16xf32>,
        tpu.vector_store_idx %arg12[%shift_right_arithmetic3A_11, %and3A_34, %add3A_771], %add3A_789 : memref<8x8x129xf32, #tpu.memory_space<vmem>>[vector<16xi32>, vector<16xi32>, vector<16xi32>], vector<16xf32>,
        tpu.vector_store_idx %arg12[%shift_right_arithmetic3A_17, %and3A_40, %add3A_771], %add3A_790 : memref<8x8x129xf32, #tpu.memory_space<vmem>>[vector<16xi32>, vector<16xi32>, vector<16xi32>], vector<16xf32>,
        tpu.vector_store_idx %arg12[%shift_right_arithmetic3A_23, %and3A_46, %add3A_771], %add3A_791 : memref<8x8x129xf32, #tpu.memory_space<vmem>>[vector<16xi32>, vector<16xi32>, vector<16xi32>], vector<16xf32>,
        %add3A_792 = arith.constant 1 : i32
        %add3A_793 = vector.broadcast %add3A_792 : i32 to vector<16xi32>
        %add3A_794 = arith.addi %add3A_771, %add3A_793 : vector<16xi32>
        %scan3A_795 = arith.constant 4 : i32
        %scan3A_796 = arith.addi %scan3A_703, %scan3A_795 : i32
        %add3A_797 = arith.constant 128 : i32
        %add3A_798 = arith.addi %add3A_797, %scan3A_796 : i32
        %get3A_799 = arith.index_cast %add3A_798 : i32 to index
        %get3A_800 = arith.constant 0 : index
        %get3A_801 = tpu.vector_load %arg10[%get3A_799, %get3A_800] {strides = array<i32>} : memref<256x128xf32, #tpu.memory_space<vmem>>, vector<16xf32>,
        %get3A_802 = arith.index_cast %add3A_798 : i32 to index
        %get3A_803 = arith.constant 16 : index
        %get3A_804 = tpu.vector_load %arg10[%get3A_802, %get3A_803] {strides = array<i32>} : memref<256x128xf32, #tpu.memory_space<vmem>>, vector<16xf32>,
        %get3A_805 = arith.index_cast %add3A_798 : i32 to index
        %get3A_806 = arith.constant 32 : index
        %get3A_807 = tpu.vector_load %arg10[%get3A_805, %get3A_806] {strides = array<i32>} : memref<256x128xf32, #tpu.memory_space<vmem>>, vector<16xf32>,
        %get3A_808 = arith.index_cast %add3A_798 : i32 to index
        %get3A_809 = arith.constant 48 : index
        %get3A_810 = tpu.vector_load %arg10[%get3A_808, %get3A_809] {strides = array<i32>} : memref<256x128xf32, #tpu.memory_space<vmem>>, vector<16xf32>,
        %add3A_811 = arith.addf %get3A_801, %get3A_669 : vector<16xf32>
        %add3A_812 = arith.addf %get3A_804, %get3A_672 : vector<16xf32>
        %add3A_813 = arith.addf %get3A_807, %get3A_675 : vector<16xf32>
        %add3A_814 = arith.addf %get3A_810, %get3A_678 : vector<16xf32>
        tpu.vector_store_idx %arg12[%shift_right_arithmetic3A_5, %and3A_28, %add3A_794], %add3A_811 : memref<8x8x129xf32, #tpu.memory_space<vmem>>[vector<16xi32>, vector<16xi32>, vector<16xi32>], vector<16xf32>,
        tpu.vector_store_idx %arg12[%shift_right_arithmetic3A_11, %and3A_34, %add3A_794], %add3A_812 : memref<8x8x129xf32, #tpu.memory_space<vmem>>[vector<16xi32>, vector<16xi32>, vector<16xi32>], vector<16xf32>,
        tpu.vector_store_idx %arg12[%shift_right_arithmetic3A_17, %and3A_40, %add3A_794], %add3A_813 : memref<8x8x129xf32, #tpu.memory_space<vmem>>[vector<16xi32>, vector<16xi32>, vector<16xi32>], vector<16xf32>,
        tpu.vector_store_idx %arg12[%shift_right_arithmetic3A_23, %and3A_46, %add3A_794], %add3A_814 : memref<8x8x129xf32, #tpu.memory_space<vmem>>[vector<16xi32>, vector<16xi32>, vector<16xi32>], vector<16xf32>,
        %add3A_815 = arith.constant 1 : i32
        %add3A_816 = vector.broadcast %add3A_815 : i32 to vector<16xi32>
        %add3A_817 = arith.addi %add3A_794, %add3A_816 : vector<16xi32>
        %scan3A_818 = arith.constant 5 : i32
        %scan3A_819 = arith.addi %scan3A_703, %scan3A_818 : i32
        %add3A_820 = arith.constant 128 : i32
        %add3A_821 = arith.addi %add3A_820, %scan3A_819 : i32
        %get3A_822 = arith.index_cast %add3A_821 : i32 to index
        %get3A_823 = arith.constant 0 : index
        %get3A_824 = tpu.vector_load %arg10[%get3A_822, %get3A_823] {strides = array<i32>} : memref<256x128xf32, #tpu.memory_space<vmem>>, vector<16xf32>,
        %get3A_825 = arith.index_cast %add3A_821 : i32 to index
        %get3A_826 = arith.constant 16 : index
        %get3A_827 = tpu.vector_load %arg10[%get3A_825, %get3A_826] {strides = array<i32>} : memref<256x128xf32, #tpu.memory_space<vmem>>, vector<16xf32>,
        %get3A_828 = arith.index_cast %add3A_821 : i32 to index
        %get3A_829 = arith.constant 32 : index
        %get3A_830 = tpu.vector_load %arg10[%get3A_828, %get3A_829] {strides = array<i32>} : memref<256x128xf32, #tpu.memory_space<vmem>>, vector<16xf32>,
        %get3A_831 = arith.index_cast %add3A_821 : i32 to index
        %get3A_832 = arith.constant 48 : index
        %get3A_833 = tpu.vector_load %arg10[%get3A_831, %get3A_832] {strides = array<i32>} : memref<256x128xf32, #tpu.memory_space<vmem>>, vector<16xf32>,
        %add3A_834 = arith.addf %get3A_824, %get3A_669 : vector<16xf32>
        %add3A_835 = arith.addf %get3A_827, %get3A_672 : vector<16xf32>
        %add3A_836 = arith.addf %get3A_830, %get3A_675 : vector<16xf32>
        %add3A_837 = arith.addf %get3A_833, %get3A_678 : vector<16xf32>
        tpu.vector_store_idx %arg12[%shift_right_arithmetic3A_5, %and3A_28, %add3A_817], %add3A_834 : memref<8x8x129xf32, #tpu.memory_space<vmem>>[vector<16xi32>, vector<16xi32>, vector<16xi32>], vector<16xf32>,
        tpu.vector_store_idx %arg12[%shift_right_arithmetic3A_11, %and3A_34, %add3A_817], %add3A_835 : memref<8x8x129xf32, #tpu.memory_space<vmem>>[vector<16xi32>, vector<16xi32>, vector<16xi32>], vector<16xf32>,
        tpu.vector_store_idx %arg12[%shift_right_arithmetic3A_17, %and3A_40, %add3A_817], %add3A_836 : memref<8x8x129xf32, #tpu.memory_space<vmem>>[vector<16xi32>, vector<16xi32>, vector<16xi32>], vector<16xf32>,
        tpu.vector_store_idx %arg12[%shift_right_arithmetic3A_23, %and3A_46, %add3A_817], %add3A_837 : memref<8x8x129xf32, #tpu.memory_space<vmem>>[vector<16xi32>, vector<16xi32>, vector<16xi32>], vector<16xf32>,
        %add3A_838 = arith.constant 1 : i32
        %add3A_839 = vector.broadcast %add3A_838 : i32 to vector<16xi32>
        %add3A_840 = arith.addi %add3A_817, %add3A_839 : vector<16xi32>
        %scan3A_841 = arith.constant 6 : i32
        %scan3A_842 = arith.addi %scan3A_703, %scan3A_841 : i32
        %add3A_843 = arith.constant 128 : i32
        %add3A_844 = arith.addi %add3A_843, %scan3A_842 : i32
        %get3A_845 = arith.index_cast %add3A_844 : i32 to index
        %get3A_846 = arith.constant 0 : index
        %get3A_847 = tpu.vector_load %arg10[%get3A_845, %get3A_846] {strides = array<i32>} : memref<256x128xf32, #tpu.memory_space<vmem>>, vector<16xf32>,
        %get3A_848 = arith.index_cast %add3A_844 : i32 to index
        %get3A_849 = arith.constant 16 : index
        %get3A_850 = tpu.vector_load %arg10[%get3A_848, %get3A_849] {strides = array<i32>} : memref<256x128xf32, #tpu.memory_space<vmem>>, vector<16xf32>,
        %get3A_851 = arith.index_cast %add3A_844 : i32 to index
        %get3A_852 = arith.constant 32 : index
        %get3A_853 = tpu.vector_load %arg10[%get3A_851, %get3A_852] {strides = array<i32>} : memref<256x128xf32, #tpu.memory_space<vmem>>, vector<16xf32>,
        %get3A_854 = arith.index_cast %add3A_844 : i32 to index
        %get3A_855 = arith.constant 48 : index
        %get3A_856 = tpu.vector_load %arg10[%get3A_854, %get3A_855] {strides = array<i32>} : memref<256x128xf32, #tpu.memory_space<vmem>>, vector<16xf32>,
        %add3A_857 = arith.addf %get3A_847, %get3A_669 : vector<16xf32>
        %add3A_858 = arith.addf %get3A_850, %get3A_672 : vector<16xf32>
        %add3A_859 = arith.addf %get3A_853, %get3A_675 : vector<16xf32>
        %add3A_860 = arith.addf %get3A_856, %get3A_678 : vector<16xf32>
        tpu.vector_store_idx %arg12[%shift_right_arithmetic3A_5, %and3A_28, %add3A_840], %add3A_857 : memref<8x8x129xf32, #tpu.memory_space<vmem>>[vector<16xi32>, vector<16xi32>, vector<16xi32>], vector<16xf32>,
        tpu.vector_store_idx %arg12[%shift_right_arithmetic3A_11, %and3A_34, %add3A_840], %add3A_858 : memref<8x8x129xf32, #tpu.memory_space<vmem>>[vector<16xi32>, vector<16xi32>, vector<16xi32>], vector<16xf32>,
        tpu.vector_store_idx %arg12[%shift_right_arithmetic3A_17, %and3A_40, %add3A_840], %add3A_859 : memref<8x8x129xf32, #tpu.memory_space<vmem>>[vector<16xi32>, vector<16xi32>, vector<16xi32>], vector<16xf32>,
        tpu.vector_store_idx %arg12[%shift_right_arithmetic3A_23, %and3A_46, %add3A_840], %add3A_860 : memref<8x8x129xf32, #tpu.memory_space<vmem>>[vector<16xi32>, vector<16xi32>, vector<16xi32>], vector<16xf32>,
        %add3A_861 = arith.constant 1 : i32
        %add3A_862 = vector.broadcast %add3A_861 : i32 to vector<16xi32>
        %add3A_863 = arith.addi %add3A_840, %add3A_862 : vector<16xi32>
        %scan3A_864 = arith.constant 7 : i32
        %scan3A_865 = arith.addi %scan3A_703, %scan3A_864 : i32
        %add3A_866 = arith.constant 128 : i32
        %add3A_867 = arith.addi %add3A_866, %scan3A_865 : i32
        %get3A_868 = arith.index_cast %add3A_867 : i32 to index
        %get3A_869 = arith.constant 0 : index
        %get3A_870 = tpu.vector_load %arg10[%get3A_868, %get3A_869] {strides = array<i32>} : memref<256x128xf32, #tpu.memory_space<vmem>>, vector<16xf32>,
        %get3A_871 = arith.index_cast %add3A_867 : i32 to index
        %get3A_872 = arith.constant 16 : index
        %get3A_873 = tpu.vector_load %arg10[%get3A_871, %get3A_872] {strides = array<i32>} : memref<256x128xf32, #tpu.memory_space<vmem>>, vector<16xf32>,
        %get3A_874 = arith.index_cast %add3A_867 : i32 to index
        %get3A_875 = arith.constant 32 : index
        %get3A_876 = tpu.vector_load %arg10[%get3A_874, %get3A_875] {strides = array<i32>} : memref<256x128xf32, #tpu.memory_space<vmem>>, vector<16xf32>,
        %get3A_877 = arith.index_cast %add3A_867 : i32 to index
        %get3A_878 = arith.constant 48 : index
        %get3A_879 = tpu.vector_load %arg10[%get3A_877, %get3A_878] {strides = array<i32>} : memref<256x128xf32, #tpu.memory_space<vmem>>, vector<16xf32>,
        %add3A_880 = arith.addf %get3A_870, %get3A_669 : vector<16xf32>
        %add3A_881 = arith.addf %get3A_873, %get3A_672 : vector<16xf32>
        %add3A_882 = arith.addf %get3A_876, %get3A_675 : vector<16xf32>
        %add3A_883 = arith.addf %get3A_879, %get3A_678 : vector<16xf32>
        tpu.vector_store_idx %arg12[%shift_right_arithmetic3A_5, %and3A_28, %add3A_863], %add3A_880 : memref<8x8x129xf32, #tpu.memory_space<vmem>>[vector<16xi32>, vector<16xi32>, vector<16xi32>], vector<16xf32>,
        tpu.vector_store_idx %arg12[%shift_right_arithmetic3A_11, %and3A_34, %add3A_863], %add3A_881 : memref<8x8x129xf32, #tpu.memory_space<vmem>>[vector<16xi32>, vector<16xi32>, vector<16xi32>], vector<16xf32>,
        tpu.vector_store_idx %arg12[%shift_right_arithmetic3A_17, %and3A_40, %add3A_863], %add3A_882 : memref<8x8x129xf32, #tpu.memory_space<vmem>>[vector<16xi32>, vector<16xi32>, vector<16xi32>], vector<16xf32>,
        tpu.vector_store_idx %arg12[%shift_right_arithmetic3A_23, %and3A_46, %add3A_863], %add3A_883 : memref<8x8x129xf32, #tpu.memory_space<vmem>>[vector<16xi32>, vector<16xi32>, vector<16xi32>], vector<16xf32>,
        %add3A_884 = arith.constant 1 : i32
        %add3A_885 = vector.broadcast %add3A_884 : i32 to vector<16xi32>
        %add3A_886 = arith.addi %add3A_863, %add3A_885 : vector<16xi32>
        scf.yield %add3A_886 : vector<16xi32>
      }
      %scan3A_684 = arith.constant 128 : i32
      %dma_start3A_685 = arith.constant 0 : i32
      %dma_start3A_686 = arith.constant 0 : i32
      %dma_start3A_687 = arith.constant 0 : i32
      %dma_start3A_688 = tpu.memref_slice %arg12[%dma_start3A_685, %dma_start3A_686, %dma_start3A_687] : memref<8x8x129xf32, #tpu.memory_space<vmem>> -> memref<8x8x128xf32, #tpu.memory_space<vmem>>
      %dma_start3A_689 = arith.constant 0 : i32
      %dma_start3A_690 = arith.constant 0 : i32
      %dma_start3A_691 = arith.constant 0 : i32
      %dma_start3A_692 = tpu.memref_slice %arg5[%add3A_666, %dma_start3A_689, %add3A, %dma_start3A_690, %dma_start3A_691] : memref<200x8x32x8x128xf32, #tpu.memory_space<hbm>> -> memref<1x8x1x8x128xf32, #tpu.memory_space<hbm>>
      %dma_start3A_693 = tpu.memref_squeeze %dma_start3A_692 : memref<1x8x1x8x128xf32, #tpu.memory_space<hbm>> -> memref<8x8x128xf32, #tpu.memory_space<hbm>>
      %dma_start3A_694 = arith.constant 0 : i32
      %dma_start3A_695 = arith.constant 0 : i32
      %dma_start3A_696 = arith.constant 0 : i32
      %dma_start3A_697 = tpu.memref_slice %arg5[%add3A_666, %dma_start3A_694, %add3A, %dma_start3A_695, %dma_start3A_696] : memref<200x8x32x8x128xf32, #tpu.memory_space<hbm>> -> memref<1x8x1x8x128xf32, #tpu.memory_space<hbm>>
      %dma_start3A_698 = tpu.memref_squeeze %dma_start3A_697 : memref<1x8x1x8x128xf32, #tpu.memory_space<hbm>> -> memref<8x8x128xf32, #tpu.memory_space<hbm>>
      %dma_start3A_699 = arith.constant 0 : i32
      %dma_start3A_700 = arith.constant 0 : i32
      %dma_start3A_701 = arith.constant 0 : i32
      %dma_start3A_702 = tpu.memref_slice %arg12[%dma_start3A_699, %dma_start3A_700, %dma_start3A_701] : memref<8x8x129xf32, #tpu.memory_space<vmem>> -> memref<8x8x128xf32, #tpu.memory_space<vmem>>
      tpu.enqueue_dma source(%dma_start3A_702 : memref<8x8x128xf32, #tpu.memory_space<vmem>>) target(%dma_start3A_698 : memref<8x8x128xf32, #tpu.memory_space<hbm>>) target_semaphore(%arg16 : memref<!tpu.dma_semaphore, #tpu.memory_space<semaphore_mem>>)
    }
    %scan3A_353 = arith.constant 49 : i32
    %dma_wait3A_354 = arith.constant 0 : i32
    %dma_wait3A_355 = arith.constant 0 : i32
    %dma_wait3A_356 = arith.constant 0 : i32
    %dma_wait3A_357 = arith.constant 0 : i32
    %dma_wait3A_358 = tpu.memref_slice %arg11[%dma_wait3A_355, %dma_wait3A_356, %dma_wait3A_357] : memref<8x8x129xf32, #tpu.memory_space<vmem>> -> memref<8x8x128xf32, #tpu.memory_space<vmem>>
    %dma_wait3A_359 = arith.constant 0 : i32
    %dma_wait3A_360 = arith.constant 0 : i32
    %dma_wait3A_361 = arith.constant 0 : i32
    %dma_wait3A_362 = tpu.memref_slice %arg5[%dma_wait3A_354, %dma_wait3A_359, %add3A, %dma_wait3A_360, %dma_wait3A_361] : memref<200x8x32x8x128xf32, #tpu.memory_space<hbm>> -> memref<1x8x1x8x128xf32, #tpu.memory_space<hbm>>
    %dma_wait3A_363 = tpu.memref_squeeze %dma_wait3A_362 : memref<1x8x1x8x128xf32, #tpu.memory_space<hbm>> -> memref<8x8x128xf32, #tpu.memory_space<hbm>>
    %dma_wait3A_364 = arith.constant 0 : i32
    %dma_wait3A_365 = arith.constant 0 : i32
    %dma_wait3A_366 = arith.constant 0 : i32
    %dma_wait3A_367 = tpu.memref_slice %arg5[%dma_wait3A_354, %dma_wait3A_364, %add3A, %dma_wait3A_365, %dma_wait3A_366] : memref<200x8x32x8x128xf32, #tpu.memory_space<hbm>> -> memref<1x8x1x8x128xf32, #tpu.memory_space<hbm>>
    %dma_wait3A_368 = tpu.memref_squeeze %dma_wait3A_367 : memref<1x8x1x8x128xf32, #tpu.memory_space<hbm>> -> memref<8x8x128xf32, #tpu.memory_space<hbm>>
    %dma_wait3A_369 = arith.constant 0 : i32
    %dma_wait3A_370 = arith.constant 0 : i32
    %dma_wait3A_371 = arith.constant 0 : i32
    %dma_wait3A_372 = tpu.memref_slice %arg11[%dma_wait3A_369, %dma_wait3A_370, %dma_wait3A_371] : memref<8x8x129xf32, #tpu.memory_space<vmem>> -> memref<8x8x128xf32, #tpu.memory_space<vmem>>
    tpu.wait_dma2 semaphore(%arg15 : memref<!tpu.dma_semaphore, #tpu.memory_space<semaphore_mem>>) src(%dma_wait3A_372 : memref<8x8x128xf32, #tpu.memory_space<vmem>>) dst(%dma_wait3A_368 : memref<8x8x128xf32, #tpu.memory_space<hbm>>)
    %dma_wait3A_373 = arith.constant 0 : i32
    %dma_wait3A_374 = arith.constant 0 : i32
    %dma_wait3A_375 = arith.constant 0 : i32
    %dma_wait3A_376 = arith.constant 0 : i32
    %dma_wait3A_377 = tpu.memref_slice %arg12[%dma_wait3A_374, %dma_wait3A_375, %dma_wait3A_376] : memref<8x8x129xf32, #tpu.memory_space<vmem>> -> memref<8x8x128xf32, #tpu.memory_space<vmem>>
    %dma_wait3A_378 = arith.constant 0 : i32
    %dma_wait3A_379 = arith.constant 0 : i32
    %dma_wait3A_380 = arith.constant 0 : i32
    %dma_wait3A_381 = tpu.memref_slice %arg5[%dma_wait3A_373, %dma_wait3A_378, %add3A, %dma_wait3A_379, %dma_wait3A_380] : memref<200x8x32x8x128xf32, #tpu.memory_space<hbm>> -> memref<1x8x1x8x128xf32, #tpu.memory_space<hbm>>
    %dma_wait3A_382 = tpu.memref_squeeze %dma_wait3A_381 : memref<1x8x1x8x128xf32, #tpu.memory_space<hbm>> -> memref<8x8x128xf32, #tpu.memory_space<hbm>>
    %dma_wait3A_383 = arith.constant 0 : i32
    %dma_wait3A_384 = arith.constant 0 : i32
    %dma_wait3A_385 = arith.constant 0 : i32
    %dma_wait3A_386 = tpu.memref_slice %arg5[%dma_wait3A_373, %dma_wait3A_383, %add3A, %dma_wait3A_384, %dma_wait3A_385] : memref<200x8x32x8x128xf32, #tpu.memory_space<hbm>> -> memref<1x8x1x8x128xf32, #tpu.memory_space<hbm>>
    %dma_wait3A_387 = tpu.memref_squeeze %dma_wait3A_386 : memref<1x8x1x8x128xf32, #tpu.memory_space<hbm>> -> memref<8x8x128xf32, #tpu.memory_space<hbm>>
    %dma_wait3A_388 = arith.constant 0 : i32
    %dma_wait3A_389 = arith.constant 0 : i32
    %dma_wait3A_390 = arith.constant 0 : i32
    %dma_wait3A_391 = tpu.memref_slice %arg12[%dma_wait3A_388, %dma_wait3A_389, %dma_wait3A_390] : memref<8x8x129xf32, #tpu.memory_space<vmem>> -> memref<8x8x128xf32, #tpu.memory_space<vmem>>
    tpu.wait_dma2 semaphore(%arg16 : memref<!tpu.dma_semaphore, #tpu.memory_space<semaphore_mem>>) src(%dma_wait3A_391 : memref<8x8x128xf32, #tpu.memory_space<vmem>>) dst(%dma_wait3A_387 : memref<8x8x128xf32, #tpu.memory_space<hbm>>)
    return
  }
}

</mosaic_0001>

<sc_bundles>
// kernel: kernel.3.cloned.1.call-start
scs
__scs_entry_jumppad:
0x0: {  	(pc) =	sbr.rel $0x88, $3  }
0x1: {  	(tag) =	ssettag $0x0;
	lr =	simm.s32 $0x1  }
0x2: {  	[smem:$0x3F9E] =	sst lr;
	_ =	strace $0xD0000000  }
0x3: {  	_ = 	snop  }
0x4: {  	_ = 	snop  }
0x5: {  	_ = 	snop  }
0x6: {  	_ = 	snop  }
0x7: {  	_ = 	snop  }
__scs_overlays_trampoline_lowered:
0x8: {  	[smem:$0x3FAD] =	sst s0  }
0x9: {  	[smem:$0x3FAE] =	sst s1  }
0xa: {  	[smem:$0x3FAF] =	sst s2  }
0xb: {  	[smem:$0x3FB0] =	sst s3  }
0xc: {  	[smem:$0x3FB1] =	sst s4  }
0xd: {  	[smem:$0x3FB2] =	sst s5  }
0xe: {  	[smem:$0x3FB3] =	sst s6  }
0xf: {  	[smem:$0x3FB4] =	sst s7  }
0x10: {  	[smem:$0x3FB5] =	sst s8  }
0x11: {  	[smem:$0x3FB6] =	sst s9;
	s0 =	simm.s32 @!p0 $0x0  }
0x12: {  	s1 =	sld [smem:$0x3F9C];
	s0 =	simm.s32 @p0 $0x1  }
0x13: {  	[smem:$0x3FB7] =	sst s0;
	s0 =	simm.s32 @!p1 $0x0  }
0x14: {  	s2 =	sld [smem:$0x3F9B];
	s0 =	simm.s32 @p1 $0x1  }
0x15: {  	[smem:$0x3FB8] =	sst s0;
	s0 =	simm.s32 @!p2 $0x0  }
0x16: {  	s3 =	sld [smem:$0x3FDB];
	s0 =	simm.s32 @p2 $0x1  }
0x17: {  	s4 =	simm.s32 $0x1BF5;
	[smem:$0x3FBA] =	sst s0  }
0x18: {  	s0 =	sld [smem:$0x3F9D];
	_ =	swait.ge [sflag:s4], $0x0  }
0x19: {  	s7 =	sld [smem:$0x3F9E]  }
0x1a: {  	s8 =	sadd.s32 $0xFFFFE003, lr  }
0x1b: {  	s9 =	sadd.s32 $0xFFFFFEF7, lr;
	s5 =	simm.s32 $0xFFFFFFFF;
	p2 =	slt.u32 s8, $0xFFFFF086  }
0x1c: {  	p1 =	slt.u32 s9, $0xF7A;
	s5 =	simm.s32 @!p2 $0x0  }
0x1d: {  	s5 =	simm.s32 @p1 $0x1;
	p0 =	seq.s32 s7, s2  }
0x1e: {  	s7 =	smul.u32 @!p0 $0xF7A, s2;
	p2 =	seq.s32 @!p0 s5, $0x0  }
0x1f: {  	s9 =	smul.u32 $0xF7A, s1;
	s8 =	simm.s32 @!p0 $0x1BF5;
	p2 =	por !p2, p0  }
0x20: {  	[sflag:s8] =	ssyncset.s32 @!p0 $0xFFFFF086;
	s6 =	sadd.s32 @!p0 s3, s7;
	s7 =	simm.s32 @!p0 $0x108  }
0x21: {  	s3 =	sadd.s32 s3, s9;
	s6 =	sadd.s32 @!p0 $0x88, s6;
	s7 =	simm.s32 @p2 $0x1082  }
0x22: {  	[simem:s7], [sflag:s8] =	dma.local @!p0 [hbm:s6], $0xF7A  }
0x23: {  	s9 =	sor.u32 $0xD0000000, s2;
	s6 =	simm.s32 $0x108;
	_ =	swait.ge @!p0 [sflag:s8], $0x0  }
0x24: {  	s3 =	sadd.s32 $0x88, s3;
	s6 =	simm.s32 @!p1 $0x1082;
	[sflag:s4] =	ssyncset.s32 $0xFFFFF086  }
0x25: {  	[simem:s6], [sflag:s4] =	dma.local [hbm:s3], $0xF7A  }
0x26: {  	[smem:$0x3F9E] =	sst s1;
	(tag) =	ssettag s2;
	_ =	strace s9  }
0x27: {  	s1 =	sld [smem:$0x3FAE]  }
0x28: {  	s2 =	sld [smem:$0x3FAF]  }
0x29: {  	s4 =	sld [smem:$0x3FB1]  }
0x2a: {  	p0 =	seq.s32 s5, $0x0;
	s5 =	sld [smem:$0x3FB2]  }
0x2b: {  	s6 =	sld [smem:$0x3FB3]  }
0x2c: {  	s7 =	sld [smem:$0x3FB4]  }
0x2d: {  	s3 =	simm.s32 $0x108;
	s8 =	sld [smem:$0x3FB5]  }
0x2e: {  	s3 =	simm.s32 @!p0 $0x1082;
	s9 =	sld [smem:$0x3FB6]  }
0x2f: {  	lr =	sadd.s32 s0, s3;
	s0 =	sld [smem:$0x3FAD]  }
0x30: {  	s3 =	sld [smem:$0x3FB0]  }
0x31: {  	[smem:$0x3FB9] =	sst s10  }
0x32: {  	s10 =	sld [smem:$0x3FB7];
	_ =	sdelay $0x3  }
0x33: {  	p0 =	seq.s32 s10, $0x1;
	s10 =	sld [smem:$0x3FB9];
	_ =	sdelay $0x3  }
0x34: {  	[smem:$0x3FB9] =	sst s10  }
0x35: {  	s10 =	sld [smem:$0x3FB8];
	_ =	sdelay $0x3  }
0x36: {  	p1 =	seq.s32 s10, $0x1;
	s10 =	sld [smem:$0x3FB9];
	_ =	sdelay $0x3  }
0x37: {  	[smem:$0x3FB9] =	sst s10  }
0x38: {  	s10 =	sld [smem:$0x3FBA]  }
0x39: {  	_ = 	snop;
	(pc) =	sbr.ind lr, $3  }
0x3a: {  	_ = 	snop  }
0x3b: {  	_ = 	snop  }
0x3c: {  	p2 =	seq.s32 s10, $0x1;
	s10 =	sld [smem:$0x3FB9]  }
0x3d: {  	_ =	shalt  }
0x3e: {  	_ =	shalt  }
0x3f: {  	_ =	shalt  }
0x40: {  	_ =	shalt  }
0x41: {  	_ =	shalt  }
0x42: {  	_ =	shalt  }
0x43: {  	_ =	shalt  }
0x44: {  	_ =	shalt  }
0x45: {  	_ =	shalt  }
0x46: {  	_ =	shalt  }
0x47: {  	_ =	shalt  }
0x48: {  	_ =	shalt  }
0x49: {  	_ =	shalt  }
0x4a: {  	_ =	shalt  }
0x4b: {  	_ =	shalt  }
0x4c: {  	_ =	shalt  }
0x4d: {  	_ =	shalt  }
0x4e: {  	_ =	shalt  }
0x4f: {  	_ =	shalt  }
0x50: {  	_ =	shalt  }
0x51: {  	_ =	shalt  }
0x52: {  	_ =	shalt  }
0x53: {  	_ =	shalt  }
0x54: {  	_ =	shalt  }
0x55: {  	_ =	shalt  }
0x56: {  	_ =	shalt  }
0x57: {  	_ =	shalt  }
0x58: {  	_ =	shalt  }
0x59: {  	_ =	shalt  }
0x5a: {  	_ =	shalt  }
0x5b: {  	_ =	shalt  }
0x5c: {  	_ =	shalt  }
0x5d: {  	_ =	shalt  }
0x5e: {  	_ =	shalt  }
0x5f: {  	_ =	shalt  }
0x60: {  	_ =	shalt  }
0x61: {  	_ =	shalt  }
0x62: {  	_ =	shalt  }
0x63: {  	_ =	shalt  }
0x64: {  	_ =	shalt  }
0x65: {  	_ =	shalt  }
0x66: {  	_ =	shalt  }
0x67: {  	_ =	shalt  }
0x68: {  	_ =	shalt  }
0x69: {  	_ =	shalt  }
0x6a: {  	_ =	shalt  }
0x6b: {  	_ =	shalt  }
0x6c: {  	_ =	shalt  }
0x6d: {  	_ =	shalt  }
0x6e: {  	_ =	shalt  }
0x6f: {  	_ =	shalt  }
0x70: {  	_ =	shalt  }
0x71: {  	_ =	shalt  }
0x72: {  	_ =	shalt  }
0x73: {  	_ =	shalt  }
0x74: {  	_ =	shalt  }
0x75: {  	_ =	shalt  }
0x76: {  	_ =	shalt  }
0x77: {  	_ =	shalt  }
0x78: {  	_ =	shalt  }
0x79: {  	_ =	shalt  }
0x7a: {  	_ =	shalt  }
0x7b: {  	_ =	shalt  }
0x7c: {  	_ =	shalt  }
0x7d: {  	_ =	shalt  }
0x7e: {  	_ =	shalt  }
0x7f: {  	_ =	shalt  }
0x80: {  	_ =	shalt  }
0x81: {  	_ =	shalt  }
0x82: {  	_ =	shalt  }
0x83: {  	_ =	shalt  }
0x84: {  	_ =	shalt  }
0x85: {  	_ =	shalt  }
0x86: {  	_ =	shalt  }
0x87: {  	_ =	shalt  }
.Lfunc_end0:
.L_simem_size_0:
called_computation_lowered:
.L_overlay_start_0:
0x88: {  	s2 =	sld [smem:$0x3FD9]  }
0x89: {  	s3 =	sld [smem:$0x3FFE];
	_ =	sdelay $0x1  }
0x8a: {  	s1 =	srdreg.scid  }
0x8b: {  	s0 =	sand.u32 $0x1, s1  }
0x8c: {  	s17 =	sshll.u32 s0, $0xA;
	s2 =	sadd.s32 s3, s2  }
0x8d: {  	s2 =	sadd.s32 s2, s17  }
0x8e: {  	[smem:$0x3FC5] =	sst s2  }
0x8f: {  	_ = 	snop  }
0x90: {  	s2 =	sld [smem:$0x3FC9]  }
0x91: {  	s18 =	sld [smem:$0x3FD0];
	(tm) =	ssettm $0x1  }
0x92: {  	s4 =	sld [smem:$0x3FFB];
	_ =	sdelay $0x3  }
0x93: {  	_ =	strace s4  }
0x94: {  	s4 =	sld [smem:$0x3FFC];
	_ =	sdelay $0x3  }
0x95: {  	_ =	strace s4  }
0x96: {  	s4 =	sld [smem:$0x3FFD];
	_ =	sdelay $0x3  }
0x97: {  	_ =	strace s4  }
0x98: {  	_ =	strace $0x8FFFFFFF  }
0x99: {  	s19 =	sld [smem:$0x3FDB];
	_ =	sdelay $0x1  }
0x9a: {  	s5 =	simm.s32 $_scs_section_size  }
0x9b: {  	s6 =	simm.s32 $_size__tile_overlayer_lowered;
	s7 =	simm.s32 $_tile_overlayer_lowered  }
0x9c: {  	s22 =	simm.s32 $0x1BFF;
	s21 =	sshll.u32 s7, $0x1;
	s4 =	sadd.s32 s5, s19  }
0x9d: {  	s8 =	simm.s32 $0x0;
	s20 =	sshll.u32 s6, $0x1;
	s6 =	sadd.s32 s21, s4  }
0x9e: {  	[timem:s8], [sflag:s22] =	dma.local [hbm:s6], s20  }
0x9f: {  	_ =	swait.ge [sflag:s22], s20  }
0xa0: {  	s5 =	ssub.s32 $0x0, s20;
	[sflag:s22] =	ssyncset.done $0x0  }
0xa1: {  	[sflag:s22] =	ssyncadd.s32 s5;
	_ =	sdelay $0x1  }
0xa2: {  	s23 =	simm.s32 $0x1B8B  }
0xa3: {  	_ =	swait.ge [sflag:s23], $0x1  }
0xa4: {  	[sflag:s23] =	ssyncset.done $0x0  }
0xa5: {  	s25 =	simm.s32 $0x1B8E;
	s24 =	sld [smem:$0x3FFE];
	[sflag:s23] =	ssyncadd.s32 $0xFFFFFFFF  }
0xa6: {  	s26 =	simm.s32 $execute0_lowered;
	[smem:$0x3FD2] =	sst s25  }
0xa7: {  	s6 =	sshll.u32 s26, $0x1;
	_ =	strace $0x80000046;
	[dreg:$0x1] =	wrdreg $0xFFFFFFFF  }
0xa8: {  	s28 =	simm.s32 $_size_execute0_lowered;
	s4 =	sadd.s32 s4, s6;
	[dreg:$0x0] =	wrdreg $0x0  }
0xa9: {  	s6 =	sshll.u32 s28, $0x1;
	[dreg:$0x2] =	wrdreg s4  }
0xaa: {  	[dreg:$0x3] =	wrdreg s6  }
0xab: {  	[dreg:$0x4] =	wrdreg $0xC0  }
0xac: {  	_ =	task [dreg:s8], $0x5FFFF  }
0xad: {  	[dreg:$0x1] =	wrdreg $0xFFFFFFFF  }
0xae: {  	[dreg:$0x0] =	wrdreg $0x60  }
0xaf: {  	[dreg:$0x2] =	wrdreg s2  }
0xb0: {  	[dreg:$0x3] =	wrdreg s24  }
0xb1: {  	[dreg:$0x4] =	wrdreg s18  }
0xb2: {  	[dreg:$0x5] =	wrdreg $0x9  }
0xb3: {  	_ =	task.clear_ibuf [dreg:s8], $0x6FFFF;
	_ =	strace $0x90000046  }
0xb4: {  	s29 =	simm.s32 $0x9;
	_ =	strace $0x80000048  }
0xb5: {  	_ =	swait.ge [sflag:s29], $0x1  }
0xb6: {  	[sflag:s29] =	ssyncadd.s32 $0xFFFFFFFF  }
0xb7: {  	_ =	strace $0x90000048  }
0xb8: {  	_ =	sfence  }
0xb9: {  	s30 =	sld [smem:$0x0];
	_ =	sdelay $0x2  }
0xba: {  	s31 =	sshll.u32 s1, $0xD;
	s1 =	sshrl.u32 s1, $0x2  }
0xbb: {  	s3 =	sand.u32 $0x4000, s31;
	s1 =	sadd.s32 s1, s30  }
0xbc: {  	s0 =	sor.u32 s3, s0;
	s1 =	sshll.u32 s1, $0x11  }
0xbd: {  	s0 =	sor.u32 s1, s0  }
0xbe: {  	s0 =	sadd.s32 $0x8F2B, s0  }
0xbf: {  	[sflag:s0] =	ssyncadd.remote.s32 $0x1  }
0xc0: {  	_ =	sfence.sel $0xFFFF  }
0xc1: {  	[dreg:$0x0] =	wrdreg $0xFFFFFFFF;
	(pc) =	sbr.abs _section_cstart, $3  }
0xc2: {  	[dreg:$0x1] =	wrdreg $0xFFFFFFFF  }
0xc3: {  	_ =	task.clear_ibuf [dreg:s8], $0x2FFFF;
	_ =	strace $0x9FFFFFFF  }
0xc4: {  	(tm) =	ssettm $0x7FFFFFFF  }
0xc5: {  	_ =	shalt  }
tec
execute0_lowered:
.L_overlay_start_1:
0x0: {  	(tag) =	ssettag $0x1  }
0x1: {  	s1 =	rddreg [dreg:$0x0]  }
0x2: {  	s0 =	rddreg [dreg:$0x1]  }
0x3: {  	s2 =	rddreg [dreg:$0x2]  }
0x4: {  	s3 =	srdreg.scid;
	v0 =	vlaneseq.u32;
	s4 =	simm.s32 $0x0;
	s5 =	stileid.u32  }
0x5: {  	s16 =	simm.s32 $0x5;
	s17 =	simm.s32 $0x3200;
	s18 =	simm.s32 $0x80;
	v0 =	vmul.u32 $0x88, v0  }
0x6: {  	s28 =	simm.s32 $0x13400;
	s29 =	simm.s32 $0x15600;
	s30 =	simm.s32 $0x2  }
0x7: {  	s31 =	simm.s32 $0x3;
	[smem:$0x7FF] =	sst s4;
	s6 =	sshll.u32 s5, $0xB;
	v1 =	vadd.s32 $0x880, v0  }
0x8: {  	s3 =	sand.u32 $0x1, s3;
	s5 =	sadd.s32 $0xF43200, s0;
	s0 =	sadd.s32 $0xF42A00, s0;
	v2 =	vadd.s32 $0x1100, v0;
	v3 =	vadd.s32 $0x1980, v0;
	v4 =	vor.u32 $0x1, v0  }
0x9: {  	s7 =	sshll.u32 s3, $0xA;
	_ =	strace $0x80000047;
	s22 =	ssub.s32 $0x2, s3;
	v5 =	vadd.s32 $0x881, v0;
	v6 =	vadd.s32 $0x1101, v0;
	v7 =	vadd.s32 $0x1981, v0  }
0xa: {  	[dreg:$0x4] =	wrdreg s0;
	s6 =	sor.u32 s7, s6;
	s24 =	sshrl.u32 s22, $0x1;
	v8 =	vor.u32 $0x2, v0;
	v9 =	vadd.s32 $0x882, v0;
	v10 =	vadd.s32 $0x1102, v0  }
0xb: {  	s3 =	simm.s32 $0x0;
	v11 =	vadd.s32 $0x1982, v0;
	v12 =	vor.u32 $0x3, v0;
	v13 =	vadd.s32 $0x883, v0;
	s23 =	sshrl.u32 s6, $0x3;
	s0 =	ssub.s32 s22, s24  }
0xc: {  	v14 =	vadd.s32 $0x1103, v0;
	v15 =	vadd.s32 $0x1983, v0;
	v16 =	vor.u32 $0x4, v0;
	s22 =	simm.s32 $0x3300;
	s24 =	simm.s32 $0x3380;
	s8 =	sadd.s32 s1, s23  }
0xd: {  	v17 =	vadd.s32 $0x884, v0;
	v18 =	vadd.s32 $0x1104, v0;
	v19 =	vadd.s32 $0x1984, v0;
	s9 =	sadd.s32 s2, s23;
	s0 =	smax.u32 s0, $0x1;
	s23 =	simm.s32 $0xB400  }
0xe: {  	v20 =	vor.u32 $0x5, v0;
	v21 =	vadd.s32 $0x885, v0;
	v22 =	vadd.s32 $0x1105, v0;
	s25 =	sadd.s32 $0x20, s8;
	s11 =	sadd.s32 $0x8000, s9;
	[dreg:$0x5] =	wrdreg s8  }
0xf: {  	v23 =	vadd.s32 $0x1985, v0;
	v24 =	vor.u32 $0x6, v0;
	v25 =	vadd.s32 $0x886, v0;
	s26 =	sadd.s32 $0x40, s8;
	s13 =	sadd.s32 $0x10000, s9;
	[dreg:$0x8] =	wrdreg s0  }
0x10: {  	v26 =	vadd.s32 $0x1106, v0;
	v27 =	vadd.s32 $0x1986, v0;
	v28 =	vor.u32 $0x7, v0;
	s14 =	sadd.s32 $0x18000, s9;
	s0 =	simm.s32 $0x4;
	[dreg:$0x6] =	wrdreg s25  }
0x11: {  	v29 =	vadd.s32 $0x887, v0;
	v30 =	vadd.s32 $0x1107, v0;
	v31 =	vadd.s32 $0x1987, v0;
	[dreg:$0x7] =	wrdreg s26;
	s25 =	simm.s32 $0xF400;
	s26 =	simm.s32 $0x1  }
.LBB2_1:
0x12: {  	s7 =	rddreg [dreg:$0x4]  }
0x13: {  	[tilespmem:s4], [sflag:$0x5] =	stream.linear.gather [hbm4b:s7+s4], $0x3200, $0x38;
	[tilespmem:$0x17800] =	vst v63  }
0x14: {  	_ =	swait.ge [sflag:s16], $0x3200  }
0x15: {  	[sflag:s16] =	ssyncset.done $0x0  }
0x16: {  	s15 =	rddreg [dreg:$0x5];
	[sflag:s16] =	ssyncadd.s32 $0xFFFFCE00  }
0x17: {  	[tilespmem:s17], [sflag:$0x5] =	stream.linear.gather [hbm4b:s15+s4], $0x100, $0x38;
	[tilespmem:$0x17800] =	vst v63  }
0x18: {  	_ =	swait.ge [sflag:s16], $0x100  }
0x19: {  	[sflag:s16] =	ssyncset.done $0x0  }
0x1a: {  	s19 =	simm.s32 $0x3400;
	[sflag:s16] =	ssyncadd.s32 $0xFFFFFF00  }
0x1b: {  	[tilespmem:s19], [sflag:$0x1] =	stream.indirect.gather [hbm4b:s5+s18], $0x80, s17, s18, $0xb8;
	[tilespmem:$0x17800] =	vst v63  }
0x1c: {  	s20 =	simm.s32 $0x3280;
	s8 =	simm.s32 $0x7400  }
0x1d: {  	[tilespmem:s8], [sflag:$0x1] =	stream.indirect.gather [hbm4b:s5+s18], $0x80, s20, s18, $0xb8;
	[tilespmem:$0x17800] =	vst v63  }
0x1e: {  	s21 =	rddreg [dreg:$0x6]  }
0x1f: {  	[tilespmem:s22], [sflag:$0x5] =	stream.linear.gather [hbm4b:s21+s4], $0x100, $0x38;
	[tilespmem:$0x17800] =	vst v63  }
0x20: {  	_ =	swait.ge [sflag:s16], $0x100  }
0x21: {  	[sflag:s16] =	ssyncset.done $0x0  }
0x22: {  	[sflag:s16] =	ssyncadd.s32 $0xFFFFFF00  }
0x23: {  	[tilespmem:s23], [sflag:$0x2] =	stream.indirect.gather [hbm4b:s5+s18], $0x80, s22, s18, $0xb8;
	[tilespmem:$0x17800] =	vst v63  }
0x24: {  	_ = 	snop  }
0x25: {  	[tilespmem:s25], [sflag:$0x2] =	stream.indirect.gather [hbm4b:s5+s18], $0x80, s24, s18, $0xb8;
	[tilespmem:$0x17800] =	vst v63  }
0x26: {  	_ =	swait.ge [sflag:s26], $0x4000  }
0x27: {  	[sflag:s26] =	ssyncset.done $0x0  }
0x28: {  	[sflag:s26] =	ssyncadd.s32 $0xFFFFC000  }
0x29: {  	_ =	swait.ge [sflag:s26], $0x4000  }
0x2a: {  	[sflag:s26] =	ssyncset.done $0x0  }
0x2b: {  	[sflag:s26] =	ssyncadd.s32 $0xFFFFC000  }
0x2c: {  	v32 =	vld [tilespmem:$0x0]  }
0x2d: {  	v33 =	vld [tilespmem:$0x10]  }
0x2e: {  	v34 =	vld [tilespmem:$0x20]  }
0x2f: {  	s7 =	simm.s32 $0x3600;
	v35 =	vld [tilespmem:$0x30]  }
0x30: {  	v37 =	vld [tilespmem:s7+$0xFFFFFE00]  }
0x31: {  	v36 =	vimm.s32 $0x0;
	v38 =	vld [tilespmem:s7+$0xFFFFFE10]  }
0x32: {  	v40 =	vadd.s32 v0, v36;
	v39 =	vld [tilespmem:s7+$0xFFFFFE20]  }
0x33: {  	v42 =	vadd.s32 v1, v36;
	v41 =	vld [tilespmem:s7+$0xFFFFFE30]  }
0x34: {  	v43 =	vadd.s32 v2, v36  }
0x35: {  	v44 =	vadd.s32 v3, v36;
	v37 =	vadd.f32 v37, v32  }
0x36: {  	v38 =	vadd.f32 v38, v33  }
0x37: {  	v39 =	vadd.f32 v39, v34;
	[tilespmem:v40+s28+$0x0] =	vst.idx.msk $0xffff, v37  }
0x38: {  	v56 =	vadd.f32 v41, v35;
	[tilespmem:v42+s28+$0x0] =	vst.idx.msk $0xffff, v38  }
0x39: {  	[tilespmem:v43+s28+$0x0] =	vst.idx.msk $0xffff, v39  }
0x3a: {  	[tilespmem:v44+s28+$0x0] =	vst.idx.msk $0xffff, v56  }
0x3b: {  	v37 =	vld [tilespmem:s7+$0xFFFFFE80]  }
0x3c: {  	v38 =	vld [tilespmem:s7+$0xFFFFFE90]  }
0x3d: {  	v57 =	vadd.s32 v4, v36;
	v39 =	vld [tilespmem:s7+$0xFFFFFEA0]  }
0x3e: {  	v59 =	vadd.s32 v5, v36;
	v58 =	vld [tilespmem:s7+$0xFFFFFEB0]  }
0x3f: {  	v60 =	vadd.s32 v6, v36  }
0x40: {  	v61 =	vadd.s32 v7, v36;
	v37 =	vadd.f32 v37, v32  }
0x41: {  	v38 =	vadd.f32 v38, v33  }
0x42: {  	v39 =	vadd.f32 v39, v34;
	[tilespmem:v57+s28+$0x0] =	vst.idx.msk $0xffff, v37  }
0x43: {  	v62 =	vadd.f32 v58, v35;
	[tilespmem:v59+s28+$0x0] =	vst.idx.msk $0xffff, v38  }
0x44: {  	[tilespmem:v60+s28+$0x0] =	vst.idx.msk $0xffff, v39  }
0x45: {  	[tilespmem:v61+s28+$0x0] =	vst.idx.msk $0xffff, v62  }
0x46: {  	v37 =	vld [tilespmem:s7+$0xFFFFFF00]  }
0x47: {  	v38 =	vld [tilespmem:s7+$0xFFFFFF10]  }
0x48: {  	v63 =	vadd.s32 v8, v36;
	v39 =	vld [tilespmem:s7+$0xFFFFFF20]  }
0x49: {  	v49 =	vadd.s32 v9, v36;
	v48 =	vld [tilespmem:s7+$0xFFFFFF30]  }
0x4a: {  	v50 =	vadd.s32 v10, v36  }
0x4b: {  	v51 =	vadd.s32 v11, v36;
	v37 =	vadd.f32 v37, v32  }
0x4c: {  	v38 =	vadd.f32 v38, v33  }
0x4d: {  	v39 =	vadd.f32 v39, v34;
	[tilespmem:v63+s28+$0x0] =	vst.idx.msk $0xffff, v37  }
0x4e: {  	v52 =	vadd.f32 v48, v35;
	[tilespmem:v49+s28+$0x0] =	vst.idx.msk $0xffff, v38  }
0x4f: {  	[tilespmem:v50+s28+$0x0] =	vst.idx.msk $0xffff, v39  }
0x50: {  	[tilespmem:v51+s28+$0x0] =	vst.idx.msk $0xffff, v52  }
0x51: {  	v37 =	vld [tilespmem:s7+$0xFFFFFF80]  }
0x52: {  	v38 =	vld [tilespmem:s7+$0xFFFFFF90]  }
0x53: {  	v53 =	vadd.s32 v12, v36;
	v39 =	vld [tilespmem:s7+$0xFFFFFFA0]  }
0x54: {  	v55 =	vadd.s32 v13, v36;
	v54 =	vld [tilespmem:s7+$0xFFFFFFB0]  }
0x55: {  	v56 =	vadd.s32 v14, v36  }
0x56: {  	v57 =	vadd.s32 v15, v36;
	v37 =	vadd.f32 v37, v32  }
0x57: {  	v38 =	vadd.f32 v38, v33  }
0x58: {  	v39 =	vadd.f32 v39, v34;
	[tilespmem:v53+s28+$0x0] =	vst.idx.msk $0xffff, v37  }
0x59: {  	v58 =	vadd.f32 v54, v35;
	[tilespmem:v55+s28+$0x0] =	vst.idx.msk $0xffff, v38  }
0x5a: {  	[tilespmem:v56+s28+$0x0] =	vst.idx.msk $0xffff, v39  }
0x5b: {  	[tilespmem:v57+s28+$0x0] =	vst.idx.msk $0xffff, v58  }
0x5c: {  	v37 =	vld [tilespmem:s7+$0x0]  }
0x5d: {  	v38 =	vld [tilespmem:s7+$0x10]  }
0x5e: {  	v59 =	vadd.s32 v16, v36;
	v39 =	vld [tilespmem:s7+$0x20]  }
0x5f: {  	v61 =	vadd.s32 v17, v36;
	v60 =	vld [tilespmem:s7+$0x30]  }
0x60: {  	v62 =	vadd.s32 v18, v36  }
0x61: {  	v63 =	vadd.s32 v19, v36;
	v37 =	vadd.f32 v37, v32  }
0x62: {  	v38 =	vadd.f32 v38, v33  }
0x63: {  	v39 =	vadd.f32 v39, v34;
	[tilespmem:v59+s28+$0x0] =	vst.idx.msk $0xffff, v37  }
0x64: {  	v48 =	vadd.f32 v60, v35;
	[tilespmem:v61+s28+$0x0] =	vst.idx.msk $0xffff, v38  }
0x65: {  	[tilespmem:v62+s28+$0x0] =	vst.idx.msk $0xffff, v39  }
0x66: {  	[tilespmem:v63+s28+$0x0] =	vst.idx.msk $0xffff, v48  }
0x67: {  	v37 =	vld [tilespmem:s7+$0x80]  }
0x68: {  	v38 =	vld [tilespmem:s7+$0x90]  }
0x69: {  	v49 =	vadd.s32 v20, v36;
	v39 =	vld [tilespmem:s7+$0xA0]  }
0x6a: {  	v51 =	vadd.s32 v21, v36;
	v50 =	vld [tilespmem:s7+$0xB0]  }
0x6b: {  	v52 =	vadd.s32 v22, v36  }
0x6c: {  	v53 =	vadd.s32 v23, v36;
	v37 =	vadd.f32 v37, v32  }
0x6d: {  	v38 =	vadd.f32 v38, v33  }
0x6e: {  	v39 =	vadd.f32 v39, v34;
	[tilespmem:v49+s28+$0x0] =	vst.idx.msk $0xffff, v37  }
0x6f: {  	v54 =	vadd.f32 v50, v35;
	[tilespmem:v51+s28+$0x0] =	vst.idx.msk $0xffff, v38  }
0x70: {  	[tilespmem:v52+s28+$0x0] =	vst.idx.msk $0xffff, v39  }
0x71: {  	[tilespmem:v53+s28+$0x0] =	vst.idx.msk $0xffff, v54  }
0x72: {  	v37 =	vld [tilespmem:s7+$0x100]  }
0x73: {  	v38 =	vld [tilespmem:s7+$0x110]  }
0x74: {  	v55 =	vadd.s32 v24, v36;
	v39 =	vld [tilespmem:s7+$0x120]  }
0x75: {  	v57 =	vadd.s32 v25, v36;
	v56 =	vld [tilespmem:s7+$0x130]  }
0x76: {  	v58 =	vadd.s32 v26, v36  }
0x77: {  	v59 =	vadd.s32 v27, v36;
	v37 =	vadd.f32 v37, v32  }
0x78: {  	v38 =	vadd.f32 v38, v33  }
0x79: {  	v39 =	vadd.f32 v39, v34;
	[tilespmem:v55+s28+$0x0] =	vst.idx.msk $0xffff, v37  }
0x7a: {  	v60 =	vadd.f32 v56, v35;
	[tilespmem:v57+s28+$0x0] =	vst.idx.msk $0xffff, v38  }
0x7b: {  	[tilespmem:v58+s28+$0x0] =	vst.idx.msk $0xffff, v39  }
0x7c: {  	[tilespmem:v59+s28+$0x0] =	vst.idx.msk $0xffff, v60  }
0x7d: {  	v37 =	vld [tilespmem:s7+$0x180];
	_ =	sdelay $0x1  }
0x7e: {  	v61 =	vadd.s32 v28, v36  }
0x7f: {  	v38 =	vld [tilespmem:s7+$0x190]  }
0x80: {  	v39 =	vld [tilespmem:s7+$0x1A0]  }
0x81: {  	v62 =	vadd.s32 v29, v36;
	v42 =	vld [tilespmem:s7+$0x1B0];
	v37 =	vadd.f32 v37, v32  }
0x82: {  	v63 =	vadd.s32 v30, v36  }
0x83: {  	[tilespmem:v61+s28+$0x0] =	vst.idx.msk $0xffff, v37;
	v37 =	vadd.s32 v31, v36  }
0x84: {  	v38 =	vadd.f32 v38, v33  }
0x85: {  	v39 =	vadd.f32 v39, v34  }
0x86: {  	[tilespmem:v62+s28+$0x0] =	vst.idx.msk $0xffff, v38;
	v38 =	vadd.f32 v42, v35  }
0x87: {  	s10 =	simm.s32 $0x0;
	[tilespmem:v63+s28+$0x0] =	vst.idx.msk $0xffff, v39  }
.LBB2_2:
0x88: {  	s10 =	sadd.s32 $0x8, s10;
	[tilespmem:v37+s28+$0x0] =	vst.idx.msk $0xffff, v38;
	v36 =	vadd.s32 $0x8, v36;
	s7 =	sadd.s32 $0x400, s7  }
0x89: {  	v37 =	vld [tilespmem:s7+$0xFFFFFE00];
	p0 =	slt.u32 s10, $0x78  }
0x8a: {  	v38 =	vld [tilespmem:s7+$0xFFFFFE10]  }
0x8b: {  	v40 =	vadd.s32 v0, v36;
	v39 =	vld [tilespmem:s7+$0xFFFFFE20]  }
0x8c: {  	v42 =	vadd.s32 v1, v36;
	v41 =	vld [tilespmem:s7+$0xFFFFFE30]  }
0x8d: {  	v43 =	vadd.s32 v2, v36  }
0x8e: {  	v44 =	vadd.s32 v3, v36;
	v37 =	vadd.f32 v37, v32  }
0x8f: {  	v38 =	vadd.f32 v38, v33  }
0x90: {  	v39 =	vadd.f32 v39, v34;
	[tilespmem:v40+s28+$0x0] =	vst.idx.msk $0xffff, v37  }
0x91: {  	v37 =	vadd.f32 v41, v35;
	[tilespmem:v42+s28+$0x0] =	vst.idx.msk $0xffff, v38  }
0x92: {  	[tilespmem:v43+s28+$0x0] =	vst.idx.msk $0xffff, v39  }
0x93: {  	[tilespmem:v44+s28+$0x0] =	vst.idx.msk $0xffff, v37  }
0x94: {  	v37 =	vld [tilespmem:s7+$0xFFFFFE80]  }
0x95: {  	v38 =	vld [tilespmem:s7+$0xFFFFFE90]  }
0x96: {  	v40 =	vadd.s32 v4, v36;
	v39 =	vld [tilespmem:s7+$0xFFFFFEA0]  }
0x97: {  	v42 =	vadd.s32 v5, v36;
	v41 =	vld [tilespmem:s7+$0xFFFFFEB0]  }
0x98: {  	v43 =	vadd.s32 v6, v36  }
0x99: {  	v44 =	vadd.s32 v7, v36;
	v37 =	vadd.f32 v37, v32  }
0x9a: {  	v38 =	vadd.f32 v38, v33  }
0x9b: {  	v39 =	vadd.f32 v39, v34;
	[tilespmem:v40+s28+$0x0] =	vst.idx.msk $0xffff, v37  }
0x9c: {  	v37 =	vadd.f32 v41, v35;
	[tilespmem:v42+s28+$0x0] =	vst.idx.msk $0xffff, v38  }
0x9d: {  	[tilespmem:v43+s28+$0x0] =	vst.idx.msk $0xffff, v39  }
0x9e: {  	[tilespmem:v44+s28+$0x0] =	vst.idx.msk $0xffff, v37  }
0x9f: {  	v37 =	vld [tilespmem:s7+$0xFFFFFF00]  }
0xa0: {  	v38 =	vld [tilespmem:s7+$0xFFFFFF10]  }
0xa1: {  	v40 =	vadd.s32 v8, v36;
	v39 =	vld [tilespmem:s7+$0xFFFFFF20]  }
0xa2: {  	v42 =	vadd.s32 v9, v36;
	v41 =	vld [tilespmem:s7+$0xFFFFFF30]  }
0xa3: {  	v43 =	vadd.s32 v10, v36  }
0xa4: {  	v44 =	vadd.s32 v11, v36;
	v37 =	vadd.f32 v37, v32  }
0xa5: {  	v38 =	vadd.f32 v38, v33  }
0xa6: {  	v39 =	vadd.f32 v39, v34;
	[tilespmem:v40+s28+$0x0] =	vst.idx.msk $0xffff, v37  }
0xa7: {  	v37 =	vadd.f32 v41, v35;
	[tilespmem:v42+s28+$0x0] =	vst.idx.msk $0xffff, v38  }
0xa8: {  	[tilespmem:v43+s28+$0x0] =	vst.idx.msk $0xffff, v39  }
0xa9: {  	[tilespmem:v44+s28+$0x0] =	vst.idx.msk $0xffff, v37  }
0xaa: {  	v37 =	vld [tilespmem:s7+$0xFFFFFF80]  }
0xab: {  	v38 =	vld [tilespmem:s7+$0xFFFFFF90]  }
0xac: {  	v40 =	vadd.s32 v12, v36;
	v39 =	vld [tilespmem:s7+$0xFFFFFFA0]  }
0xad: {  	v42 =	vadd.s32 v13, v36;
	v41 =	vld [tilespmem:s7+$0xFFFFFFB0]  }
0xae: {  	v43 =	vadd.s32 v14, v36  }
0xaf: {  	v44 =	vadd.s32 v15, v36;
	v37 =	vadd.f32 v37, v32  }
0xb0: {  	v38 =	vadd.f32 v38, v33  }
0xb1: {  	v39 =	vadd.f32 v39, v34;
	[tilespmem:v40+s28+$0x0] =	vst.idx.msk $0xffff, v37  }
0xb2: {  	v37 =	vadd.f32 v41, v35;
	[tilespmem:v42+s28+$0x0] =	vst.idx.msk $0xffff, v38  }
0xb3: {  	[tilespmem:v43+s28+$0x0] =	vst.idx.msk $0xffff, v39  }
0xb4: {  	[tilespmem:v44+s28+$0x0] =	vst.idx.msk $0xffff, v37  }
0xb5: {  	v37 =	vld [tilespmem:s7+$0x0]  }
0xb6: {  	v38 =	vld [tilespmem:s7+$0x10]  }
0xb7: {  	v40 =	vadd.s32 v16, v36;
	v39 =	vld [tilespmem:s7+$0x20]  }
0xb8: {  	v42 =	vadd.s32 v17, v36;
	v41 =	vld [tilespmem:s7+$0x30]  }
0xb9: {  	v43 =	vadd.s32 v18, v36  }
0xba: {  	v44 =	vadd.s32 v19, v36;
	v37 =	vadd.f32 v37, v32  }
0xbb: {  	v38 =	vadd.f32 v38, v33  }
0xbc: {  	v39 =	vadd.f32 v39, v34;
	[tilespmem:v40+s28+$0x0] =	vst.idx.msk $0xffff, v37  }
0xbd: {  	v37 =	vadd.f32 v41, v35;
	[tilespmem:v42+s28+$0x0] =	vst.idx.msk $0xffff, v38  }
0xbe: {  	[tilespmem:v43+s28+$0x0] =	vst.idx.msk $0xffff, v39  }
0xbf: {  	[tilespmem:v44+s28+$0x0] =	vst.idx.msk $0xffff, v37  }
0xc0: {  	v37 =	vld [tilespmem:s7+$0x80]  }
0xc1: {  	v38 =	vld [tilespmem:s7+$0x90]  }
0xc2: {  	v40 =	vadd.s32 v20, v36;
	v39 =	vld [tilespmem:s7+$0xA0]  }
0xc3: {  	v42 =	vadd.s32 v21, v36;
	v41 =	vld [tilespmem:s7+$0xB0]  }
0xc4: {  	v43 =	vadd.s32 v22, v36  }
0xc5: {  	v44 =	vadd.s32 v23, v36;
	v37 =	vadd.f32 v37, v32  }
0xc6: {  	v38 =	vadd.f32 v38, v33  }
0xc7: {  	v39 =	vadd.f32 v39, v34;
	[tilespmem:v40+s28+$0x0] =	vst.idx.msk $0xffff, v37  }
0xc8: {  	v37 =	vadd.f32 v41, v35;
	[tilespmem:v42+s28+$0x0] =	vst.idx.msk $0xffff, v38  }
0xc9: {  	[tilespmem:v43+s28+$0x0] =	vst.idx.msk $0xffff, v39  }
0xca: {  	[tilespmem:v44+s28+$0x0] =	vst.idx.msk $0xffff, v37  }
0xcb: {  	v37 =	vld [tilespmem:s7+$0x100]  }
0xcc: {  	v38 =	vld [tilespmem:s7+$0x110]  }
0xcd: {  	v40 =	vadd.s32 v24, v36;
	v39 =	vld [tilespmem:s7+$0x120]  }
0xce: {  	v42 =	vadd.s32 v25, v36;
	v41 =	vld [tilespmem:s7+$0x130]  }
0xcf: {  	v43 =	vadd.s32 v26, v36  }
0xd0: {  	v44 =	vadd.s32 v27, v36;
	v37 =	vadd.f32 v37, v32  }
0xd1: {  	v38 =	vadd.f32 v38, v33  }
0xd2: {  	v39 =	vadd.f32 v39, v34;
	[tilespmem:v40+s28+$0x0] =	vst.idx.msk $0xffff, v37  }
0xd3: {  	v37 =	vadd.f32 v41, v35;
	[tilespmem:v42+s28+$0x0] =	vst.idx.msk $0xffff, v38  }
0xd4: {  	[tilespmem:v43+s28+$0x0] =	vst.idx.msk $0xffff, v39  }
0xd5: {  	[tilespmem:v44+s28+$0x0] =	vst.idx.msk $0xffff, v37  }
0xd6: {  	v37 =	vld [tilespmem:s7+$0x180]  }
0xd7: {  	v38 =	vld [tilespmem:s7+$0x190]  }
0xd8: {  	v40 =	vadd.s32 v28, v36;
	v39 =	vld [tilespmem:s7+$0x1A0]  }
0xd9: {  	v42 =	vadd.s32 v29, v36;
	v41 =	vld [tilespmem:s7+$0x1B0]  }
0xda: {  	v43 =	vadd.s32 v30, v36  }
.Ltmp0:
0xdb: {  	v44 =	vadd.f32 v37, v32;
	v37 =	vadd.s32 v31, v36;
	(pc) =	sbr.rel @p0 .LBB2_2-.Ltmp0, $4  }
0xdc: {  	v45 =	vadd.f32 v38, v33  }
0xdd: {  	v39 =	vadd.f32 v39, v34;
	[tilespmem:v40+s28+$0x0] =	vst.idx.msk $0xffff, v44  }
0xde: {  	v38 =	vadd.f32 v41, v35;
	[tilespmem:v42+s28+$0x0] =	vst.idx.msk $0xffff, v45  }
0xdf: {  	[tilespmem:v43+s28+$0x0] =	vst.idx.msk $0xffff, v39  }
0xe0: {  	_ =	sdelay $0x3  }
0xe1: {  	[tilespmem:v37+s28+$0x0] =	vst.idx.msk $0xffff, v38;
	s7 =	simm.s32 $0x13400  }
0xe2: {  	[hbm4b:s9+s4] =	stream.linear.scatter [tilespmem:s7], [sflag:$0x3], $0x80, $0x38;
	[tilespmem:$0x17800] =	vst v63  }
0xe3: {  	s12 =	simm.s32 $0x13488;
	s8 =	sadd.s32 $0x10, s9  }
0xe4: {  	[hbm4b:s8+s4] =	stream.linear.scatter [tilespmem:s12], [sflag:$0x3], $0x80, $0x38;
	[tilespmem:$0x17800] =	vst v63  }
0xe5: {  	s15 =	simm.s32 $0x13510;
	s19 =	sadd.s32 $0x20, s9;
	s20 =	simm.s32 $0x13598  }
0xe6: {  	[hbm4b:s19+s4] =	stream.linear.scatter [tilespmem:s15], [sflag:$0x3], $0x80, $0x38;
	[tilespmem:$0x17800] =	vst v63  }
0xe7: {  	s21 =	sadd.s32 $0x30, s9;
	s10 =	simm.s32 $0x13620;
	s7 =	simm.s32 $0x440  }
0xe8: {  	[hbm4b:s21+s4] =	stream.linear.scatter [tilespmem:s20], [sflag:$0x3], $0x80, $0x38;
	[tilespmem:$0x17800] =	vst v63  }
0xe9: {  	s12 =	sadd.s32 $0x40, s9;
	s15 =	simm.s32 $0x136A8;
	s19 =	sadd.s32 $0x50, s9  }
0xea: {  	[hbm4b:s12+s4] =	stream.linear.scatter [tilespmem:s10], [sflag:$0x3], $0x80, $0x38;
	[tilespmem:$0x17800] =	vst v63  }
0xeb: {  	s20 =	simm.s32 $0x13730;
	s21 =	sadd.s32 $0x60, s9;
	s12 =	simm.s32 $0x2200  }
0xec: {  	[hbm4b:s19+s4] =	stream.linear.scatter [tilespmem:s15], [sflag:$0x3], $0x80, $0x38;
	[tilespmem:$0x17800] =	vst v63  }
0xed: {  	s10 =	sadd.s32 $0x1000, s9;
	s19 =	simm.s32 $0x137B8;
	s15 =	sadd.s32 $0x70, s9  }
0xee: {  	[hbm4b:s21+s4] =	stream.linear.scatter [tilespmem:s20], [sflag:$0x3], $0x80, $0x38;
	[tilespmem:$0x17800] =	vst v63  }
.LBB2_4:
0xef: {  	[hbm4b:s15+s4] =	stream.linear.scatter [tilespmem:s19], [sflag:$0x3], $0x80, $0x38;
	[tilespmem:$0x17800] =	vst v63  }
0xf0: {  	s8 =	smov.u32 s7;
	s7 =	smov.u32 s12  }
0xf1: {  	s20 =	sadd.s32 $0x1100, s12;
	s7 =	sshra.s32 s7, $0x2;
	s15 =	sadd.s32 $0x13400, s8  }
0xf2: {  	[hbm4b:s10+s4] =	stream.linear.scatter [tilespmem:s15], [sflag:$0x3], $0x80, $0x38;
	[tilespmem:$0x17800] =	vst v63  }
0xf3: {  	p0 =	sne.s32 s12, $0x7700;
	s12 =	sadd.s32 $0x13488, s8;
	s15 =	sadd.s32 $0x10, s10  }
0xf4: {  	[hbm4b:s15+s4] =	stream.linear.scatter [tilespmem:s12], [sflag:$0x3], $0x80, $0x38;
	[tilespmem:$0x17800] =	vst v63  }
0xf5: {  	s12 =	sadd.s32 $0x13510, s8;
	s15 =	sadd.s32 $0x20, s10  }
0xf6: {  	[hbm4b:s15+s4] =	stream.linear.scatter [tilespmem:s12], [sflag:$0x3], $0x80, $0x38;
	[tilespmem:$0x17800] =	vst v63  }
0xf7: {  	s12 =	sadd.s32 $0x13598, s8;
	s15 =	sadd.s32 $0x30, s10  }
0xf8: {  	[hbm4b:s15+s4] =	stream.linear.scatter [tilespmem:s12], [sflag:$0x3], $0x80, $0x38;
	[tilespmem:$0x17800] =	vst v63  }
0xf9: {  	s12 =	sadd.s32 $0x13620, s8;
	s15 =	sadd.s32 $0x40, s10  }
0xfa: {  	[hbm4b:s15+s4] =	stream.linear.scatter [tilespmem:s12], [sflag:$0x3], $0x80, $0x38;
	[tilespmem:$0x17800] =	vst v63  }
.Ltmp1:
0xfb: {  	s12 =	sadd.s32 $0x136A8, s8;
	s15 =	sadd.s32 $0x50, s10;
	(pc) =	sbr.rel @p0 .LBB2_4-.Ltmp1, $4  }
0xfc: {  	[hbm4b:s15+s4] =	stream.linear.scatter [tilespmem:s12], [sflag:$0x3], $0x80, $0x38;
	[tilespmem:$0x17800] =	vst v63  }
0xfd: {  	s19 =	sadd.s32 $0x137B8, s8;
	s12 =	sadd.s32 $0x13730, s8;
	s15 =	sadd.s32 $0x60, s10  }
0xfe: {  	[hbm4b:s15+s4] =	stream.linear.scatter [tilespmem:s12], [sflag:$0x3], $0x80, $0x38;
	[tilespmem:$0x17800] =	vst v63  }
0xff: {  	s15 =	sadd.s32 $0x70, s10;
	s10 =	sadd.s32 $0x1000, s10;
	s12 =	smov.u32 s20  }
0x100: {  	[hbm4b:s15+s4] =	stream.linear.scatter [tilespmem:s19], [sflag:$0x3], $0x80, $0x38;
	[tilespmem:$0x17800] =	vst v63  }
0x101: {  	s8 =	sadd.s32 $0x13400, s7  }
0x102: {  	[hbm4b:s10+s4] =	stream.linear.scatter [tilespmem:s8], [sflag:$0x3], $0x80, $0x38;
	[tilespmem:$0x17800] =	vst v63  }
0x103: {  	s21 =	sadd.s32 $0x13488, s7;
	s12 =	sadd.s32 $0x10, s10  }
0x104: {  	[hbm4b:s12+s4] =	stream.linear.scatter [tilespmem:s21], [sflag:$0x3], $0x80, $0x38;
	[tilespmem:$0x17800] =	vst v63  }
0x105: {  	s15 =	sadd.s32 $0x13510, s7;
	s19 =	sadd.s32 $0x20, s10  }
0x106: {  	[hbm4b:s19+s4] =	stream.linear.scatter [tilespmem:s15], [sflag:$0x3], $0x80, $0x38;
	[tilespmem:$0x17800] =	vst v63  }
0x107: {  	s20 =	sadd.s32 $0x13598, s7;
	s21 =	sadd.s32 $0x30, s10  }
0x108: {  	[hbm4b:s21+s4] =	stream.linear.scatter [tilespmem:s20], [sflag:$0x3], $0x80, $0x38;
	[tilespmem:$0x17800] =	vst v63  }
0x109: {  	s15 =	sadd.s32 $0x13620, s7;
	s19 =	sadd.s32 $0x40, s10  }
0x10a: {  	[hbm4b:s19+s4] =	stream.linear.scatter [tilespmem:s15], [sflag:$0x3], $0x80, $0x38;
	[tilespmem:$0x17800] =	vst v63  }
0x10b: {  	s20 =	sadd.s32 $0x136A8, s7;
	s21 =	sadd.s32 $0x50, s10  }
0x10c: {  	[hbm4b:s21+s4] =	stream.linear.scatter [tilespmem:s20], [sflag:$0x3], $0x80, $0x38;
	[tilespmem:$0x17800] =	vst v63  }
0x10d: {  	s15 =	sadd.s32 $0x13730, s7;
	s19 =	sadd.s32 $0x60, s10  }
0x10e: {  	[hbm4b:s19+s4] =	stream.linear.scatter [tilespmem:s15], [sflag:$0x3], $0x80, $0x38;
	[tilespmem:$0x17800] =	vst v63  }
0x10f: {  	s20 =	sadd.s32 $0x137B8, s7;
	s21 =	sadd.s32 $0x70, s10  }
0x110: {  	[hbm4b:s21+s4] =	stream.linear.scatter [tilespmem:s20], [sflag:$0x3], $0x80, $0x38;
	[tilespmem:$0x17800] =	vst v63  }
0x111: {  	v32 =	vld [tilespmem:$0x40]  }
0x112: {  	v33 =	vld [tilespmem:$0x50]  }
0x113: {  	v34 =	vld [tilespmem:$0x60]  }
0x114: {  	s7 =	simm.s32 $0x7400;
	v35 =	vld [tilespmem:$0x70]  }
0x115: {  	v37 =	vld [tilespmem:s7+$0x0]  }
0x116: {  	v36 =	vimm.s32 $0x0;
	v38 =	vld [tilespmem:s7+$0x10]  }
0x117: {  	v40 =	vadd.s32 v0, v36;
	v39 =	vld [tilespmem:s7+$0x20]  }
0x118: {  	v42 =	vadd.s32 v1, v36;
	v41 =	vld [tilespmem:s7+$0x30]  }
0x119: {  	v43 =	vadd.s32 v2, v36  }
0x11a: {  	v44 =	vadd.s32 v3, v36;
	v37 =	vadd.f32 v37, v32  }
0x11b: {  	v38 =	vadd.f32 v38, v33  }
0x11c: {  	v39 =	vadd.f32 v39, v34;
	[tilespmem:v40+s29+$0x0] =	vst.idx.msk $0xffff, v37  }
0x11d: {  	v56 =	vadd.f32 v41, v35;
	[tilespmem:v42+s29+$0x0] =	vst.idx.msk $0xffff, v38  }
0x11e: {  	[tilespmem:v43+s29+$0x0] =	vst.idx.msk $0xffff, v39  }
0x11f: {  	[tilespmem:v44+s29+$0x0] =	vst.idx.msk $0xffff, v56  }
0x120: {  	v37 =	vld [tilespmem:s7+$0x80]  }
0x121: {  	v38 =	vld [tilespmem:s7+$0x90]  }
0x122: {  	v57 =	vadd.s32 v4, v36;
	v39 =	vld [tilespmem:s7+$0xA0]  }
0x123: {  	v59 =	vadd.s32 v5, v36;
	v58 =	vld [tilespmem:s7+$0xB0]  }
0x124: {  	v60 =	vadd.s32 v6, v36  }
0x125: {  	v61 =	vadd.s32 v7, v36;
	v37 =	vadd.f32 v37, v32  }
0x126: {  	v38 =	vadd.f32 v38, v33  }
0x127: {  	v39 =	vadd.f32 v39, v34;
	[tilespmem:v57+s29+$0x0] =	vst.idx.msk $0xffff, v37  }
0x128: {  	v62 =	vadd.f32 v58, v35;
	[tilespmem:v59+s29+$0x0] =	vst.idx.msk $0xffff, v38  }
0x129: {  	[tilespmem:v60+s29+$0x0] =	vst.idx.msk $0xffff, v39  }
0x12a: {  	[tilespmem:v61+s29+$0x0] =	vst.idx.msk $0xffff, v62  }
0x12b: {  	v37 =	vld [tilespmem:s7+$0x100]  }
0x12c: {  	v38 =	vld [tilespmem:s7+$0x110]  }
0x12d: {  	v63 =	vadd.s32 v8, v36;
	v39 =	vld [tilespmem:s7+$0x120]  }
0x12e: {  	v49 =	vadd.s32 v9, v36;
	v48 =	vld [tilespmem:s7+$0x130]  }
0x12f: {  	v50 =	vadd.s32 v10, v36  }
0x130: {  	v51 =	vadd.s32 v11, v36;
	v37 =	vadd.f32 v37, v32  }
0x131: {  	v38 =	vadd.f32 v38, v33  }
0x132: {  	v39 =	vadd.f32 v39, v34;
	[tilespmem:v63+s29+$0x0] =	vst.idx.msk $0xffff, v37  }
0x133: {  	v52 =	vadd.f32 v48, v35;
	[tilespmem:v49+s29+$0x0] =	vst.idx.msk $0xffff, v38  }
0x134: {  	[tilespmem:v50+s29+$0x0] =	vst.idx.msk $0xffff, v39  }
0x135: {  	[tilespmem:v51+s29+$0x0] =	vst.idx.msk $0xffff, v52  }
0x136: {  	v37 =	vld [tilespmem:s7+$0x180]  }
0x137: {  	v38 =	vld [tilespmem:s7+$0x190]  }
0x138: {  	v53 =	vadd.s32 v12, v36;
	v39 =	vld [tilespmem:s7+$0x1A0]  }
0x139: {  	v55 =	vadd.s32 v13, v36;
	v54 =	vld [tilespmem:s7+$0x1B0]  }
0x13a: {  	v56 =	vadd.s32 v14, v36  }
0x13b: {  	v57 =	vadd.s32 v15, v36;
	v37 =	vadd.f32 v37, v32  }
0x13c: {  	v38 =	vadd.f32 v38, v33  }
0x13d: {  	v39 =	vadd.f32 v39, v34;
	[tilespmem:v53+s29+$0x0] =	vst.idx.msk $0xffff, v37  }
0x13e: {  	v58 =	vadd.f32 v54, v35;
	[tilespmem:v55+s29+$0x0] =	vst.idx.msk $0xffff, v38  }
0x13f: {  	[tilespmem:v56+s29+$0x0] =	vst.idx.msk $0xffff, v39  }
0x140: {  	[tilespmem:v57+s29+$0x0] =	vst.idx.msk $0xffff, v58  }
0x141: {  	v37 =	vld [tilespmem:s7+$0x200]  }
0x142: {  	v38 =	vld [tilespmem:s7+$0x210]  }
0x143: {  	v59 =	vadd.s32 v16, v36;
	v39 =	vld [tilespmem:s7+$0x220]  }
0x144: {  	v61 =	vadd.s32 v17, v36;
	v60 =	vld [tilespmem:s7+$0x230]  }
0x145: {  	v62 =	vadd.s32 v18, v36  }
0x146: {  	v63 =	vadd.s32 v19, v36;
	v37 =	vadd.f32 v37, v32  }
0x147: {  	v38 =	vadd.f32 v38, v33  }
0x148: {  	v39 =	vadd.f32 v39, v34;
	[tilespmem:v59+s29+$0x0] =	vst.idx.msk $0xffff, v37  }
0x149: {  	v48 =	vadd.f32 v60, v35;
	[tilespmem:v61+s29+$0x0] =	vst.idx.msk $0xffff, v38  }
0x14a: {  	[tilespmem:v62+s29+$0x0] =	vst.idx.msk $0xffff, v39  }
0x14b: {  	[tilespmem:v63+s29+$0x0] =	vst.idx.msk $0xffff, v48  }
0x14c: {  	v37 =	vld [tilespmem:s7+$0x280]  }
0x14d: {  	v38 =	vld [tilespmem:s7+$0x290]  }
0x14e: {  	v49 =	vadd.s32 v20, v36;
	v39 =	vld [tilespmem:s7+$0x2A0]  }
0x14f: {  	v51 =	vadd.s32 v21, v36;
	v50 =	vld [tilespmem:s7+$0x2B0]  }
0x150: {  	v52 =	vadd.s32 v22, v36  }
0x151: {  	v53 =	vadd.s32 v23, v36;
	v37 =	vadd.f32 v37, v32  }
0x152: {  	v38 =	vadd.f32 v38, v33  }
0x153: {  	v39 =	vadd.f32 v39, v34;
	[tilespmem:v49+s29+$0x0] =	vst.idx.msk $0xffff, v37  }
0x154: {  	v54 =	vadd.f32 v50, v35;
	[tilespmem:v51+s29+$0x0] =	vst.idx.msk $0xffff, v38  }
0x155: {  	[tilespmem:v52+s29+$0x0] =	vst.idx.msk $0xffff, v39  }
0x156: {  	[tilespmem:v53+s29+$0x0] =	vst.idx.msk $0xffff, v54  }
0x157: {  	v37 =	vld [tilespmem:s7+$0x300]  }
0x158: {  	v38 =	vld [tilespmem:s7+$0x310]  }
0x159: {  	v55 =	vadd.s32 v24, v36;
	v39 =	vld [tilespmem:s7+$0x320]  }
0x15a: {  	v57 =	vadd.s32 v25, v36;
	v56 =	vld [tilespmem:s7+$0x330]  }
0x15b: {  	v58 =	vadd.s32 v26, v36  }
0x15c: {  	v59 =	vadd.s32 v27, v36;
	v37 =	vadd.f32 v37, v32  }
0x15d: {  	v38 =	vadd.f32 v38, v33  }
0x15e: {  	v39 =	vadd.f32 v39, v34;
	[tilespmem:v55+s29+$0x0] =	vst.idx.msk $0xffff, v37  }
0x15f: {  	v60 =	vadd.f32 v56, v35;
	[tilespmem:v57+s29+$0x0] =	vst.idx.msk $0xffff, v38  }
0x160: {  	[tilespmem:v58+s29+$0x0] =	vst.idx.msk $0xffff, v39  }
0x161: {  	[tilespmem:v59+s29+$0x0] =	vst.idx.msk $0xffff, v60  }
0x162: {  	v37 =	vld [tilespmem:s7+$0x380];
	_ =	sdelay $0x1  }
0x163: {  	v61 =	vadd.s32 v28, v36  }
0x164: {  	v38 =	vld [tilespmem:s7+$0x390]  }
0x165: {  	v39 =	vld [tilespmem:s7+$0x3A0]  }
0x166: {  	v62 =	vadd.s32 v29, v36;
	v42 =	vld [tilespmem:s7+$0x3B0];
	v37 =	vadd.f32 v37, v32  }
0x167: {  	v63 =	vadd.s32 v30, v36  }
0x168: {  	[tilespmem:v61+s29+$0x0] =	vst.idx.msk $0xffff, v37;
	v37 =	vadd.s32 v31, v36  }
0x169: {  	v38 =	vadd.f32 v38, v33  }
0x16a: {  	v39 =	vadd.f32 v39, v34  }
0x16b: {  	[tilespmem:v62+s29+$0x0] =	vst.idx.msk $0xffff, v38;
	v38 =	vadd.f32 v42, v35  }
0x16c: {  	s10 =	simm.s32 $0x0;
	[tilespmem:v63+s29+$0x0] =	vst.idx.msk $0xffff, v39  }
.LBB2_6:
0x16d: {  	s10 =	sadd.s32 $0x8, s10;
	[tilespmem:v37+s29+$0x0] =	vst.idx.msk $0xffff, v38;
	v36 =	vadd.s32 $0x8, v36;
	s7 =	sadd.s32 $0x400, s7  }
0x16e: {  	v37 =	vld [tilespmem:s7+$0x0];
	p0 =	slt.u32 s10, $0x78  }
0x16f: {  	v38 =	vld [tilespmem:s7+$0x10]  }
0x170: {  	v40 =	vadd.s32 v0, v36;
	v39 =	vld [tilespmem:s7+$0x20]  }
0x171: {  	v42 =	vadd.s32 v1, v36;
	v41 =	vld [tilespmem:s7+$0x30]  }
0x172: {  	v43 =	vadd.s32 v2, v36  }
0x173: {  	v44 =	vadd.s32 v3, v36;
	v37 =	vadd.f32 v37, v32  }
0x174: {  	v38 =	vadd.f32 v38, v33  }
0x175: {  	v39 =	vadd.f32 v39, v34;
	[tilespmem:v40+s29+$0x0] =	vst.idx.msk $0xffff, v37  }
0x176: {  	v37 =	vadd.f32 v41, v35;
	[tilespmem:v42+s29+$0x0] =	vst.idx.msk $0xffff, v38  }
0x177: {  	[tilespmem:v43+s29+$0x0] =	vst.idx.msk $0xffff, v39  }
0x178: {  	[tilespmem:v44+s29+$0x0] =	vst.idx.msk $0xffff, v37  }
0x179: {  	v37 =	vld [tilespmem:s7+$0x80]  }
0x17a: {  	v38 =	vld [tilespmem:s7+$0x90]  }
0x17b: {  	v40 =	vadd.s32 v4, v36;
	v39 =	vld [tilespmem:s7+$0xA0]  }
0x17c: {  	v42 =	vadd.s32 v5, v36;
	v41 =	vld [tilespmem:s7+$0xB0]  }
0x17d: {  	v43 =	vadd.s32 v6, v36  }
0x17e: {  	v44 =	vadd.s32 v7, v36;
	v37 =	vadd.f32 v37, v32  }
0x17f: {  	v38 =	vadd.f32 v38, v33  }
0x180: {  	v39 =	vadd.f32 v39, v34;
	[tilespmem:v40+s29+$0x0] =	vst.idx.msk $0xffff, v37  }
0x181: {  	v37 =	vadd.f32 v41, v35;
	[tilespmem:v42+s29+$0x0] =	vst.idx.msk $0xffff, v38  }
0x182: {  	[tilespmem:v43+s29+$0x0] =	vst.idx.msk $0xffff, v39  }
0x183: {  	[tilespmem:v44+s29+$0x0] =	vst.idx.msk $0xffff, v37  }
0x184: {  	v37 =	vld [tilespmem:s7+$0x100]  }
0x185: {  	v38 =	vld [tilespmem:s7+$0x110]  }
0x186: {  	v40 =	vadd.s32 v8, v36;
	v39 =	vld [tilespmem:s7+$0x120]  }
0x187: {  	v42 =	vadd.s32 v9, v36;
	v41 =	vld [tilespmem:s7+$0x130]  }
0x188: {  	v43 =	vadd.s32 v10, v36  }
0x189: {  	v44 =	vadd.s32 v11, v36;
	v37 =	vadd.f32 v37, v32  }
0x18a: {  	v38 =	vadd.f32 v38, v33  }
0x18b: {  	v39 =	vadd.f32 v39, v34;
	[tilespmem:v40+s29+$0x0] =	vst.idx.msk $0xffff, v37  }
0x18c: {  	v37 =	vadd.f32 v41, v35;
	[tilespmem:v42+s29+$0x0] =	vst.idx.msk $0xffff, v38  }
0x18d: {  	[tilespmem:v43+s29+$0x0] =	vst.idx.msk $0xffff, v39  }
0x18e: {  	[tilespmem:v44+s29+$0x0] =	vst.idx.msk $0xffff, v37  }
0x18f: {  	v37 =	vld [tilespmem:s7+$0x180]  }
0x190: {  	v38 =	vld [tilespmem:s7+$0x190]  }
0x191: {  	v40 =	vadd.s32 v12, v36;
	v39 =	vld [tilespmem:s7+$0x1A0]  }
0x192: {  	v42 =	vadd.s32 v13, v36;
	v41 =	vld [tilespmem:s7+$0x1B0]  }
0x193: {  	v43 =	vadd.s32 v14, v36  }
0x194: {  	v44 =	vadd.s32 v15, v36;
	v37 =	vadd.f32 v37, v32  }
0x195: {  	v38 =	vadd.f32 v38, v33  }
0x196: {  	v39 =	vadd.f32 v39, v34;
	[tilespmem:v40+s29+$0x0] =	vst.idx.msk $0xffff, v37  }
0x197: {  	v37 =	vadd.f32 v41, v35;
	[tilespmem:v42+s29+$0x0] =	vst.idx.msk $0xffff, v38  }
0x198: {  	[tilespmem:v43+s29+$0x0] =	vst.idx.msk $0xffff, v39  }
0x199: {  	[tilespmem:v44+s29+$0x0] =	vst.idx.msk $0xffff, v37  }
0x19a: {  	v37 =	vld [tilespmem:s7+$0x200]  }
0x19b: {  	v38 =	vld [tilespmem:s7+$0x210]  }
0x19c: {  	v40 =	vadd.s32 v16, v36;
	v39 =	vld [tilespmem:s7+$0x220]  }
0x19d: {  	v42 =	vadd.s32 v17, v36;
	v41 =	vld [tilespmem:s7+$0x230]  }
0x19e: {  	v43 =	vadd.s32 v18, v36  }
0x19f: {  	v44 =	vadd.s32 v19, v36;
	v37 =	vadd.f32 v37, v32  }
0x1a0: {  	v38 =	vadd.f32 v38, v33  }
0x1a1: {  	v39 =	vadd.f32 v39, v34;
	[tilespmem:v40+s29+$0x0] =	vst.idx.msk $0xffff, v37  }
0x1a2: {  	v37 =	vadd.f32 v41, v35;
	[tilespmem:v42+s29+$0x0] =	vst.idx.msk $0xffff, v38  }
0x1a3: {  	[tilespmem:v43+s29+$0x0] =	vst.idx.msk $0xffff, v39  }
0x1a4: {  	[tilespmem:v44+s29+$0x0] =	vst.idx.msk $0xffff, v37  }
0x1a5: {  	v37 =	vld [tilespmem:s7+$0x280]  }
0x1a6: {  	v38 =	vld [tilespmem:s7+$0x290]  }
0x1a7: {  	v40 =	vadd.s32 v20, v36;
	v39 =	vld [tilespmem:s7+$0x2A0]  }
0x1a8: {  	v42 =	vadd.s32 v21, v36;
	v41 =	vld [tilespmem:s7+$0x2B0]  }
0x1a9: {  	v43 =	vadd.s32 v22, v36  }
0x1aa: {  	v44 =	vadd.s32 v23, v36;
	v37 =	vadd.f32 v37, v32  }
0x1ab: {  	v38 =	vadd.f32 v38, v33  }
0x1ac: {  	v39 =	vadd.f32 v39, v34;
	[tilespmem:v40+s29+$0x0] =	vst.idx.msk $0xffff, v37  }
0x1ad: {  	v37 =	vadd.f32 v41, v35;
	[tilespmem:v42+s29+$0x0] =	vst.idx.msk $0xffff, v38  }
0x1ae: {  	[tilespmem:v43+s29+$0x0] =	vst.idx.msk $0xffff, v39  }
0x1af: {  	[tilespmem:v44+s29+$0x0] =	vst.idx.msk $0xffff, v37  }
0x1b0: {  	v37 =	vld [tilespmem:s7+$0x300]  }
0x1b1: {  	v38 =	vld [tilespmem:s7+$0x310]  }
0x1b2: {  	v40 =	vadd.s32 v24, v36;
	v39 =	vld [tilespmem:s7+$0x320]  }
0x1b3: {  	v42 =	vadd.s32 v25, v36;
	v41 =	vld [tilespmem:s7+$0x330]  }
0x1b4: {  	v43 =	vadd.s32 v26, v36  }
0x1b5: {  	v44 =	vadd.s32 v27, v36;
	v37 =	vadd.f32 v37, v32  }
0x1b6: {  	v38 =	vadd.f32 v38, v33  }
0x1b7: {  	v39 =	vadd.f32 v39, v34;
	[tilespmem:v40+s29+$0x0] =	vst.idx.msk $0xffff, v37  }
0x1b8: {  	v37 =	vadd.f32 v41, v35;
	[tilespmem:v42+s29+$0x0] =	vst.idx.msk $0xffff, v38  }
0x1b9: {  	[tilespmem:v43+s29+$0x0] =	vst.idx.msk $0xffff, v39  }
0x1ba: {  	[tilespmem:v44+s29+$0x0] =	vst.idx.msk $0xffff, v37  }
0x1bb: {  	v37 =	vld [tilespmem:s7+$0x380]  }
0x1bc: {  	v38 =	vld [tilespmem:s7+$0x390]  }
0x1bd: {  	v40 =	vadd.s32 v28, v36;
	v39 =	vld [tilespmem:s7+$0x3A0]  }
0x1be: {  	v42 =	vadd.s32 v29, v36;
	v41 =	vld [tilespmem:s7+$0x3B0]  }
0x1bf: {  	v43 =	vadd.s32 v30, v36  }
.Ltmp2:
0x1c0: {  	v44 =	vadd.f32 v37, v32;
	v37 =	vadd.s32 v31, v36;
	(pc) =	sbr.rel @p0 .LBB2_6-.Ltmp2, $4  }
0x1c1: {  	v45 =	vadd.f32 v38, v33  }
0x1c2: {  	v39 =	vadd.f32 v39, v34;
	[tilespmem:v40+s29+$0x0] =	vst.idx.msk $0xffff, v44  }
0x1c3: {  	v38 =	vadd.f32 v41, v35;
	[tilespmem:v42+s29+$0x0] =	vst.idx.msk $0xffff, v45  }
0x1c4: {  	[tilespmem:v43+s29+$0x0] =	vst.idx.msk $0xffff, v39  }
0x1c5: {  	_ =	sdelay $0x3  }
0x1c6: {  	[tilespmem:v37+s29+$0x0] =	vst.idx.msk $0xffff, v38;
	s7 =	simm.s32 $0x15600  }
0x1c7: {  	[hbm4b:s11+s4] =	stream.linear.scatter [tilespmem:s7], [sflag:$0x4], $0x80, $0x38;
	[tilespmem:$0x17800] =	vst v63  }
0x1c8: {  	s12 =	simm.s32 $0x15688;
	s8 =	sadd.s32 $0x10, s11  }
0x1c9: {  	[hbm4b:s8+s4] =	stream.linear.scatter [tilespmem:s12], [sflag:$0x4], $0x80, $0x38;
	[tilespmem:$0x17800] =	vst v63  }
0x1ca: {  	s15 =	simm.s32 $0x15710;
	s19 =	sadd.s32 $0x20, s11;
	s20 =	simm.s32 $0x15798  }
0x1cb: {  	[hbm4b:s19+s4] =	stream.linear.scatter [tilespmem:s15], [sflag:$0x4], $0x80, $0x38;
	[tilespmem:$0x17800] =	vst v63  }
0x1cc: {  	s21 =	sadd.s32 $0x30, s11;
	s10 =	simm.s32 $0x15820;
	s7 =	simm.s32 $0x440  }
0x1cd: {  	[hbm4b:s21+s4] =	stream.linear.scatter [tilespmem:s20], [sflag:$0x4], $0x80, $0x38;
	[tilespmem:$0x17800] =	vst v63  }
0x1ce: {  	s12 =	sadd.s32 $0x40, s11;
	s15 =	simm.s32 $0x158A8;
	s19 =	sadd.s32 $0x50, s11  }
0x1cf: {  	[hbm4b:s12+s4] =	stream.linear.scatter [tilespmem:s10], [sflag:$0x4], $0x80, $0x38;
	[tilespmem:$0x17800] =	vst v63  }
0x1d0: {  	s20 =	simm.s32 $0x15930;
	s21 =	sadd.s32 $0x60, s11;
	s12 =	simm.s32 $0x2200  }
0x1d1: {  	[hbm4b:s19+s4] =	stream.linear.scatter [tilespmem:s15], [sflag:$0x4], $0x80, $0x38;
	[tilespmem:$0x17800] =	vst v63  }
0x1d2: {  	s10 =	sadd.s32 $0x1000, s11;
	s19 =	simm.s32 $0x159B8;
	s15 =	sadd.s32 $0x70, s11  }
0x1d3: {  	[hbm4b:s21+s4] =	stream.linear.scatter [tilespmem:s20], [sflag:$0x4], $0x80, $0x38;
	[tilespmem:$0x17800] =	vst v63  }
.LBB2_8:
0x1d4: {  	[hbm4b:s15+s4] =	stream.linear.scatter [tilespmem:s19], [sflag:$0x4], $0x80, $0x38;
	[tilespmem:$0x17800] =	vst v63  }
0x1d5: {  	s8 =	smov.u32 s7;
	s7 =	smov.u32 s12  }
0x1d6: {  	s20 =	sadd.s32 $0x1100, s12;
	s7 =	sshra.s32 s7, $0x2;
	s15 =	sadd.s32 $0x15600, s8  }
0x1d7: {  	[hbm4b:s10+s4] =	stream.linear.scatter [tilespmem:s15], [sflag:$0x4], $0x80, $0x38;
	[tilespmem:$0x17800] =	vst v63  }
0x1d8: {  	p0 =	sne.s32 s12, $0x7700;
	s12 =	sadd.s32 $0x15688, s8;
	s15 =	sadd.s32 $0x10, s10  }
0x1d9: {  	[hbm4b:s15+s4] =	stream.linear.scatter [tilespmem:s12], [sflag:$0x4], $0x80, $0x38;
	[tilespmem:$0x17800] =	vst v63  }
0x1da: {  	s12 =	sadd.s32 $0x15710, s8;
	s15 =	sadd.s32 $0x20, s10  }
0x1db: {  	[hbm4b:s15+s4] =	stream.linear.scatter [tilespmem:s12], [sflag:$0x4], $0x80, $0x38;
	[tilespmem:$0x17800] =	vst v63  }
0x1dc: {  	s12 =	sadd.s32 $0x15798, s8;
	s15 =	sadd.s32 $0x30, s10  }
0x1dd: {  	[hbm4b:s15+s4] =	stream.linear.scatter [tilespmem:s12], [sflag:$0x4], $0x80, $0x38;
	[tilespmem:$0x17800] =	vst v63  }
0x1de: {  	s12 =	sadd.s32 $0x15820, s8;
	s15 =	sadd.s32 $0x40, s10  }
0x1df: {  	[hbm4b:s15+s4] =	stream.linear.scatter [tilespmem:s12], [sflag:$0x4], $0x80, $0x38;
	[tilespmem:$0x17800] =	vst v63  }
.Ltmp3:
0x1e0: {  	s12 =	sadd.s32 $0x158A8, s8;
	s15 =	sadd.s32 $0x50, s10;
	(pc) =	sbr.rel @p0 .LBB2_8-.Ltmp3, $4  }
0x1e1: {  	[hbm4b:s15+s4] =	stream.linear.scatter [tilespmem:s12], [sflag:$0x4], $0x80, $0x38;
	[tilespmem:$0x17800] =	vst v63  }
0x1e2: {  	s19 =	sadd.s32 $0x159B8, s8;
	s12 =	sadd.s32 $0x15930, s8;
	s15 =	sadd.s32 $0x60, s10  }
0x1e3: {  	[hbm4b:s15+s4] =	stream.linear.scatter [tilespmem:s12], [sflag:$0x4], $0x80, $0x38;
	[tilespmem:$0x17800] =	vst v63  }
0x1e4: {  	s15 =	sadd.s32 $0x70, s10;
	s10 =	sadd.s32 $0x1000, s10;
	s12 =	smov.u32 s20  }
0x1e5: {  	[hbm4b:s15+s4] =	stream.linear.scatter [tilespmem:s19], [sflag:$0x4], $0x80, $0x38;
	[tilespmem:$0x17800] =	vst v63  }
0x1e6: {  	s8 =	sadd.s32 $0x15600, s7  }
0x1e7: {  	[hbm4b:s10+s4] =	stream.linear.scatter [tilespmem:s8], [sflag:$0x4], $0x80, $0x38;
	[tilespmem:$0x17800] =	vst v63  }
0x1e8: {  	s19 =	sadd.s32 $0x15688, s7;
	s12 =	sadd.s32 $0x10, s10  }
0x1e9: {  	[hbm4b:s12+s4] =	stream.linear.scatter [tilespmem:s19], [sflag:$0x4], $0x80, $0x38;
	[tilespmem:$0x17800] =	vst v63  }
0x1ea: {  	s20 =	sadd.s32 $0x15710, s7;
	s21 =	sadd.s32 $0x20, s10  }
0x1eb: {  	[hbm4b:s21+s4] =	stream.linear.scatter [tilespmem:s20], [sflag:$0x4], $0x80, $0x38;
	[tilespmem:$0x17800] =	vst v63  }
0x1ec: {  	s15 =	sadd.s32 $0x15798, s7;
	s19 =	sadd.s32 $0x30, s10  }
0x1ed: {  	[hbm4b:s19+s4] =	stream.linear.scatter [tilespmem:s15], [sflag:$0x4], $0x80, $0x38;
	[tilespmem:$0x17800] =	vst v63  }
0x1ee: {  	s20 =	sadd.s32 $0x15820, s7;
	s21 =	sadd.s32 $0x40, s10  }
0x1ef: {  	[hbm4b:s21+s4] =	stream.linear.scatter [tilespmem:s20], [sflag:$0x4], $0x80, $0x38;
	[tilespmem:$0x17800] =	vst v63  }
0x1f0: {  	s15 =	sadd.s32 $0x158A8, s7;
	s19 =	sadd.s32 $0x50, s10  }
0x1f1: {  	[hbm4b:s19+s4] =	stream.linear.scatter [tilespmem:s15], [sflag:$0x4], $0x80, $0x38;
	[tilespmem:$0x17800] =	vst v63  }
0x1f2: {  	s20 =	sadd.s32 $0x15930, s7;
	s21 =	sadd.s32 $0x60, s10  }
0x1f3: {  	[hbm4b:s21+s4] =	stream.linear.scatter [tilespmem:s20], [sflag:$0x4], $0x80, $0x38;
	[tilespmem:$0x17800] =	vst v63  }
0x1f4: {  	s8 =	sadd.s32 $0x159B8, s7;
	s12 =	sadd.s32 $0x70, s10  }
0x1f5: {  	[hbm4b:s12+s4] =	stream.linear.scatter [tilespmem:s8], [sflag:$0x4], $0x80, $0x38;
	[tilespmem:$0x17800] =	vst v63  }
0x1f6: {  	s15 =	rddreg [dreg:$0x7]  }
0x1f7: {  	[tilespmem:s17], [sflag:$0x5] =	stream.linear.gather [hbm4b:s15+s4], $0x100, $0x38;
	[tilespmem:$0x17800] =	vst v63  }
0x1f8: {  	_ =	swait.ge [sflag:s16], $0x100  }
0x1f9: {  	[sflag:s16] =	ssyncset.done $0x0  }
0x1fa: {  	s19 =	simm.s32 $0x3400;
	[sflag:s16] =	ssyncadd.s32 $0xFFFFFF00  }
0x1fb: {  	[tilespmem:s19], [sflag:$0x1] =	stream.indirect.gather [hbm4b:s5+s18], $0x80, s17, s18, $0xb8;
	[tilespmem:$0x17800] =	vst v63  }
0x1fc: {  	s20 =	simm.s32 $0x3280;
	s21 =	simm.s32 $0x7400  }
0x1fd: {  	[tilespmem:s21], [sflag:$0x1] =	stream.indirect.gather [hbm4b:s5+s18], $0x80, s20, s18, $0xb8;
	[tilespmem:$0x17800] =	vst v63  }
0x1fe: {  	_ =	swait.ge [sflag:s30], $0x4000  }
0x1ff: {  	[sflag:s30] =	ssyncset.done $0x0  }
0x200: {  	[sflag:s30] =	ssyncadd.s32 $0xFFFFC000  }
0x201: {  	_ =	swait.ge [sflag:s30], $0x4000  }
0x202: {  	[sflag:s30] =	ssyncset.done $0x0  }
0x203: {  	[sflag:s30] =	ssyncadd.s32 $0xFFFFC000  }
0x204: {  	_ =	swait.ge [sflag:s31], $0x2000  }
0x205: {  	[sflag:s31] =	ssyncset.done $0x0  }
0x206: {  	[sflag:s31] =	ssyncadd.s32 $0xFFFFE000  }
0x207: {  	v32 =	vld [tilespmem:$0x80]  }
0x208: {  	v33 =	vld [tilespmem:$0x90]  }
0x209: {  	v34 =	vld [tilespmem:$0xA0]  }
0x20a: {  	s7 =	simm.s32 $0xB600;
	v35 =	vld [tilespmem:$0xB0]  }
0x20b: {  	v37 =	vld [tilespmem:s7+$0xFFFFFE00]  }
0x20c: {  	v36 =	vimm.s32 $0x0;
	v38 =	vld [tilespmem:s7+$0xFFFFFE10]  }
0x20d: {  	v40 =	vadd.s32 v0, v36;
	v39 =	vld [tilespmem:s7+$0xFFFFFE20]  }
0x20e: {  	v42 =	vadd.s32 v1, v36;
	v41 =	vld [tilespmem:s7+$0xFFFFFE30]  }
0x20f: {  	v43 =	vadd.s32 v2, v36  }
0x210: {  	v44 =	vadd.s32 v3, v36;
	v37 =	vadd.f32 v37, v32  }
0x211: {  	v38 =	vadd.f32 v38, v33  }
0x212: {  	v39 =	vadd.f32 v39, v34;
	[tilespmem:v40+s28+$0x0] =	vst.idx.msk $0xffff, v37  }
0x213: {  	v56 =	vadd.f32 v41, v35;
	[tilespmem:v42+s28+$0x0] =	vst.idx.msk $0xffff, v38  }
0x214: {  	[tilespmem:v43+s28+$0x0] =	vst.idx.msk $0xffff, v39  }
0x215: {  	[tilespmem:v44+s28+$0x0] =	vst.idx.msk $0xffff, v56  }
0x216: {  	v37 =	vld [tilespmem:s7+$0xFFFFFE80]  }
0x217: {  	v38 =	vld [tilespmem:s7+$0xFFFFFE90]  }
0x218: {  	v57 =	vadd.s32 v4, v36;
	v39 =	vld [tilespmem:s7+$0xFFFFFEA0]  }
0x219: {  	v59 =	vadd.s32 v5, v36;
	v58 =	vld [tilespmem:s7+$0xFFFFFEB0]  }
0x21a: {  	v60 =	vadd.s32 v6, v36  }
0x21b: {  	v61 =	vadd.s32 v7, v36;
	v37 =	vadd.f32 v37, v32  }
0x21c: {  	v38 =	vadd.f32 v38, v33  }
0x21d: {  	v39 =	vadd.f32 v39, v34;
	[tilespmem:v57+s28+$0x0] =	vst.idx.msk $0xffff, v37  }
0x21e: {  	v62 =	vadd.f32 v58, v35;
	[tilespmem:v59+s28+$0x0] =	vst.idx.msk $0xffff, v38  }
0x21f: {  	[tilespmem:v60+s28+$0x0] =	vst.idx.msk $0xffff, v39  }
0x220: {  	[tilespmem:v61+s28+$0x0] =	vst.idx.msk $0xffff, v62  }
0x221: {  	v37 =	vld [tilespmem:s7+$0xFFFFFF00]  }
0x222: {  	v38 =	vld [tilespmem:s7+$0xFFFFFF10]  }
0x223: {  	v63 =	vadd.s32 v8, v36;
	v39 =	vld [tilespmem:s7+$0xFFFFFF20]  }
0x224: {  	v49 =	vadd.s32 v9, v36;
	v48 =	vld [tilespmem:s7+$0xFFFFFF30]  }
0x225: {  	v50 =	vadd.s32 v10, v36  }
0x226: {  	v51 =	vadd.s32 v11, v36;
	v37 =	vadd.f32 v37, v32  }
0x227: {  	v38 =	vadd.f32 v38, v33  }
0x228: {  	v39 =	vadd.f32 v39, v34;
	[tilespmem:v63+s28+$0x0] =	vst.idx.msk $0xffff, v37  }
0x229: {  	v52 =	vadd.f32 v48, v35;
	[tilespmem:v49+s28+$0x0] =	vst.idx.msk $0xffff, v38  }
0x22a: {  	[tilespmem:v50+s28+$0x0] =	vst.idx.msk $0xffff, v39  }
0x22b: {  	[tilespmem:v51+s28+$0x0] =	vst.idx.msk $0xffff, v52  }
0x22c: {  	v37 =	vld [tilespmem:s7+$0xFFFFFF80]  }
0x22d: {  	v38 =	vld [tilespmem:s7+$0xFFFFFF90]  }
0x22e: {  	v53 =	vadd.s32 v12, v36;
	v39 =	vld [tilespmem:s7+$0xFFFFFFA0]  }
0x22f: {  	v55 =	vadd.s32 v13, v36;
	v54 =	vld [tilespmem:s7+$0xFFFFFFB0]  }
0x230: {  	v56 =	vadd.s32 v14, v36  }
0x231: {  	v57 =	vadd.s32 v15, v36;
	v37 =	vadd.f32 v37, v32  }
0x232: {  	v38 =	vadd.f32 v38, v33  }
0x233: {  	v39 =	vadd.f32 v39, v34;
	[tilespmem:v53+s28+$0x0] =	vst.idx.msk $0xffff, v37  }
0x234: {  	v58 =	vadd.f32 v54, v35;
	[tilespmem:v55+s28+$0x0] =	vst.idx.msk $0xffff, v38  }
0x235: {  	[tilespmem:v56+s28+$0x0] =	vst.idx.msk $0xffff, v39  }
0x236: {  	[tilespmem:v57+s28+$0x0] =	vst.idx.msk $0xffff, v58  }
0x237: {  	v37 =	vld [tilespmem:s7+$0x0]  }
0x238: {  	v38 =	vld [tilespmem:s7+$0x10]  }
0x239: {  	v59 =	vadd.s32 v16, v36;
	v39 =	vld [tilespmem:s7+$0x20]  }
0x23a: {  	v61 =	vadd.s32 v17, v36;
	v60 =	vld [tilespmem:s7+$0x30]  }
0x23b: {  	v62 =	vadd.s32 v18, v36  }
0x23c: {  	v63 =	vadd.s32 v19, v36;
	v37 =	vadd.f32 v37, v32  }
0x23d: {  	v38 =	vadd.f32 v38, v33  }
0x23e: {  	v39 =	vadd.f32 v39, v34;
	[tilespmem:v59+s28+$0x0] =	vst.idx.msk $0xffff, v37  }
0x23f: {  	v48 =	vadd.f32 v60, v35;
	[tilespmem:v61+s28+$0x0] =	vst.idx.msk $0xffff, v38  }
0x240: {  	[tilespmem:v62+s28+$0x0] =	vst.idx.msk $0xffff, v39  }
0x241: {  	[tilespmem:v63+s28+$0x0] =	vst.idx.msk $0xffff, v48  }
0x242: {  	v37 =	vld [tilespmem:s7+$0x80]  }
0x243: {  	v38 =	vld [tilespmem:s7+$0x90]  }
0x244: {  	v49 =	vadd.s32 v20, v36;
	v39 =	vld [tilespmem:s7+$0xA0]  }
0x245: {  	v51 =	vadd.s32 v21, v36;
	v50 =	vld [tilespmem:s7+$0xB0]  }
0x246: {  	v52 =	vadd.s32 v22, v36  }
0x247: {  	v53 =	vadd.s32 v23, v36;
	v37 =	vadd.f32 v37, v32  }
0x248: {  	v38 =	vadd.f32 v38, v33  }
0x249: {  	v39 =	vadd.f32 v39, v34;
	[tilespmem:v49+s28+$0x0] =	vst.idx.msk $0xffff, v37  }
0x24a: {  	v54 =	vadd.f32 v50, v35;
	[tilespmem:v51+s28+$0x0] =	vst.idx.msk $0xffff, v38  }
0x24b: {  	[tilespmem:v52+s28+$0x0] =	vst.idx.msk $0xffff, v39  }
0x24c: {  	[tilespmem:v53+s28+$0x0] =	vst.idx.msk $0xffff, v54  }
0x24d: {  	v37 =	vld [tilespmem:s7+$0x100]  }
0x24e: {  	v38 =	vld [tilespmem:s7+$0x110]  }
0x24f: {  	v55 =	vadd.s32 v24, v36;
	v39 =	vld [tilespmem:s7+$0x120]  }
0x250: {  	v57 =	vadd.s32 v25, v36;
	v56 =	vld [tilespmem:s7+$0x130]  }
0x251: {  	v58 =	vadd.s32 v26, v36  }
0x252: {  	v59 =	vadd.s32 v27, v36;
	v37 =	vadd.f32 v37, v32  }
0x253: {  	v38 =	vadd.f32 v38, v33  }
0x254: {  	v39 =	vadd.f32 v39, v34;
	[tilespmem:v55+s28+$0x0] =	vst.idx.msk $0xffff, v37  }
0x255: {  	v60 =	vadd.f32 v56, v35;
	[tilespmem:v57+s28+$0x0] =	vst.idx.msk $0xffff, v38  }
0x256: {  	[tilespmem:v58+s28+$0x0] =	vst.idx.msk $0xffff, v39  }
0x257: {  	[tilespmem:v59+s28+$0x0] =	vst.idx.msk $0xffff, v60  }
0x258: {  	v37 =	vld [tilespmem:s7+$0x180];
	_ =	sdelay $0x1  }
0x259: {  	v61 =	vadd.s32 v28, v36  }
0x25a: {  	v38 =	vld [tilespmem:s7+$0x190]  }
0x25b: {  	v39 =	vld [tilespmem:s7+$0x1A0]  }
0x25c: {  	v62 =	vadd.s32 v29, v36;
	v42 =	vld [tilespmem:s7+$0x1B0];
	v37 =	vadd.f32 v37, v32  }
0x25d: {  	v63 =	vadd.s32 v30, v36  }
0x25e: {  	[tilespmem:v61+s28+$0x0] =	vst.idx.msk $0xffff, v37;
	v37 =	vadd.s32 v31, v36  }
0x25f: {  	v38 =	vadd.f32 v38, v33  }
0x260: {  	v39 =	vadd.f32 v39, v34  }
0x261: {  	[tilespmem:v62+s28+$0x0] =	vst.idx.msk $0xffff, v38;
	v38 =	vadd.f32 v42, v35  }
0x262: {  	s10 =	simm.s32 $0x0;
	[tilespmem:v63+s28+$0x0] =	vst.idx.msk $0xffff, v39  }
.LBB2_10:
0x263: {  	s10 =	sadd.s32 $0x8, s10;
	[tilespmem:v37+s28+$0x0] =	vst.idx.msk $0xffff, v38;
	v36 =	vadd.s32 $0x8, v36;
	s7 =	sadd.s32 $0x400, s7  }
0x264: {  	v37 =	vld [tilespmem:s7+$0xFFFFFE00];
	p0 =	slt.u32 s10, $0x78  }
0x265: {  	v38 =	vld [tilespmem:s7+$0xFFFFFE10]  }
0x266: {  	v40 =	vadd.s32 v0, v36;
	v39 =	vld [tilespmem:s7+$0xFFFFFE20]  }
0x267: {  	v42 =	vadd.s32 v1, v36;
	v41 =	vld [tilespmem:s7+$0xFFFFFE30]  }
0x268: {  	v43 =	vadd.s32 v2, v36  }
0x269: {  	v44 =	vadd.s32 v3, v36;
	v37 =	vadd.f32 v37, v32  }
0x26a: {  	v38 =	vadd.f32 v38, v33  }
0x26b: {  	v39 =	vadd.f32 v39, v34;
	[tilespmem:v40+s28+$0x0] =	vst.idx.msk $0xffff, v37  }
0x26c: {  	v37 =	vadd.f32 v41, v35;
	[tilespmem:v42+s28+$0x0] =	vst.idx.msk $0xffff, v38  }
0x26d: {  	[tilespmem:v43+s28+$0x0] =	vst.idx.msk $0xffff, v39  }
0x26e: {  	[tilespmem:v44+s28+$0x0] =	vst.idx.msk $0xffff, v37  }
0x26f: {  	v37 =	vld [tilespmem:s7+$0xFFFFFE80]  }
0x270: {  	v38 =	vld [tilespmem:s7+$0xFFFFFE90]  }
0x271: {  	v40 =	vadd.s32 v4, v36;
	v39 =	vld [tilespmem:s7+$0xFFFFFEA0]  }
0x272: {  	v42 =	vadd.s32 v5, v36;
	v41 =	vld [tilespmem:s7+$0xFFFFFEB0]  }
0x273: {  	v43 =	vadd.s32 v6, v36  }
0x274: {  	v44 =	vadd.s32 v7, v36;
	v37 =	vadd.f32 v37, v32  }
0x275: {  	v38 =	vadd.f32 v38, v33  }
0x276: {  	v39 =	vadd.f32 v39, v34;
	[tilespmem:v40+s28+$0x0] =	vst.idx.msk $0xffff, v37  }
0x277: {  	v37 =	vadd.f32 v41, v35;
	[tilespmem:v42+s28+$0x0] =	vst.idx.msk $0xffff, v38  }
0x278: {  	[tilespmem:v43+s28+$0x0] =	vst.idx.msk $0xffff, v39  }
0x279: {  	[tilespmem:v44+s28+$0x0] =	vst.idx.msk $0xffff, v37  }
0x27a: {  	v37 =	vld [tilespmem:s7+$0xFFFFFF00]  }
0x27b: {  	v38 =	vld [tilespmem:s7+$0xFFFFFF10]  }
0x27c: {  	v40 =	vadd.s32 v8, v36;
	v39 =	vld [tilespmem:s7+$0xFFFFFF20]  }
0x27d: {  	v42 =	vadd.s32 v9, v36;
	v41 =	vld [tilespmem:s7+$0xFFFFFF30]  }
0x27e: {  	v43 =	vadd.s32 v10, v36  }
0x27f: {  	v44 =	vadd.s32 v11, v36;
	v37 =	vadd.f32 v37, v32  }
0x280: {  	v38 =	vadd.f32 v38, v33  }
0x281: {  	v39 =	vadd.f32 v39, v34;
	[tilespmem:v40+s28+$0x0] =	vst.idx.msk $0xffff, v37  }
0x282: {  	v37 =	vadd.f32 v41, v35;
	[tilespmem:v42+s28+$0x0] =	vst.idx.msk $0xffff, v38  }
0x283: {  	[tilespmem:v43+s28+$0x0] =	vst.idx.msk $0xffff, v39  }
0x284: {  	[tilespmem:v44+s28+$0x0] =	vst.idx.msk $0xffff, v37  }
0x285: {  	v37 =	vld [tilespmem:s7+$0xFFFFFF80]  }
0x286: {  	v38 =	vld [tilespmem:s7+$0xFFFFFF90]  }
0x287: {  	v40 =	vadd.s32 v12, v36;
	v39 =	vld [tilespmem:s7+$0xFFFFFFA0]  }
0x288: {  	v42 =	vadd.s32 v13, v36;
	v41 =	vld [tilespmem:s7+$0xFFFFFFB0]  }
0x289: {  	v43 =	vadd.s32 v14, v36  }
0x28a: {  	v44 =	vadd.s32 v15, v36;
	v37 =	vadd.f32 v37, v32  }
0x28b: {  	v38 =	vadd.f32 v38, v33  }
0x28c: {  	v39 =	vadd.f32 v39, v34;
	[tilespmem:v40+s28+$0x0] =	vst.idx.msk $0xffff, v37  }
0x28d: {  	v37 =	vadd.f32 v41, v35;
	[tilespmem:v42+s28+$0x0] =	vst.idx.msk $0xffff, v38  }
0x28e: {  	[tilespmem:v43+s28+$0x0] =	vst.idx.msk $0xffff, v39  }
0x28f: {  	[tilespmem:v44+s28+$0x0] =	vst.idx.msk $0xffff, v37  }
0x290: {  	v37 =	vld [tilespmem:s7+$0x0]  }
0x291: {  	v38 =	vld [tilespmem:s7+$0x10]  }
0x292: {  	v40 =	vadd.s32 v16, v36;
	v39 =	vld [tilespmem:s7+$0x20]  }
0x293: {  	v42 =	vadd.s32 v17, v36;
	v41 =	vld [tilespmem:s7+$0x30]  }
0x294: {  	v43 =	vadd.s32 v18, v36  }
0x295: {  	v44 =	vadd.s32 v19, v36;
	v37 =	vadd.f32 v37, v32  }
0x296: {  	v38 =	vadd.f32 v38, v33  }
0x297: {  	v39 =	vadd.f32 v39, v34;
	[tilespmem:v40+s28+$0x0] =	vst.idx.msk $0xffff, v37  }
0x298: {  	v37 =	vadd.f32 v41, v35;
	[tilespmem:v42+s28+$0x0] =	vst.idx.msk $0xffff, v38  }
0x299: {  	[tilespmem:v43+s28+$0x0] =	vst.idx.msk $0xffff, v39  }
0x29a: {  	[tilespmem:v44+s28+$0x0] =	vst.idx.msk $0xffff, v37  }
0x29b: {  	v37 =	vld [tilespmem:s7+$0x80]  }
0x29c: {  	v38 =	vld [tilespmem:s7+$0x90]  }
0x29d: {  	v40 =	vadd.s32 v20, v36;
	v39 =	vld [tilespmem:s7+$0xA0]  }
0x29e: {  	v42 =	vadd.s32 v21, v36;
	v41 =	vld [tilespmem:s7+$0xB0]  }
0x29f: {  	v43 =	vadd.s32 v22, v36  }
0x2a0: {  	v44 =	vadd.s32 v23, v36;
	v37 =	vadd.f32 v37, v32  }
0x2a1: {  	v38 =	vadd.f32 v38, v33  }
0x2a2: {  	v39 =	vadd.f32 v39, v34;
	[tilespmem:v40+s28+$0x0] =	vst.idx.msk $0xffff, v37  }
0x2a3: {  	v37 =	vadd.f32 v41, v35;
	[tilespmem:v42+s28+$0x0] =	vst.idx.msk $0xffff, v38  }
0x2a4: {  	[tilespmem:v43+s28+$0x0] =	vst.idx.msk $0xffff, v39  }
0x2a5: {  	[tilespmem:v44+s28+$0x0] =	vst.idx.msk $0xffff, v37  }
0x2a6: {  	v37 =	vld [tilespmem:s7+$0x100]  }
0x2a7: {  	v38 =	vld [tilespmem:s7+$0x110]  }
0x2a8: {  	v40 =	vadd.s32 v24, v36;
	v39 =	vld [tilespmem:s7+$0x120]  }
0x2a9: {  	v42 =	vadd.s32 v25, v36;
	v41 =	vld [tilespmem:s7+$0x130]  }
0x2aa: {  	v43 =	vadd.s32 v26, v36  }
0x2ab: {  	v44 =	vadd.s32 v27, v36;
	v37 =	vadd.f32 v37, v32  }
0x2ac: {  	v38 =	vadd.f32 v38, v33  }
0x2ad: {  	v39 =	vadd.f32 v39, v34;
	[tilespmem:v40+s28+$0x0] =	vst.idx.msk $0xffff, v37  }
0x2ae: {  	v37 =	vadd.f32 v41, v35;
	[tilespmem:v42+s28+$0x0] =	vst.idx.msk $0xffff, v38  }
0x2af: {  	[tilespmem:v43+s28+$0x0] =	vst.idx.msk $0xffff, v39  }
0x2b0: {  	[tilespmem:v44+s28+$0x0] =	vst.idx.msk $0xffff, v37  }
0x2b1: {  	v37 =	vld [tilespmem:s7+$0x180]  }
0x2b2: {  	v38 =	vld [tilespmem:s7+$0x190]  }
0x2b3: {  	v40 =	vadd.s32 v28, v36;
	v39 =	vld [tilespmem:s7+$0x1A0]  }
0x2b4: {  	v42 =	vadd.s32 v29, v36;
	v41 =	vld [tilespmem:s7+$0x1B0]  }
0x2b5: {  	v43 =	vadd.s32 v30, v36  }
.Ltmp4:
0x2b6: {  	v44 =	vadd.f32 v37, v32;
	v37 =	vadd.s32 v31, v36;
	(pc) =	sbr.rel @p0 .LBB2_10-.Ltmp4, $4  }
0x2b7: {  	v45 =	vadd.f32 v38, v33  }
0x2b8: {  	v39 =	vadd.f32 v39, v34;
	[tilespmem:v40+s28+$0x0] =	vst.idx.msk $0xffff, v44  }
0x2b9: {  	v38 =	vadd.f32 v41, v35;
	[tilespmem:v42+s28+$0x0] =	vst.idx.msk $0xffff, v45  }
0x2ba: {  	[tilespmem:v43+s28+$0x0] =	vst.idx.msk $0xffff, v39  }
0x2bb: {  	_ =	sdelay $0x3  }
0x2bc: {  	[tilespmem:v37+s28+$0x0] =	vst.idx.msk $0xffff, v38;
	s7 =	simm.s32 $0x13400  }
0x2bd: {  	[hbm4b:s13+s4] =	stream.linear.scatter [tilespmem:s7], [sflag:$0x3], $0x80, $0x38;
	[tilespmem:$0x17800] =	vst v63  }
0x2be: {  	s19 =	simm.s32 $0x13488;
	s8 =	sadd.s32 $0x10, s13  }
0x2bf: {  	[hbm4b:s8+s4] =	stream.linear.scatter [tilespmem:s19], [sflag:$0x3], $0x80, $0x38;
	[tilespmem:$0x17800] =	vst v63  }
0x2c0: {  	s20 =	simm.s32 $0x13510;
	s21 =	sadd.s32 $0x20, s13;
	s10 =	sadd.s32 $0x30, s13  }
0x2c1: {  	[hbm4b:s21+s4] =	stream.linear.scatter [tilespmem:s20], [sflag:$0x3], $0x80, $0x38;
	[tilespmem:$0x17800] =	vst v63  }
0x2c2: {  	s12 =	simm.s32 $0x13620;
	s15 =	sadd.s32 $0x40, s13;
	s8 =	simm.s32 $0x13598  }
0x2c3: {  	[hbm4b:s10+s4] =	stream.linear.scatter [tilespmem:s8], [sflag:$0x3], $0x80, $0x38;
	[tilespmem:$0x17800] =	vst v63  }
0x2c4: {  	s17 =	simm.s32 $0x136A8;
	s7 =	simm.s32 $0x440;
	s19 =	sadd.s32 $0x50, s13  }
0x2c5: {  	[hbm4b:s15+s4] =	stream.linear.scatter [tilespmem:s12], [sflag:$0x3], $0x80, $0x38;
	[tilespmem:$0x17800] =	vst v63  }
0x2c6: {  	s20 =	simm.s32 $0x13730;
	s21 =	sadd.s32 $0x60, s13;
	s10 =	sadd.s32 $0x1000, s13  }
0x2c7: {  	[hbm4b:s19+s4] =	stream.linear.scatter [tilespmem:s17], [sflag:$0x3], $0x80, $0x38;
	[tilespmem:$0x17800] =	vst v63  }
0x2c8: {  	s12 =	simm.s32 $0x2200;
	s15 =	sadd.s32 $0x70, s13;
	s19 =	simm.s32 $0x137B8  }
0x2c9: {  	[hbm4b:s21+s4] =	stream.linear.scatter [tilespmem:s20], [sflag:$0x3], $0x80, $0x38;
	[tilespmem:$0x17800] =	vst v63  }
.LBB2_12:
0x2ca: {  	[hbm4b:s15+s4] =	stream.linear.scatter [tilespmem:s19], [sflag:$0x3], $0x80, $0x38;
	[tilespmem:$0x17800] =	vst v63  }
0x2cb: {  	s8 =	smov.u32 s7;
	s7 =	smov.u32 s12  }
0x2cc: {  	s20 =	sadd.s32 $0x1100, s12;
	s7 =	sshra.s32 s7, $0x2;
	s15 =	sadd.s32 $0x13400, s8  }
0x2cd: {  	[hbm4b:s10+s4] =	stream.linear.scatter [tilespmem:s15], [sflag:$0x3], $0x80, $0x38;
	[tilespmem:$0x17800] =	vst v63  }
0x2ce: {  	p0 =	sne.s32 s12, $0x7700;
	s12 =	sadd.s32 $0x13488, s8;
	s15 =	sadd.s32 $0x10, s10  }
0x2cf: {  	[hbm4b:s15+s4] =	stream.linear.scatter [tilespmem:s12], [sflag:$0x3], $0x80, $0x38;
	[tilespmem:$0x17800] =	vst v63  }
0x2d0: {  	s12 =	sadd.s32 $0x13510, s8;
	s15 =	sadd.s32 $0x20, s10  }
0x2d1: {  	[hbm4b:s15+s4] =	stream.linear.scatter [tilespmem:s12], [sflag:$0x3], $0x80, $0x38;
	[tilespmem:$0x17800] =	vst v63  }
0x2d2: {  	s12 =	sadd.s32 $0x13598, s8;
	s15 =	sadd.s32 $0x30, s10  }
0x2d3: {  	[hbm4b:s15+s4] =	stream.linear.scatter [tilespmem:s12], [sflag:$0x3], $0x80, $0x38;
	[tilespmem:$0x17800] =	vst v63  }
0x2d4: {  	s12 =	sadd.s32 $0x13620, s8;
	s15 =	sadd.s32 $0x40, s10  }
0x2d5: {  	[hbm4b:s15+s4] =	stream.linear.scatter [tilespmem:s12], [sflag:$0x3], $0x80, $0x38;
	[tilespmem:$0x17800] =	vst v63  }
.Ltmp5:
0x2d6: {  	s12 =	sadd.s32 $0x136A8, s8;
	s15 =	sadd.s32 $0x50, s10;
	(pc) =	sbr.rel @p0 .LBB2_12-.Ltmp5, $4  }
0x2d7: {  	[hbm4b:s15+s4] =	stream.linear.scatter [tilespmem:s12], [sflag:$0x3], $0x80, $0x38;
	[tilespmem:$0x17800] =	vst v63  }
0x2d8: {  	s19 =	sadd.s32 $0x137B8, s8;
	s12 =	sadd.s32 $0x13730, s8;
	s15 =	sadd.s32 $0x60, s10  }
0x2d9: {  	[hbm4b:s15+s4] =	stream.linear.scatter [tilespmem:s12], [sflag:$0x3], $0x80, $0x38;
	[tilespmem:$0x17800] =	vst v63  }
0x2da: {  	s15 =	sadd.s32 $0x70, s10;
	s10 =	sadd.s32 $0x1000, s10;
	s12 =	smov.u32 s20  }
0x2db: {  	[hbm4b:s15+s4] =	stream.linear.scatter [tilespmem:s19], [sflag:$0x3], $0x80, $0x38;
	[tilespmem:$0x17800] =	vst v63  }
0x2dc: {  	s8 =	sadd.s32 $0x13400, s7  }
0x2dd: {  	[hbm4b:s10+s4] =	stream.linear.scatter [tilespmem:s8], [sflag:$0x3], $0x80, $0x38;
	[tilespmem:$0x17800] =	vst v63  }
0x2de: {  	s21 =	sadd.s32 $0x13488, s7;
	s12 =	sadd.s32 $0x10, s10  }
0x2df: {  	[hbm4b:s12+s4] =	stream.linear.scatter [tilespmem:s21], [sflag:$0x3], $0x80, $0x38;
	[tilespmem:$0x17800] =	vst v63  }
0x2e0: {  	s15 =	sadd.s32 $0x20, s10;
	s12 =	sadd.s32 $0x13510, s7  }
0x2e1: {  	[hbm4b:s15+s4] =	stream.linear.scatter [tilespmem:s12], [sflag:$0x3], $0x80, $0x38;
	[tilespmem:$0x17800] =	vst v63  }
0x2e2: {  	s17 =	sadd.s32 $0x13598, s7;
	s19 =	sadd.s32 $0x30, s10  }
0x2e3: {  	[hbm4b:s19+s4] =	stream.linear.scatter [tilespmem:s17], [sflag:$0x3], $0x80, $0x38;
	[tilespmem:$0x17800] =	vst v63  }
0x2e4: {  	s20 =	sadd.s32 $0x13620, s7;
	s21 =	sadd.s32 $0x40, s10  }
0x2e5: {  	[hbm4b:s21+s4] =	stream.linear.scatter [tilespmem:s20], [sflag:$0x3], $0x80, $0x38;
	[tilespmem:$0x17800] =	vst v63  }
0x2e6: {  	s12 =	sadd.s32 $0x136A8, s7;
	s15 =	sadd.s32 $0x50, s10  }
0x2e7: {  	[hbm4b:s15+s4] =	stream.linear.scatter [tilespmem:s12], [sflag:$0x3], $0x80, $0x38;
	[tilespmem:$0x17800] =	vst v63  }
0x2e8: {  	s17 =	sadd.s32 $0x13730, s7;
	s19 =	sadd.s32 $0x60, s10  }
0x2e9: {  	[hbm4b:s19+s4] =	stream.linear.scatter [tilespmem:s17], [sflag:$0x3], $0x80, $0x38;
	[tilespmem:$0x17800] =	vst v63  }
0x2ea: {  	s20 =	sadd.s32 $0x137B8, s7;
	s21 =	sadd.s32 $0x70, s10  }
0x2eb: {  	[hbm4b:s21+s4] =	stream.linear.scatter [tilespmem:s20], [sflag:$0x3], $0x80, $0x38;
	[tilespmem:$0x17800] =	vst v63  }
0x2ec: {  	_ =	swait.ge [sflag:s0], $0x2000  }
0x2ed: {  	[sflag:s0] =	ssyncset.done $0x0  }
0x2ee: {  	[sflag:s0] =	ssyncadd.s32 $0xFFFFE000  }
0x2ef: {  	v32 =	vld [tilespmem:$0xC0]  }
0x2f0: {  	v33 =	vld [tilespmem:$0xD0]  }
0x2f1: {  	v34 =	vld [tilespmem:$0xE0]  }
0x2f2: {  	s7 =	simm.s32 $0xF400;
	v35 =	vld [tilespmem:$0xF0]  }
0x2f3: {  	v37 =	vld [tilespmem:s7+$0x0]  }
0x2f4: {  	v36 =	vimm.s32 $0x0;
	v38 =	vld [tilespmem:s7+$0x10]  }
0x2f5: {  	v40 =	vadd.s32 v0, v36;
	v39 =	vld [tilespmem:s7+$0x20]  }
0x2f6: {  	v42 =	vadd.s32 v1, v36;
	v41 =	vld [tilespmem:s7+$0x30]  }
0x2f7: {  	v43 =	vadd.s32 v2, v36  }
0x2f8: {  	v44 =	vadd.s32 v3, v36;
	v37 =	vadd.f32 v37, v32  }
0x2f9: {  	v38 =	vadd.f32 v38, v33  }
0x2fa: {  	v39 =	vadd.f32 v39, v34;
	[tilespmem:v40+s29+$0x0] =	vst.idx.msk $0xffff, v37  }
0x2fb: {  	v56 =	vadd.f32 v41, v35;
	[tilespmem:v42+s29+$0x0] =	vst.idx.msk $0xffff, v38  }
0x2fc: {  	[tilespmem:v43+s29+$0x0] =	vst.idx.msk $0xffff, v39  }
0x2fd: {  	[tilespmem:v44+s29+$0x0] =	vst.idx.msk $0xffff, v56  }
0x2fe: {  	v37 =	vld [tilespmem:s7+$0x80]  }
0x2ff: {  	v38 =	vld [tilespmem:s7+$0x90]  }
0x300: {  	v57 =	vadd.s32 v4, v36;
	v39 =	vld [tilespmem:s7+$0xA0]  }
0x301: {  	v59 =	vadd.s32 v5, v36;
	v58 =	vld [tilespmem:s7+$0xB0]  }
0x302: {  	v60 =	vadd.s32 v6, v36  }
0x303: {  	v61 =	vadd.s32 v7, v36;
	v37 =	vadd.f32 v37, v32  }
0x304: {  	v38 =	vadd.f32 v38, v33  }
0x305: {  	v39 =	vadd.f32 v39, v34;
	[tilespmem:v57+s29+$0x0] =	vst.idx.msk $0xffff, v37  }
0x306: {  	v62 =	vadd.f32 v58, v35;
	[tilespmem:v59+s29+$0x0] =	vst.idx.msk $0xffff, v38  }
0x307: {  	[tilespmem:v60+s29+$0x0] =	vst.idx.msk $0xffff, v39  }
0x308: {  	[tilespmem:v61+s29+$0x0] =	vst.idx.msk $0xffff, v62  }
0x309: {  	v37 =	vld [tilespmem:s7+$0x100]  }
0x30a: {  	v38 =	vld [tilespmem:s7+$0x110]  }
0x30b: {  	v63 =	vadd.s32 v8, v36;
	v39 =	vld [tilespmem:s7+$0x120]  }
0x30c: {  	v49 =	vadd.s32 v9, v36;
	v48 =	vld [tilespmem:s7+$0x130]  }
0x30d: {  	v50 =	vadd.s32 v10, v36  }
0x30e: {  	v51 =	vadd.s32 v11, v36;
	v37 =	vadd.f32 v37, v32  }
0x30f: {  	v38 =	vadd.f32 v38, v33  }
0x310: {  	v39 =	vadd.f32 v39, v34;
	[tilespmem:v63+s29+$0x0] =	vst.idx.msk $0xffff, v37  }
0x311: {  	v52 =	vadd.f32 v48, v35;
	[tilespmem:v49+s29+$0x0] =	vst.idx.msk $0xffff, v38  }
0x312: {  	[tilespmem:v50+s29+$0x0] =	vst.idx.msk $0xffff, v39  }
0x313: {  	[tilespmem:v51+s29+$0x0] =	vst.idx.msk $0xffff, v52  }
0x314: {  	v37 =	vld [tilespmem:s7+$0x180]  }
0x315: {  	v38 =	vld [tilespmem:s7+$0x190]  }
0x316: {  	v53 =	vadd.s32 v12, v36;
	v39 =	vld [tilespmem:s7+$0x1A0]  }
0x317: {  	v55 =	vadd.s32 v13, v36;
	v54 =	vld [tilespmem:s7+$0x1B0]  }
0x318: {  	v56 =	vadd.s32 v14, v36  }
0x319: {  	v57 =	vadd.s32 v15, v36;
	v37 =	vadd.f32 v37, v32  }
0x31a: {  	v38 =	vadd.f32 v38, v33  }
0x31b: {  	v39 =	vadd.f32 v39, v34;
	[tilespmem:v53+s29+$0x0] =	vst.idx.msk $0xffff, v37  }
0x31c: {  	v58 =	vadd.f32 v54, v35;
	[tilespmem:v55+s29+$0x0] =	vst.idx.msk $0xffff, v38  }
0x31d: {  	[tilespmem:v56+s29+$0x0] =	vst.idx.msk $0xffff, v39  }
0x31e: {  	[tilespmem:v57+s29+$0x0] =	vst.idx.msk $0xffff, v58  }
0x31f: {  	v37 =	vld [tilespmem:s7+$0x200]  }
0x320: {  	v38 =	vld [tilespmem:s7+$0x210]  }
0x321: {  	v59 =	vadd.s32 v16, v36;
	v39 =	vld [tilespmem:s7+$0x220]  }
0x322: {  	v61 =	vadd.s32 v17, v36;
	v60 =	vld [tilespmem:s7+$0x230]  }
0x323: {  	v62 =	vadd.s32 v18, v36  }
0x324: {  	v63 =	vadd.s32 v19, v36;
	v37 =	vadd.f32 v37, v32  }
0x325: {  	v38 =	vadd.f32 v38, v33  }
0x326: {  	v39 =	vadd.f32 v39, v34;
	[tilespmem:v59+s29+$0x0] =	vst.idx.msk $0xffff, v37  }
0x327: {  	v48 =	vadd.f32 v60, v35;
	[tilespmem:v61+s29+$0x0] =	vst.idx.msk $0xffff, v38  }
0x328: {  	[tilespmem:v62+s29+$0x0] =	vst.idx.msk $0xffff, v39  }
0x329: {  	[tilespmem:v63+s29+$0x0] =	vst.idx.msk $0xffff, v48  }
0x32a: {  	v37 =	vld [tilespmem:s7+$0x280]  }
0x32b: {  	v38 =	vld [tilespmem:s7+$0x290]  }
0x32c: {  	v49 =	vadd.s32 v20, v36;
	v39 =	vld [tilespmem:s7+$0x2A0]  }
0x32d: {  	v51 =	vadd.s32 v21, v36;
	v50 =	vld [tilespmem:s7+$0x2B0]  }
0x32e: {  	v52 =	vadd.s32 v22, v36  }
0x32f: {  	v53 =	vadd.s32 v23, v36;
	v37 =	vadd.f32 v37, v32  }
0x330: {  	v38 =	vadd.f32 v38, v33  }
0x331: {  	v39 =	vadd.f32 v39, v34;
	[tilespmem:v49+s29+$0x0] =	vst.idx.msk $0xffff, v37  }
0x332: {  	v54 =	vadd.f32 v50, v35;
	[tilespmem:v51+s29+$0x0] =	vst.idx.msk $0xffff, v38  }
0x333: {  	[tilespmem:v52+s29+$0x0] =	vst.idx.msk $0xffff, v39  }
0x334: {  	[tilespmem:v53+s29+$0x0] =	vst.idx.msk $0xffff, v54  }
0x335: {  	v37 =	vld [tilespmem:s7+$0x300]  }
0x336: {  	v38 =	vld [tilespmem:s7+$0x310]  }
0x337: {  	v55 =	vadd.s32 v24, v36;
	v39 =	vld [tilespmem:s7+$0x320]  }
0x338: {  	v57 =	vadd.s32 v25, v36;
	v56 =	vld [tilespmem:s7+$0x330]  }
0x339: {  	v58 =	vadd.s32 v26, v36  }
0x33a: {  	v59 =	vadd.s32 v27, v36;
	v37 =	vadd.f32 v37, v32  }
0x33b: {  	v38 =	vadd.f32 v38, v33  }
0x33c: {  	v39 =	vadd.f32 v39, v34;
	[tilespmem:v55+s29+$0x0] =	vst.idx.msk $0xffff, v37  }
0x33d: {  	v60 =	vadd.f32 v56, v35;
	[tilespmem:v57+s29+$0x0] =	vst.idx.msk $0xffff, v38  }
0x33e: {  	[tilespmem:v58+s29+$0x0] =	vst.idx.msk $0xffff, v39  }
0x33f: {  	[tilespmem:v59+s29+$0x0] =	vst.idx.msk $0xffff, v60  }
0x340: {  	v37 =	vld [tilespmem:s7+$0x380];
	_ =	sdelay $0x1  }
0x341: {  	v61 =	vadd.s32 v28, v36  }
0x342: {  	v38 =	vld [tilespmem:s7+$0x390]  }
0x343: {  	v39 =	vld [tilespmem:s7+$0x3A0]  }
0x344: {  	v62 =	vadd.s32 v29, v36;
	v42 =	vld [tilespmem:s7+$0x3B0];
	v37 =	vadd.f32 v37, v32  }
0x345: {  	v63 =	vadd.s32 v30, v36  }
0x346: {  	[tilespmem:v61+s29+$0x0] =	vst.idx.msk $0xffff, v37;
	v37 =	vadd.s32 v31, v36  }
0x347: {  	v38 =	vadd.f32 v38, v33  }
0x348: {  	v39 =	vadd.f32 v39, v34  }
0x349: {  	[tilespmem:v62+s29+$0x0] =	vst.idx.msk $0xffff, v38;
	v38 =	vadd.f32 v42, v35  }
0x34a: {  	s10 =	simm.s32 $0x0;
	[tilespmem:v63+s29+$0x0] =	vst.idx.msk $0xffff, v39  }
.LBB2_14:
0x34b: {  	s10 =	sadd.s32 $0x8, s10;
	[tilespmem:v37+s29+$0x0] =	vst.idx.msk $0xffff, v38;
	v36 =	vadd.s32 $0x8, v36;
	s7 =	sadd.s32 $0x400, s7  }
0x34c: {  	v37 =	vld [tilespmem:s7+$0x0];
	p0 =	slt.u32 s10, $0x78  }
0x34d: {  	v38 =	vld [tilespmem:s7+$0x10]  }
0x34e: {  	v40 =	vadd.s32 v0, v36;
	v39 =	vld [tilespmem:s7+$0x20]  }
0x34f: {  	v42 =	vadd.s32 v1, v36;
	v41 =	vld [tilespmem:s7+$0x30]  }
0x350: {  	v43 =	vadd.s32 v2, v36  }
0x351: {  	v44 =	vadd.s32 v3, v36;
	v37 =	vadd.f32 v37, v32  }
0x352: {  	v38 =	vadd.f32 v38, v33  }
0x353: {  	v39 =	vadd.f32 v39, v34;
	[tilespmem:v40+s29+$0x0] =	vst.idx.msk $0xffff, v37  }
0x354: {  	v37 =	vadd.f32 v41, v35;
	[tilespmem:v42+s29+$0x0] =	vst.idx.msk $0xffff, v38  }
0x355: {  	[tilespmem:v43+s29+$0x0] =	vst.idx.msk $0xffff, v39  }
0x356: {  	[tilespmem:v44+s29+$0x0] =	vst.idx.msk $0xffff, v37  }
0x357: {  	v37 =	vld [tilespmem:s7+$0x80]  }
0x358: {  	v38 =	vld [tilespmem:s7+$0x90]  }
0x359: {  	v40 =	vadd.s32 v4, v36;
	v39 =	vld [tilespmem:s7+$0xA0]  }
0x35a: {  	v42 =	vadd.s32 v5, v36;
	v41 =	vld [tilespmem:s7+$0xB0]  }
0x35b: {  	v43 =	vadd.s32 v6, v36  }
0x35c: {  	v44 =	vadd.s32 v7, v36;
	v37 =	vadd.f32 v37, v32  }
0x35d: {  	v38 =	vadd.f32 v38, v33  }
0x35e: {  	v39 =	vadd.f32 v39, v34;
	[tilespmem:v40+s29+$0x0] =	vst.idx.msk $0xffff, v37  }
0x35f: {  	v37 =	vadd.f32 v41, v35;
	[tilespmem:v42+s29+$0x0] =	vst.idx.msk $0xffff, v38  }
0x360: {  	[tilespmem:v43+s29+$0x0] =	vst.idx.msk $0xffff, v39  }
0x361: {  	[tilespmem:v44+s29+$0x0] =	vst.idx.msk $0xffff, v37  }
0x362: {  	v37 =	vld [tilespmem:s7+$0x100]  }
0x363: {  	v38 =	vld [tilespmem:s7+$0x110]  }
0x364: {  	v40 =	vadd.s32 v8, v36;
	v39 =	vld [tilespmem:s7+$0x120]  }
0x365: {  	v42 =	vadd.s32 v9, v36;
	v41 =	vld [tilespmem:s7+$0x130]  }
0x366: {  	v43 =	vadd.s32 v10, v36  }
0x367: {  	v44 =	vadd.s32 v11, v36;
	v37 =	vadd.f32 v37, v32  }
0x368: {  	v38 =	vadd.f32 v38, v33  }
0x369: {  	v39 =	vadd.f32 v39, v34;
	[tilespmem:v40+s29+$0x0] =	vst.idx.msk $0xffff, v37  }
0x36a: {  	v37 =	vadd.f32 v41, v35;
	[tilespmem:v42+s29+$0x0] =	vst.idx.msk $0xffff, v38  }
0x36b: {  	[tilespmem:v43+s29+$0x0] =	vst.idx.msk $0xffff, v39  }
0x36c: {  	[tilespmem:v44+s29+$0x0] =	vst.idx.msk $0xffff, v37  }
0x36d: {  	v37 =	vld [tilespmem:s7+$0x180]  }
0x36e: {  	v38 =	vld [tilespmem:s7+$0x190]  }
0x36f: {  	v40 =	vadd.s32 v12, v36;
	v39 =	vld [tilespmem:s7+$0x1A0]  }
0x370: {  	v42 =	vadd.s32 v13, v36;
	v41 =	vld [tilespmem:s7+$0x1B0]  }
0x371: {  	v43 =	vadd.s32 v14, v36  }
0x372: {  	v44 =	vadd.s32 v15, v36;
	v37 =	vadd.f32 v37, v32  }
0x373: {  	v38 =	vadd.f32 v38, v33  }
0x374: {  	v39 =	vadd.f32 v39, v34;
	[tilespmem:v40+s29+$0x0] =	vst.idx.msk $0xffff, v37  }
0x375: {  	v37 =	vadd.f32 v41, v35;
	[tilespmem:v42+s29+$0x0] =	vst.idx.msk $0xffff, v38  }
0x376: {  	[tilespmem:v43+s29+$0x0] =	vst.idx.msk $0xffff, v39  }
0x377: {  	[tilespmem:v44+s29+$0x0] =	vst.idx.msk $0xffff, v37  }
0x378: {  	v37 =	vld [tilespmem:s7+$0x200]  }
0x379: {  	v38 =	vld [tilespmem:s7+$0x210]  }
0x37a: {  	v40 =	vadd.s32 v16, v36;
	v39 =	vld [tilespmem:s7+$0x220]  }
0x37b: {  	v42 =	vadd.s32 v17, v36;
	v41 =	vld [tilespmem:s7+$0x230]  }
0x37c: {  	v43 =	vadd.s32 v18, v36  }
0x37d: {  	v44 =	vadd.s32 v19, v36;
	v37 =	vadd.f32 v37, v32  }
0x37e: {  	v38 =	vadd.f32 v38, v33  }
0x37f: {  	v39 =	vadd.f32 v39, v34;
	[tilespmem:v40+s29+$0x0] =	vst.idx.msk $0xffff, v37  }
0x380: {  	v37 =	vadd.f32 v41, v35;
	[tilespmem:v42+s29+$0x0] =	vst.idx.msk $0xffff, v38  }
0x381: {  	[tilespmem:v43+s29+$0x0] =	vst.idx.msk $0xffff, v39  }
0x382: {  	[tilespmem:v44+s29+$0x0] =	vst.idx.msk $0xffff, v37  }
0x383: {  	v37 =	vld [tilespmem:s7+$0x280]  }
0x384: {  	v38 =	vld [tilespmem:s7+$0x290]  }
0x385: {  	v40 =	vadd.s32 v20, v36;
	v39 =	vld [tilespmem:s7+$0x2A0]  }
0x386: {  	v42 =	vadd.s32 v21, v36;
	v41 =	vld [tilespmem:s7+$0x2B0]  }
0x387: {  	v43 =	vadd.s32 v22, v36  }
0x388: {  	v44 =	vadd.s32 v23, v36;
	v37 =	vadd.f32 v37, v32  }
0x389: {  	v38 =	vadd.f32 v38, v33  }
0x38a: {  	v39 =	vadd.f32 v39, v34;
	[tilespmem:v40+s29+$0x0] =	vst.idx.msk $0xffff, v37  }
0x38b: {  	v37 =	vadd.f32 v41, v35;
	[tilespmem:v42+s29+$0x0] =	vst.idx.msk $0xffff, v38  }
0x38c: {  	[tilespmem:v43+s29+$0x0] =	vst.idx.msk $0xffff, v39  }
0x38d: {  	[tilespmem:v44+s29+$0x0] =	vst.idx.msk $0xffff, v37  }
0x38e: {  	v37 =	vld [tilespmem:s7+$0x300]  }
0x38f: {  	v38 =	vld [tilespmem:s7+$0x310]  }
0x390: {  	v40 =	vadd.s32 v24, v36;
	v39 =	vld [tilespmem:s7+$0x320]  }
0x391: {  	v42 =	vadd.s32 v25, v36;
	v41 =	vld [tilespmem:s7+$0x330]  }
0x392: {  	v43 =	vadd.s32 v26, v36  }
0x393: {  	v44 =	vadd.s32 v27, v36;
	v37 =	vadd.f32 v37, v32  }
0x394: {  	v38 =	vadd.f32 v38, v33  }
0x395: {  	v39 =	vadd.f32 v39, v34;
	[tilespmem:v40+s29+$0x0] =	vst.idx.msk $0xffff, v37  }
0x396: {  	v37 =	vadd.f32 v41, v35;
	[tilespmem:v42+s29+$0x0] =	vst.idx.msk $0xffff, v38  }
0x397: {  	[tilespmem:v43+s29+$0x0] =	vst.idx.msk $0xffff, v39  }
0x398: {  	[tilespmem:v44+s29+$0x0] =	vst.idx.msk $0xffff, v37  }
0x399: {  	v37 =	vld [tilespmem:s7+$0x380]  }
0x39a: {  	v38 =	vld [tilespmem:s7+$0x390]  }
0x39b: {  	v40 =	vadd.s32 v28, v36;
	v39 =	vld [tilespmem:s7+$0x3A0]  }
0x39c: {  	v42 =	vadd.s32 v29, v36;
	v41 =	vld [tilespmem:s7+$0x3B0]  }
0x39d: {  	v43 =	vadd.s32 v30, v36  }
.Ltmp6:
0x39e: {  	v44 =	vadd.f32 v37, v32;
	v37 =	vadd.s32 v31, v36;
	(pc) =	sbr.rel @p0 .LBB2_14-.Ltmp6, $4  }
0x39f: {  	v45 =	vadd.f32 v38, v33  }
0x3a0: {  	v39 =	vadd.f32 v39, v34;
	[tilespmem:v40+s29+$0x0] =	vst.idx.msk $0xffff, v44  }
0x3a1: {  	v38 =	vadd.f32 v41, v35;
	[tilespmem:v42+s29+$0x0] =	vst.idx.msk $0xffff, v45  }
0x3a2: {  	[tilespmem:v43+s29+$0x0] =	vst.idx.msk $0xffff, v39  }
0x3a3: {  	_ =	sdelay $0x3  }
0x3a4: {  	[tilespmem:v37+s29+$0x0] =	vst.idx.msk $0xffff, v38;
	s7 =	simm.s32 $0x15600  }
0x3a5: {  	[hbm4b:s14+s4] =	stream.linear.scatter [tilespmem:s7], [sflag:$0x4], $0x80, $0x38;
	[tilespmem:$0x17800] =	vst v63  }
0x3a6: {  	s19 =	simm.s32 $0x15688;
	s8 =	sadd.s32 $0x10, s14  }
0x3a7: {  	[hbm4b:s8+s4] =	stream.linear.scatter [tilespmem:s19], [sflag:$0x4], $0x80, $0x38;
	[tilespmem:$0x17800] =	vst v63  }
0x3a8: {  	s20 =	simm.s32 $0x15710;
	s21 =	sadd.s32 $0x20, s14;
	s10 =	sadd.s32 $0x30, s14  }
0x3a9: {  	[hbm4b:s21+s4] =	stream.linear.scatter [tilespmem:s20], [sflag:$0x4], $0x80, $0x38;
	[tilespmem:$0x17800] =	vst v63  }
0x3aa: {  	s12 =	simm.s32 $0x15820;
	s15 =	sadd.s32 $0x40, s14;
	s8 =	simm.s32 $0x15798  }
0x3ab: {  	[hbm4b:s10+s4] =	stream.linear.scatter [tilespmem:s8], [sflag:$0x4], $0x80, $0x38;
	[tilespmem:$0x17800] =	vst v63  }
0x3ac: {  	s17 =	simm.s32 $0x158A8;
	s7 =	simm.s32 $0x440;
	s19 =	sadd.s32 $0x50, s14  }
0x3ad: {  	[hbm4b:s15+s4] =	stream.linear.scatter [tilespmem:s12], [sflag:$0x4], $0x80, $0x38;
	[tilespmem:$0x17800] =	vst v63  }
0x3ae: {  	s20 =	simm.s32 $0x15930;
	s21 =	sadd.s32 $0x60, s14;
	s8 =	sadd.s32 $0x70, s14  }
0x3af: {  	[hbm4b:s19+s4] =	stream.linear.scatter [tilespmem:s17], [sflag:$0x4], $0x80, $0x38;
	[tilespmem:$0x17800] =	vst v63  }
0x3b0: {  	s10 =	sadd.s32 $0x1000, s14;
	s12 =	simm.s32 $0x2200;
	s15 =	simm.s32 $0x159B8  }
0x3b1: {  	[hbm4b:s21+s4] =	stream.linear.scatter [tilespmem:s20], [sflag:$0x4], $0x80, $0x38;
	[tilespmem:$0x17800] =	vst v63  }
.LBB2_16:
0x3b2: {  	[hbm4b:s8+s4] =	stream.linear.scatter [tilespmem:s15], [sflag:$0x4], $0x80, $0x38;
	[tilespmem:$0x17800] =	vst v63  }
0x3b3: {  	s8 =	smov.u32 s7;
	s7 =	smov.u32 s12  }
0x3b4: {  	s19 =	sadd.s32 $0x1100, s12;
	s7 =	sshra.s32 s7, $0x2;
	s15 =	sadd.s32 $0x15600, s8  }
0x3b5: {  	[hbm4b:s10+s4] =	stream.linear.scatter [tilespmem:s15], [sflag:$0x4], $0x80, $0x38;
	[tilespmem:$0x17800] =	vst v63  }
0x3b6: {  	p0 =	sne.s32 s12, $0x7700;
	s12 =	sadd.s32 $0x15688, s8;
	s15 =	sadd.s32 $0x10, s10  }
0x3b7: {  	[hbm4b:s15+s4] =	stream.linear.scatter [tilespmem:s12], [sflag:$0x4], $0x80, $0x38;
	[tilespmem:$0x17800] =	vst v63  }
0x3b8: {  	s12 =	sadd.s32 $0x15710, s8;
	s15 =	sadd.s32 $0x20, s10  }
0x3b9: {  	[hbm4b:s15+s4] =	stream.linear.scatter [tilespmem:s12], [sflag:$0x4], $0x80, $0x38;
	[tilespmem:$0x17800] =	vst v63  }
0x3ba: {  	s12 =	sadd.s32 $0x15798, s8;
	s15 =	sadd.s32 $0x30, s10  }
0x3bb: {  	[hbm4b:s15+s4] =	stream.linear.scatter [tilespmem:s12], [sflag:$0x4], $0x80, $0x38;
	[tilespmem:$0x17800] =	vst v63  }
0x3bc: {  	s12 =	sadd.s32 $0x15820, s8;
	s15 =	sadd.s32 $0x40, s10  }
0x3bd: {  	[hbm4b:s15+s4] =	stream.linear.scatter [tilespmem:s12], [sflag:$0x4], $0x80, $0x38;
	[tilespmem:$0x17800] =	vst v63  }
0x3be: {  	s12 =	sadd.s32 $0x158A8, s8;
	s15 =	sadd.s32 $0x50, s10  }
0x3bf: {  	[hbm4b:s15+s4] =	stream.linear.scatter [tilespmem:s12], [sflag:$0x4], $0x80, $0x38;
	[tilespmem:$0x17800] =	vst v63  }
.Ltmp7:
0x3c0: {  	_ = 	snop;
	(pc) =	sbr.rel @p0 .LBB2_16-.Ltmp7, $4  }
0x3c1: {  	s12 =	sadd.s32 $0x15930, s8;
	s15 =	sadd.s32 $0x60, s10  }
0x3c2: {  	[hbm4b:s15+s4] =	stream.linear.scatter [tilespmem:s12], [sflag:$0x4], $0x80, $0x38;
	[tilespmem:$0x17800] =	vst v63  }
0x3c3: {  	s15 =	sadd.s32 $0x159B8, s8  }
0x3c4: {  	s8 =	sadd.s32 $0x70, s10;
	s10 =	sadd.s32 $0x1000, s10;
	s12 =	smov.u32 s19  }
0x3c5: {  	[hbm4b:s8+s4] =	stream.linear.scatter [tilespmem:s15], [sflag:$0x4], $0x80, $0x38;
	[tilespmem:$0x17800] =	vst v63  }
0x3c6: {  	s20 =	sadd.s32 $0x15600, s7  }
0x3c7: {  	[hbm4b:s10+s4] =	stream.linear.scatter [tilespmem:s20], [sflag:$0x4], $0x80, $0x38;
	[tilespmem:$0x17800] =	vst v63  }
0x3c8: {  	s21 =	sadd.s32 $0x15688, s7;
	s12 =	sadd.s32 $0x10, s10  }
0x3c9: {  	[hbm4b:s12+s4] =	stream.linear.scatter [tilespmem:s21], [sflag:$0x4], $0x80, $0x38;
	[tilespmem:$0x17800] =	vst v63  }
0x3ca: {  	s15 =	sadd.s32 $0x20, s10;
	s12 =	sadd.s32 $0x15710, s7  }
0x3cb: {  	[hbm4b:s15+s4] =	stream.linear.scatter [tilespmem:s12], [sflag:$0x4], $0x80, $0x38;
	[tilespmem:$0x17800] =	vst v63  }
0x3cc: {  	s17 =	sadd.s32 $0x15798, s7;
	s19 =	sadd.s32 $0x30, s10  }
0x3cd: {  	[hbm4b:s19+s4] =	stream.linear.scatter [tilespmem:s17], [sflag:$0x4], $0x80, $0x38;
	[tilespmem:$0x17800] =	vst v63  }
0x3ce: {  	s20 =	sadd.s32 $0x15820, s7;
	s21 =	sadd.s32 $0x40, s10  }
0x3cf: {  	[hbm4b:s21+s4] =	stream.linear.scatter [tilespmem:s20], [sflag:$0x4], $0x80, $0x38;
	[tilespmem:$0x17800] =	vst v63  }
0x3d0: {  	s12 =	sadd.s32 $0x158A8, s7;
	s15 =	sadd.s32 $0x50, s10  }
0x3d1: {  	[hbm4b:s15+s4] =	stream.linear.scatter [tilespmem:s12], [sflag:$0x4], $0x80, $0x38;
	[tilespmem:$0x17800] =	vst v63  }
0x3d2: {  	s17 =	sadd.s32 $0x15930, s7;
	s19 =	sadd.s32 $0x60, s10  }
0x3d3: {  	[hbm4b:s19+s4] =	stream.linear.scatter [tilespmem:s17], [sflag:$0x4], $0x80, $0x38;
	[tilespmem:$0x17800] =	vst v63  }
0x3d4: {  	s20 =	sadd.s32 $0x159B8, s7;
	s21 =	sadd.s32 $0x70, s10;
	s19 =	simm.s32 $0x1  }
0x3d5: {  	[hbm4b:s21+s4] =	stream.linear.scatter [tilespmem:s20], [sflag:$0x4], $0x80, $0x38;
	[tilespmem:$0x17800] =	vst v63  }
.LBB2_18:
0x3d6: {  	s20 =	sshll.u32 s19, $0x2  }
0x3d7: {  	s21 =	sor.u32 $0x2, s20  }
0x3d8: {  	s8 =	sshll.u32 s19, $0xE;
	s7 =	sshll.u32 s21, $0x7  }
0x3d9: {  	s8 =	sand.u32 $0xF8000, s8;
	s7 =	sand.u32 $0x300, s7  }
0x3da: {  	s7 =	sor.u32 s7, s8  }
0x3db: {  	s7 =	sor.u32 s6, s7  }
0x3dc: {  	s7 =	sshrl.u32 s7, $0x3  }
0x3dd: {  	s7 =	sadd.s32 s1, s7  }
0x3de: {  	[tilespmem:s22], [sflag:$0x5] =	stream.linear.gather [hbm4b:s7+s4], $0x100, $0x38;
	[tilespmem:$0x17800] =	vst v63  }
0x3df: {  	_ =	swait.ge [sflag:s16], $0x100  }
0x3e0: {  	[sflag:s16] =	ssyncset.done $0x0  }
0x3e1: {  	[sflag:s16] =	ssyncadd.s32 $0xFFFFFF00  }
0x3e2: {  	[tilespmem:s23], [sflag:$0x2] =	stream.indirect.gather [hbm4b:s5+s18], $0x80, s22, s18, $0xb8;
	[tilespmem:$0x17800] =	vst v63  }
0x3e3: {  	_ = 	snop  }
0x3e4: {  	[tilespmem:s25], [sflag:$0x2] =	stream.indirect.gather [hbm4b:s5+s18], $0x80, s24, s18, $0xb8;
	[tilespmem:$0x17800] =	vst v63  }
0x3e5: {  	_ =	swait.ge [sflag:s26], $0x4000  }
0x3e6: {  	[sflag:s26] =	ssyncset.done $0x0  }
0x3e7: {  	[sflag:s26] =	ssyncadd.s32 $0xFFFFC000  }
0x3e8: {  	_ =	swait.ge [sflag:s26], $0x4000  }
0x3e9: {  	[sflag:s26] =	ssyncset.done $0x0  }
0x3ea: {  	[sflag:s26] =	ssyncadd.s32 $0xFFFFC000  }
0x3eb: {  	_ =	swait.ge [sflag:s31], $0x2000  }
0x3ec: {  	s17 =	sshll.u32 s19, $0x8;
	[sflag:s31] =	ssyncset.done $0x0  }
0x3ed: {  	s7 =	sand.u32 $0x3FFFFF00, s17;
	[sflag:s31] =	ssyncadd.s32 $0xFFFFE000  }
0x3ee: {  	v32 =	vld [tilespmem:s7+$0x0]  }
0x3ef: {  	v33 =	vld [tilespmem:s7+$0x10]  }
0x3f0: {  	v34 =	vld [tilespmem:s7+$0x20]  }
0x3f1: {  	v35 =	vld [tilespmem:s7+$0x30];
	s7 =	simm.s32 $0x3600  }
0x3f2: {  	v37 =	vld [tilespmem:s7+$0xFFFFFE00]  }
0x3f3: {  	v36 =	vimm.s32 $0x0;
	v38 =	vld [tilespmem:s7+$0xFFFFFE10]  }
0x3f4: {  	v40 =	vadd.s32 v0, v36;
	v39 =	vld [tilespmem:s7+$0xFFFFFE20]  }
0x3f5: {  	v42 =	vadd.s32 v1, v36;
	v41 =	vld [tilespmem:s7+$0xFFFFFE30]  }
0x3f6: {  	v43 =	vadd.s32 v2, v36  }
0x3f7: {  	v44 =	vadd.s32 v3, v36;
	v37 =	vadd.f32 v37, v32  }
0x3f8: {  	v38 =	vadd.f32 v38, v33  }
0x3f9: {  	v39 =	vadd.f32 v39, v34;
	[tilespmem:v40+s28+$0x0] =	vst.idx.msk $0xffff, v37  }
0x3fa: {  	v56 =	vadd.f32 v41, v35;
	[tilespmem:v42+s28+$0x0] =	vst.idx.msk $0xffff, v38  }
0x3fb: {  	[tilespmem:v43+s28+$0x0] =	vst.idx.msk $0xffff, v39  }
0x3fc: {  	[tilespmem:v44+s28+$0x0] =	vst.idx.msk $0xffff, v56  }
0x3fd: {  	v37 =	vld [tilespmem:s7+$0xFFFFFE80]  }
0x3fe: {  	v38 =	vld [tilespmem:s7+$0xFFFFFE90]  }
0x3ff: {  	v57 =	vadd.s32 v4, v36;
	v39 =	vld [tilespmem:s7+$0xFFFFFEA0]  }
0x400: {  	v59 =	vadd.s32 v5, v36;
	v58 =	vld [tilespmem:s7+$0xFFFFFEB0]  }
0x401: {  	v60 =	vadd.s32 v6, v36  }
0x402: {  	v61 =	vadd.s32 v7, v36;
	v37 =	vadd.f32 v37, v32  }
0x403: {  	v38 =	vadd.f32 v38, v33  }
0x404: {  	v39 =	vadd.f32 v39, v34;
	[tilespmem:v57+s28+$0x0] =	vst.idx.msk $0xffff, v37  }
0x405: {  	v62 =	vadd.f32 v58, v35;
	[tilespmem:v59+s28+$0x0] =	vst.idx.msk $0xffff, v38  }
0x406: {  	[tilespmem:v60+s28+$0x0] =	vst.idx.msk $0xffff, v39  }
0x407: {  	[tilespmem:v61+s28+$0x0] =	vst.idx.msk $0xffff, v62  }
0x408: {  	v37 =	vld [tilespmem:s7+$0xFFFFFF00]  }
0x409: {  	v38 =	vld [tilespmem:s7+$0xFFFFFF10]  }
0x40a: {  	v63 =	vadd.s32 v8, v36;
	v39 =	vld [tilespmem:s7+$0xFFFFFF20]  }
0x40b: {  	v49 =	vadd.s32 v9, v36;
	v48 =	vld [tilespmem:s7+$0xFFFFFF30]  }
0x40c: {  	v50 =	vadd.s32 v10, v36  }
0x40d: {  	v51 =	vadd.s32 v11, v36;
	v37 =	vadd.f32 v37, v32  }
0x40e: {  	v38 =	vadd.f32 v38, v33  }
0x40f: {  	v39 =	vadd.f32 v39, v34;
	[tilespmem:v63+s28+$0x0] =	vst.idx.msk $0xffff, v37  }
0x410: {  	v52 =	vadd.f32 v48, v35;
	[tilespmem:v49+s28+$0x0] =	vst.idx.msk $0xffff, v38  }
0x411: {  	[tilespmem:v50+s28+$0x0] =	vst.idx.msk $0xffff, v39  }
0x412: {  	[tilespmem:v51+s28+$0x0] =	vst.idx.msk $0xffff, v52  }
0x413: {  	v37 =	vld [tilespmem:s7+$0xFFFFFF80]  }
0x414: {  	v38 =	vld [tilespmem:s7+$0xFFFFFF90]  }
0x415: {  	v53 =	vadd.s32 v12, v36;
	v39 =	vld [tilespmem:s7+$0xFFFFFFA0]  }
0x416: {  	v55 =	vadd.s32 v13, v36;
	v54 =	vld [tilespmem:s7+$0xFFFFFFB0]  }
0x417: {  	v56 =	vadd.s32 v14, v36  }
0x418: {  	v57 =	vadd.s32 v15, v36;
	v37 =	vadd.f32 v37, v32  }
0x419: {  	v38 =	vadd.f32 v38, v33  }
0x41a: {  	v39 =	vadd.f32 v39, v34;
	[tilespmem:v53+s28+$0x0] =	vst.idx.msk $0xffff, v37  }
0x41b: {  	v58 =	vadd.f32 v54, v35;
	[tilespmem:v55+s28+$0x0] =	vst.idx.msk $0xffff, v38  }
0x41c: {  	[tilespmem:v56+s28+$0x0] =	vst.idx.msk $0xffff, v39  }
0x41d: {  	[tilespmem:v57+s28+$0x0] =	vst.idx.msk $0xffff, v58  }
0x41e: {  	v37 =	vld [tilespmem:s7+$0x0]  }
0x41f: {  	v38 =	vld [tilespmem:s7+$0x10]  }
0x420: {  	v59 =	vadd.s32 v16, v36;
	v39 =	vld [tilespmem:s7+$0x20]  }
0x421: {  	v61 =	vadd.s32 v17, v36;
	v60 =	vld [tilespmem:s7+$0x30]  }
0x422: {  	v62 =	vadd.s32 v18, v36  }
0x423: {  	v63 =	vadd.s32 v19, v36;
	v37 =	vadd.f32 v37, v32  }
0x424: {  	v38 =	vadd.f32 v38, v33  }
0x425: {  	v39 =	vadd.f32 v39, v34;
	[tilespmem:v59+s28+$0x0] =	vst.idx.msk $0xffff, v37  }
0x426: {  	v48 =	vadd.f32 v60, v35;
	[tilespmem:v61+s28+$0x0] =	vst.idx.msk $0xffff, v38  }
0x427: {  	[tilespmem:v62+s28+$0x0] =	vst.idx.msk $0xffff, v39  }
0x428: {  	[tilespmem:v63+s28+$0x0] =	vst.idx.msk $0xffff, v48  }
0x429: {  	v37 =	vld [tilespmem:s7+$0x80]  }
0x42a: {  	v38 =	vld [tilespmem:s7+$0x90]  }
0x42b: {  	v49 =	vadd.s32 v20, v36;
	v39 =	vld [tilespmem:s7+$0xA0]  }
0x42c: {  	v51 =	vadd.s32 v21, v36;
	v50 =	vld [tilespmem:s7+$0xB0]  }
0x42d: {  	v52 =	vadd.s32 v22, v36  }
0x42e: {  	v53 =	vadd.s32 v23, v36;
	v37 =	vadd.f32 v37, v32  }
0x42f: {  	v38 =	vadd.f32 v38, v33  }
0x430: {  	v39 =	vadd.f32 v39, v34;
	[tilespmem:v49+s28+$0x0] =	vst.idx.msk $0xffff, v37  }
0x431: {  	v54 =	vadd.f32 v50, v35;
	[tilespmem:v51+s28+$0x0] =	vst.idx.msk $0xffff, v38  }
0x432: {  	[tilespmem:v52+s28+$0x0] =	vst.idx.msk $0xffff, v39  }
0x433: {  	[tilespmem:v53+s28+$0x0] =	vst.idx.msk $0xffff, v54  }
0x434: {  	v37 =	vld [tilespmem:s7+$0x100]  }
0x435: {  	v38 =	vld [tilespmem:s7+$0x110]  }
0x436: {  	v55 =	vadd.s32 v24, v36;
	v39 =	vld [tilespmem:s7+$0x120]  }
0x437: {  	v57 =	vadd.s32 v25, v36;
	v56 =	vld [tilespmem:s7+$0x130]  }
0x438: {  	v58 =	vadd.s32 v26, v36  }
0x439: {  	v59 =	vadd.s32 v27, v36;
	v37 =	vadd.f32 v37, v32  }
0x43a: {  	v38 =	vadd.f32 v38, v33  }
0x43b: {  	v39 =	vadd.f32 v39, v34;
	[tilespmem:v55+s28+$0x0] =	vst.idx.msk $0xffff, v37  }
0x43c: {  	v60 =	vadd.f32 v56, v35;
	[tilespmem:v57+s28+$0x0] =	vst.idx.msk $0xffff, v38  }
0x43d: {  	[tilespmem:v58+s28+$0x0] =	vst.idx.msk $0xffff, v39  }
0x43e: {  	[tilespmem:v59+s28+$0x0] =	vst.idx.msk $0xffff, v60  }
0x43f: {  	v37 =	vld [tilespmem:s7+$0x180];
	_ =	sdelay $0x1  }
0x440: {  	v61 =	vadd.s32 v28, v36  }
0x441: {  	v38 =	vld [tilespmem:s7+$0x190]  }
0x442: {  	v39 =	vld [tilespmem:s7+$0x1A0]  }
0x443: {  	v62 =	vadd.s32 v29, v36;
	v42 =	vld [tilespmem:s7+$0x1B0];
	v37 =	vadd.f32 v37, v32  }
0x444: {  	v63 =	vadd.s32 v30, v36  }
0x445: {  	[tilespmem:v61+s28+$0x0] =	vst.idx.msk $0xffff, v37;
	v37 =	vadd.s32 v31, v36  }
0x446: {  	v38 =	vadd.f32 v38, v33  }
0x447: {  	v39 =	vadd.f32 v39, v34  }
0x448: {  	[tilespmem:v62+s28+$0x0] =	vst.idx.msk $0xffff, v38;
	v38 =	vadd.f32 v42, v35  }
0x449: {  	s10 =	simm.s32 $0x0;
	[tilespmem:v63+s28+$0x0] =	vst.idx.msk $0xffff, v39  }
.LBB2_19:
0x44a: {  	s10 =	sadd.s32 $0x8, s10;
	[tilespmem:v37+s28+$0x0] =	vst.idx.msk $0xffff, v38;
	v36 =	vadd.s32 $0x8, v36;
	s7 =	sadd.s32 $0x400, s7  }
0x44b: {  	v37 =	vld [tilespmem:s7+$0xFFFFFE00];
	p0 =	slt.u32 s10, $0x78  }
0x44c: {  	v38 =	vld [tilespmem:s7+$0xFFFFFE10]  }
0x44d: {  	v40 =	vadd.s32 v0, v36;
	v39 =	vld [tilespmem:s7+$0xFFFFFE20]  }
0x44e: {  	v42 =	vadd.s32 v1, v36;
	v41 =	vld [tilespmem:s7+$0xFFFFFE30]  }
0x44f: {  	v43 =	vadd.s32 v2, v36  }
0x450: {  	v44 =	vadd.s32 v3, v36;
	v37 =	vadd.f32 v37, v32  }
0x451: {  	v38 =	vadd.f32 v38, v33  }
0x452: {  	v39 =	vadd.f32 v39, v34;
	[tilespmem:v40+s28+$0x0] =	vst.idx.msk $0xffff, v37  }
0x453: {  	v37 =	vadd.f32 v41, v35;
	[tilespmem:v42+s28+$0x0] =	vst.idx.msk $0xffff, v38  }
0x454: {  	[tilespmem:v43+s28+$0x0] =	vst.idx.msk $0xffff, v39  }
0x455: {  	[tilespmem:v44+s28+$0x0] =	vst.idx.msk $0xffff, v37  }
0x456: {  	v37 =	vld [tilespmem:s7+$0xFFFFFE80]  }
0x457: {  	v38 =	vld [tilespmem:s7+$0xFFFFFE90]  }
0x458: {  	v40 =	vadd.s32 v4, v36;
	v39 =	vld [tilespmem:s7+$0xFFFFFEA0]  }
0x459: {  	v42 =	vadd.s32 v5, v36;
	v41 =	vld [tilespmem:s7+$0xFFFFFEB0]  }
0x45a: {  	v43 =	vadd.s32 v6, v36  }
0x45b: {  	v44 =	vadd.s32 v7, v36;
	v37 =	vadd.f32 v37, v32  }
0x45c: {  	v38 =	vadd.f32 v38, v33  }
0x45d: {  	v39 =	vadd.f32 v39, v34;
	[tilespmem:v40+s28+$0x0] =	vst.idx.msk $0xffff, v37  }
0x45e: {  	v37 =	vadd.f32 v41, v35;
	[tilespmem:v42+s28+$0x0] =	vst.idx.msk $0xffff, v38  }
0x45f: {  	[tilespmem:v43+s28+$0x0] =	vst.idx.msk $0xffff, v39  }
0x460: {  	[tilespmem:v44+s28+$0x0] =	vst.idx.msk $0xffff, v37  }
0x461: {  	v37 =	vld [tilespmem:s7+$0xFFFFFF00]  }
0x462: {  	v38 =	vld [tilespmem:s7+$0xFFFFFF10]  }
0x463: {  	v40 =	vadd.s32 v8, v36;
	v39 =	vld [tilespmem:s7+$0xFFFFFF20]  }
0x464: {  	v42 =	vadd.s32 v9, v36;
	v41 =	vld [tilespmem:s7+$0xFFFFFF30]  }
0x465: {  	v43 =	vadd.s32 v10, v36  }
0x466: {  	v44 =	vadd.s32 v11, v36;
	v37 =	vadd.f32 v37, v32  }
0x467: {  	v38 =	vadd.f32 v38, v33  }
0x468: {  	v39 =	vadd.f32 v39, v34;
	[tilespmem:v40+s28+$0x0] =	vst.idx.msk $0xffff, v37  }
0x469: {  	v37 =	vadd.f32 v41, v35;
	[tilespmem:v42+s28+$0x0] =	vst.idx.msk $0xffff, v38  }
0x46a: {  	[tilespmem:v43+s28+$0x0] =	vst.idx.msk $0xffff, v39  }
0x46b: {  	[tilespmem:v44+s28+$0x0] =	vst.idx.msk $0xffff, v37  }
0x46c: {  	v37 =	vld [tilespmem:s7+$0xFFFFFF80]  }
0x46d: {  	v38 =	vld [tilespmem:s7+$0xFFFFFF90]  }
0x46e: {  	v40 =	vadd.s32 v12, v36;
	v39 =	vld [tilespmem:s7+$0xFFFFFFA0]  }
0x46f: {  	v42 =	vadd.s32 v13, v36;
	v41 =	vld [tilespmem:s7+$0xFFFFFFB0]  }
0x470: {  	v43 =	vadd.s32 v14, v36  }
0x471: {  	v44 =	vadd.s32 v15, v36;
	v37 =	vadd.f32 v37, v32  }
0x472: {  	v38 =	vadd.f32 v38, v33  }
0x473: {  	v39 =	vadd.f32 v39, v34;
	[tilespmem:v40+s28+$0x0] =	vst.idx.msk $0xffff, v37  }
0x474: {  	v37 =	vadd.f32 v41, v35;
	[tilespmem:v42+s28+$0x0] =	vst.idx.msk $0xffff, v38  }
0x475: {  	[tilespmem:v43+s28+$0x0] =	vst.idx.msk $0xffff, v39  }
0x476: {  	[tilespmem:v44+s28+$0x0] =	vst.idx.msk $0xffff, v37  }
0x477: {  	v37 =	vld [tilespmem:s7+$0x0]  }
0x478: {  	v38 =	vld [tilespmem:s7+$0x10]  }
0x479: {  	v40 =	vadd.s32 v16, v36;
	v39 =	vld [tilespmem:s7+$0x20]  }
0x47a: {  	v42 =	vadd.s32 v17, v36;
	v41 =	vld [tilespmem:s7+$0x30]  }
0x47b: {  	v43 =	vadd.s32 v18, v36  }
0x47c: {  	v44 =	vadd.s32 v19, v36;
	v37 =	vadd.f32 v37, v32  }
0x47d: {  	v38 =	vadd.f32 v38, v33  }
0x47e: {  	v39 =	vadd.f32 v39, v34;
	[tilespmem:v40+s28+$0x0] =	vst.idx.msk $0xffff, v37  }
0x47f: {  	v37 =	vadd.f32 v41, v35;
	[tilespmem:v42+s28+$0x0] =	vst.idx.msk $0xffff, v38  }
0x480: {  	[tilespmem:v43+s28+$0x0] =	vst.idx.msk $0xffff, v39  }
0x481: {  	[tilespmem:v44+s28+$0x0] =	vst.idx.msk $0xffff, v37  }
0x482: {  	v37 =	vld [tilespmem:s7+$0x80]  }
0x483: {  	v38 =	vld [tilespmem:s7+$0x90]  }
0x484: {  	v40 =	vadd.s32 v20, v36;
	v39 =	vld [tilespmem:s7+$0xA0]  }
0x485: {  	v42 =	vadd.s32 v21, v36;
	v41 =	vld [tilespmem:s7+$0xB0]  }
0x486: {  	v43 =	vadd.s32 v22, v36  }
0x487: {  	v44 =	vadd.s32 v23, v36;
	v37 =	vadd.f32 v37, v32  }
0x488: {  	v38 =	vadd.f32 v38, v33  }
0x489: {  	v39 =	vadd.f32 v39, v34;
	[tilespmem:v40+s28+$0x0] =	vst.idx.msk $0xffff, v37  }
0x48a: {  	v37 =	vadd.f32 v41, v35;
	[tilespmem:v42+s28+$0x0] =	vst.idx.msk $0xffff, v38  }
0x48b: {  	[tilespmem:v43+s28+$0x0] =	vst.idx.msk $0xffff, v39  }
0x48c: {  	[tilespmem:v44+s28+$0x0] =	vst.idx.msk $0xffff, v37  }
0x48d: {  	v37 =	vld [tilespmem:s7+$0x100]  }
0x48e: {  	v38 =	vld [tilespmem:s7+$0x110]  }
0x48f: {  	v40 =	vadd.s32 v24, v36;
	v39 =	vld [tilespmem:s7+$0x120]  }
0x490: {  	v42 =	vadd.s32 v25, v36;
	v41 =	vld [tilespmem:s7+$0x130]  }
0x491: {  	v43 =	vadd.s32 v26, v36  }
0x492: {  	v44 =	vadd.s32 v27, v36;
	v37 =	vadd.f32 v37, v32  }
0x493: {  	v38 =	vadd.f32 v38, v33  }
0x494: {  	v39 =	vadd.f32 v39, v34;
	[tilespmem:v40+s28+$0x0] =	vst.idx.msk $0xffff, v37  }
0x495: {  	v37 =	vadd.f32 v41, v35;
	[tilespmem:v42+s28+$0x0] =	vst.idx.msk $0xffff, v38  }
0x496: {  	[tilespmem:v43+s28+$0x0] =	vst.idx.msk $0xffff, v39  }
0x497: {  	[tilespmem:v44+s28+$0x0] =	vst.idx.msk $0xffff, v37  }
0x498: {  	v37 =	vld [tilespmem:s7+$0x180]  }
0x499: {  	v38 =	vld [tilespmem:s7+$0x190]  }
0x49a: {  	v40 =	vadd.s32 v28, v36;
	v39 =	vld [tilespmem:s7+$0x1A0]  }
0x49b: {  	v42 =	vadd.s32 v29, v36;
	v41 =	vld [tilespmem:s7+$0x1B0]  }
0x49c: {  	v43 =	vadd.s32 v30, v36  }
.Ltmp8:
0x49d: {  	v44 =	vadd.f32 v37, v32;
	v37 =	vadd.s32 v31, v36;
	(pc) =	sbr.rel @p0 .LBB2_19-.Ltmp8, $4  }
0x49e: {  	v45 =	vadd.f32 v38, v33  }
0x49f: {  	v39 =	vadd.f32 v39, v34;
	[tilespmem:v40+s28+$0x0] =	vst.idx.msk $0xffff, v44  }
0x4a0: {  	v38 =	vadd.f32 v41, v35;
	[tilespmem:v42+s28+$0x0] =	vst.idx.msk $0xffff, v45  }
0x4a1: {  	[tilespmem:v43+s28+$0x0] =	vst.idx.msk $0xffff, v39  }
0x4a2: {  	_ = 	snop  }
0x4a3: {  	s7 =	sshll.u32 s19, $0x14  }
0x4a4: {  	s7 =	sor.u32 s6, s7  }
0x4a5: {  	s7 =	sshrl.u32 s7, $0x3  }
0x4a6: {  	[tilespmem:v37+s28+$0x0] =	vst.idx.msk $0xffff, v38;
	s8 =	simm.s32 $0x13400;
	s10 =	sadd.s32 s2, s7  }
0x4a7: {  	[hbm4b:s10+s4] =	stream.linear.scatter [tilespmem:s8], [sflag:$0x3], $0x80, $0x38;
	[tilespmem:$0x17800] =	vst v63  }
0x4a8: {  	s12 =	simm.s32 $0x13488;
	s8 =	sadd.s32 $0x10, s10  }
0x4a9: {  	[hbm4b:s8+s4] =	stream.linear.scatter [tilespmem:s12], [sflag:$0x3], $0x80, $0x38;
	[tilespmem:$0x17800] =	vst v63  }
0x4aa: {  	s15 =	simm.s32 $0x13510;
	s17 =	sadd.s32 $0x20, s10  }
0x4ab: {  	[hbm4b:s17+s4] =	stream.linear.scatter [tilespmem:s15], [sflag:$0x3], $0x80, $0x38;
	[tilespmem:$0x17800] =	vst v63  }
0x4ac: {  	s8 =	simm.s32 $0x13598;
	s12 =	sadd.s32 $0x30, s10  }
0x4ad: {  	[hbm4b:s12+s4] =	stream.linear.scatter [tilespmem:s8], [sflag:$0x3], $0x80, $0x38;
	[tilespmem:$0x17800] =	vst v63  }
0x4ae: {  	s15 =	simm.s32 $0x13620;
	s17 =	sadd.s32 $0x40, s10  }
0x4af: {  	[hbm4b:s17+s4] =	stream.linear.scatter [tilespmem:s15], [sflag:$0x3], $0x80, $0x38;
	[tilespmem:$0x17800] =	vst v63  }
0x4b0: {  	s7 =	simm.s32 $0x440;
	s8 =	simm.s32 $0x136A8;
	s12 =	sadd.s32 $0x50, s10  }
0x4b1: {  	[hbm4b:s12+s4] =	stream.linear.scatter [tilespmem:s8], [sflag:$0x3], $0x80, $0x38;
	[tilespmem:$0x17800] =	vst v63  }
0x4b2: {  	s15 =	simm.s32 $0x13730;
	s17 =	sadd.s32 $0x60, s10;
	s12 =	simm.s32 $0x2200  }
0x4b3: {  	[hbm4b:s17+s4] =	stream.linear.scatter [tilespmem:s15], [sflag:$0x3], $0x80, $0x38;
	[tilespmem:$0x17800] =	vst v63  }
0x4b4: {  	s8 =	sadd.s32 $0x70, s10;
	s10 =	sadd.s32 $0x1000, s10;
	s15 =	simm.s32 $0x137B8  }
.LBB2_21:
0x4b5: {  	[hbm4b:s8+s4] =	stream.linear.scatter [tilespmem:s15], [sflag:$0x3], $0x80, $0x38;
	[tilespmem:$0x17800] =	vst v63  }
0x4b6: {  	s8 =	smov.u32 s7;
	s7 =	smov.u32 s12  }
0x4b7: {  	s17 =	sadd.s32 $0x1100, s12;
	s7 =	sshra.s32 s7, $0x2;
	s15 =	sadd.s32 $0x13400, s8  }
0x4b8: {  	[hbm4b:s10+s4] =	stream.linear.scatter [tilespmem:s15], [sflag:$0x3], $0x80, $0x38;
	[tilespmem:$0x17800] =	vst v63  }
0x4b9: {  	p0 =	sne.s32 s12, $0x7700;
	s12 =	sadd.s32 $0x13488, s8;
	s15 =	sadd.s32 $0x10, s10  }
0x4ba: {  	[hbm4b:s15+s4] =	stream.linear.scatter [tilespmem:s12], [sflag:$0x3], $0x80, $0x38;
	[tilespmem:$0x17800] =	vst v63  }
0x4bb: {  	s12 =	sadd.s32 $0x13510, s8;
	s15 =	sadd.s32 $0x20, s10  }
0x4bc: {  	[hbm4b:s15+s4] =	stream.linear.scatter [tilespmem:s12], [sflag:$0x3], $0x80, $0x38;
	[tilespmem:$0x17800] =	vst v63  }
0x4bd: {  	s12 =	sadd.s32 $0x13598, s8;
	s15 =	sadd.s32 $0x30, s10  }
0x4be: {  	[hbm4b:s15+s4] =	stream.linear.scatter [tilespmem:s12], [sflag:$0x3], $0x80, $0x38;
	[tilespmem:$0x17800] =	vst v63  }
0x4bf: {  	s12 =	sadd.s32 $0x13620, s8;
	s15 =	sadd.s32 $0x40, s10  }
0x4c0: {  	[hbm4b:s15+s4] =	stream.linear.scatter [tilespmem:s12], [sflag:$0x3], $0x80, $0x38;
	[tilespmem:$0x17800] =	vst v63  }
0x4c1: {  	s12 =	sadd.s32 $0x136A8, s8;
	s15 =	sadd.s32 $0x50, s10  }
0x4c2: {  	[hbm4b:s15+s4] =	stream.linear.scatter [tilespmem:s12], [sflag:$0x3], $0x80, $0x38;
	[tilespmem:$0x17800] =	vst v63  }
.Ltmp9:
0x4c3: {  	_ = 	snop;
	(pc) =	sbr.rel @p0 .LBB2_21-.Ltmp9, $4  }
0x4c4: {  	s12 =	sadd.s32 $0x13730, s8;
	s15 =	sadd.s32 $0x60, s10  }
0x4c5: {  	[hbm4b:s15+s4] =	stream.linear.scatter [tilespmem:s12], [sflag:$0x3], $0x80, $0x38;
	[tilespmem:$0x17800] =	vst v63  }
0x4c6: {  	s15 =	sadd.s32 $0x137B8, s8  }
0x4c7: {  	s8 =	sadd.s32 $0x70, s10;
	s10 =	sadd.s32 $0x1000, s10;
	s12 =	smov.u32 s17  }
0x4c8: {  	[hbm4b:s8+s4] =	stream.linear.scatter [tilespmem:s15], [sflag:$0x3], $0x80, $0x38;
	[tilespmem:$0x17800] =	vst v63  }
0x4c9: {  	s15 =	sadd.s32 $0x13400, s7  }
0x4ca: {  	[hbm4b:s10+s4] =	stream.linear.scatter [tilespmem:s15], [sflag:$0x3], $0x80, $0x38;
	[tilespmem:$0x17800] =	vst v63  }
0x4cb: {  	s17 =	sadd.s32 $0x13488, s7;
	s12 =	sadd.s32 $0x10, s10  }
0x4cc: {  	[hbm4b:s12+s4] =	stream.linear.scatter [tilespmem:s17], [sflag:$0x3], $0x80, $0x38;
	[tilespmem:$0x17800] =	vst v63  }
0x4cd: {  	s15 =	sadd.s32 $0x13510, s7;
	s17 =	sadd.s32 $0x20, s10  }
0x4ce: {  	[hbm4b:s17+s4] =	stream.linear.scatter [tilespmem:s15], [sflag:$0x3], $0x80, $0x38;
	[tilespmem:$0x17800] =	vst v63  }
0x4cf: {  	s15 =	sadd.s32 $0x13598, s7;
	s17 =	sadd.s32 $0x30, s10  }
0x4d0: {  	[hbm4b:s17+s4] =	stream.linear.scatter [tilespmem:s15], [sflag:$0x3], $0x80, $0x38;
	[tilespmem:$0x17800] =	vst v63  }
0x4d1: {  	s15 =	sadd.s32 $0x13620, s7;
	s17 =	sadd.s32 $0x40, s10  }
0x4d2: {  	[hbm4b:s17+s4] =	stream.linear.scatter [tilespmem:s15], [sflag:$0x3], $0x80, $0x38;
	[tilespmem:$0x17800] =	vst v63  }
0x4d3: {  	s15 =	sadd.s32 $0x136A8, s7;
	s17 =	sadd.s32 $0x50, s10  }
0x4d4: {  	[hbm4b:s17+s4] =	stream.linear.scatter [tilespmem:s15], [sflag:$0x3], $0x80, $0x38;
	[tilespmem:$0x17800] =	vst v63  }
0x4d5: {  	s15 =	sadd.s32 $0x13730, s7;
	s17 =	sadd.s32 $0x60, s10  }
0x4d6: {  	[hbm4b:s17+s4] =	stream.linear.scatter [tilespmem:s15], [sflag:$0x3], $0x80, $0x38;
	[tilespmem:$0x17800] =	vst v63  }
0x4d7: {  	s12 =	sadd.s32 $0x137B8, s7;
	s15 =	sadd.s32 $0x70, s10  }
0x4d8: {  	[hbm4b:s15+s4] =	stream.linear.scatter [tilespmem:s12], [sflag:$0x3], $0x80, $0x38;
	[tilespmem:$0x17800] =	vst v63  }
0x4d9: {  	s7 =	sor.u32 $0x1, s20;
	_ =	swait.ge [sflag:s0], $0x2000  }
0x4da: {  	s17 =	sshll.u32 s7, $0x6;
	[sflag:s0] =	ssyncset.done $0x0  }
0x4db: {  	s8 =	sand.u32 $0x3FFFFFC0, s17;
	[sflag:s0] =	ssyncadd.s32 $0xFFFFE000  }
0x4dc: {  	v32 =	vld [tilespmem:s8+$0x0]  }
0x4dd: {  	v33 =	vld [tilespmem:s8+$0x10]  }
0x4de: {  	v34 =	vld [tilespmem:s8+$0x20]  }
0x4df: {  	s10 =	simm.s32 $0x7400;
	v35 =	vld [tilespmem:s8+$0x30]  }
0x4e0: {  	v37 =	vld [tilespmem:s10+$0x0]  }
0x4e1: {  	v36 =	vimm.s32 $0x0;
	v38 =	vld [tilespmem:s10+$0x10]  }
0x4e2: {  	v40 =	vadd.s32 v0, v36;
	v39 =	vld [tilespmem:s10+$0x20]  }
0x4e3: {  	v42 =	vadd.s32 v1, v36;
	v41 =	vld [tilespmem:s10+$0x30]  }
0x4e4: {  	v43 =	vadd.s32 v2, v36  }
0x4e5: {  	v44 =	vadd.s32 v3, v36;
	v37 =	vadd.f32 v37, v32  }
0x4e6: {  	v38 =	vadd.f32 v38, v33  }
0x4e7: {  	v39 =	vadd.f32 v39, v34;
	[tilespmem:v40+s29+$0x0] =	vst.idx.msk $0xffff, v37  }
0x4e8: {  	v56 =	vadd.f32 v41, v35;
	[tilespmem:v42+s29+$0x0] =	vst.idx.msk $0xffff, v38  }
0x4e9: {  	[tilespmem:v43+s29+$0x0] =	vst.idx.msk $0xffff, v39  }
0x4ea: {  	[tilespmem:v44+s29+$0x0] =	vst.idx.msk $0xffff, v56  }
0x4eb: {  	v37 =	vld [tilespmem:s10+$0x80]  }
0x4ec: {  	v38 =	vld [tilespmem:s10+$0x90]  }
0x4ed: {  	v57 =	vadd.s32 v4, v36;
	v39 =	vld [tilespmem:s10+$0xA0]  }
0x4ee: {  	v59 =	vadd.s32 v5, v36;
	v58 =	vld [tilespmem:s10+$0xB0]  }
0x4ef: {  	v60 =	vadd.s32 v6, v36  }
0x4f0: {  	v61 =	vadd.s32 v7, v36;
	v37 =	vadd.f32 v37, v32  }
0x4f1: {  	v38 =	vadd.f32 v38, v33  }
0x4f2: {  	v39 =	vadd.f32 v39, v34;
	[tilespmem:v57+s29+$0x0] =	vst.idx.msk $0xffff, v37  }
0x4f3: {  	v62 =	vadd.f32 v58, v35;
	[tilespmem:v59+s29+$0x0] =	vst.idx.msk $0xffff, v38  }
0x4f4: {  	[tilespmem:v60+s29+$0x0] =	vst.idx.msk $0xffff, v39  }
0x4f5: {  	[tilespmem:v61+s29+$0x0] =	vst.idx.msk $0xffff, v62  }
0x4f6: {  	v37 =	vld [tilespmem:s10+$0x100]  }
0x4f7: {  	v38 =	vld [tilespmem:s10+$0x110]  }
0x4f8: {  	v63 =	vadd.s32 v8, v36;
	v39 =	vld [tilespmem:s10+$0x120]  }
0x4f9: {  	v49 =	vadd.s32 v9, v36;
	v48 =	vld [tilespmem:s10+$0x130]  }
0x4fa: {  	v50 =	vadd.s32 v10, v36  }
0x4fb: {  	v51 =	vadd.s32 v11, v36;
	v37 =	vadd.f32 v37, v32  }
0x4fc: {  	v38 =	vadd.f32 v38, v33  }
0x4fd: {  	v39 =	vadd.f32 v39, v34;
	[tilespmem:v63+s29+$0x0] =	vst.idx.msk $0xffff, v37  }
0x4fe: {  	v52 =	vadd.f32 v48, v35;
	[tilespmem:v49+s29+$0x0] =	vst.idx.msk $0xffff, v38  }
0x4ff: {  	[tilespmem:v50+s29+$0x0] =	vst.idx.msk $0xffff, v39  }
0x500: {  	[tilespmem:v51+s29+$0x0] =	vst.idx.msk $0xffff, v52  }
0x501: {  	v37 =	vld [tilespmem:s10+$0x180]  }
0x502: {  	v38 =	vld [tilespmem:s10+$0x190]  }
0x503: {  	v53 =	vadd.s32 v12, v36;
	v39 =	vld [tilespmem:s10+$0x1A0]  }
0x504: {  	v55 =	vadd.s32 v13, v36;
	v54 =	vld [tilespmem:s10+$0x1B0]  }
0x505: {  	v56 =	vadd.s32 v14, v36  }
0x506: {  	v57 =	vadd.s32 v15, v36;
	v37 =	vadd.f32 v37, v32  }
0x507: {  	v38 =	vadd.f32 v38, v33  }
0x508: {  	v39 =	vadd.f32 v39, v34;
	[tilespmem:v53+s29+$0x0] =	vst.idx.msk $0xffff, v37  }
0x509: {  	v58 =	vadd.f32 v54, v35;
	[tilespmem:v55+s29+$0x0] =	vst.idx.msk $0xffff, v38  }
0x50a: {  	[tilespmem:v56+s29+$0x0] =	vst.idx.msk $0xffff, v39  }
0x50b: {  	[tilespmem:v57+s29+$0x0] =	vst.idx.msk $0xffff, v58  }
0x50c: {  	v37 =	vld [tilespmem:s10+$0x200]  }
0x50d: {  	v38 =	vld [tilespmem:s10+$0x210]  }
0x50e: {  	v59 =	vadd.s32 v16, v36;
	v39 =	vld [tilespmem:s10+$0x220]  }
0x50f: {  	v61 =	vadd.s32 v17, v36;
	v60 =	vld [tilespmem:s10+$0x230]  }
0x510: {  	v62 =	vadd.s32 v18, v36  }
0x511: {  	v63 =	vadd.s32 v19, v36;
	v37 =	vadd.f32 v37, v32  }
0x512: {  	v38 =	vadd.f32 v38, v33  }
0x513: {  	v39 =	vadd.f32 v39, v34;
	[tilespmem:v59+s29+$0x0] =	vst.idx.msk $0xffff, v37  }
0x514: {  	v48 =	vadd.f32 v60, v35;
	[tilespmem:v61+s29+$0x0] =	vst.idx.msk $0xffff, v38  }
0x515: {  	[tilespmem:v62+s29+$0x0] =	vst.idx.msk $0xffff, v39  }
0x516: {  	[tilespmem:v63+s29+$0x0] =	vst.idx.msk $0xffff, v48  }
0x517: {  	v37 =	vld [tilespmem:s10+$0x280]  }
0x518: {  	v38 =	vld [tilespmem:s10+$0x290]  }
0x519: {  	v49 =	vadd.s32 v20, v36;
	v39 =	vld [tilespmem:s10+$0x2A0]  }
0x51a: {  	v51 =	vadd.s32 v21, v36;
	v50 =	vld [tilespmem:s10+$0x2B0]  }
0x51b: {  	v52 =	vadd.s32 v22, v36  }
0x51c: {  	v53 =	vadd.s32 v23, v36;
	v37 =	vadd.f32 v37, v32  }
0x51d: {  	v38 =	vadd.f32 v38, v33  }
0x51e: {  	v39 =	vadd.f32 v39, v34;
	[tilespmem:v49+s29+$0x0] =	vst.idx.msk $0xffff, v37  }
0x51f: {  	v54 =	vadd.f32 v50, v35;
	[tilespmem:v51+s29+$0x0] =	vst.idx.msk $0xffff, v38  }
0x520: {  	[tilespmem:v52+s29+$0x0] =	vst.idx.msk $0xffff, v39  }
0x521: {  	[tilespmem:v53+s29+$0x0] =	vst.idx.msk $0xffff, v54  }
0x522: {  	v37 =	vld [tilespmem:s10+$0x300]  }
0x523: {  	v38 =	vld [tilespmem:s10+$0x310]  }
0x524: {  	v55 =	vadd.s32 v24, v36;
	v39 =	vld [tilespmem:s10+$0x320]  }
0x525: {  	v57 =	vadd.s32 v25, v36;
	v56 =	vld [tilespmem:s10+$0x330]  }
0x526: {  	v58 =	vadd.s32 v26, v36  }
0x527: {  	v59 =	vadd.s32 v27, v36;
	v37 =	vadd.f32 v37, v32  }
0x528: {  	v38 =	vadd.f32 v38, v33  }
0x529: {  	v39 =	vadd.f32 v39, v34;
	[tilespmem:v55+s29+$0x0] =	vst.idx.msk $0xffff, v37  }
0x52a: {  	v60 =	vadd.f32 v56, v35;
	[tilespmem:v57+s29+$0x0] =	vst.idx.msk $0xffff, v38  }
0x52b: {  	[tilespmem:v58+s29+$0x0] =	vst.idx.msk $0xffff, v39  }
0x52c: {  	[tilespmem:v59+s29+$0x0] =	vst.idx.msk $0xffff, v60  }
0x52d: {  	v37 =	vld [tilespmem:s10+$0x380];
	_ =	sdelay $0x1  }
0x52e: {  	v61 =	vadd.s32 v28, v36  }
0x52f: {  	v38 =	vld [tilespmem:s10+$0x390]  }
0x530: {  	v39 =	vld [tilespmem:s10+$0x3A0]  }
0x531: {  	v62 =	vadd.s32 v29, v36;
	v42 =	vld [tilespmem:s10+$0x3B0];
	v37 =	vadd.f32 v37, v32  }
0x532: {  	v63 =	vadd.s32 v30, v36  }
0x533: {  	[tilespmem:v61+s29+$0x0] =	vst.idx.msk $0xffff, v37;
	v37 =	vadd.s32 v31, v36  }
0x534: {  	v38 =	vadd.f32 v38, v33  }
0x535: {  	v39 =	vadd.f32 v39, v34  }
0x536: {  	[tilespmem:v62+s29+$0x0] =	vst.idx.msk $0xffff, v38;
	v38 =	vadd.f32 v42, v35  }
0x537: {  	s12 =	simm.s32 $0x0;
	[tilespmem:v63+s29+$0x0] =	vst.idx.msk $0xffff, v39  }
.LBB2_23:
0x538: {  	s12 =	sadd.s32 $0x8, s12;
	[tilespmem:v37+s29+$0x0] =	vst.idx.msk $0xffff, v38;
	v36 =	vadd.s32 $0x8, v36;
	s10 =	sadd.s32 $0x400, s10  }
0x539: {  	v37 =	vld [tilespmem:s10+$0x0];
	p0 =	slt.u32 s12, $0x78  }
0x53a: {  	v38 =	vld [tilespmem:s10+$0x10]  }
0x53b: {  	v40 =	vadd.s32 v0, v36;
	v39 =	vld [tilespmem:s10+$0x20]  }
0x53c: {  	v42 =	vadd.s32 v1, v36;
	v41 =	vld [tilespmem:s10+$0x30]  }
0x53d: {  	v43 =	vadd.s32 v2, v36  }
0x53e: {  	v44 =	vadd.s32 v3, v36;
	v37 =	vadd.f32 v37, v32  }
0x53f: {  	v38 =	vadd.f32 v38, v33  }
0x540: {  	v39 =	vadd.f32 v39, v34;
	[tilespmem:v40+s29+$0x0] =	vst.idx.msk $0xffff, v37  }
0x541: {  	v37 =	vadd.f32 v41, v35;
	[tilespmem:v42+s29+$0x0] =	vst.idx.msk $0xffff, v38  }
0x542: {  	[tilespmem:v43+s29+$0x0] =	vst.idx.msk $0xffff, v39  }
0x543: {  	[tilespmem:v44+s29+$0x0] =	vst.idx.msk $0xffff, v37  }
0x544: {  	v37 =	vld [tilespmem:s10+$0x80]  }
0x545: {  	v38 =	vld [tilespmem:s10+$0x90]  }
0x546: {  	v40 =	vadd.s32 v4, v36;
	v39 =	vld [tilespmem:s10+$0xA0]  }
0x547: {  	v42 =	vadd.s32 v5, v36;
	v41 =	vld [tilespmem:s10+$0xB0]  }
0x548: {  	v43 =	vadd.s32 v6, v36  }
0x549: {  	v44 =	vadd.s32 v7, v36;
	v37 =	vadd.f32 v37, v32  }
0x54a: {  	v38 =	vadd.f32 v38, v33  }
0x54b: {  	v39 =	vadd.f32 v39, v34;
	[tilespmem:v40+s29+$0x0] =	vst.idx.msk $0xffff, v37  }
0x54c: {  	v37 =	vadd.f32 v41, v35;
	[tilespmem:v42+s29+$0x0] =	vst.idx.msk $0xffff, v38  }
0x54d: {  	[tilespmem:v43+s29+$0x0] =	vst.idx.msk $0xffff, v39  }
0x54e: {  	[tilespmem:v44+s29+$0x0] =	vst.idx.msk $0xffff, v37  }
0x54f: {  	v37 =	vld [tilespmem:s10+$0x100]  }
0x550: {  	v38 =	vld [tilespmem:s10+$0x110]  }
0x551: {  	v40 =	vadd.s32 v8, v36;
	v39 =	vld [tilespmem:s10+$0x120]  }
0x552: {  	v42 =	vadd.s32 v9, v36;
	v41 =	vld [tilespmem:s10+$0x130]  }
0x553: {  	v43 =	vadd.s32 v10, v36  }
0x554: {  	v44 =	vadd.s32 v11, v36;
	v37 =	vadd.f32 v37, v32  }
0x555: {  	v38 =	vadd.f32 v38, v33  }
0x556: {  	v39 =	vadd.f32 v39, v34;
	[tilespmem:v40+s29+$0x0] =	vst.idx.msk $0xffff, v37  }
0x557: {  	v37 =	vadd.f32 v41, v35;
	[tilespmem:v42+s29+$0x0] =	vst.idx.msk $0xffff, v38  }
0x558: {  	[tilespmem:v43+s29+$0x0] =	vst.idx.msk $0xffff, v39  }
0x559: {  	[tilespmem:v44+s29+$0x0] =	vst.idx.msk $0xffff, v37  }
0x55a: {  	v37 =	vld [tilespmem:s10+$0x180]  }
0x55b: {  	v38 =	vld [tilespmem:s10+$0x190]  }
0x55c: {  	v40 =	vadd.s32 v12, v36;
	v39 =	vld [tilespmem:s10+$0x1A0]  }
0x55d: {  	v42 =	vadd.s32 v13, v36;
	v41 =	vld [tilespmem:s10+$0x1B0]  }
0x55e: {  	v43 =	vadd.s32 v14, v36  }
0x55f: {  	v44 =	vadd.s32 v15, v36;
	v37 =	vadd.f32 v37, v32  }
0x560: {  	v38 =	vadd.f32 v38, v33  }
0x561: {  	v39 =	vadd.f32 v39, v34;
	[tilespmem:v40+s29+$0x0] =	vst.idx.msk $0xffff, v37  }
0x562: {  	v37 =	vadd.f32 v41, v35;
	[tilespmem:v42+s29+$0x0] =	vst.idx.msk $0xffff, v38  }
0x563: {  	[tilespmem:v43+s29+$0x0] =	vst.idx.msk $0xffff, v39  }
0x564: {  	[tilespmem:v44+s29+$0x0] =	vst.idx.msk $0xffff, v37  }
0x565: {  	v37 =	vld [tilespmem:s10+$0x200]  }
0x566: {  	v38 =	vld [tilespmem:s10+$0x210]  }
0x567: {  	v40 =	vadd.s32 v16, v36;
	v39 =	vld [tilespmem:s10+$0x220]  }
0x568: {  	v42 =	vadd.s32 v17, v36;
	v41 =	vld [tilespmem:s10+$0x230]  }
0x569: {  	v43 =	vadd.s32 v18, v36  }
0x56a: {  	v44 =	vadd.s32 v19, v36;
	v37 =	vadd.f32 v37, v32  }
0x56b: {  	v38 =	vadd.f32 v38, v33  }
0x56c: {  	v39 =	vadd.f32 v39, v34;
	[tilespmem:v40+s29+$0x0] =	vst.idx.msk $0xffff, v37  }
0x56d: {  	v37 =	vadd.f32 v41, v35;
	[tilespmem:v42+s29+$0x0] =	vst.idx.msk $0xffff, v38  }
0x56e: {  	[tilespmem:v43+s29+$0x0] =	vst.idx.msk $0xffff, v39  }
0x56f: {  	[tilespmem:v44+s29+$0x0] =	vst.idx.msk $0xffff, v37  }
0x570: {  	v37 =	vld [tilespmem:s10+$0x280]  }
0x571: {  	v38 =	vld [tilespmem:s10+$0x290]  }
0x572: {  	v40 =	vadd.s32 v20, v36;
	v39 =	vld [tilespmem:s10+$0x2A0]  }
0x573: {  	v42 =	vadd.s32 v21, v36;
	v41 =	vld [tilespmem:s10+$0x2B0]  }
0x574: {  	v43 =	vadd.s32 v22, v36  }
0x575: {  	v44 =	vadd.s32 v23, v36;
	v37 =	vadd.f32 v37, v32  }
0x576: {  	v38 =	vadd.f32 v38, v33  }
0x577: {  	v39 =	vadd.f32 v39, v34;
	[tilespmem:v40+s29+$0x0] =	vst.idx.msk $0xffff, v37  }
0x578: {  	v37 =	vadd.f32 v41, v35;
	[tilespmem:v42+s29+$0x0] =	vst.idx.msk $0xffff, v38  }
0x579: {  	[tilespmem:v43+s29+$0x0] =	vst.idx.msk $0xffff, v39  }
0x57a: {  	[tilespmem:v44+s29+$0x0] =	vst.idx.msk $0xffff, v37  }
0x57b: {  	v37 =	vld [tilespmem:s10+$0x300]  }
0x57c: {  	v38 =	vld [tilespmem:s10+$0x310]  }
0x57d: {  	v40 =	vadd.s32 v24, v36;
	v39 =	vld [tilespmem:s10+$0x320]  }
0x57e: {  	v42 =	vadd.s32 v25, v36;
	v41 =	vld [tilespmem:s10+$0x330]  }
0x57f: {  	v43 =	vadd.s32 v26, v36  }
0x580: {  	v44 =	vadd.s32 v27, v36;
	v37 =	vadd.f32 v37, v32  }
0x581: {  	v38 =	vadd.f32 v38, v33  }
0x582: {  	v39 =	vadd.f32 v39, v34;
	[tilespmem:v40+s29+$0x0] =	vst.idx.msk $0xffff, v37  }
0x583: {  	v37 =	vadd.f32 v41, v35;
	[tilespmem:v42+s29+$0x0] =	vst.idx.msk $0xffff, v38  }
0x584: {  	[tilespmem:v43+s29+$0x0] =	vst.idx.msk $0xffff, v39  }
0x585: {  	[tilespmem:v44+s29+$0x0] =	vst.idx.msk $0xffff, v37  }
0x586: {  	v37 =	vld [tilespmem:s10+$0x380]  }
0x587: {  	v38 =	vld [tilespmem:s10+$0x390]  }
0x588: {  	v40 =	vadd.s32 v28, v36;
	v39 =	vld [tilespmem:s10+$0x3A0]  }
0x589: {  	v42 =	vadd.s32 v29, v36;
	v41 =	vld [tilespmem:s10+$0x3B0]  }
0x58a: {  	v43 =	vadd.s32 v30, v36  }
.Ltmp10:
0x58b: {  	v44 =	vadd.f32 v37, v32;
	v37 =	vadd.s32 v31, v36;
	(pc) =	sbr.rel @p0 .LBB2_23-.Ltmp10, $4  }
0x58c: {  	v45 =	vadd.f32 v38, v33  }
0x58d: {  	v39 =	vadd.f32 v39, v34;
	[tilespmem:v40+s29+$0x0] =	vst.idx.msk $0xffff, v44  }
0x58e: {  	v38 =	vadd.f32 v41, v35;
	[tilespmem:v42+s29+$0x0] =	vst.idx.msk $0xffff, v45  }
0x58f: {  	[tilespmem:v43+s29+$0x0] =	vst.idx.msk $0xffff, v39  }
0x590: {  	_ = 	snop  }
0x591: {  	s7 =	sshll.u32 s7, $0x12  }
0x592: {  	s7 =	sor.u32 s6, s7  }
0x593: {  	s7 =	sshrl.u32 s7, $0x3  }
0x594: {  	[tilespmem:v37+s29+$0x0] =	vst.idx.msk $0xffff, v38;
	s8 =	simm.s32 $0x15600;
	s10 =	sadd.s32 s2, s7  }
0x595: {  	[hbm4b:s10+s4] =	stream.linear.scatter [tilespmem:s8], [sflag:$0x4], $0x80, $0x38;
	[tilespmem:$0x17800] =	vst v63  }
0x596: {  	s12 =	simm.s32 $0x15688;
	s8 =	sadd.s32 $0x10, s10  }
0x597: {  	[hbm4b:s8+s4] =	stream.linear.scatter [tilespmem:s12], [sflag:$0x4], $0x80, $0x38;
	[tilespmem:$0x17800] =	vst v63  }
0x598: {  	s15 =	simm.s32 $0x15710;
	s17 =	sadd.s32 $0x20, s10  }
0x599: {  	[hbm4b:s17+s4] =	stream.linear.scatter [tilespmem:s15], [sflag:$0x4], $0x80, $0x38;
	[tilespmem:$0x17800] =	vst v63  }
0x59a: {  	s8 =	simm.s32 $0x15798;
	s12 =	sadd.s32 $0x30, s10  }
0x59b: {  	[hbm4b:s12+s4] =	stream.linear.scatter [tilespmem:s8], [sflag:$0x4], $0x80, $0x38;
	[tilespmem:$0x17800] =	vst v63  }
0x59c: {  	s15 =	simm.s32 $0x15820;
	s17 =	sadd.s32 $0x40, s10  }
0x59d: {  	[hbm4b:s17+s4] =	stream.linear.scatter [tilespmem:s15], [sflag:$0x4], $0x80, $0x38;
	[tilespmem:$0x17800] =	vst v63  }
0x59e: {  	s7 =	simm.s32 $0x440;
	s8 =	simm.s32 $0x158A8;
	s12 =	sadd.s32 $0x50, s10  }
0x59f: {  	[hbm4b:s12+s4] =	stream.linear.scatter [tilespmem:s8], [sflag:$0x4], $0x80, $0x38;
	[tilespmem:$0x17800] =	vst v63  }
0x5a0: {  	s15 =	simm.s32 $0x15930;
	s17 =	sadd.s32 $0x60, s10;
	s12 =	simm.s32 $0x2200  }
0x5a1: {  	[hbm4b:s17+s4] =	stream.linear.scatter [tilespmem:s15], [sflag:$0x4], $0x80, $0x38;
	[tilespmem:$0x17800] =	vst v63  }
0x5a2: {  	s8 =	sadd.s32 $0x70, s10;
	s10 =	sadd.s32 $0x1000, s10;
	s15 =	simm.s32 $0x159B8  }
.LBB2_25:
0x5a3: {  	[hbm4b:s8+s4] =	stream.linear.scatter [tilespmem:s15], [sflag:$0x4], $0x80, $0x38;
	[tilespmem:$0x17800] =	vst v63  }
0x5a4: {  	s8 =	smov.u32 s7;
	s7 =	smov.u32 s12  }
0x5a5: {  	s17 =	sadd.s32 $0x1100, s12;
	s7 =	sshra.s32 s7, $0x2;
	s15 =	sadd.s32 $0x15600, s8  }
0x5a6: {  	[hbm4b:s10+s4] =	stream.linear.scatter [tilespmem:s15], [sflag:$0x4], $0x80, $0x38;
	[tilespmem:$0x17800] =	vst v63  }
0x5a7: {  	p0 =	sne.s32 s12, $0x7700;
	s12 =	sadd.s32 $0x15688, s8;
	s15 =	sadd.s32 $0x10, s10  }
0x5a8: {  	[hbm4b:s15+s4] =	stream.linear.scatter [tilespmem:s12], [sflag:$0x4], $0x80, $0x38;
	[tilespmem:$0x17800] =	vst v63  }
0x5a9: {  	s12 =	sadd.s32 $0x15710, s8;
	s15 =	sadd.s32 $0x20, s10  }
0x5aa: {  	[hbm4b:s15+s4] =	stream.linear.scatter [tilespmem:s12], [sflag:$0x4], $0x80, $0x38;
	[tilespmem:$0x17800] =	vst v63  }
0x5ab: {  	s12 =	sadd.s32 $0x15798, s8;
	s15 =	sadd.s32 $0x30, s10  }
0x5ac: {  	[hbm4b:s15+s4] =	stream.linear.scatter [tilespmem:s12], [sflag:$0x4], $0x80, $0x38;
	[tilespmem:$0x17800] =	vst v63  }
0x5ad: {  	s12 =	sadd.s32 $0x15820, s8;
	s15 =	sadd.s32 $0x40, s10  }
0x5ae: {  	[hbm4b:s15+s4] =	stream.linear.scatter [tilespmem:s12], [sflag:$0x4], $0x80, $0x38;
	[tilespmem:$0x17800] =	vst v63  }
0x5af: {  	s12 =	sadd.s32 $0x158A8, s8;
	s15 =	sadd.s32 $0x50, s10  }
0x5b0: {  	[hbm4b:s15+s4] =	stream.linear.scatter [tilespmem:s12], [sflag:$0x4], $0x80, $0x38;
	[tilespmem:$0x17800] =	vst v63  }
.Ltmp11:
0x5b1: {  	_ = 	snop;
	(pc) =	sbr.rel @p0 .LBB2_25-.Ltmp11, $4  }
0x5b2: {  	s12 =	sadd.s32 $0x15930, s8;
	s15 =	sadd.s32 $0x60, s10  }
0x5b3: {  	[hbm4b:s15+s4] =	stream.linear.scatter [tilespmem:s12], [sflag:$0x4], $0x80, $0x38;
	[tilespmem:$0x17800] =	vst v63  }
0x5b4: {  	s15 =	sadd.s32 $0x159B8, s8  }
0x5b5: {  	s8 =	sadd.s32 $0x70, s10;
	s10 =	sadd.s32 $0x1000, s10;
	s12 =	smov.u32 s17  }
0x5b6: {  	[hbm4b:s8+s4] =	stream.linear.scatter [tilespmem:s15], [sflag:$0x4], $0x80, $0x38;
	[tilespmem:$0x17800] =	vst v63  }
0x5b7: {  	s15 =	sadd.s32 $0x15600, s7  }
0x5b8: {  	[hbm4b:s10+s4] =	stream.linear.scatter [tilespmem:s15], [sflag:$0x4], $0x80, $0x38;
	[tilespmem:$0x17800] =	vst v63  }
0x5b9: {  	s17 =	sadd.s32 $0x15688, s7;
	s12 =	sadd.s32 $0x10, s10  }
0x5ba: {  	[hbm4b:s12+s4] =	stream.linear.scatter [tilespmem:s17], [sflag:$0x4], $0x80, $0x38;
	[tilespmem:$0x17800] =	vst v63  }
0x5bb: {  	s15 =	sadd.s32 $0x15710, s7;
	s17 =	sadd.s32 $0x20, s10  }
0x5bc: {  	[hbm4b:s17+s4] =	stream.linear.scatter [tilespmem:s15], [sflag:$0x4], $0x80, $0x38;
	[tilespmem:$0x17800] =	vst v63  }
0x5bd: {  	s15 =	sadd.s32 $0x15798, s7;
	s17 =	sadd.s32 $0x30, s10  }
0x5be: {  	[hbm4b:s17+s4] =	stream.linear.scatter [tilespmem:s15], [sflag:$0x4], $0x80, $0x38;
	[tilespmem:$0x17800] =	vst v63  }
0x5bf: {  	s15 =	sadd.s32 $0x15820, s7;
	s17 =	sadd.s32 $0x40, s10  }
0x5c0: {  	[hbm4b:s17+s4] =	stream.linear.scatter [tilespmem:s15], [sflag:$0x4], $0x80, $0x38;
	[tilespmem:$0x17800] =	vst v63  }
0x5c1: {  	p0 =	seq.s32 s19, $0x31;
	s15 =	sadd.s32 $0x158A8, s7;
	s17 =	sadd.s32 $0x50, s10  }
0x5c2: {  	[hbm4b:s17+s4] =	stream.linear.scatter [tilespmem:s15], [sflag:$0x4], $0x80, $0x38;
	[tilespmem:$0x17800] =	vst v63  }
0x5c3: {  	s12 =	sadd.s32 $0x159B8, s7;
	s15 =	sadd.s32 $0x15930, s7;
	s7 =	sadd.s32 @!p0 $0x4, s20  }
0x5c4: {  	s17 =	sadd.s32 $0x60, s10;
	s8 =	sshll.u32 @!p0 s7, $0x7;
	s7 =	sshll.u32 @!p0 s7, $0xC  }
0x5c5: {  	[hbm4b:s17+s4] =	stream.linear.scatter [tilespmem:s15], [sflag:$0x4], $0x80, $0x38;
	[tilespmem:$0x17800] =	vst v63  }
0x5c6: {  	s8 =	sand.u32 @!p0 $0x200, s8;
	s7 =	sand.u32 @!p0 $0x1F8000, s7  }
0x5c7: {  	s15 =	sadd.s32 $0x70, s10;
	s7 =	sor.u32 @!p0 s7, s8  }
0x5c8: {  	[hbm4b:s15+s4] =	stream.linear.scatter [tilespmem:s12], [sflag:$0x4], $0x80, $0x38;
	[tilespmem:$0x17800] =	vst v63  }
0x5c9: {  	s7 =	sor.u32 @!p0 s6, s7  }
0x5ca: {  	s7 =	sshrl.u32 @!p0 s7, $0x3  }
0x5cb: {  	s10 =	simm.s32 @!p0 $0x3200;
	s8 =	simm.s32 @!p0 $0x0;
	s7 =	sadd.s32 @!p0 s1, s7  }
0x5cc: {  	[tilespmem:s10], [sflag:$0x5] =	stream.linear.gather @!p0 [hbm4b:s7+s8], $0x100, $0x38;
	[tilespmem:$0x17800] =	vst v63  }
0x5cd: {  	s7 =	simm.s32 @!p0 $0x5  }
0x5ce: {  	_ =	swait.ge @!p0 [sflag:s7], $0x100  }
0x5cf: {  	[sflag:s7] =	ssyncset.done @!p0 $0x0  }
0x5d0: {  	s8 =	simm.s32 @!p0 $0x3400;
	[sflag:s7] =	ssyncadd.s32 @!p0 $0xFFFFFF00;
	s7 =	simm.s32 @!p0 $0x80  }
0x5d1: {  	[tilespmem:s8], [sflag:$0x1] =	stream.indirect.gather @!p0 [hbm4b:s5+s7], $0x80, s10, s7, $0xb8;
	[tilespmem:$0x17800] =	vst v63  }
0x5d2: {  	s8 =	simm.s32 @!p0 $0x3280;
	s10 =	simm.s32 @!p0 $0x7400  }
0x5d3: {  	[tilespmem:s10], [sflag:$0x1] =	stream.indirect.gather @!p0 [hbm4b:s5+s7], $0x80, s8, s7, $0xb8;
	[tilespmem:$0x17800] =	vst v63  }
0x5d4: {  	_ =	swait.ge [sflag:s30], $0x4000  }
0x5d5: {  	[sflag:s30] =	ssyncset.done $0x0  }
0x5d6: {  	[sflag:s30] =	ssyncadd.s32 $0xFFFFC000  }
0x5d7: {  	_ =	swait.ge [sflag:s30], $0x4000  }
0x5d8: {  	[sflag:s30] =	ssyncset.done $0x0  }
0x5d9: {  	[sflag:s30] =	ssyncadd.s32 $0xFFFFC000  }
0x5da: {  	_ =	swait.ge [sflag:s31], $0x2000  }
0x5db: {  	s17 =	sshll.u32 s21, $0x6;
	[sflag:s31] =	ssyncset.done $0x0  }
0x5dc: {  	s7 =	sand.u32 $0x3FFFFFC0, s17;
	[sflag:s31] =	ssyncadd.s32 $0xFFFFE000  }
0x5dd: {  	v32 =	vld [tilespmem:s7+$0x0]  }
0x5de: {  	v33 =	vld [tilespmem:s7+$0x10]  }
0x5df: {  	v34 =	vld [tilespmem:s7+$0x20]  }
0x5e0: {  	v35 =	vld [tilespmem:s7+$0x30];
	s7 =	simm.s32 $0xB600  }
0x5e1: {  	v37 =	vld [tilespmem:s7+$0xFFFFFE00]  }
0x5e2: {  	v36 =	vimm.s32 $0x0;
	v38 =	vld [tilespmem:s7+$0xFFFFFE10]  }
0x5e3: {  	v40 =	vadd.s32 v0, v36;
	v39 =	vld [tilespmem:s7+$0xFFFFFE20]  }
0x5e4: {  	v42 =	vadd.s32 v1, v36;
	v41 =	vld [tilespmem:s7+$0xFFFFFE30]  }
0x5e5: {  	v43 =	vadd.s32 v2, v36  }
0x5e6: {  	v44 =	vadd.s32 v3, v36;
	v37 =	vadd.f32 v37, v32  }
0x5e7: {  	v38 =	vadd.f32 v38, v33  }
0x5e8: {  	v39 =	vadd.f32 v39, v34;
	[tilespmem:v40+s28+$0x0] =	vst.idx.msk $0xffff, v37  }
0x5e9: {  	v56 =	vadd.f32 v41, v35;
	[tilespmem:v42+s28+$0x0] =	vst.idx.msk $0xffff, v38  }
0x5ea: {  	[tilespmem:v43+s28+$0x0] =	vst.idx.msk $0xffff, v39  }
0x5eb: {  	[tilespmem:v44+s28+$0x0] =	vst.idx.msk $0xffff, v56  }
0x5ec: {  	v37 =	vld [tilespmem:s7+$0xFFFFFE80]  }
0x5ed: {  	v38 =	vld [tilespmem:s7+$0xFFFFFE90]  }
0x5ee: {  	v57 =	vadd.s32 v4, v36;
	v39 =	vld [tilespmem:s7+$0xFFFFFEA0]  }
0x5ef: {  	v59 =	vadd.s32 v5, v36;
	v58 =	vld [tilespmem:s7+$0xFFFFFEB0]  }
0x5f0: {  	v60 =	vadd.s32 v6, v36  }
0x5f1: {  	v61 =	vadd.s32 v7, v36;
	v37 =	vadd.f32 v37, v32  }
0x5f2: {  	v38 =	vadd.f32 v38, v33  }
0x5f3: {  	v39 =	vadd.f32 v39, v34;
	[tilespmem:v57+s28+$0x0] =	vst.idx.msk $0xffff, v37  }
0x5f4: {  	v62 =	vadd.f32 v58, v35;
	[tilespmem:v59+s28+$0x0] =	vst.idx.msk $0xffff, v38  }
0x5f5: {  	[tilespmem:v60+s28+$0x0] =	vst.idx.msk $0xffff, v39  }
0x5f6: {  	[tilespmem:v61+s28+$0x0] =	vst.idx.msk $0xffff, v62  }
0x5f7: {  	v37 =	vld [tilespmem:s7+$0xFFFFFF00]  }
0x5f8: {  	v38 =	vld [tilespmem:s7+$0xFFFFFF10]  }
0x5f9: {  	v63 =	vadd.s32 v8, v36;
	v39 =	vld [tilespmem:s7+$0xFFFFFF20]  }
0x5fa: {  	v49 =	vadd.s32 v9, v36;
	v48 =	vld [tilespmem:s7+$0xFFFFFF30]  }
0x5fb: {  	v50 =	vadd.s32 v10, v36  }
0x5fc: {  	v51 =	vadd.s32 v11, v36;
	v37 =	vadd.f32 v37, v32  }
0x5fd: {  	v38 =	vadd.f32 v38, v33  }
0x5fe: {  	v39 =	vadd.f32 v39, v34;
	[tilespmem:v63+s28+$0x0] =	vst.idx.msk $0xffff, v37  }
0x5ff: {  	v52 =	vadd.f32 v48, v35;
	[tilespmem:v49+s28+$0x0] =	vst.idx.msk $0xffff, v38  }
0x600: {  	[tilespmem:v50+s28+$0x0] =	vst.idx.msk $0xffff, v39  }
0x601: {  	[tilespmem:v51+s28+$0x0] =	vst.idx.msk $0xffff, v52  }
0x602: {  	v37 =	vld [tilespmem:s7+$0xFFFFFF80]  }
0x603: {  	v38 =	vld [tilespmem:s7+$0xFFFFFF90]  }
0x604: {  	v53 =	vadd.s32 v12, v36;
	v39 =	vld [tilespmem:s7+$0xFFFFFFA0]  }
0x605: {  	v55 =	vadd.s32 v13, v36;
	v54 =	vld [tilespmem:s7+$0xFFFFFFB0]  }
0x606: {  	v56 =	vadd.s32 v14, v36  }
0x607: {  	v57 =	vadd.s32 v15, v36;
	v37 =	vadd.f32 v37, v32  }
0x608: {  	v38 =	vadd.f32 v38, v33  }
0x609: {  	v39 =	vadd.f32 v39, v34;
	[tilespmem:v53+s28+$0x0] =	vst.idx.msk $0xffff, v37  }
0x60a: {  	v58 =	vadd.f32 v54, v35;
	[tilespmem:v55+s28+$0x0] =	vst.idx.msk $0xffff, v38  }
0x60b: {  	[tilespmem:v56+s28+$0x0] =	vst.idx.msk $0xffff, v39  }
0x60c: {  	[tilespmem:v57+s28+$0x0] =	vst.idx.msk $0xffff, v58  }
0x60d: {  	v37 =	vld [tilespmem:s7+$0x0]  }
0x60e: {  	v38 =	vld [tilespmem:s7+$0x10]  }
0x60f: {  	v59 =	vadd.s32 v16, v36;
	v39 =	vld [tilespmem:s7+$0x20]  }
0x610: {  	v61 =	vadd.s32 v17, v36;
	v60 =	vld [tilespmem:s7+$0x30]  }
0x611: {  	v62 =	vadd.s32 v18, v36  }
0x612: {  	v63 =	vadd.s32 v19, v36;
	v37 =	vadd.f32 v37, v32  }
0x613: {  	v38 =	vadd.f32 v38, v33  }
0x614: {  	v39 =	vadd.f32 v39, v34;
	[tilespmem:v59+s28+$0x0] =	vst.idx.msk $0xffff, v37  }
0x615: {  	v48 =	vadd.f32 v60, v35;
	[tilespmem:v61+s28+$0x0] =	vst.idx.msk $0xffff, v38  }
0x616: {  	[tilespmem:v62+s28+$0x0] =	vst.idx.msk $0xffff, v39  }
0x617: {  	[tilespmem:v63+s28+$0x0] =	vst.idx.msk $0xffff, v48  }
0x618: {  	v37 =	vld [tilespmem:s7+$0x80]  }
0x619: {  	v38 =	vld [tilespmem:s7+$0x90]  }
0x61a: {  	v49 =	vadd.s32 v20, v36;
	v39 =	vld [tilespmem:s7+$0xA0]  }
0x61b: {  	v51 =	vadd.s32 v21, v36;
	v50 =	vld [tilespmem:s7+$0xB0]  }
0x61c: {  	v52 =	vadd.s32 v22, v36  }
0x61d: {  	v53 =	vadd.s32 v23, v36;
	v37 =	vadd.f32 v37, v32  }
0x61e: {  	v38 =	vadd.f32 v38, v33  }
0x61f: {  	v39 =	vadd.f32 v39, v34;
	[tilespmem:v49+s28+$0x0] =	vst.idx.msk $0xffff, v37  }
0x620: {  	v54 =	vadd.f32 v50, v35;
	[tilespmem:v51+s28+$0x0] =	vst.idx.msk $0xffff, v38  }
0x621: {  	[tilespmem:v52+s28+$0x0] =	vst.idx.msk $0xffff, v39  }
0x622: {  	[tilespmem:v53+s28+$0x0] =	vst.idx.msk $0xffff, v54  }
0x623: {  	v37 =	vld [tilespmem:s7+$0x100]  }
0x624: {  	v38 =	vld [tilespmem:s7+$0x110]  }
0x625: {  	v55 =	vadd.s32 v24, v36;
	v39 =	vld [tilespmem:s7+$0x120]  }
0x626: {  	v57 =	vadd.s32 v25, v36;
	v56 =	vld [tilespmem:s7+$0x130]  }
0x627: {  	v58 =	vadd.s32 v26, v36  }
0x628: {  	v59 =	vadd.s32 v27, v36;
	v37 =	vadd.f32 v37, v32  }
0x629: {  	v38 =	vadd.f32 v38, v33  }
0x62a: {  	v39 =	vadd.f32 v39, v34;
	[tilespmem:v55+s28+$0x0] =	vst.idx.msk $0xffff, v37  }
0x62b: {  	v60 =	vadd.f32 v56, v35;
	[tilespmem:v57+s28+$0x0] =	vst.idx.msk $0xffff, v38  }
0x62c: {  	[tilespmem:v58+s28+$0x0] =	vst.idx.msk $0xffff, v39  }
0x62d: {  	[tilespmem:v59+s28+$0x0] =	vst.idx.msk $0xffff, v60  }
0x62e: {  	v37 =	vld [tilespmem:s7+$0x180];
	_ =	sdelay $0x1  }
0x62f: {  	v61 =	vadd.s32 v28, v36  }
0x630: {  	v38 =	vld [tilespmem:s7+$0x190]  }
0x631: {  	v39 =	vld [tilespmem:s7+$0x1A0]  }
0x632: {  	v62 =	vadd.s32 v29, v36;
	v42 =	vld [tilespmem:s7+$0x1B0];
	v37 =	vadd.f32 v37, v32  }
0x633: {  	v63 =	vadd.s32 v30, v36  }
0x634: {  	[tilespmem:v61+s28+$0x0] =	vst.idx.msk $0xffff, v37;
	v37 =	vadd.s32 v31, v36  }
0x635: {  	v38 =	vadd.f32 v38, v33  }
0x636: {  	v39 =	vadd.f32 v39, v34  }
0x637: {  	[tilespmem:v62+s28+$0x0] =	vst.idx.msk $0xffff, v38;
	v38 =	vadd.f32 v42, v35  }
0x638: {  	s10 =	simm.s32 $0x0;
	[tilespmem:v63+s28+$0x0] =	vst.idx.msk $0xffff, v39  }
.LBB2_27:
0x639: {  	s10 =	sadd.s32 $0x8, s10;
	[tilespmem:v37+s28+$0x0] =	vst.idx.msk $0xffff, v38;
	v36 =	vadd.s32 $0x8, v36;
	s7 =	sadd.s32 $0x400, s7  }
0x63a: {  	v37 =	vld [tilespmem:s7+$0xFFFFFE00];
	p0 =	slt.u32 s10, $0x78  }
0x63b: {  	v38 =	vld [tilespmem:s7+$0xFFFFFE10]  }
0x63c: {  	v40 =	vadd.s32 v0, v36;
	v39 =	vld [tilespmem:s7+$0xFFFFFE20]  }
0x63d: {  	v42 =	vadd.s32 v1, v36;
	v41 =	vld [tilespmem:s7+$0xFFFFFE30]  }
0x63e: {  	v43 =	vadd.s32 v2, v36  }
0x63f: {  	v44 =	vadd.s32 v3, v36;
	v37 =	vadd.f32 v37, v32  }
0x640: {  	v38 =	vadd.f32 v38, v33  }
0x641: {  	v39 =	vadd.f32 v39, v34;
	[tilespmem:v40+s28+$0x0] =	vst.idx.msk $0xffff, v37  }
0x642: {  	v37 =	vadd.f32 v41, v35;
	[tilespmem:v42+s28+$0x0] =	vst.idx.msk $0xffff, v38  }
0x643: {  	[tilespmem:v43+s28+$0x0] =	vst.idx.msk $0xffff, v39  }
0x644: {  	[tilespmem:v44+s28+$0x0] =	vst.idx.msk $0xffff, v37  }
0x645: {  	v37 =	vld [tilespmem:s7+$0xFFFFFE80]  }
0x646: {  	v38 =	vld [tilespmem:s7+$0xFFFFFE90]  }
0x647: {  	v40 =	vadd.s32 v4, v36;
	v39 =	vld [tilespmem:s7+$0xFFFFFEA0]  }
0x648: {  	v42 =	vadd.s32 v5, v36;
	v41 =	vld [tilespmem:s7+$0xFFFFFEB0]  }
0x649: {  	v43 =	vadd.s32 v6, v36  }
0x64a: {  	v44 =	vadd.s32 v7, v36;
	v37 =	vadd.f32 v37, v32  }
0x64b: {  	v38 =	vadd.f32 v38, v33  }
0x64c: {  	v39 =	vadd.f32 v39, v34;
	[tilespmem:v40+s28+$0x0] =	vst.idx.msk $0xffff, v37  }
0x64d: {  	v37 =	vadd.f32 v41, v35;
	[tilespmem:v42+s28+$0x0] =	vst.idx.msk $0xffff, v38  }
0x64e: {  	[tilespmem:v43+s28+$0x0] =	vst.idx.msk $0xffff, v39  }
0x64f: {  	[tilespmem:v44+s28+$0x0] =	vst.idx.msk $0xffff, v37  }
0x650: {  	v37 =	vld [tilespmem:s7+$0xFFFFFF00]  }
0x651: {  	v38 =	vld [tilespmem:s7+$0xFFFFFF10]  }
0x652: {  	v40 =	vadd.s32 v8, v36;
	v39 =	vld [tilespmem:s7+$0xFFFFFF20]  }
0x653: {  	v42 =	vadd.s32 v9, v36;
	v41 =	vld [tilespmem:s7+$0xFFFFFF30]  }
0x654: {  	v43 =	vadd.s32 v10, v36  }
0x655: {  	v44 =	vadd.s32 v11, v36;
	v37 =	vadd.f32 v37, v32  }
0x656: {  	v38 =	vadd.f32 v38, v33  }
0x657: {  	v39 =	vadd.f32 v39, v34;
	[tilespmem:v40+s28+$0x0] =	vst.idx.msk $0xffff, v37  }
0x658: {  	v37 =	vadd.f32 v41, v35;
	[tilespmem:v42+s28+$0x0] =	vst.idx.msk $0xffff, v38  }
0x659: {  	[tilespmem:v43+s28+$0x0] =	vst.idx.msk $0xffff, v39  }
0x65a: {  	[tilespmem:v44+s28+$0x0] =	vst.idx.msk $0xffff, v37  }
0x65b: {  	v37 =	vld [tilespmem:s7+$0xFFFFFF80]  }
0x65c: {  	v38 =	vld [tilespmem:s7+$0xFFFFFF90]  }
0x65d: {  	v40 =	vadd.s32 v12, v36;
	v39 =	vld [tilespmem:s7+$0xFFFFFFA0]  }
0x65e: {  	v42 =	vadd.s32 v13, v36;
	v41 =	vld [tilespmem:s7+$0xFFFFFFB0]  }
0x65f: {  	v43 =	vadd.s32 v14, v36  }
0x660: {  	v44 =	vadd.s32 v15, v36;
	v37 =	vadd.f32 v37, v32  }
0x661: {  	v38 =	vadd.f32 v38, v33  }
0x662: {  	v39 =	vadd.f32 v39, v34;
	[tilespmem:v40+s28+$0x0] =	vst.idx.msk $0xffff, v37  }
0x663: {  	v37 =	vadd.f32 v41, v35;
	[tilespmem:v42+s28+$0x0] =	vst.idx.msk $0xffff, v38  }
0x664: {  	[tilespmem:v43+s28+$0x0] =	vst.idx.msk $0xffff, v39  }
0x665: {  	[tilespmem:v44+s28+$0x0] =	vst.idx.msk $0xffff, v37  }
0x666: {  	v37 =	vld [tilespmem:s7+$0x0]  }
0x667: {  	v38 =	vld [tilespmem:s7+$0x10]  }
0x668: {  	v40 =	vadd.s32 v16, v36;
	v39 =	vld [tilespmem:s7+$0x20]  }
0x669: {  	v42 =	vadd.s32 v17, v36;
	v41 =	vld [tilespmem:s7+$0x30]  }
0x66a: {  	v43 =	vadd.s32 v18, v36  }
0x66b: {  	v44 =	vadd.s32 v19, v36;
	v37 =	vadd.f32 v37, v32  }
0x66c: {  	v38 =	vadd.f32 v38, v33  }
0x66d: {  	v39 =	vadd.f32 v39, v34;
	[tilespmem:v40+s28+$0x0] =	vst.idx.msk $0xffff, v37  }
0x66e: {  	v37 =	vadd.f32 v41, v35;
	[tilespmem:v42+s28+$0x0] =	vst.idx.msk $0xffff, v38  }
0x66f: {  	[tilespmem:v43+s28+$0x0] =	vst.idx.msk $0xffff, v39  }
0x670: {  	[tilespmem:v44+s28+$0x0] =	vst.idx.msk $0xffff, v37  }
0x671: {  	v37 =	vld [tilespmem:s7+$0x80]  }
0x672: {  	v38 =	vld [tilespmem:s7+$0x90]  }
0x673: {  	v40 =	vadd.s32 v20, v36;
	v39 =	vld [tilespmem:s7+$0xA0]  }
0x674: {  	v42 =	vadd.s32 v21, v36;
	v41 =	vld [tilespmem:s7+$0xB0]  }
0x675: {  	v43 =	vadd.s32 v22, v36  }
0x676: {  	v44 =	vadd.s32 v23, v36;
	v37 =	vadd.f32 v37, v32  }
0x677: {  	v38 =	vadd.f32 v38, v33  }
0x678: {  	v39 =	vadd.f32 v39, v34;
	[tilespmem:v40+s28+$0x0] =	vst.idx.msk $0xffff, v37  }
0x679: {  	v37 =	vadd.f32 v41, v35;
	[tilespmem:v42+s28+$0x0] =	vst.idx.msk $0xffff, v38  }
0x67a: {  	[tilespmem:v43+s28+$0x0] =	vst.idx.msk $0xffff, v39  }
0x67b: {  	[tilespmem:v44+s28+$0x0] =	vst.idx.msk $0xffff, v37  }
0x67c: {  	v37 =	vld [tilespmem:s7+$0x100]  }
0x67d: {  	v38 =	vld [tilespmem:s7+$0x110]  }
0x67e: {  	v40 =	vadd.s32 v24, v36;
	v39 =	vld [tilespmem:s7+$0x120]  }
0x67f: {  	v42 =	vadd.s32 v25, v36;
	v41 =	vld [tilespmem:s7+$0x130]  }
0x680: {  	v43 =	vadd.s32 v26, v36  }
0x681: {  	v44 =	vadd.s32 v27, v36;
	v37 =	vadd.f32 v37, v32  }
0x682: {  	v38 =	vadd.f32 v38, v33  }
0x683: {  	v39 =	vadd.f32 v39, v34;
	[tilespmem:v40+s28+$0x0] =	vst.idx.msk $0xffff, v37  }
0x684: {  	v37 =	vadd.f32 v41, v35;
	[tilespmem:v42+s28+$0x0] =	vst.idx.msk $0xffff, v38  }
0x685: {  	[tilespmem:v43+s28+$0x0] =	vst.idx.msk $0xffff, v39  }
0x686: {  	[tilespmem:v44+s28+$0x0] =	vst.idx.msk $0xffff, v37  }
0x687: {  	v37 =	vld [tilespmem:s7+$0x180]  }
0x688: {  	v38 =	vld [tilespmem:s7+$0x190]  }
0x689: {  	v40 =	vadd.s32 v28, v36;
	v39 =	vld [tilespmem:s7+$0x1A0]  }
0x68a: {  	v42 =	vadd.s32 v29, v36;
	v41 =	vld [tilespmem:s7+$0x1B0]  }
0x68b: {  	v43 =	vadd.s32 v30, v36  }
.Ltmp12:
0x68c: {  	v44 =	vadd.f32 v37, v32;
	v37 =	vadd.s32 v31, v36;
	(pc) =	sbr.rel @p0 .LBB2_27-.Ltmp12, $4  }
0x68d: {  	v45 =	vadd.f32 v38, v33  }
0x68e: {  	v39 =	vadd.f32 v39, v34;
	[tilespmem:v40+s28+$0x0] =	vst.idx.msk $0xffff, v44  }
0x68f: {  	v38 =	vadd.f32 v41, v35;
	[tilespmem:v42+s28+$0x0] =	vst.idx.msk $0xffff, v45  }
0x690: {  	[tilespmem:v43+s28+$0x0] =	vst.idx.msk $0xffff, v39  }
0x691: {  	_ = 	snop  }
0x692: {  	s7 =	sshll.u32 s21, $0x12  }
0x693: {  	s7 =	sor.u32 s6, s7  }
0x694: {  	s7 =	sshrl.u32 s7, $0x3  }
0x695: {  	[tilespmem:v37+s28+$0x0] =	vst.idx.msk $0xffff, v38;
	s12 =	simm.s32 $0x13400;
	s10 =	sadd.s32 s2, s7  }
0x696: {  	[hbm4b:s10+s4] =	stream.linear.scatter [tilespmem:s12], [sflag:$0x3], $0x80, $0x38;
	[tilespmem:$0x17800] =	vst v63  }
0x697: {  	s15 =	simm.s32 $0x13488;
	s8 =	sadd.s32 $0x10, s10  }
0x698: {  	[hbm4b:s8+s4] =	stream.linear.scatter [tilespmem:s15], [sflag:$0x3], $0x80, $0x38;
	[tilespmem:$0x17800] =	vst v63  }
0x699: {  	s17 =	simm.s32 $0x13510;
	s7 =	simm.s32 $0x440;
	s21 =	sadd.s32 $0x20, s10  }
0x69a: {  	[hbm4b:s21+s4] =	stream.linear.scatter [tilespmem:s17], [sflag:$0x3], $0x80, $0x38;
	[tilespmem:$0x17800] =	vst v63  }
0x69b: {  	s12 =	simm.s32 $0x13598;
	s15 =	sadd.s32 $0x30, s10;
	s8 =	sadd.s32 $0x70, s10  }
0x69c: {  	[hbm4b:s15+s4] =	stream.linear.scatter [tilespmem:s12], [sflag:$0x3], $0x80, $0x38;
	[tilespmem:$0x17800] =	vst v63  }
0x69d: {  	s17 =	simm.s32 $0x13620;
	s21 =	sadd.s32 $0x40, s10;
	s12 =	simm.s32 $0x136A8  }
0x69e: {  	[hbm4b:s21+s4] =	stream.linear.scatter [tilespmem:s17], [sflag:$0x3], $0x80, $0x38;
	[tilespmem:$0x17800] =	vst v63  }
0x69f: {  	s15 =	sadd.s32 $0x50, s10;
	s17 =	simm.s32 $0x13730;
	s21 =	sadd.s32 $0x60, s10  }
0x6a0: {  	[hbm4b:s15+s4] =	stream.linear.scatter [tilespmem:s12], [sflag:$0x3], $0x80, $0x38;
	[tilespmem:$0x17800] =	vst v63  }
0x6a1: {  	s10 =	sadd.s32 $0x1000, s10;
	s12 =	simm.s32 $0x2200;
	s15 =	simm.s32 $0x137B8  }
0x6a2: {  	[hbm4b:s21+s4] =	stream.linear.scatter [tilespmem:s17], [sflag:$0x3], $0x80, $0x38;
	[tilespmem:$0x17800] =	vst v63  }
.LBB2_29:
0x6a3: {  	[hbm4b:s8+s4] =	stream.linear.scatter [tilespmem:s15], [sflag:$0x3], $0x80, $0x38;
	[tilespmem:$0x17800] =	vst v63  }
0x6a4: {  	s8 =	smov.u32 s7;
	s7 =	smov.u32 s12  }
0x6a5: {  	s17 =	sadd.s32 $0x1100, s12;
	s7 =	sshra.s32 s7, $0x2;
	s15 =	sadd.s32 $0x13400, s8  }
0x6a6: {  	[hbm4b:s10+s4] =	stream.linear.scatter [tilespmem:s15], [sflag:$0x3], $0x80, $0x38;
	[tilespmem:$0x17800] =	vst v63  }
0x6a7: {  	p0 =	sne.s32 s12, $0x7700;
	s12 =	sadd.s32 $0x13488, s8;
	s15 =	sadd.s32 $0x10, s10  }
0x6a8: {  	[hbm4b:s15+s4] =	stream.linear.scatter [tilespmem:s12], [sflag:$0x3], $0x80, $0x38;
	[tilespmem:$0x17800] =	vst v63  }
0x6a9: {  	s12 =	sadd.s32 $0x13510, s8;
	s15 =	sadd.s32 $0x20, s10  }
0x6aa: {  	[hbm4b:s15+s4] =	stream.linear.scatter [tilespmem:s12], [sflag:$0x3], $0x80, $0x38;
	[tilespmem:$0x17800] =	vst v63  }
0x6ab: {  	s12 =	sadd.s32 $0x13598, s8;
	s15 =	sadd.s32 $0x30, s10  }
0x6ac: {  	[hbm4b:s15+s4] =	stream.linear.scatter [tilespmem:s12], [sflag:$0x3], $0x80, $0x38;
	[tilespmem:$0x17800] =	vst v63  }
0x6ad: {  	s12 =	sadd.s32 $0x13620, s8;
	s15 =	sadd.s32 $0x40, s10  }
0x6ae: {  	[hbm4b:s15+s4] =	stream.linear.scatter [tilespmem:s12], [sflag:$0x3], $0x80, $0x38;
	[tilespmem:$0x17800] =	vst v63  }
0x6af: {  	s12 =	sadd.s32 $0x136A8, s8;
	s15 =	sadd.s32 $0x50, s10  }
0x6b0: {  	[hbm4b:s15+s4] =	stream.linear.scatter [tilespmem:s12], [sflag:$0x3], $0x80, $0x38;
	[tilespmem:$0x17800] =	vst v63  }
.Ltmp13:
0x6b1: {  	_ = 	snop;
	(pc) =	sbr.rel @p0 .LBB2_29-.Ltmp13, $4  }
0x6b2: {  	s12 =	sadd.s32 $0x13730, s8;
	s15 =	sadd.s32 $0x60, s10  }
0x6b3: {  	[hbm4b:s15+s4] =	stream.linear.scatter [tilespmem:s12], [sflag:$0x3], $0x80, $0x38;
	[tilespmem:$0x17800] =	vst v63  }
0x6b4: {  	s15 =	sadd.s32 $0x137B8, s8  }
0x6b5: {  	s8 =	sadd.s32 $0x70, s10;
	s10 =	sadd.s32 $0x1000, s10;
	s12 =	smov.u32 s17  }
0x6b6: {  	[hbm4b:s8+s4] =	stream.linear.scatter [tilespmem:s15], [sflag:$0x3], $0x80, $0x38;
	[tilespmem:$0x17800] =	vst v63  }
0x6b7: {  	s12 =	sadd.s32 $0x13400, s7  }
0x6b8: {  	[hbm4b:s10+s4] =	stream.linear.scatter [tilespmem:s12], [sflag:$0x3], $0x80, $0x38;
	[tilespmem:$0x17800] =	vst v63  }
0x6b9: {  	s15 =	sadd.s32 $0x13488, s7;
	s12 =	sadd.s32 $0x10, s10  }
0x6ba: {  	[hbm4b:s12+s4] =	stream.linear.scatter [tilespmem:s15], [sflag:$0x3], $0x80, $0x38;
	[tilespmem:$0x17800] =	vst v63  }
0x6bb: {  	s17 =	sadd.s32 $0x13510, s7;
	s21 =	sadd.s32 $0x20, s10  }
0x6bc: {  	[hbm4b:s21+s4] =	stream.linear.scatter [tilespmem:s17], [sflag:$0x3], $0x80, $0x38;
	[tilespmem:$0x17800] =	vst v63  }
0x6bd: {  	s12 =	sadd.s32 $0x13598, s7;
	s15 =	sadd.s32 $0x30, s10  }
0x6be: {  	[hbm4b:s15+s4] =	stream.linear.scatter [tilespmem:s12], [sflag:$0x3], $0x80, $0x38;
	[tilespmem:$0x17800] =	vst v63  }
0x6bf: {  	s17 =	sadd.s32 $0x13620, s7;
	s21 =	sadd.s32 $0x40, s10  }
0x6c0: {  	[hbm4b:s21+s4] =	stream.linear.scatter [tilespmem:s17], [sflag:$0x3], $0x80, $0x38;
	[tilespmem:$0x17800] =	vst v63  }
0x6c1: {  	s12 =	sadd.s32 $0x136A8, s7;
	s15 =	sadd.s32 $0x50, s10  }
0x6c2: {  	[hbm4b:s15+s4] =	stream.linear.scatter [tilespmem:s12], [sflag:$0x3], $0x80, $0x38;
	[tilespmem:$0x17800] =	vst v63  }
0x6c3: {  	s17 =	sadd.s32 $0x13730, s7;
	s21 =	sadd.s32 $0x60, s10  }
0x6c4: {  	[hbm4b:s21+s4] =	stream.linear.scatter [tilespmem:s17], [sflag:$0x3], $0x80, $0x38;
	[tilespmem:$0x17800] =	vst v63  }
0x6c5: {  	s15 =	sadd.s32 $0x137B8, s7;
	s17 =	sadd.s32 $0x70, s10  }
0x6c6: {  	[hbm4b:s17+s4] =	stream.linear.scatter [tilespmem:s15], [sflag:$0x3], $0x80, $0x38;
	[tilespmem:$0x17800] =	vst v63  }
0x6c7: {  	s7 =	sor.u32 $0x3, s20;
	_ =	swait.ge [sflag:s0], $0x2000  }
0x6c8: {  	s21 =	sshll.u32 s7, $0x6;
	[sflag:s0] =	ssyncset.done $0x0  }
0x6c9: {  	s8 =	sand.u32 $0x3FFFFFC0, s21;
	[sflag:s0] =	ssyncadd.s32 $0xFFFFE000  }
0x6ca: {  	v32 =	vld [tilespmem:s8+$0x0]  }
0x6cb: {  	v33 =	vld [tilespmem:s8+$0x10]  }
0x6cc: {  	v34 =	vld [tilespmem:s8+$0x20]  }
0x6cd: {  	s10 =	simm.s32 $0xF400;
	v35 =	vld [tilespmem:s8+$0x30]  }
0x6ce: {  	v37 =	vld [tilespmem:s10+$0x0]  }
0x6cf: {  	v36 =	vimm.s32 $0x0;
	v38 =	vld [tilespmem:s10+$0x10]  }
0x6d0: {  	v40 =	vadd.s32 v0, v36;
	v39 =	vld [tilespmem:s10+$0x20]  }
0x6d1: {  	v42 =	vadd.s32 v1, v36;
	v41 =	vld [tilespmem:s10+$0x30]  }
0x6d2: {  	v43 =	vadd.s32 v2, v36  }
0x6d3: {  	v44 =	vadd.s32 v3, v36;
	v37 =	vadd.f32 v37, v32  }
0x6d4: {  	v38 =	vadd.f32 v38, v33  }
0x6d5: {  	v39 =	vadd.f32 v39, v34;
	[tilespmem:v40+s29+$0x0] =	vst.idx.msk $0xffff, v37  }
0x6d6: {  	v56 =	vadd.f32 v41, v35;
	[tilespmem:v42+s29+$0x0] =	vst.idx.msk $0xffff, v38  }
0x6d7: {  	[tilespmem:v43+s29+$0x0] =	vst.idx.msk $0xffff, v39  }
0x6d8: {  	[tilespmem:v44+s29+$0x0] =	vst.idx.msk $0xffff, v56  }
0x6d9: {  	v37 =	vld [tilespmem:s10+$0x80]  }
0x6da: {  	v38 =	vld [tilespmem:s10+$0x90]  }
0x6db: {  	v57 =	vadd.s32 v4, v36;
	v39 =	vld [tilespmem:s10+$0xA0]  }
0x6dc: {  	v59 =	vadd.s32 v5, v36;
	v58 =	vld [tilespmem:s10+$0xB0]  }
0x6dd: {  	v60 =	vadd.s32 v6, v36  }
0x6de: {  	v61 =	vadd.s32 v7, v36;
	v37 =	vadd.f32 v37, v32  }
0x6df: {  	v38 =	vadd.f32 v38, v33  }
0x6e0: {  	v39 =	vadd.f32 v39, v34;
	[tilespmem:v57+s29+$0x0] =	vst.idx.msk $0xffff, v37  }
0x6e1: {  	v62 =	vadd.f32 v58, v35;
	[tilespmem:v59+s29+$0x0] =	vst.idx.msk $0xffff, v38  }
0x6e2: {  	[tilespmem:v60+s29+$0x0] =	vst.idx.msk $0xffff, v39  }
0x6e3: {  	[tilespmem:v61+s29+$0x0] =	vst.idx.msk $0xffff, v62  }
0x6e4: {  	v37 =	vld [tilespmem:s10+$0x100]  }
0x6e5: {  	v38 =	vld [tilespmem:s10+$0x110]  }
0x6e6: {  	v63 =	vadd.s32 v8, v36;
	v39 =	vld [tilespmem:s10+$0x120]  }
0x6e7: {  	v49 =	vadd.s32 v9, v36;
	v48 =	vld [tilespmem:s10+$0x130]  }
0x6e8: {  	v50 =	vadd.s32 v10, v36  }
0x6e9: {  	v51 =	vadd.s32 v11, v36;
	v37 =	vadd.f32 v37, v32  }
0x6ea: {  	v38 =	vadd.f32 v38, v33  }
0x6eb: {  	v39 =	vadd.f32 v39, v34;
	[tilespmem:v63+s29+$0x0] =	vst.idx.msk $0xffff, v37  }
0x6ec: {  	v52 =	vadd.f32 v48, v35;
	[tilespmem:v49+s29+$0x0] =	vst.idx.msk $0xffff, v38  }
0x6ed: {  	[tilespmem:v50+s29+$0x0] =	vst.idx.msk $0xffff, v39  }
0x6ee: {  	[tilespmem:v51+s29+$0x0] =	vst.idx.msk $0xffff, v52  }
0x6ef: {  	v37 =	vld [tilespmem:s10+$0x180]  }
0x6f0: {  	v38 =	vld [tilespmem:s10+$0x190]  }
0x6f1: {  	v53 =	vadd.s32 v12, v36;
	v39 =	vld [tilespmem:s10+$0x1A0]  }
0x6f2: {  	v55 =	vadd.s32 v13, v36;
	v54 =	vld [tilespmem:s10+$0x1B0]  }
0x6f3: {  	v56 =	vadd.s32 v14, v36  }
0x6f4: {  	v57 =	vadd.s32 v15, v36;
	v37 =	vadd.f32 v37, v32  }
0x6f5: {  	v38 =	vadd.f32 v38, v33  }
0x6f6: {  	v39 =	vadd.f32 v39, v34;
	[tilespmem:v53+s29+$0x0] =	vst.idx.msk $0xffff, v37  }
0x6f7: {  	v58 =	vadd.f32 v54, v35;
	[tilespmem:v55+s29+$0x0] =	vst.idx.msk $0xffff, v38  }
0x6f8: {  	[tilespmem:v56+s29+$0x0] =	vst.idx.msk $0xffff, v39  }
0x6f9: {  	[tilespmem:v57+s29+$0x0] =	vst.idx.msk $0xffff, v58  }
0x6fa: {  	v37 =	vld [tilespmem:s10+$0x200]  }
0x6fb: {  	v38 =	vld [tilespmem:s10+$0x210]  }
0x6fc: {  	v59 =	vadd.s32 v16, v36;
	v39 =	vld [tilespmem:s10+$0x220]  }
0x6fd: {  	v61 =	vadd.s32 v17, v36;
	v60 =	vld [tilespmem:s10+$0x230]  }
0x6fe: {  	v62 =	vadd.s32 v18, v36  }
0x6ff: {  	v63 =	vadd.s32 v19, v36;
	v37 =	vadd.f32 v37, v32  }
0x700: {  	v38 =	vadd.f32 v38, v33  }
0x701: {  	v39 =	vadd.f32 v39, v34;
	[tilespmem:v59+s29+$0x0] =	vst.idx.msk $0xffff, v37  }
0x702: {  	v48 =	vadd.f32 v60, v35;
	[tilespmem:v61+s29+$0x0] =	vst.idx.msk $0xffff, v38  }
0x703: {  	[tilespmem:v62+s29+$0x0] =	vst.idx.msk $0xffff, v39  }
0x704: {  	[tilespmem:v63+s29+$0x0] =	vst.idx.msk $0xffff, v48  }
0x705: {  	v37 =	vld [tilespmem:s10+$0x280]  }
0x706: {  	v38 =	vld [tilespmem:s10+$0x290]  }
0x707: {  	v49 =	vadd.s32 v20, v36;
	v39 =	vld [tilespmem:s10+$0x2A0]  }
0x708: {  	v51 =	vadd.s32 v21, v36;
	v50 =	vld [tilespmem:s10+$0x2B0]  }
0x709: {  	v52 =	vadd.s32 v22, v36  }
0x70a: {  	v53 =	vadd.s32 v23, v36;
	v37 =	vadd.f32 v37, v32  }
0x70b: {  	v38 =	vadd.f32 v38, v33  }
0x70c: {  	v39 =	vadd.f32 v39, v34;
	[tilespmem:v49+s29+$0x0] =	vst.idx.msk $0xffff, v37  }
0x70d: {  	v54 =	vadd.f32 v50, v35;
	[tilespmem:v51+s29+$0x0] =	vst.idx.msk $0xffff, v38  }
0x70e: {  	[tilespmem:v52+s29+$0x0] =	vst.idx.msk $0xffff, v39  }
0x70f: {  	[tilespmem:v53+s29+$0x0] =	vst.idx.msk $0xffff, v54  }
0x710: {  	v37 =	vld [tilespmem:s10+$0x300]  }
0x711: {  	v38 =	vld [tilespmem:s10+$0x310]  }
0x712: {  	v55 =	vadd.s32 v24, v36;
	v39 =	vld [tilespmem:s10+$0x320]  }
0x713: {  	v57 =	vadd.s32 v25, v36;
	v56 =	vld [tilespmem:s10+$0x330]  }
0x714: {  	v58 =	vadd.s32 v26, v36  }
0x715: {  	v59 =	vadd.s32 v27, v36;
	v37 =	vadd.f32 v37, v32  }
0x716: {  	v38 =	vadd.f32 v38, v33  }
0x717: {  	v39 =	vadd.f32 v39, v34;
	[tilespmem:v55+s29+$0x0] =	vst.idx.msk $0xffff, v37  }
0x718: {  	v60 =	vadd.f32 v56, v35;
	[tilespmem:v57+s29+$0x0] =	vst.idx.msk $0xffff, v38  }
0x719: {  	[tilespmem:v58+s29+$0x0] =	vst.idx.msk $0xffff, v39  }
0x71a: {  	[tilespmem:v59+s29+$0x0] =	vst.idx.msk $0xffff, v60  }
0x71b: {  	v37 =	vld [tilespmem:s10+$0x380];
	_ =	sdelay $0x1  }
0x71c: {  	v61 =	vadd.s32 v28, v36  }
0x71d: {  	v38 =	vld [tilespmem:s10+$0x390]  }
0x71e: {  	v39 =	vld [tilespmem:s10+$0x3A0]  }
0x71f: {  	v62 =	vadd.s32 v29, v36;
	v42 =	vld [tilespmem:s10+$0x3B0];
	v37 =	vadd.f32 v37, v32  }
0x720: {  	v63 =	vadd.s32 v30, v36  }
0x721: {  	[tilespmem:v61+s29+$0x0] =	vst.idx.msk $0xffff, v37;
	v37 =	vadd.s32 v31, v36  }
0x722: {  	v38 =	vadd.f32 v38, v33  }
0x723: {  	v39 =	vadd.f32 v39, v34  }
0x724: {  	[tilespmem:v62+s29+$0x0] =	vst.idx.msk $0xffff, v38;
	v38 =	vadd.f32 v42, v35  }
0x725: {  	s12 =	simm.s32 $0x0;
	[tilespmem:v63+s29+$0x0] =	vst.idx.msk $0xffff, v39  }
.LBB2_31:
0x726: {  	s12 =	sadd.s32 $0x8, s12;
	[tilespmem:v37+s29+$0x0] =	vst.idx.msk $0xffff, v38;
	v36 =	vadd.s32 $0x8, v36;
	s10 =	sadd.s32 $0x400, s10  }
0x727: {  	v37 =	vld [tilespmem:s10+$0x0];
	p0 =	slt.u32 s12, $0x78  }
0x728: {  	v38 =	vld [tilespmem:s10+$0x10]  }
0x729: {  	v40 =	vadd.s32 v0, v36;
	v39 =	vld [tilespmem:s10+$0x20]  }
0x72a: {  	v42 =	vadd.s32 v1, v36;
	v41 =	vld [tilespmem:s10+$0x30]  }
0x72b: {  	v43 =	vadd.s32 v2, v36  }
0x72c: {  	v44 =	vadd.s32 v3, v36;
	v37 =	vadd.f32 v37, v32  }
0x72d: {  	v38 =	vadd.f32 v38, v33  }
0x72e: {  	v39 =	vadd.f32 v39, v34;
	[tilespmem:v40+s29+$0x0] =	vst.idx.msk $0xffff, v37  }
0x72f: {  	v37 =	vadd.f32 v41, v35;
	[tilespmem:v42+s29+$0x0] =	vst.idx.msk $0xffff, v38  }
0x730: {  	[tilespmem:v43+s29+$0x0] =	vst.idx.msk $0xffff, v39  }
0x731: {  	[tilespmem:v44+s29+$0x0] =	vst.idx.msk $0xffff, v37  }
0x732: {  	v37 =	vld [tilespmem:s10+$0x80]  }
0x733: {  	v38 =	vld [tilespmem:s10+$0x90]  }
0x734: {  	v40 =	vadd.s32 v4, v36;
	v39 =	vld [tilespmem:s10+$0xA0]  }
0x735: {  	v42 =	vadd.s32 v5, v36;
	v41 =	vld [tilespmem:s10+$0xB0]  }
0x736: {  	v43 =	vadd.s32 v6, v36  }
0x737: {  	v44 =	vadd.s32 v7, v36;
	v37 =	vadd.f32 v37, v32  }
0x738: {  	v38 =	vadd.f32 v38, v33  }
0x739: {  	v39 =	vadd.f32 v39, v34;
	[tilespmem:v40+s29+$0x0] =	vst.idx.msk $0xffff, v37  }
0x73a: {  	v37 =	vadd.f32 v41, v35;
	[tilespmem:v42+s29+$0x0] =	vst.idx.msk $0xffff, v38  }
0x73b: {  	[tilespmem:v43+s29+$0x0] =	vst.idx.msk $0xffff, v39  }
0x73c: {  	[tilespmem:v44+s29+$0x0] =	vst.idx.msk $0xffff, v37  }
0x73d: {  	v37 =	vld [tilespmem:s10+$0x100]  }
0x73e: {  	v38 =	vld [tilespmem:s10+$0x110]  }
0x73f: {  	v40 =	vadd.s32 v8, v36;
	v39 =	vld [tilespmem:s10+$0x120]  }
0x740: {  	v42 =	vadd.s32 v9, v36;
	v41 =	vld [tilespmem:s10+$0x130]  }
0x741: {  	v43 =	vadd.s32 v10, v36  }
0x742: {  	v44 =	vadd.s32 v11, v36;
	v37 =	vadd.f32 v37, v32  }
0x743: {  	v38 =	vadd.f32 v38, v33  }
0x744: {  	v39 =	vadd.f32 v39, v34;
	[tilespmem:v40+s29+$0x0] =	vst.idx.msk $0xffff, v37  }
0x745: {  	v37 =	vadd.f32 v41, v35;
	[tilespmem:v42+s29+$0x0] =	vst.idx.msk $0xffff, v38  }
0x746: {  	[tilespmem:v43+s29+$0x0] =	vst.idx.msk $0xffff, v39  }
0x747: {  	[tilespmem:v44+s29+$0x0] =	vst.idx.msk $0xffff, v37  }
0x748: {  	v37 =	vld [tilespmem:s10+$0x180]  }
0x749: {  	v38 =	vld [tilespmem:s10+$0x190]  }
0x74a: {  	v40 =	vadd.s32 v12, v36;
	v39 =	vld [tilespmem:s10+$0x1A0]  }
0x74b: {  	v42 =	vadd.s32 v13, v36;
	v41 =	vld [tilespmem:s10+$0x1B0]  }
0x74c: {  	v43 =	vadd.s32 v14, v36  }
0x74d: {  	v44 =	vadd.s32 v15, v36;
	v37 =	vadd.f32 v37, v32  }
0x74e: {  	v38 =	vadd.f32 v38, v33  }
0x74f: {  	v39 =	vadd.f32 v39, v34;
	[tilespmem:v40+s29+$0x0] =	vst.idx.msk $0xffff, v37  }
0x750: {  	v37 =	vadd.f32 v41, v35;
	[tilespmem:v42+s29+$0x0] =	vst.idx.msk $0xffff, v38  }
0x751: {  	[tilespmem:v43+s29+$0x0] =	vst.idx.msk $0xffff, v39  }
0x752: {  	[tilespmem:v44+s29+$0x0] =	vst.idx.msk $0xffff, v37  }
0x753: {  	v37 =	vld [tilespmem:s10+$0x200]  }
0x754: {  	v38 =	vld [tilespmem:s10+$0x210]  }
0x755: {  	v40 =	vadd.s32 v16, v36;
	v39 =	vld [tilespmem:s10+$0x220]  }
0x756: {  	v42 =	vadd.s32 v17, v36;
	v41 =	vld [tilespmem:s10+$0x230]  }
0x757: {  	v43 =	vadd.s32 v18, v36  }
0x758: {  	v44 =	vadd.s32 v19, v36;
	v37 =	vadd.f32 v37, v32  }
0x759: {  	v38 =	vadd.f32 v38, v33  }
0x75a: {  	v39 =	vadd.f32 v39, v34;
	[tilespmem:v40+s29+$0x0] =	vst.idx.msk $0xffff, v37  }
0x75b: {  	v37 =	vadd.f32 v41, v35;
	[tilespmem:v42+s29+$0x0] =	vst.idx.msk $0xffff, v38  }
0x75c: {  	[tilespmem:v43+s29+$0x0] =	vst.idx.msk $0xffff, v39  }
0x75d: {  	[tilespmem:v44+s29+$0x0] =	vst.idx.msk $0xffff, v37  }
0x75e: {  	v37 =	vld [tilespmem:s10+$0x280]  }
0x75f: {  	v38 =	vld [tilespmem:s10+$0x290]  }
0x760: {  	v40 =	vadd.s32 v20, v36;
	v39 =	vld [tilespmem:s10+$0x2A0]  }
0x761: {  	v42 =	vadd.s32 v21, v36;
	v41 =	vld [tilespmem:s10+$0x2B0]  }
0x762: {  	v43 =	vadd.s32 v22, v36  }
0x763: {  	v44 =	vadd.s32 v23, v36;
	v37 =	vadd.f32 v37, v32  }
0x764: {  	v38 =	vadd.f32 v38, v33  }
0x765: {  	v39 =	vadd.f32 v39, v34;
	[tilespmem:v40+s29+$0x0] =	vst.idx.msk $0xffff, v37  }
0x766: {  	v37 =	vadd.f32 v41, v35;
	[tilespmem:v42+s29+$0x0] =	vst.idx.msk $0xffff, v38  }
0x767: {  	[tilespmem:v43+s29+$0x0] =	vst.idx.msk $0xffff, v39  }
0x768: {  	[tilespmem:v44+s29+$0x0] =	vst.idx.msk $0xffff, v37  }
0x769: {  	v37 =	vld [tilespmem:s10+$0x300]  }
0x76a: {  	v38 =	vld [tilespmem:s10+$0x310]  }
0x76b: {  	v40 =	vadd.s32 v24, v36;
	v39 =	vld [tilespmem:s10+$0x320]  }
0x76c: {  	v42 =	vadd.s32 v25, v36;
	v41 =	vld [tilespmem:s10+$0x330]  }
0x76d: {  	v43 =	vadd.s32 v26, v36  }
0x76e: {  	v44 =	vadd.s32 v27, v36;
	v37 =	vadd.f32 v37, v32  }
0x76f: {  	v38 =	vadd.f32 v38, v33  }
0x770: {  	v39 =	vadd.f32 v39, v34;
	[tilespmem:v40+s29+$0x0] =	vst.idx.msk $0xffff, v37  }
0x771: {  	v37 =	vadd.f32 v41, v35;
	[tilespmem:v42+s29+$0x0] =	vst.idx.msk $0xffff, v38  }
0x772: {  	[tilespmem:v43+s29+$0x0] =	vst.idx.msk $0xffff, v39  }
0x773: {  	[tilespmem:v44+s29+$0x0] =	vst.idx.msk $0xffff, v37  }
0x774: {  	v37 =	vld [tilespmem:s10+$0x380]  }
0x775: {  	v38 =	vld [tilespmem:s10+$0x390]  }
0x776: {  	v40 =	vadd.s32 v28, v36;
	v39 =	vld [tilespmem:s10+$0x3A0]  }
0x777: {  	v42 =	vadd.s32 v29, v36;
	v41 =	vld [tilespmem:s10+$0x3B0]  }
0x778: {  	v43 =	vadd.s32 v30, v36  }
.Ltmp14:
0x779: {  	v44 =	vadd.f32 v37, v32;
	v37 =	vadd.s32 v31, v36;
	(pc) =	sbr.rel @p0 .LBB2_31-.Ltmp14, $4  }
0x77a: {  	v45 =	vadd.f32 v38, v33  }
0x77b: {  	v39 =	vadd.f32 v39, v34;
	[tilespmem:v40+s29+$0x0] =	vst.idx.msk $0xffff, v44  }
0x77c: {  	v38 =	vadd.f32 v41, v35;
	[tilespmem:v42+s29+$0x0] =	vst.idx.msk $0xffff, v45  }
0x77d: {  	[tilespmem:v43+s29+$0x0] =	vst.idx.msk $0xffff, v39  }
0x77e: {  	_ = 	snop  }
0x77f: {  	s7 =	sshll.u32 s7, $0x12  }
0x780: {  	s7 =	sor.u32 s6, s7  }
0x781: {  	s7 =	sshrl.u32 s7, $0x3  }
0x782: {  	[tilespmem:v37+s29+$0x0] =	vst.idx.msk $0xffff, v38;
	s8 =	simm.s32 $0x15600;
	s10 =	sadd.s32 s2, s7  }
0x783: {  	[hbm4b:s10+s4] =	stream.linear.scatter [tilespmem:s8], [sflag:$0x4], $0x80, $0x38;
	[tilespmem:$0x17800] =	vst v63  }
0x784: {  	s12 =	simm.s32 $0x15688;
	s8 =	sadd.s32 $0x10, s10  }
0x785: {  	[hbm4b:s8+s4] =	stream.linear.scatter [tilespmem:s12], [sflag:$0x4], $0x80, $0x38;
	[tilespmem:$0x17800] =	vst v63  }
0x786: {  	s15 =	simm.s32 $0x15710;
	s20 =	simm.s32 $0x15798;
	s17 =	sadd.s32 $0x20, s10  }
0x787: {  	[hbm4b:s17+s4] =	stream.linear.scatter [tilespmem:s15], [sflag:$0x4], $0x80, $0x38;
	[tilespmem:$0x17800] =	vst v63  }
0x788: {  	s7 =	simm.s32 $0x440;
	s21 =	sadd.s32 $0x30, s10;
	s8 =	simm.s32 $0x15820  }
0x789: {  	[hbm4b:s21+s4] =	stream.linear.scatter [tilespmem:s20], [sflag:$0x4], $0x80, $0x38;
	[tilespmem:$0x17800] =	vst v63  }
0x78a: {  	s12 =	sadd.s32 $0x40, s10;
	s15 =	simm.s32 $0x158A8;
	s17 =	sadd.s32 $0x50, s10  }
0x78b: {  	[hbm4b:s12+s4] =	stream.linear.scatter [tilespmem:s8], [sflag:$0x4], $0x80, $0x38;
	[tilespmem:$0x17800] =	vst v63  }
0x78c: {  	s20 =	simm.s32 $0x15930;
	s21 =	sadd.s32 $0x60, s10;
	s12 =	simm.s32 $0x2200  }
0x78d: {  	[hbm4b:s17+s4] =	stream.linear.scatter [tilespmem:s15], [sflag:$0x4], $0x80, $0x38;
	[tilespmem:$0x17800] =	vst v63  }
0x78e: {  	s8 =	sadd.s32 $0x70, s10;
	s10 =	sadd.s32 $0x1000, s10;
	s15 =	simm.s32 $0x159B8  }
0x78f: {  	[hbm4b:s21+s4] =	stream.linear.scatter [tilespmem:s20], [sflag:$0x4], $0x80, $0x38;
	[tilespmem:$0x17800] =	vst v63  }
.LBB2_33:
0x790: {  	[hbm4b:s8+s4] =	stream.linear.scatter [tilespmem:s15], [sflag:$0x4], $0x80, $0x38;
	[tilespmem:$0x17800] =	vst v63  }
0x791: {  	s8 =	smov.u32 s7;
	s7 =	smov.u32 s12  }
0x792: {  	s17 =	sadd.s32 $0x1100, s12;
	s7 =	sshra.s32 s7, $0x2;
	s15 =	sadd.s32 $0x15600, s8  }
0x793: {  	[hbm4b:s10+s4] =	stream.linear.scatter [tilespmem:s15], [sflag:$0x4], $0x80, $0x38;
	[tilespmem:$0x17800] =	vst v63  }
0x794: {  	p0 =	sne.s32 s12, $0x7700;
	s12 =	sadd.s32 $0x15688, s8;
	s15 =	sadd.s32 $0x10, s10  }
0x795: {  	[hbm4b:s15+s4] =	stream.linear.scatter [tilespmem:s12], [sflag:$0x4], $0x80, $0x38;
	[tilespmem:$0x17800] =	vst v63  }
0x796: {  	s12 =	sadd.s32 $0x15710, s8;
	s15 =	sadd.s32 $0x20, s10  }
0x797: {  	[hbm4b:s15+s4] =	stream.linear.scatter [tilespmem:s12], [sflag:$0x4], $0x80, $0x38;
	[tilespmem:$0x17800] =	vst v63  }
0x798: {  	s12 =	sadd.s32 $0x15798, s8;
	s15 =	sadd.s32 $0x30, s10  }
0x799: {  	[hbm4b:s15+s4] =	stream.linear.scatter [tilespmem:s12], [sflag:$0x4], $0x80, $0x38;
	[tilespmem:$0x17800] =	vst v63  }
0x79a: {  	s12 =	sadd.s32 $0x15820, s8;
	s15 =	sadd.s32 $0x40, s10  }
0x79b: {  	[hbm4b:s15+s4] =	stream.linear.scatter [tilespmem:s12], [sflag:$0x4], $0x80, $0x38;
	[tilespmem:$0x17800] =	vst v63  }
0x79c: {  	s12 =	sadd.s32 $0x158A8, s8;
	s15 =	sadd.s32 $0x50, s10  }
0x79d: {  	[hbm4b:s15+s4] =	stream.linear.scatter [tilespmem:s12], [sflag:$0x4], $0x80, $0x38;
	[tilespmem:$0x17800] =	vst v63  }
.Ltmp15:
0x79e: {  	_ = 	snop;
	(pc) =	sbr.rel @p0 .LBB2_33-.Ltmp15, $4  }
0x79f: {  	s12 =	sadd.s32 $0x15930, s8;
	s15 =	sadd.s32 $0x60, s10  }
0x7a0: {  	[hbm4b:s15+s4] =	stream.linear.scatter [tilespmem:s12], [sflag:$0x4], $0x80, $0x38;
	[tilespmem:$0x17800] =	vst v63  }
0x7a1: {  	s15 =	sadd.s32 $0x159B8, s8  }
0x7a2: {  	s8 =	sadd.s32 $0x70, s10;
	s10 =	sadd.s32 $0x1000, s10;
	s12 =	smov.u32 s17  }
0x7a3: {  	[hbm4b:s8+s4] =	stream.linear.scatter [tilespmem:s15], [sflag:$0x4], $0x80, $0x38;
	[tilespmem:$0x17800] =	vst v63  }
0x7a4: {  	s20 =	sadd.s32 $0x15600, s7  }
0x7a5: {  	[hbm4b:s10+s4] =	stream.linear.scatter [tilespmem:s20], [sflag:$0x4], $0x80, $0x38;
	[tilespmem:$0x17800] =	vst v63  }
0x7a6: {  	s21 =	sadd.s32 $0x15688, s7;
	s12 =	sadd.s32 $0x10, s10  }
0x7a7: {  	[hbm4b:s12+s4] =	stream.linear.scatter [tilespmem:s21], [sflag:$0x4], $0x80, $0x38;
	[tilespmem:$0x17800] =	vst v63  }
0x7a8: {  	s15 =	sadd.s32 $0x15710, s7;
	s17 =	sadd.s32 $0x20, s10  }
0x7a9: {  	[hbm4b:s17+s4] =	stream.linear.scatter [tilespmem:s15], [sflag:$0x4], $0x80, $0x38;
	[tilespmem:$0x17800] =	vst v63  }
0x7aa: {  	s20 =	sadd.s32 $0x15798, s7;
	s21 =	sadd.s32 $0x30, s10  }
0x7ab: {  	[hbm4b:s21+s4] =	stream.linear.scatter [tilespmem:s20], [sflag:$0x4], $0x80, $0x38;
	[tilespmem:$0x17800] =	vst v63  }
0x7ac: {  	s19 =	sadd.s32 $0x1, s19;
	s15 =	sadd.s32 $0x15820, s7;
	s17 =	sadd.s32 $0x40, s10  }
0x7ad: {  	[hbm4b:s17+s4] =	stream.linear.scatter [tilespmem:s15], [sflag:$0x4], $0x80, $0x38;
	[tilespmem:$0x17800] =	vst v63  }
0x7ae: {  	p0 =	sne.s32 s19, $0x32;
	s20 =	sadd.s32 $0x158A8, s7;
	s21 =	sadd.s32 $0x50, s10  }
0x7af: {  	[hbm4b:s21+s4] =	stream.linear.scatter [tilespmem:s20], [sflag:$0x4], $0x80, $0x38;
	[tilespmem:$0x17800] =	vst v63  }
.Ltmp16:
0x7b0: {  	_ = 	snop;
	(pc) =	sbr.rel @p0 .LBB2_18-.Ltmp16, $4  }
0x7b1: {  	s15 =	sadd.s32 $0x15930, s7;
	s17 =	sadd.s32 $0x60, s10  }
0x7b2: {  	[hbm4b:s17+s4] =	stream.linear.scatter [tilespmem:s15], [sflag:$0x4], $0x80, $0x38;
	[tilespmem:$0x17800] =	vst v63  }
0x7b3: {  	s20 =	sadd.s32 $0x159B8, s7;
	s21 =	sadd.s32 $0x70, s10  }
0x7b4: {  	[hbm4b:s21+s4] =	stream.linear.scatter [tilespmem:s20], [sflag:$0x4], $0x80, $0x38;
	[tilespmem:$0x17800] =	vst v63  }
0x7b5: {  	_ =	swait.ge [sflag:s31], $0x2000  }
0x7b6: {  	[sflag:s31] =	ssyncset.done $0x0  }
0x7b7: {  	[sflag:s31] =	ssyncadd.s32 $0xFFFFE000  }
0x7b8: {  	_ =	swait.ge [sflag:s0], $0x2000  }
0x7b9: {  	s3 =	sadd.s32 $0x1, s3;
	s7 =	rddreg [dreg:$0x8]  }
0x7ba: {  	p0 =	sne.s32 s3, s7  }
.Ltmp17:
0x7bb: {  	_ = 	snop;
	(pc) =	sbr.rel @p0 .LBB2_1-.Ltmp17, $3  }
0x7bc: {  	_ =	sdelay $0x1  }
0x7bd: {  	[sflag:s0] =	ssyncset.done $0x0  }
0x7be: {  	s17 =	simm.s32 $0x3200;
	[sflag:s0] =	ssyncadd.s32 $0xFFFFE000  }
0x7bf: {  	_ =	sfence.sel $0x180000  }
0x7c0: {  	[bflag:$0x0] =	sbarrier.arrive $0xFFFF  }
0x7c1: {  	_ =	strace $0x90000047  }
0x7c2: {  	s0 =	stileid.u32;
	[bflag:$0x2] =	sbarrier.arrive $0xFFFF  }
0x7c3: {  	p0 =	sne.s32 s0, $0x0;
	s0 =	rddreg [dreg:$0x3]  }
0x7c4: {  	s0 =	sadd.s32 @!p0 $0x100000, s0  }
0x7c5: {  	[sflag:s0] =	ssyncadd.tile.s32 @!p0 $0x1;
	_ =	shalt  }
.Lfunc_end2:
_tile_overlayer_lowered:
.L_overlay_start_2:
0x7c6: {  	(tag) =	ssettag $0x2  }
0x7c7: {  	s0 =	rddreg [dreg:$0x0];
	s2 =	stileid.u32  }
0x7c8: {  	s1 =	rddreg [dreg:$0x1];
	p0 =	sne.s32 s2, $0x0  }
0x7c9: {  	s3 =	rddreg [dreg:$0x2];
	[bflag:$0x3] =	sbarrier.arrive $0xFFFF;
	s2 =	simm.s32 @!p0 $0x1C05  }
0x7ca: {  	[timem:s3], [sflag:s2] =	dma.local @!p0 [hbm:s0], s1  }
0x7cb: {  	s0 =	simm.s32 @!p0 $0x5  }
0x7cc: {  	_ =	swait.ge @!p0 [sflag:s0], s1  }
0x7cd: {  	s1 =	ssub.s32 @!p0 $0x0, s1;
	[sflag:s0] =	ssyncset.done @!p0 $0x0  }
0x7ce: {  	[sflag:s0] =	ssyncadd.s32 @!p0 s1  }
0x7cf: {  	[bflag:$0x3] =	sbarrier.arrive $0xFFFF  }
0x7d0: {  	_ =	shalt  }

</sc_bundles>
